<compile_context>
chip_gen: v7x
topology: tpu7x:2x2x1
jax: 0.10.2.dev20260603
libtpu: 0.0.44.dev20260713+nightly
codegen_flags: <defaults>
</compile_context>

<pallas_src>
import functools

import jax
import jax.numpy as jnp
from jax import lax
from jax.experimental import pallas as pl
from jax.experimental.pallas import tpu as pltpu
from jax.experimental.pallas import tpu_sc as plsc

F32 = jnp.float32
I32 = jnp.int32

NENT = 10000
NUSR = 1024
NEDGE = 320000
EMB = 128
NF = 4
NREL = 10
NCAT = 20
R1 = NREL - 1
R2 = NCAT + NREL - 1
TEMP = 0.2

NC = 2
NS = 16
CHUNK = 80
NCH = NEDGE // CHUNK
IBATCH = 16
NBT = NCH // IBATCH
KMAX = (NBT + NS - 1) // NS
STRIPE = 640
LSTRIPE = NENT - (NS - 1) * STRIPE
BLK = 2000
UB = 128
NEB = NENT // BLK
NUB = NUSR // UB



def _sc_body(tbl, g0, g1, h2, ze, acc_c_o, acc_d_o,
             gidx, hidx, rows0, rows1, acc_sh, sem0, sem1, ssem0, ssem1):
    core = lax.axis_index("c")
    sid = lax.axis_index("s")
    row0 = sid * STRIPE
    last = NS - 1

    @pl.when(sid < last)
    def _():
        pltpu.sync_copy(ze, acc_sh.at[pl.ds(row0, STRIPE)])

    @pl.when(sid == last)
    def _():
        pltpu.sync_copy(ze.at[pl.ds(0, LSTRIPE)],
                        acc_sh.at[pl.ds(last * STRIPE, LSTRIPE)])

    plsc.subcore_barrier()
    rows = (rows0, rows1)
    sems = (sem0, sem1)
    ssems = (ssem0, ssem1)

    def batch(k, carry):
        b = k * NS + sid

        @pl.when(b < NBT)
        def _():
            base = b * IBATCH

            @pl.when(core == 0)
            def _():
                pltpu.sync_copy(g0.at[pl.ds(base, IBATCH)], gidx)

            @pl.when(core == 1)
            def _():
                pltpu.sync_copy(g1.at[pl.ds(base, IBATCH)], gidx)

            pltpu.sync_copy(h2.at[pl.ds(base, IBATCH)], hidx)

            descs = [None, None]
            sdescs = [None, None]
            descs[0] = pltpu.async_copy(tbl.at[gidx.at[0]], rows0, sem0)
            for j in range(IBATCH):
                if j + 1 < IBATCH:
                    if sdescs[(j + 1) % 2] is not None:
                        sdescs[(j + 1) % 2].wait()
                    descs[(j + 1) % 2] = pltpu.async_copy(
                        tbl.at[gidx.at[j + 1]], rows[(j + 1) % 2],
                        sems[(j + 1) % 2])
                descs[j % 2].wait()
                sdescs[j % 2] = pltpu.async_copy(
                    rows[j % 2], acc_sh.at[hidx.at[j]], ssems[j % 2],
                    add=True)
            sdescs[0].wait()
            sdescs[1].wait()

        return carry

    lax.fori_loop(0, KMAX, batch, 0)
    plsc.subcore_barrier()

    @pl.when((core == 0) & (sid < last))
    def _():
        pltpu.sync_copy(acc_sh.at[pl.ds(row0, STRIPE)],
                        acc_c_o.at[pl.ds(row0, STRIPE)])

    @pl.when((core == 0) & (sid == last))
    def _():
        pltpu.sync_copy(acc_sh.at[pl.ds(last * STRIPE, LSTRIPE)],
                        acc_c_o.at[pl.ds(last * STRIPE, LSTRIPE)])

    @pl.when((core == 1) & (sid < last))
    def _():
        pltpu.sync_copy(acc_sh.at[pl.ds(row0, STRIPE)],
                        acc_d_o.at[pl.ds(row0, STRIPE)])

    @pl.when((core == 1) & (sid == last))
    def _():
        pltpu.sync_copy(acc_sh.at[pl.ds(last * STRIPE, LSTRIPE)],
                        acc_d_o.at[pl.ds(last * STRIPE, LSTRIPE)])


NBTC = NBT // NC
KMAXC = (NBTC + NS - 1) // NS


def _sc_cnt_body(h2, zc, on, cnt0_o, cnt1_o, hidx, ones, cnt_sh):
    core = lax.axis_index("c")
    sid = lax.axis_index("s")
    row0 = sid * STRIPE
    last = NS - 1

    @pl.when(sid < last)
    def _():
        pltpu.sync_copy(zc, cnt_sh.at[pl.ds(row0, STRIPE)])

    @pl.when(sid == last)
    def _():
        pltpu.sync_copy(zc.at[pl.ds(0, LSTRIPE)],
                        cnt_sh.at[pl.ds(last * STRIPE, LSTRIPE)])

    pltpu.sync_copy(on, ones)
    plsc.subcore_barrier()

    def batch(k, carry):
        kk = k * NS + sid

        @pl.when(kk < NBTC)
        def _():
            b = core * NBTC + kk
            pltpu.sync_copy(h2.at[pl.ds(b * IBATCH, IBATCH)], hidx)

            def chunk(j, c):
                pltpu.sync_copy(ones, cnt_sh.at[hidx.at[j]], add=True)
                return c

            lax.fori_loop(0, IBATCH, chunk, 0)

        return carry

    lax.fori_loop(0, KMAXC, batch, 0)
    plsc.subcore_barrier()

    @pl.when((core == 0) & (sid < last))
    def _():
        pltpu.sync_copy(cnt_sh.at[pl.ds(row0, STRIPE)],
                        cnt0_o.at[pl.ds(row0, STRIPE)])

    @pl.when((core == 0) & (sid == last))
    def _():
        pltpu.sync_copy(cnt_sh.at[pl.ds(last * STRIPE, LSTRIPE)],
                        cnt0_o.at[pl.ds(last * STRIPE, LSTRIPE)])

    @pl.when((core == 1) & (sid < last))
    def _():
        pltpu.sync_copy(cnt_sh.at[pl.ds(row0, STRIPE)],
                        cnt1_o.at[pl.ds(row0, STRIPE)])

    @pl.when((core == 1) & (sid == last))
    def _():
        pltpu.sync_copy(cnt_sh.at[pl.ds(last * STRIPE, LSTRIPE)],
                        cnt1_o.at[pl.ds(last * STRIPE, LSTRIPE)])


def _make_sc():
    mesh = plsc.VectorSubcoreMesh(core_axis_name="c", subcore_axis_name="s",
                                  num_cores=NC, num_subcores=NS)
    outs = (jax.ShapeDtypeStruct((NENT, EMB), F32),
            jax.ShapeDtypeStruct((NENT, EMB), F32))
    scratch = [pltpu.VMEM((IBATCH, CHUNK), I32),
               pltpu.VMEM((IBATCH, CHUNK), I32),
               pltpu.VMEM((CHUNK, EMB), F32),
               pltpu.VMEM((CHUNK, EMB), F32),
               pltpu.VMEM_SHARED((NENT, EMB), F32),
               pltpu.SemaphoreType.DMA,
               pltpu.SemaphoreType.DMA,
               pltpu.SemaphoreType.DMA,
               pltpu.SemaphoreType.DMA]
    return pl.kernel(_sc_body, out_type=outs, mesh=mesh,
                     scratch_types=scratch)


def _make_sc_cnt():
    mesh = plsc.VectorSubcoreMesh(core_axis_name="c", subcore_axis_name="s",
                                  num_cores=NC, num_subcores=NS)
    outs = (jax.ShapeDtypeStruct((NENT, EMB), F32),
            jax.ShapeDtypeStruct((NENT, EMB), F32))
    scratch = [pltpu.VMEM((IBATCH, CHUNK), I32),
               pltpu.VMEM((CHUNK, EMB), F32),
               pltpu.VMEM_SHARED((NENT, EMB), F32)]
    return pl.kernel(_sc_cnt_body, out_type=outs, mesh=mesh,
                     scratch_types=scratch)



def _mm(a, b):
    return lax.dot_general(a, b, (((1,), (0,)), ((), ())),
                           preferred_element_type=F32)


def _mmT(a, b):
    return lax.dot_general(a, b, (((1,), (1,)), ((), ())),
                           preferred_element_type=F32)


def _l2(x):
    return x / jnp.clip(jnp.sqrt(jnp.sum(x * x, axis=1, keepdims=True)),
                        1e-12, None)


def _leaky(x):
    return jnp.where(x >= 0, x, 0.2 * x)


def _softmax(x):
    m = jnp.max(x, axis=-1, keepdims=True)
    e = jnp.exp(x - m)
    return e / jnp.sum(e, axis=-1, keepdims=True)


def _onehot_wd(cate, wd):
    oh = (cate - 1 == lax.broadcasted_iota(I32, (cate.shape[0], R2), 1))
    return _mm(oh.astype(F32), wd)



NPT = (R1 + 1) * NENT


def _prep_body(e_ref, w_ref, wd_ref, cate_ref, p_ref):
    r = pl.program_id(0)
    e = e_ref[...]

    @pl.when(r < R1)
    def _():
        p_ref[...] = e * w_ref[0]

    @pl.when(r == R1)
    def _():
        p_ref[...] = e * _onehot_wd(cate_ref[...], wd_ref[...])


_tc_prep = pl.pallas_call(
    _prep_body,
    grid=(R1 + 1, NEB),
    in_specs=[pl.BlockSpec((BLK, EMB), lambda r, i: (i, 0)),
              pl.BlockSpec((1, 1, EMB), lambda r, i: (jnp.minimum(r, R1 - 1),
                                                      0, 0)),
              pl.BlockSpec((R2, EMB), lambda r, i: (0, 0)),
              pl.BlockSpec((BLK, 1), lambda r, i: (i, 0))],
    out_specs=pl.BlockSpec((BLK, EMB), lambda r, i: (r * NEB + i, 0)),
    out_shape=jax.ShapeDtypeStruct((NPT, EMB), F32),
)



def _ent0_body(acc_c_ref, acc_d_ref, cnt0_ref, cnt1_ref, w_ref, wd_ref,
               cate_ref, ec_ref, ed_ref, p_ref):
    r = pl.program_id(0)
    c = jnp.clip(cnt0_ref[...][:, :1] + cnt1_ref[...][:, :1], 1.0, None)
    ec = _l2(acc_c_ref[...] / c)
    ed = _l2(acc_d_ref[...] / c)
    ec_ref[...] = ec
    ed_ref[...] = ed

    @pl.when(r < R1)
    def _():
        p_ref[...] = ec * w_ref[0]

    @pl.when(r == R1)
    def _():
        p_ref[...] = ed * _onehot_wd(cate_ref[...], wd_ref[...])


_tc_ent0 = pl.pallas_call(
    _ent0_body,
    grid=(R1 + 1, NEB),
    in_specs=[pl.BlockSpec((BLK, EMB), lambda r, i: (i, 0)),
              pl.BlockSpec((BLK, EMB), lambda r, i: (i, 0)),
              pl.BlockSpec((BLK, EMB), lambda r, i: (i, 0)),
              pl.BlockSpec((BLK, EMB), lambda r, i: (i, 0)),
              pl.BlockSpec((1, 1, EMB), lambda r, i: (jnp.minimum(r, R1 - 1),
                                                      0, 0)),
              pl.BlockSpec((R2, EMB), lambda r, i: (0, 0)),
              pl.BlockSpec((BLK, 1), lambda r, i: (i, 0))],
    out_specs=[pl.BlockSpec((BLK, EMB), lambda r, i: (i, 0)),
               pl.BlockSpec((BLK, EMB), lambda r, i: (i, 0)),
               pl.BlockSpec((BLK, EMB), lambda r, i: (r * NEB + i, 0))],
    out_shape=[jax.ShapeDtypeStruct((NENT, EMB), F32),
               jax.ShapeDtypeStruct((NENT, EMB), F32),
               jax.ShapeDtypeStruct((NPT, EMB), F32)],
)



def _ent1_body(acc_c_ref, acc_d_ref, cnt0_ref, cnt1_ref, ent_ref, ec1_ref,
               ed1_ref, out_ref):
    c = jnp.clip(cnt0_ref[...][:, :1] + cnt1_ref[...][:, :1], 1.0, None)
    out_ref[...] = (2.0 * ent_ref[...] + ec1_ref[...] + ed1_ref[...]
                    + _l2(acc_c_ref[...] / c) + _l2(acc_d_ref[...] / c))


_tc_ent1 = pl.pallas_call(
    _ent1_body,
    grid=(NEB,),
    in_specs=[pl.BlockSpec((BLK, EMB), lambda i: (i, 0))] * 7,
    out_specs=pl.BlockSpec((BLK, EMB), lambda i: (i, 0)),
    out_shape=jax.ShapeDtypeStruct((NENT, EMB), F32),
)



def _user_branch(ua, u_prev, lat, w, p):
    w1, b1, uaW, uab, w2, b2, waW, wab = p
    t1u = _mmT(u_prev, w1) + b1
    t1l = _mmT(lat, w1) + b1
    score = _softmax(_leaky(_mmT(_mmT(t1u, t1l), uaW) + uab))
    t2l = _mmT(lat, w2) + b2
    t2w = _mmT(w, w2) + b2
    sa = _mmT(_mmT(t2l, t2w), waW) + wab
    lat_new = _mm(_softmax(_leaky(sa)), w)
    gate = _mm(score, lat_new)
    return _l2(ua * gate + ua), lat_new


def _user0_body(im_ref, e_ref, u_ref, latc_ref, latd_ref, w_ref, wd_ref,
                *rest):
    pc = [r[...] for r in rest[:8]]
    pd = [r[...] for r in rest[8:16]]
    uc_ref, ud_ref, lc_ref, ld_ref, cor_ref = rest[16:]
    ua = _mm(im_ref[...], e_ref[...])
    u_prev = u_ref[...]
    uc, lc = _user_branch(ua, u_prev, latc_ref[...], w_ref[...], pc)
    ud, ld = _user_branch(ua, u_prev, latd_ref[...], wd_ref[...], pd)
    uc_ref[...] = uc
    ud_ref[...] = ud
    lc_ref[...] = lc
    ld_ref[...] = ld
    w = w_ref[...]
    wT = w.T
    nrm = jnp.sqrt(jnp.sum(wT * wT, axis=1, keepdims=True))
    ndT = wT / nrm
    pos = jnp.sum(ndT * ndT, axis=1)
    ttl = jnp.sum(_mm(wT, w), axis=1)
    cor_ref[...] = jnp.full((1, 1), 0.0, F32) + jnp.sum(ttl - pos) / TEMP


def _pspecs():
    return [pl.BlockSpec()] * 8


_tc_user0 = pl.pallas_call(
    _user0_body,
    grid=(NUB,),
    in_specs=[pl.BlockSpec((UB, NENT), lambda i: (i, 0)),
              pl.BlockSpec((NENT, EMB), lambda i: (0, 0)),
              pl.BlockSpec((UB, EMB), lambda i: (i, 0)),
              pl.BlockSpec((NF, EMB), lambda i: (0, 0)),
              pl.BlockSpec((NF, EMB), lambda i: (0, 0)),
              pl.BlockSpec((R1, EMB), lambda i: (0, 0)),
              pl.BlockSpec((R2, EMB), lambda i: (0, 0))]
    + _pspecs() + _pspecs(),
    out_specs=[pl.BlockSpec((UB, EMB), lambda i: (i, 0)),
               pl.BlockSpec((UB, EMB), lambda i: (i, 0)),
               pl.BlockSpec((NF, EMB), lambda i: (0, 0)),
               pl.BlockSpec((NF, EMB), lambda i: (0, 0)),
               pl.BlockSpec((1, 1), lambda i: (0, 0))],
    out_shape=[jax.ShapeDtypeStruct((NUSR, EMB), F32),
               jax.ShapeDtypeStruct((NUSR, EMB), F32),
               jax.ShapeDtypeStruct((NF, EMB), F32),
               jax.ShapeDtypeStruct((NF, EMB), F32),
               jax.ShapeDtypeStruct((1, 1), F32)],
)


def _user1_body(im_ref, ec_ref, ed_ref, uc1_ref, ud1_ref, lc1_ref, ld1_ref,
                w_ref, wd_ref, uemb_ref, *rest):
    pc = [r[...] for r in rest[:8]]
    pd = [r[...] for r in rest[8:16]]
    out_ref = rest[16]
    im = im_ref[...]
    uac = _mm(im, ec_ref[...])
    uad = _mm(im, ed_ref[...])
    uc2, _ = _user_branch(uac, uc1_ref[...], lc1_ref[...], w_ref[...], pc)
    ud2, _ = _user_branch(uad, ud1_ref[...], ld1_ref[...], wd_ref[...], pd)
    out_ref[...] = (2.0 * uemb_ref[...] + uc1_ref[...] + ud1_ref[...]
                    + uc2 + ud2)


_tc_user1 = pl.pallas_call(
    _user1_body,
    grid=(NUB,),
    in_specs=[pl.BlockSpec((UB, NENT), lambda i: (i, 0)),
              pl.BlockSpec((NENT, EMB), lambda i: (0, 0)),
              pl.BlockSpec((NENT, EMB), lambda i: (0, 0)),
              pl.BlockSpec((UB, EMB), lambda i: (i, 0)),
              pl.BlockSpec((UB, EMB), lambda i: (i, 0)),
              pl.BlockSpec((NF, EMB), lambda i: (0, 0)),
              pl.BlockSpec((NF, EMB), lambda i: (0, 0)),
              pl.BlockSpec((R1, EMB), lambda i: (0, 0)),
              pl.BlockSpec((R2, EMB), lambda i: (0, 0)),
              pl.BlockSpec((UB, EMB), lambda i: (i, 0))]
    + _pspecs() + _pspecs(),
    out_specs=pl.BlockSpec((UB, EMB), lambda i: (i, 0)),
    out_shape=jax.ShapeDtypeStruct((NUSR, EMB), F32),
)


def _params(p, i):
    return (p["w1_W"][i], p["w1_b"][i].reshape(1, EMB),
            p["ua_W"][i], p["ua_b"][i].reshape(1, NF),
            p["w2_W"][i], p["w2_b"][i].reshape(1, EMB),
            p["wa_W"][i], p["wa_b"][i].reshape(1, -1))



def kernel(user_emb, entity_emb, latent_emb, latent_div_emb, interact_mat,
           weight, weight_d, params_c, params_d, edge_index, edge_type,
           entity_cate_set):
    head = edge_index[0]
    tail = edge_index[1]
    g0 = ((edge_type.astype(I32) - 1) * NENT + tail).reshape(NCH, CHUNK)
    g1 = (R1 * NENT + tail).reshape(NCH, CHUNK)
    h2 = head.reshape(NCH, CHUNK)
    cate2 = entity_cate_set.reshape(NENT, 1)
    ze = jnp.zeros((STRIPE, EMB), F32)
    on = jnp.ones((CHUNK, EMB), F32)

    sc = _make_sc()
    sc_cnt = _make_sc_cnt()

    w3 = weight.reshape(R1, 1, EMB)
    p0 = _tc_prep(entity_emb, w3, weight_d, cate2)
    cnt0, cnt1 = sc_cnt(h2, ze, on)
    acc_c0, acc_d0 = sc(p0, g0, g1, h2, ze)
    e_c1, e_d1, p1 = _tc_ent0(acc_c0, acc_d0, cnt0, cnt1, w3, weight_d,
                              cate2)
    u_c1, u_d1, l_c1, l_d1, cor = _tc_user0(
        interact_mat, entity_emb, user_emb, latent_emb, latent_div_emb,
        weight, weight_d, *_params(params_c, 0), *_params(params_d, 0))
    acc_c1, acc_d1 = sc(p1, g0, g1, h2, ze)
    e_fin = _tc_ent1(acc_c1, acc_d1, cnt0, cnt1, entity_emb, e_c1, e_d1)
    u_fin = _tc_user1(interact_mat, e_c1, e_d1, u_c1, u_d1, l_c1, l_d1,
                      weight, weight_d, user_emb,
                      *_params(params_c, 1), *_params(params_d, 1))
    return (e_fin, u_fin, cor[0, 0])

# --- scband reference (transcript-rebuilt; emitter-appended) ---
"""Pipeline reference for scband-graph-conv-13546326851765 (READ-ONLY COPY).

The authoritative reference and input builder live on the scoring server;
editing this copy changes nothing except your own understanding.
"""

import jax, jax.numpy as jnp
import numpy as np

N_ENT = 10000
N_USR = 1024
N_EDGE = 320000
EMB = 128
NF = 4
NREL = 10
NCAT = 20
NHOP = 2
R1 = NREL - 1
R2 = NCAT + NREL - 1
TEMP = 0.2


def _branch_params(key, rdim):
    ks = jax.random.split(key, 4)
    s = 0.05
    return {
        "ua_W": (jax.random.normal(ks[0], (NHOP, NF, NF)) * s).astype(jnp.float32),
        "ua_b": jnp.zeros((NHOP, NF), jnp.float32),
        "wa_W": (jax.random.normal(ks[1], (NHOP, rdim, rdim)) * s).astype(jnp.float32),
        "wa_b": jnp.zeros((NHOP, rdim), jnp.float32),
        "w1_W": (jax.random.normal(ks[2], (NHOP, EMB, EMB)) * s).astype(jnp.float32),
        "w1_b": jnp.zeros((NHOP, EMB), jnp.float32),
        "w2_W": (jax.random.normal(ks[3], (NHOP, EMB, EMB)) * s).astype(jnp.float32),
        "w2_b": jnp.zeros((NHOP, EMB), jnp.float32),
    }


def setup_inputs(seed: int = 0):
    key = jax.random.key(seed)
    ks = jax.random.split(key, 12)
    return {
        "user_emb": jax.random.normal(ks[0], (N_USR, EMB), jnp.float32),
        "entity_emb": jax.random.normal(ks[1], (N_ENT, EMB), jnp.float32),
        "latent_emb": jax.random.normal(ks[2], (NF, EMB), jnp.float32),
        "latent_div_emb": jax.random.normal(ks[3], (NF, EMB), jnp.float32),
        "interact_mat": jax.random.uniform(ks[4], (N_USR, N_ENT), jnp.float32),
        "weight": (jax.random.normal(ks[5], (R1, EMB)) * 0.05).astype(jnp.float32),
        "weight_d": (jax.random.normal(ks[6], (R2, EMB)) * 0.05).astype(jnp.float32),
        "params_c": _branch_params(ks[7], R1),
        "params_d": _branch_params(ks[8], R2),
        "edge_index": jax.random.randint(ks[9], (2, N_EDGE), 0, N_ENT, dtype=jnp.int32),
        "edge_type": jax.random.randint(ks[10], (N_EDGE,), 1, NREL, dtype=jnp.int32),
        "entity_cate_set": jax.random.randint(ks[11], (N_ENT,), 1, R2 + 1, dtype=jnp.int32),
    }


def _lin(x, W, b):
    return x @ W.T + b


def _l2norm(x):
    return x / jnp.clip(jnp.linalg.norm(x, axis=1, keepdims=True), 1e-12, None)


def _scatter_mean(src, index, dim_size):
    sums = jax.ops.segment_sum(src, index, num_segments=dim_size)
    cnt = jax.ops.segment_sum(jnp.ones((index.shape[0],), src.dtype), index, num_segments=dim_size)
    return sums / jnp.clip(cnt, 1.0, None)[:, None]


def _aggregate(entity_emb, user_emb, latent_emb, head, tail, edge_type, interact_mat, weight, entity_cate_set, p, i, is_div):
    n_entities, channel = entity_emb.shape
    n_users = user_emb.shape[0]
    n_factors = latent_emb.shape[0]
    if not is_div:
        edge_rel_emb = weight[edge_type - 1]
    else:
        edge_rel_emb = weight[entity_cate_set[tail] - 1]
    neigh = entity_emb[tail] * edge_rel_emb
    entity_agg = _scatter_mean(neigh, head, n_entities)
    user_agg = interact_mat @ entity_emb
    score_ = _lin(user_emb, p["w1_W"][i], p["w1_b"][i]) @ _lin(latent_emb, p["w1_W"][i], p["w1_b"][i]).T
    score = jax.nn.softmax(jax.nn.leaky_relu(_lin(score_, p["ua_W"][i], p["ua_b"][i]), 0.2), axis=1)[:, :, None]
    score_rp = _lin(latent_emb, p["w2_W"][i], p["w2_b"][i]) @ _lin(weight, p["w2_W"][i], p["w2_b"][i]).T
    latent_new = jax.nn.softmax(jax.nn.leaky_relu(_lin(score_rp, p["wa_W"][i], p["wa_b"][i]), 0.2), axis=-1) @ weight
    disen = jnp.broadcast_to(latent_new[None, :, :], (n_users, n_factors, channel))
    user_agg = user_agg * (disen * score).sum(axis=1) + user_agg
    return entity_agg, user_agg, latent_new


def _mutual_information(w, temp):
    dT = w.T
    ndT = dT / jnp.linalg.norm(dT, axis=1, keepdims=True)
    pos = jnp.sum(ndT * ndT, axis=1)
    ttl = jnp.sum(dT @ w, axis=1)
    return -jnp.sum(jnp.log(jnp.exp(pos / temp) / jnp.exp(ttl / temp)))


def reference(user_emb, entity_emb, latent_emb, latent_div_emb, interact_mat, weight, weight_d, params_c, params_d, edge_index, edge_type, entity_cate_set):
    head = edge_index[0]
    tail = edge_index[1]
    # Devoted interest branch (convs, is_div=False); mess_dropout treated as eval-mode identity
    e, u, l = entity_emb, user_emb, latent_emb
    e_res, u_res = entity_emb, user_emb
    for i in range(NHOP):
        e, u, l = _aggregate(e, u, l, head, tail, edge_type, interact_mat, weight, entity_cate_set, params_c, i, False)
        e = _l2norm(e)
        u = _l2norm(u)
        e_res = e_res + e
        u_res = u_res + u
    # Diverse interest branch (extends, is_div=True)
    ed, ud, ld = entity_emb, user_emb, latent_div_emb
    ed_res, ud_res = entity_emb, user_emb
    for i in range(NHOP):
        ed, ud, ld = _aggregate(ed, ud, ld, head, tail, edge_type, interact_mat, weight_d, entity_cate_set, params_d, i, True)
        ed = _l2norm(ed)
        ud = _l2norm(ud)
        ed_res = ed_res + ed
        ud_res = ud_res + ud
    cor = _mutual_information(weight, TEMP)
    return (e_res + ed_res, u_res + ud_res, cor)

if __name__ == "__main__":
    import jax
    _d = setup_inputs()
    print(jax.jit(kernel)(*tuple(_d.values())))

</pallas_src>

<mosaic_0001>
#map = affine_map<(d0, d1) -> (0, 0)>
module attributes {stable_mosaic.version = 14 : i64} {
  func.func @_sc_cnt_body(%arg0: i32, %arg1: i32, %arg2: memref<4000x80xi32, #tpu.memory_space<hbm>>, %arg3: memref<640x128xf32, #tpu.memory_space<hbm>>, %arg4: memref<80x128xf32, #tpu.memory_space<hbm>>, %arg5: memref<10000x128xf32, #tpu.memory_space<hbm>>, %arg6: memref<10000x128xf32, #tpu.memory_space<hbm>>, %arg7: memref<16x80xi32, #tpu.memory_space<vmem>>, %arg8: memref<80x128xf32, #tpu.memory_space<vmem>>, %arg9: memref<10000x128xf32, #tpu.memory_space<vmem_shared>>) attributes {dimension_semantics = [#tpu.dimension_semantics<core_parallel>, #tpu.dimension_semantics<subcore_parallel>], iteration_bounds = array<i64: 2, 16>, scalar_prefetch = 0 : i64, scratch_operands = 3 : i64, tpu.core_type = #tpu.core_type<sc_vector_subcore>, window_params = [{transform_indices = #map}, {transform_indices = #map}, {transform_indices = #map}, {transform_indices = #map}, {transform_indices = #map}]} {
    %mul3A = arith.constant 640 : i32
    %mul3A_0 = arith.muli %arg1, %mul3A : i32
    %lt3A = arith.constant 15 : i32
    %lt3A_1 = arith.cmpi slt, %arg1, %lt3A : i32
    %convert_element_type3A = arith.extui %lt3A_1 : i1 to i32
    %cond3A = arith.constant 0 : i32
    %cond3A_2 = arith.cmpi ne, %convert_element_type3A, %cond3A : i32
    scf.if %cond3A_2 {
      "tpu.region"() ({
        %run_scoped3A = tpu.sem_alloc : memref<!tpu.dma_semaphore, #tpu.memory_space<semaphore_mem>>
        %dma_start3A = arith.constant 0 : i32
        %dma_start3A_44 = tpu.memref_slice %arg9[%mul3A_0, %dma_start3A] : memref<10000x128xf32, #tpu.memory_space<vmem_shared>> -> memref<640x128xf32, #tpu.memory_space<vmem_shared>>
        tpu.enqueue_dma source(%arg3 : memref<640x128xf32, #tpu.memory_space<hbm>>) target(%dma_start3A_44 : memref<640x128xf32, #tpu.memory_space<vmem_shared>>) target_semaphore(%run_scoped3A : memref<!tpu.dma_semaphore, #tpu.memory_space<semaphore_mem>>)
        %dma_wait3A = arith.constant 0 : i32
        %dma_wait3A_45 = tpu.memref_slice %arg9[%mul3A_0, %dma_wait3A] : memref<10000x128xf32, #tpu.memory_space<vmem_shared>> -> memref<640x128xf32, #tpu.memory_space<vmem_shared>>
        tpu.wait_dma2 semaphore(%run_scoped3A : memref<!tpu.dma_semaphore, #tpu.memory_space<semaphore_mem>>) src(%arg3 : memref<640x128xf32, #tpu.memory_space<hbm>>) dst(%dma_wait3A_45 : memref<640x128xf32, #tpu.memory_space<vmem_shared>>)
        tpu.yield
      }) : () -> ()
    } else {
    }
    %eq3A = arith.constant 15 : i32
    %eq3A_3 = arith.cmpi eq, %arg1, %eq3A : i32
    %convert_element_type3A_4 = arith.extui %eq3A_3 : i1 to i32
    %cond3A_5 = arith.constant 0 : i32
    %cond3A_6 = arith.cmpi ne, %convert_element_type3A_4, %cond3A_5 : i32
    scf.if %cond3A_6 {
      "tpu.region"() ({
        %run_scoped3A = tpu.sem_alloc : memref<!tpu.dma_semaphore, #tpu.memory_space<semaphore_mem>>
        %dma_start3A = arith.constant 9600 : i32
        %dma_start3A_44 = arith.constant 0 : i32
        %dma_start3A_45 = tpu.memref_slice %arg9[%dma_start3A, %dma_start3A_44] : memref<10000x128xf32, #tpu.memory_space<vmem_shared>> -> memref<400x128xf32, #tpu.memory_space<vmem_shared>>
        %dma_start3A_46 = arith.constant 0 : i32
        %dma_start3A_47 = arith.constant 0 : i32
        %dma_start3A_48 = tpu.memref_slice %arg3[%dma_start3A_46, %dma_start3A_47] : memref<640x128xf32, #tpu.memory_space<hbm>> -> memref<400x128xf32, #tpu.memory_space<hbm>>
        tpu.enqueue_dma source(%dma_start3A_48 : memref<400x128xf32, #tpu.memory_space<hbm>>) target(%dma_start3A_45 : memref<400x128xf32, #tpu.memory_space<vmem_shared>>) target_semaphore(%run_scoped3A : memref<!tpu.dma_semaphore, #tpu.memory_space<semaphore_mem>>)
        %dma_wait3A = arith.constant 9600 : i32
        %dma_wait3A_49 = arith.constant 0 : i32
        %dma_wait3A_50 = tpu.memref_slice %arg9[%dma_wait3A, %dma_wait3A_49] : memref<10000x128xf32, #tpu.memory_space<vmem_shared>> -> memref<400x128xf32, #tpu.memory_space<vmem_shared>>
        %dma_wait3A_51 = arith.constant 0 : i32
        %dma_wait3A_52 = arith.constant 0 : i32
        %dma_wait3A_53 = tpu.memref_slice %arg3[%dma_wait3A_51, %dma_wait3A_52] : memref<640x128xf32, #tpu.memory_space<hbm>> -> memref<400x128xf32, #tpu.memory_space<hbm>>
        tpu.wait_dma2 semaphore(%run_scoped3A : memref<!tpu.dma_semaphore, #tpu.memory_space<semaphore_mem>>) src(%dma_wait3A_53 : memref<400x128xf32, #tpu.memory_space<hbm>>) dst(%dma_wait3A_50 : memref<400x128xf32, #tpu.memory_space<vmem_shared>>)
        tpu.yield
      }) : () -> ()
    } else {
    }
    "tpu.region"() ({
      %run_scoped3A = tpu.sem_alloc : memref<!tpu.dma_semaphore, #tpu.memory_space<semaphore_mem>>
      tpu.enqueue_dma source(%arg4 : memref<80x128xf32, #tpu.memory_space<hbm>>) target(%arg8 : memref<80x128xf32, #tpu.memory_space<vmem>>) target_semaphore(%run_scoped3A : memref<!tpu.dma_semaphore, #tpu.memory_space<semaphore_mem>>)
      tpu.wait_dma2 semaphore(%run_scoped3A : memref<!tpu.dma_semaphore, #tpu.memory_space<semaphore_mem>>) src(%arg4 : memref<80x128xf32, #tpu.memory_space<hbm>>) dst(%arg8 : memref<80x128xf32, #tpu.memory_space<vmem>>)
      tpu.yield
    }) : () -> ()
    %barrier3A = arith.constant 0 : index
    tpu.barrier barrier_id(%barrier3A)
    %scan3A = arith.constant 0 : i32
    %scan3A_7 = arith.constant 0 : i32
    %scan3A_8 = arith.constant 8 : i32
    %scan3A_9 = arith.addi %scan3A_7, %scan3A_8 : i32
    %scan3A_10 = arith.constant 1 : i32
    scf.for %scan3A_44 = %scan3A_7 to %scan3A_9 step %scan3A_10  : i32 {
      %mul3A_45 = arith.constant 16 : i32
      %mul3A_46 = arith.muli %scan3A_44, %mul3A_45 : i32
      %add3A = arith.addi %mul3A_46, %arg1 : i32
      %lt3A_47 = arith.constant 125 : i32
      %lt3A_48 = arith.cmpi slt, %add3A, %lt3A_47 : i32
      %convert_element_type3A_49 = arith.extui %lt3A_48 : i1 to i32
      %cond3A_50 = arith.constant 0 : i32
      %cond3A_51 = arith.cmpi ne, %convert_element_type3A_49, %cond3A_50 : i32
      scf.if %cond3A_51 {
        %mul3A_52 = arith.constant 125 : i32
        %mul3A_53 = arith.muli %arg0, %mul3A_52 : i32
        %add3A_54 = arith.addi %mul3A_53, %add3A : i32
        %mul3A_55 = arith.constant 16 : i32
        %mul3A_56 = arith.muli %add3A_54, %mul3A_55 : i32
        "tpu.region"() ({
          %run_scoped3A = tpu.sem_alloc : memref<!tpu.dma_semaphore, #tpu.memory_space<semaphore_mem>>
          %dma_start3A = arith.constant 0 : i32
          %dma_start3A_63 = tpu.memref_slice %arg2[%mul3A_56, %dma_start3A] : memref<4000x80xi32, #tpu.memory_space<hbm>> -> memref<16x80xi32, #tpu.memory_space<hbm>>
          %dma_start3A_64 = arith.constant 0 : i32
          %dma_start3A_65 = tpu.memref_slice %arg2[%mul3A_56, %dma_start3A_64] : memref<4000x80xi32, #tpu.memory_space<hbm>> -> memref<16x80xi32, #tpu.memory_space<hbm>>
          tpu.enqueue_dma source(%dma_start3A_65 : memref<16x80xi32, #tpu.memory_space<hbm>>) target(%arg7 : memref<16x80xi32, #tpu.memory_space<vmem>>) target_semaphore(%run_scoped3A : memref<!tpu.dma_semaphore, #tpu.memory_space<semaphore_mem>>)
          %dma_wait3A = arith.constant 0 : i32
          %dma_wait3A_66 = tpu.memref_slice %arg2[%mul3A_56, %dma_wait3A] : memref<4000x80xi32, #tpu.memory_space<hbm>> -> memref<16x80xi32, #tpu.memory_space<hbm>>
          %dma_wait3A_67 = arith.constant 0 : i32
          %dma_wait3A_68 = tpu.memref_slice %arg2[%mul3A_56, %dma_wait3A_67] : memref<4000x80xi32, #tpu.memory_space<hbm>> -> memref<16x80xi32, #tpu.memory_space<hbm>>
          tpu.wait_dma2 semaphore(%run_scoped3A : memref<!tpu.dma_semaphore, #tpu.memory_space<semaphore_mem>>) src(%dma_wait3A_68 : memref<16x80xi32, #tpu.memory_space<hbm>>) dst(%arg7 : memref<16x80xi32, #tpu.memory_space<vmem>>)
          tpu.yield
        }) : () -> ()
        %scan3A_57 = arith.constant 0 : i32
        %scan3A_58 = arith.constant 0 : i32
        %scan3A_59 = arith.constant 16 : i32
        %scan3A_60 = arith.addi %scan3A_58, %scan3A_59 : i32
        %scan3A_61 = arith.constant 1 : i32
        scf.for %scan3A_63 = %scan3A_58 to %scan3A_60 step %scan3A_61  : i32 {
          "tpu.region"() ({
            %run_scoped3A = tpu.sem_alloc : memref<!tpu.dma_semaphore, #tpu.memory_space<semaphore_mem>>
            %dma_start3A = arith.constant 0 : i32
            %dma_start3A_64 = tpu.memref_slice %arg7[%scan3A_63, %dma_start3A] : memref<16x80xi32, #tpu.memory_space<vmem>> -> memref<1x80xi32, #tpu.memory_space<vmem>>
            %dma_start3A_65 = tpu.memref_squeeze %dma_start3A_64 : memref<1x80xi32, #tpu.memory_space<vmem>> -> memref<80xi32, #tpu.memory_space<vmem>>
            %dma_start3A_66 = arith.constant 0 : i32
            %dma_start3A_67 = arith.constant 0 : i32
            %dma_start3A_68 = tpu.memref_slice %arg9[%dma_start3A_66, %dma_start3A_67] : memref<10000x128xf32, #tpu.memory_space<vmem_shared>> -> memref<10000x128xf32, #tpu.memory_space<vmem_shared>>
            tpu.enqueue_indirect_dma source(%arg8 : memref<80x128xf32, #tpu.memory_space<vmem>>) target(%dma_start3A_68 : memref<10000x128xf32, #tpu.memory_space<vmem_shared>>) offsets(%dma_start3A_65 : memref<80xi32, #tpu.memory_space<vmem>>) semaphore(%run_scoped3A : memref<!tpu.dma_semaphore, #tpu.memory_space<semaphore_mem>>) {add = true}
            %dma_wait3A = arith.constant 0 : i32
            %dma_wait3A_69 = tpu.memref_slice %arg7[%scan3A_63, %dma_wait3A] : memref<16x80xi32, #tpu.memory_space<vmem>> -> memref<1x80xi32, #tpu.memory_space<vmem>>
            %dma_wait3A_70 = tpu.memref_squeeze %dma_wait3A_69 : memref<1x80xi32, #tpu.memory_space<vmem>> -> memref<80xi32, #tpu.memory_space<vmem>>
            %dma_wait3A_71 = arith.constant 0 : i32
            %dma_wait3A_72 = arith.constant 0 : i32
            %dma_wait3A_73 = tpu.memref_slice %arg9[%dma_wait3A_71, %dma_wait3A_72] : memref<10000x128xf32, #tpu.memory_space<vmem_shared>> -> memref<10000x128xf32, #tpu.memory_space<vmem_shared>>
            tpu.wait_indirect_dma semaphore(%run_scoped3A : memref<!tpu.dma_semaphore, #tpu.memory_space<semaphore_mem>>) src(%arg8 : memref<80x128xf32, #tpu.memory_space<vmem>>) dst(%dma_wait3A_73 : memref<10000x128xf32, #tpu.memory_space<vmem_shared>>)
            tpu.yield
          }) : () -> ()
        }
        %scan3A_62 = arith.constant 16 : i32
      } else {
      }
    }
    %scan3A_11 = arith.constant 8 : i32
    %barrier3A_12 = arith.constant 0 : index
    tpu.barrier barrier_id(%barrier3A_12)
    %eq3A_13 = arith.constant 0 : i32
    %eq3A_14 = arith.cmpi eq, %arg0, %eq3A_13 : i32
    %lt3A_15 = arith.constant 15 : i32
    %lt3A_16 = arith.cmpi slt, %arg1, %lt3A_15 : i32
    %and3A = arith.andi %eq3A_14, %lt3A_16 : i1
    %convert_element_type3A_17 = arith.extui %and3A : i1 to i32
    %cond3A_18 = arith.constant 0 : i32
    %cond3A_19 = arith.cmpi ne, %convert_element_type3A_17, %cond3A_18 : i32
    scf.if %cond3A_19 {
      "tpu.region"() ({
        %run_scoped3A = tpu.sem_alloc : memref<!tpu.dma_semaphore, #tpu.memory_space<semaphore_mem>>
        %dma_start3A = arith.constant 0 : i32
        %dma_start3A_44 = tpu.memref_slice %arg5[%mul3A_0, %dma_start3A] : memref<10000x128xf32, #tpu.memory_space<hbm>> -> memref<640x128xf32, #tpu.memory_space<hbm>>
        %dma_start3A_45 = arith.constant 0 : i32
        %dma_start3A_46 = tpu.memref_slice %arg9[%mul3A_0, %dma_start3A_45] : memref<10000x128xf32, #tpu.memory_space<vmem_shared>> -> memref<640x128xf32, #tpu.memory_space<vmem_shared>>
        tpu.enqueue_dma source(%dma_start3A_46 : memref<640x128xf32, #tpu.memory_space<vmem_shared>>) target(%dma_start3A_44 : memref<640x128xf32, #tpu.memory_space<hbm>>) target_semaphore(%run_scoped3A : memref<!tpu.dma_semaphore, #tpu.memory_space<semaphore_mem>>)
        %dma_wait3A = arith.constant 0 : i32
        %dma_wait3A_47 = tpu.memref_slice %arg5[%mul3A_0, %dma_wait3A] : memref<10000x128xf32, #tpu.memory_space<hbm>> -> memref<640x128xf32, #tpu.memory_space<hbm>>
        %dma_wait3A_48 = arith.constant 0 : i32
        %dma_wait3A_49 = tpu.memref_slice %arg9[%mul3A_0, %dma_wait3A_48] : memref<10000x128xf32, #tpu.memory_space<vmem_shared>> -> memref<640x128xf32, #tpu.memory_space<vmem_shared>>
        tpu.wait_dma2 semaphore(%run_scoped3A : memref<!tpu.dma_semaphore, #tpu.memory_space<semaphore_mem>>) src(%dma_wait3A_49 : memref<640x128xf32, #tpu.memory_space<vmem_shared>>) dst(%dma_wait3A_47 : memref<640x128xf32, #tpu.memory_space<hbm>>)
        tpu.yield
      }) : () -> ()
    } else {
    }
    %eq3A_20 = arith.constant 0 : i32
    %eq3A_21 = arith.cmpi eq, %arg0, %eq3A_20 : i32
    %eq3A_22 = arith.constant 15 : i32
    %eq3A_23 = arith.cmpi eq, %arg1, %eq3A_22 : i32
    %and3A_24 = arith.andi %eq3A_21, %eq3A_23 : i1
    %convert_element_type3A_25 = arith.extui %and3A_24 : i1 to i32
    %cond3A_26 = arith.constant 0 : i32
    %cond3A_27 = arith.cmpi ne, %convert_element_type3A_25, %cond3A_26 : i32
    scf.if %cond3A_27 {
      "tpu.region"() ({
        %run_scoped3A = tpu.sem_alloc : memref<!tpu.dma_semaphore, #tpu.memory_space<semaphore_mem>>
        %dma_start3A = arith.constant 9600 : i32
        %dma_start3A_44 = arith.constant 0 : i32
        %dma_start3A_45 = tpu.memref_slice %arg5[%dma_start3A, %dma_start3A_44] : memref<10000x128xf32, #tpu.memory_space<hbm>> -> memref<400x128xf32, #tpu.memory_space<hbm>>
        %dma_start3A_46 = arith.constant 9600 : i32
        %dma_start3A_47 = arith.constant 0 : i32
        %dma_start3A_48 = tpu.memref_slice %arg9[%dma_start3A_46, %dma_start3A_47] : memref<10000x128xf32, #tpu.memory_space<vmem_shared>> -> memref<400x128xf32, #tpu.memory_space<vmem_shared>>
        tpu.enqueue_dma source(%dma_start3A_48 : memref<400x128xf32, #tpu.memory_space<vmem_shared>>) target(%dma_start3A_45 : memref<400x128xf32, #tpu.memory_space<hbm>>) target_semaphore(%run_scoped3A : memref<!tpu.dma_semaphore, #tpu.memory_space<semaphore_mem>>)
        %dma_wait3A = arith.constant 9600 : i32
        %dma_wait3A_49 = arith.constant 0 : i32
        %dma_wait3A_50 = tpu.memref_slice %arg5[%dma_wait3A, %dma_wait3A_49] : memref<10000x128xf32, #tpu.memory_space<hbm>> -> memref<400x128xf32, #tpu.memory_space<hbm>>
        %dma_wait3A_51 = arith.constant 9600 : i32
        %dma_wait3A_52 = arith.constant 0 : i32
        %dma_wait3A_53 = tpu.memref_slice %arg9[%dma_wait3A_51, %dma_wait3A_52] : memref<10000x128xf32, #tpu.memory_space<vmem_shared>> -> memref<400x128xf32, #tpu.memory_space<vmem_shared>>
        tpu.wait_dma2 semaphore(%run_scoped3A : memref<!tpu.dma_semaphore, #tpu.memory_space<semaphore_mem>>) src(%dma_wait3A_53 : memref<400x128xf32, #tpu.memory_space<vmem_shared>>) dst(%dma_wait3A_50 : memref<400x128xf32, #tpu.memory_space<hbm>>)
        tpu.yield
      }) : () -> ()
    } else {
    }
    %eq3A_28 = arith.constant 1 : i32
    %eq3A_29 = arith.cmpi eq, %arg0, %eq3A_28 : i32
    %lt3A_30 = arith.constant 15 : i32
    %lt3A_31 = arith.cmpi slt, %arg1, %lt3A_30 : i32
    %and3A_32 = arith.andi %eq3A_29, %lt3A_31 : i1
    %convert_element_type3A_33 = arith.extui %and3A_32 : i1 to i32
    %cond3A_34 = arith.constant 0 : i32
    %cond3A_35 = arith.cmpi ne, %convert_element_type3A_33, %cond3A_34 : i32
    scf.if %cond3A_35 {
      "tpu.region"() ({
        %run_scoped3A = tpu.sem_alloc : memref<!tpu.dma_semaphore, #tpu.memory_space<semaphore_mem>>
        %dma_start3A = arith.constant 0 : i32
        %dma_start3A_44 = tpu.memref_slice %arg6[%mul3A_0, %dma_start3A] : memref<10000x128xf32, #tpu.memory_space<hbm>> -> memref<640x128xf32, #tpu.memory_space<hbm>>
        %dma_start3A_45 = arith.constant 0 : i32
        %dma_start3A_46 = tpu.memref_slice %arg9[%mul3A_0, %dma_start3A_45] : memref<10000x128xf32, #tpu.memory_space<vmem_shared>> -> memref<640x128xf32, #tpu.memory_space<vmem_shared>>
        tpu.enqueue_dma source(%dma_start3A_46 : memref<640x128xf32, #tpu.memory_space<vmem_shared>>) target(%dma_start3A_44 : memref<640x128xf32, #tpu.memory_space<hbm>>) target_semaphore(%run_scoped3A : memref<!tpu.dma_semaphore, #tpu.memory_space<semaphore_mem>>)
        %dma_wait3A = arith.constant 0 : i32
        %dma_wait3A_47 = tpu.memref_slice %arg6[%mul3A_0, %dma_wait3A] : memref<10000x128xf32, #tpu.memory_space<hbm>> -> memref<640x128xf32, #tpu.memory_space<hbm>>
        %dma_wait3A_48 = arith.constant 0 : i32
        %dma_wait3A_49 = tpu.memref_slice %arg9[%mul3A_0, %dma_wait3A_48] : memref<10000x128xf32, #tpu.memory_space<vmem_shared>> -> memref<640x128xf32, #tpu.memory_space<vmem_shared>>
        tpu.wait_dma2 semaphore(%run_scoped3A : memref<!tpu.dma_semaphore, #tpu.memory_space<semaphore_mem>>) src(%dma_wait3A_49 : memref<640x128xf32, #tpu.memory_space<vmem_shared>>) dst(%dma_wait3A_47 : memref<640x128xf32, #tpu.memory_space<hbm>>)
        tpu.yield
      }) : () -> ()
    } else {
    }
    %eq3A_36 = arith.constant 1 : i32
    %eq3A_37 = arith.cmpi eq, %arg0, %eq3A_36 : i32
    %eq3A_38 = arith.constant 15 : i32
    %eq3A_39 = arith.cmpi eq, %arg1, %eq3A_38 : i32
    %and3A_40 = arith.andi %eq3A_37, %eq3A_39 : i1
    %convert_element_type3A_41 = arith.extui %and3A_40 : i1 to i32
    %cond3A_42 = arith.constant 0 : i32
    %cond3A_43 = arith.cmpi ne, %convert_element_type3A_41, %cond3A_42 : i32
    scf.if %cond3A_43 {
      "tpu.region"() ({
        %run_scoped3A = tpu.sem_alloc : memref<!tpu.dma_semaphore, #tpu.memory_space<semaphore_mem>>
        %dma_start3A = arith.constant 9600 : i32
        %dma_start3A_44 = arith.constant 0 : i32
        %dma_start3A_45 = tpu.memref_slice %arg6[%dma_start3A, %dma_start3A_44] : memref<10000x128xf32, #tpu.memory_space<hbm>> -> memref<400x128xf32, #tpu.memory_space<hbm>>
        %dma_start3A_46 = arith.constant 9600 : i32
        %dma_start3A_47 = arith.constant 0 : i32
        %dma_start3A_48 = tpu.memref_slice %arg9[%dma_start3A_46, %dma_start3A_47] : memref<10000x128xf32, #tpu.memory_space<vmem_shared>> -> memref<400x128xf32, #tpu.memory_space<vmem_shared>>
        tpu.enqueue_dma source(%dma_start3A_48 : memref<400x128xf32, #tpu.memory_space<vmem_shared>>) target(%dma_start3A_45 : memref<400x128xf32, #tpu.memory_space<hbm>>) target_semaphore(%run_scoped3A : memref<!tpu.dma_semaphore, #tpu.memory_space<semaphore_mem>>)
        %dma_wait3A = arith.constant 9600 : i32
        %dma_wait3A_49 = arith.constant 0 : i32
        %dma_wait3A_50 = tpu.memref_slice %arg6[%dma_wait3A, %dma_wait3A_49] : memref<10000x128xf32, #tpu.memory_space<hbm>> -> memref<400x128xf32, #tpu.memory_space<hbm>>
        %dma_wait3A_51 = arith.constant 9600 : i32
        %dma_wait3A_52 = arith.constant 0 : i32
        %dma_wait3A_53 = tpu.memref_slice %arg9[%dma_wait3A_51, %dma_wait3A_52] : memref<10000x128xf32, #tpu.memory_space<vmem_shared>> -> memref<400x128xf32, #tpu.memory_space<vmem_shared>>
        tpu.wait_dma2 semaphore(%run_scoped3A : memref<!tpu.dma_semaphore, #tpu.memory_space<semaphore_mem>>) src(%dma_wait3A_53 : memref<400x128xf32, #tpu.memory_space<vmem_shared>>) dst(%dma_wait3A_50 : memref<400x128xf32, #tpu.memory_space<hbm>>)
        tpu.yield
      }) : () -> ()
    } else {
    }
    return
  }
}

#map = affine_map<(d0, d1) -> (0, 0)>
module attributes {stable_mosaic.version = 14 : i64} {
  func.func @_sc_body(%arg0: i32, %arg1: i32, %arg2: memref<100000x128xf32, #tpu.memory_space<hbm>>, %arg3: memref<4000x80xi32, #tpu.memory_space<hbm>>, %arg4: memref<4000x80xi32, #tpu.memory_space<hbm>>, %arg5: memref<4000x80xi32, #tpu.memory_space<hbm>>, %arg6: memref<640x128xf32, #tpu.memory_space<hbm>>, %arg7: memref<10000x128xf32, #tpu.memory_space<hbm>>, %arg8: memref<10000x128xf32, #tpu.memory_space<hbm>>, %arg9: memref<16x80xi32, #tpu.memory_space<vmem>>, %arg10: memref<16x80xi32, #tpu.memory_space<vmem>>, %arg11: memref<80x128xf32, #tpu.memory_space<vmem>>, %arg12: memref<80x128xf32, #tpu.memory_space<vmem>>, %arg13: memref<10000x128xf32, #tpu.memory_space<vmem_shared>>, %arg14: memref<!tpu.dma_semaphore, #tpu.memory_space<semaphore_mem>>, %arg15: memref<!tpu.dma_semaphore, #tpu.memory_space<semaphore_mem>>, %arg16: memref<!tpu.dma_semaphore, #tpu.memory_space<semaphore_mem>>, %arg17: memref<!tpu.dma_semaphore, #tpu.memory_space<semaphore_mem>>) attributes {dimension_semantics = [#tpu.dimension_semantics<core_parallel>, #tpu.dimension_semantics<subcore_parallel>], iteration_bounds = array<i64: 2, 16>, scalar_prefetch = 0 : i64, scratch_operands = 9 : i64, tpu.core_type = #tpu.core_type<sc_vector_subcore>, window_params = [{transform_indices = #map}, {transform_indices = #map}, {transform_indices = #map}, {transform_indices = #map}, {transform_indices = #map}, {transform_indices = #map}, {transform_indices = #map}]} {
    %mul3A = arith.constant 640 : i32
    %mul3A_0 = arith.muli %arg1, %mul3A : i32
    %lt3A = arith.constant 15 : i32
    %lt3A_1 = arith.cmpi slt, %arg1, %lt3A : i32
    %convert_element_type3A = arith.extui %lt3A_1 : i1 to i32
    %cond3A = arith.constant 0 : i32
    %cond3A_2 = arith.cmpi ne, %convert_element_type3A, %cond3A : i32
    scf.if %cond3A_2 {
      "tpu.region"() ({
        %run_scoped3A = tpu.sem_alloc : memref<!tpu.dma_semaphore, #tpu.memory_space<semaphore_mem>>
        %dma_start3A = arith.constant 0 : i32
        %dma_start3A_44 = tpu.memref_slice %arg13[%mul3A_0, %dma_start3A] : memref<10000x128xf32, #tpu.memory_space<vmem_shared>> -> memref<640x128xf32, #tpu.memory_space<vmem_shared>>
        tpu.enqueue_dma source(%arg6 : memref<640x128xf32, #tpu.memory_space<hbm>>) target(%dma_start3A_44 : memref<640x128xf32, #tpu.memory_space<vmem_shared>>) target_semaphore(%run_scoped3A : memref<!tpu.dma_semaphore, #tpu.memory_space<semaphore_mem>>)
        %dma_wait3A = arith.constant 0 : i32
        %dma_wait3A_45 = tpu.memref_slice %arg13[%mul3A_0, %dma_wait3A] : memref<10000x128xf32, #tpu.memory_space<vmem_shared>> -> memref<640x128xf32, #tpu.memory_space<vmem_shared>>
        tpu.wait_dma2 semaphore(%run_scoped3A : memref<!tpu.dma_semaphore, #tpu.memory_space<semaphore_mem>>) src(%arg6 : memref<640x128xf32, #tpu.memory_space<hbm>>) dst(%dma_wait3A_45 : memref<640x128xf32, #tpu.memory_space<vmem_shared>>)
        tpu.yield
      }) : () -> ()
    } else {
    }
    %eq3A = arith.constant 15 : i32
    %eq3A_3 = arith.cmpi eq, %arg1, %eq3A : i32
    %convert_element_type3A_4 = arith.extui %eq3A_3 : i1 to i32
    %cond3A_5 = arith.constant 0 : i32
    %cond3A_6 = arith.cmpi ne, %convert_element_type3A_4, %cond3A_5 : i32
    scf.if %cond3A_6 {
      "tpu.region"() ({
        %run_scoped3A = tpu.sem_alloc : memref<!tpu.dma_semaphore, #tpu.memory_space<semaphore_mem>>
        %dma_start3A = arith.constant 9600 : i32
        %dma_start3A_44 = arith.constant 0 : i32
        %dma_start3A_45 = tpu.memref_slice %arg13[%dma_start3A, %dma_start3A_44] : memref<10000x128xf32, #tpu.memory_space<vmem_shared>> -> memref<400x128xf32, #tpu.memory_space<vmem_shared>>
        %dma_start3A_46 = arith.constant 0 : i32
        %dma_start3A_47 = arith.constant 0 : i32
        %dma_start3A_48 = tpu.memref_slice %arg6[%dma_start3A_46, %dma_start3A_47] : memref<640x128xf32, #tpu.memory_space<hbm>> -> memref<400x128xf32, #tpu.memory_space<hbm>>
        tpu.enqueue_dma source(%dma_start3A_48 : memref<400x128xf32, #tpu.memory_space<hbm>>) target(%dma_start3A_45 : memref<400x128xf32, #tpu.memory_space<vmem_shared>>) target_semaphore(%run_scoped3A : memref<!tpu.dma_semaphore, #tpu.memory_space<semaphore_mem>>)
        %dma_wait3A = arith.constant 9600 : i32
        %dma_wait3A_49 = arith.constant 0 : i32
        %dma_wait3A_50 = tpu.memref_slice %arg13[%dma_wait3A, %dma_wait3A_49] : memref<10000x128xf32, #tpu.memory_space<vmem_shared>> -> memref<400x128xf32, #tpu.memory_space<vmem_shared>>
        %dma_wait3A_51 = arith.constant 0 : i32
        %dma_wait3A_52 = arith.constant 0 : i32
        %dma_wait3A_53 = tpu.memref_slice %arg6[%dma_wait3A_51, %dma_wait3A_52] : memref<640x128xf32, #tpu.memory_space<hbm>> -> memref<400x128xf32, #tpu.memory_space<hbm>>
        tpu.wait_dma2 semaphore(%run_scoped3A : memref<!tpu.dma_semaphore, #tpu.memory_space<semaphore_mem>>) src(%dma_wait3A_53 : memref<400x128xf32, #tpu.memory_space<hbm>>) dst(%dma_wait3A_50 : memref<400x128xf32, #tpu.memory_space<vmem_shared>>)
        tpu.yield
      }) : () -> ()
    } else {
    }
    %barrier3A = arith.constant 0 : index
    tpu.barrier barrier_id(%barrier3A)
    %scan3A = arith.constant 0 : i32
    %scan3A_7 = arith.constant 0 : i32
    %scan3A_8 = arith.constant 16 : i32
    %scan3A_9 = arith.addi %scan3A_7, %scan3A_8 : i32
    %scan3A_10 = arith.constant 1 : i32
    scf.for %scan3A_44 = %scan3A_7 to %scan3A_9 step %scan3A_10  : i32 {
      %mul3A_45 = arith.constant 16 : i32
      %mul3A_46 = arith.muli %scan3A_44, %mul3A_45 : i32
      %add3A = arith.addi %mul3A_46, %arg1 : i32
      %lt3A_47 = arith.constant 250 : i32
      %lt3A_48 = arith.cmpi slt, %add3A, %lt3A_47 : i32
      %convert_element_type3A_49 = arith.extui %lt3A_48 : i1 to i32
      %cond3A_50 = arith.constant 0 : i32
      %cond3A_51 = arith.cmpi ne, %convert_element_type3A_49, %cond3A_50 : i32
      scf.if %cond3A_51 {
        %mul3A_52 = arith.constant 16 : i32
        %mul3A_53 = arith.muli %add3A, %mul3A_52 : i32
        %eq3A_54 = arith.constant 0 : i32
        %eq3A_55 = arith.cmpi eq, %arg0, %eq3A_54 : i32
        %convert_element_type3A_56 = arith.extui %eq3A_55 : i1 to i32
        %cond3A_57 = arith.constant 0 : i32
        %cond3A_58 = arith.cmpi ne, %convert_element_type3A_56, %cond3A_57 : i32
        scf.if %cond3A_58 {
          "tpu.region"() ({
            %run_scoped3A = tpu.sem_alloc : memref<!tpu.dma_semaphore, #tpu.memory_space<semaphore_mem>>
            %dma_start3A_510 = arith.constant 0 : i32
            %dma_start3A_511 = tpu.memref_slice %arg3[%mul3A_53, %dma_start3A_510] : memref<4000x80xi32, #tpu.memory_space<hbm>> -> memref<16x80xi32, #tpu.memory_space<hbm>>
            %dma_start3A_512 = arith.constant 0 : i32
            %dma_start3A_513 = tpu.memref_slice %arg3[%mul3A_53, %dma_start3A_512] : memref<4000x80xi32, #tpu.memory_space<hbm>> -> memref<16x80xi32, #tpu.memory_space<hbm>>
            tpu.enqueue_dma source(%dma_start3A_513 : memref<16x80xi32, #tpu.memory_space<hbm>>) target(%arg9 : memref<16x80xi32, #tpu.memory_space<vmem>>) target_semaphore(%run_scoped3A : memref<!tpu.dma_semaphore, #tpu.memory_space<semaphore_mem>>)
            %dma_wait3A_514 = arith.constant 0 : i32
            %dma_wait3A_515 = tpu.memref_slice %arg3[%mul3A_53, %dma_wait3A_514] : memref<4000x80xi32, #tpu.memory_space<hbm>> -> memref<16x80xi32, #tpu.memory_space<hbm>>
            %dma_wait3A_516 = arith.constant 0 : i32
            %dma_wait3A_517 = tpu.memref_slice %arg3[%mul3A_53, %dma_wait3A_516] : memref<4000x80xi32, #tpu.memory_space<hbm>> -> memref<16x80xi32, #tpu.memory_space<hbm>>
            tpu.wait_dma2 semaphore(%run_scoped3A : memref<!tpu.dma_semaphore, #tpu.memory_space<semaphore_mem>>) src(%dma_wait3A_517 : memref<16x80xi32, #tpu.memory_space<hbm>>) dst(%arg9 : memref<16x80xi32, #tpu.memory_space<vmem>>)
            tpu.yield
          }) : () -> ()
        } else {
        }
        %eq3A_59 = arith.constant 1 : i32
        %eq3A_60 = arith.cmpi eq, %arg0, %eq3A_59 : i32
        %convert_element_type3A_61 = arith.extui %eq3A_60 : i1 to i32
        %cond3A_62 = arith.constant 0 : i32
        %cond3A_63 = arith.cmpi ne, %convert_element_type3A_61, %cond3A_62 : i32
        scf.if %cond3A_63 {
          "tpu.region"() ({
            %run_scoped3A = tpu.sem_alloc : memref<!tpu.dma_semaphore, #tpu.memory_space<semaphore_mem>>
            %dma_start3A_510 = arith.constant 0 : i32
            %dma_start3A_511 = tpu.memref_slice %arg4[%mul3A_53, %dma_start3A_510] : memref<4000x80xi32, #tpu.memory_space<hbm>> -> memref<16x80xi32, #tpu.memory_space<hbm>>
            %dma_start3A_512 = arith.constant 0 : i32
            %dma_start3A_513 = tpu.memref_slice %arg4[%mul3A_53, %dma_start3A_512] : memref<4000x80xi32, #tpu.memory_space<hbm>> -> memref<16x80xi32, #tpu.memory_space<hbm>>
            tpu.enqueue_dma source(%dma_start3A_513 : memref<16x80xi32, #tpu.memory_space<hbm>>) target(%arg9 : memref<16x80xi32, #tpu.memory_space<vmem>>) target_semaphore(%run_scoped3A : memref<!tpu.dma_semaphore, #tpu.memory_space<semaphore_mem>>)
            %dma_wait3A_514 = arith.constant 0 : i32
            %dma_wait3A_515 = tpu.memref_slice %arg4[%mul3A_53, %dma_wait3A_514] : memref<4000x80xi32, #tpu.memory_space<hbm>> -> memref<16x80xi32, #tpu.memory_space<hbm>>
            %dma_wait3A_516 = arith.constant 0 : i32
            %dma_wait3A_517 = tpu.memref_slice %arg4[%mul3A_53, %dma_wait3A_516] : memref<4000x80xi32, #tpu.memory_space<hbm>> -> memref<16x80xi32, #tpu.memory_space<hbm>>
            tpu.wait_dma2 semaphore(%run_scoped3A : memref<!tpu.dma_semaphore, #tpu.memory_space<semaphore_mem>>) src(%dma_wait3A_517 : memref<16x80xi32, #tpu.memory_space<hbm>>) dst(%arg9 : memref<16x80xi32, #tpu.memory_space<vmem>>)
            tpu.yield
          }) : () -> ()
        } else {
        }
        "tpu.region"() ({
          %run_scoped3A = tpu.sem_alloc : memref<!tpu.dma_semaphore, #tpu.memory_space<semaphore_mem>>
          %dma_start3A_510 = arith.constant 0 : i32
          %dma_start3A_511 = tpu.memref_slice %arg5[%mul3A_53, %dma_start3A_510] : memref<4000x80xi32, #tpu.memory_space<hbm>> -> memref<16x80xi32, #tpu.memory_space<hbm>>
          %dma_start3A_512 = arith.constant 0 : i32
          %dma_start3A_513 = tpu.memref_slice %arg5[%mul3A_53, %dma_start3A_512] : memref<4000x80xi32, #tpu.memory_space<hbm>> -> memref<16x80xi32, #tpu.memory_space<hbm>>
          tpu.enqueue_dma source(%dma_start3A_513 : memref<16x80xi32, #tpu.memory_space<hbm>>) target(%arg10 : memref<16x80xi32, #tpu.memory_space<vmem>>) target_semaphore(%run_scoped3A : memref<!tpu.dma_semaphore, #tpu.memory_space<semaphore_mem>>)
          %dma_wait3A_514 = arith.constant 0 : i32
          %dma_wait3A_515 = tpu.memref_slice %arg5[%mul3A_53, %dma_wait3A_514] : memref<4000x80xi32, #tpu.memory_space<hbm>> -> memref<16x80xi32, #tpu.memory_space<hbm>>
          %dma_wait3A_516 = arith.constant 0 : i32
          %dma_wait3A_517 = tpu.memref_slice %arg5[%mul3A_53, %dma_wait3A_516] : memref<4000x80xi32, #tpu.memory_space<hbm>> -> memref<16x80xi32, #tpu.memory_space<hbm>>
          tpu.wait_dma2 semaphore(%run_scoped3A : memref<!tpu.dma_semaphore, #tpu.memory_space<semaphore_mem>>) src(%dma_wait3A_517 : memref<16x80xi32, #tpu.memory_space<hbm>>) dst(%arg10 : memref<16x80xi32, #tpu.memory_space<vmem>>)
          tpu.yield
        }) : () -> ()
        %dma_start3A = arith.constant 0 : i32
        %dma_start3A_64 = arith.constant 0 : i32
        %dma_start3A_65 = tpu.memref_slice %arg9[%dma_start3A, %dma_start3A_64] : memref<16x80xi32, #tpu.memory_space<vmem>> -> memref<1x80xi32, #tpu.memory_space<vmem>>
        %dma_start3A_66 = tpu.memref_squeeze %dma_start3A_65 : memref<1x80xi32, #tpu.memory_space<vmem>> -> memref<80xi32, #tpu.memory_space<vmem>>
        %dma_start3A_67 = arith.constant 0 : i32
        %dma_start3A_68 = arith.constant 0 : i32
        %dma_start3A_69 = tpu.memref_slice %arg2[%dma_start3A_67, %dma_start3A_68] : memref<100000x128xf32, #tpu.memory_space<hbm>> -> memref<100000x128xf32, #tpu.memory_space<hbm>>
        tpu.enqueue_indirect_dma source(%dma_start3A_69 : memref<100000x128xf32, #tpu.memory_space<hbm>>) target(%arg11 : memref<80x128xf32, #tpu.memory_space<vmem>>) offsets(%dma_start3A_66 : memref<80xi32, #tpu.memory_space<vmem>>) semaphore(%arg14 : memref<!tpu.dma_semaphore, #tpu.memory_space<semaphore_mem>>)
        %dma_start3A_70 = arith.constant 1 : i32
        %dma_start3A_71 = arith.constant 0 : i32
        %dma_start3A_72 = tpu.memref_slice %arg9[%dma_start3A_70, %dma_start3A_71] : memref<16x80xi32, #tpu.memory_space<vmem>> -> memref<1x80xi32, #tpu.memory_space<vmem>>
        %dma_start3A_73 = tpu.memref_squeeze %dma_start3A_72 : memref<1x80xi32, #tpu.memory_space<vmem>> -> memref<80xi32, #tpu.memory_space<vmem>>
        %dma_start3A_74 = arith.constant 0 : i32
        %dma_start3A_75 = arith.constant 0 : i32
        %dma_start3A_76 = tpu.memref_slice %arg2[%dma_start3A_74, %dma_start3A_75] : memref<100000x128xf32, #tpu.memory_space<hbm>> -> memref<100000x128xf32, #tpu.memory_space<hbm>>
        tpu.enqueue_indirect_dma source(%dma_start3A_76 : memref<100000x128xf32, #tpu.memory_space<hbm>>) target(%arg12 : memref<80x128xf32, #tpu.memory_space<vmem>>) offsets(%dma_start3A_73 : memref<80xi32, #tpu.memory_space<vmem>>) semaphore(%arg15 : memref<!tpu.dma_semaphore, #tpu.memory_space<semaphore_mem>>)
        %dma_wait3A = arith.constant 0 : i32
        %dma_wait3A_77 = arith.constant 0 : i32
        %dma_wait3A_78 = tpu.memref_slice %arg9[%dma_wait3A, %dma_wait3A_77] : memref<16x80xi32, #tpu.memory_space<vmem>> -> memref<1x80xi32, #tpu.memory_space<vmem>>
        %dma_wait3A_79 = tpu.memref_squeeze %dma_wait3A_78 : memref<1x80xi32, #tpu.memory_space<vmem>> -> memref<80xi32, #tpu.memory_space<vmem>>
        %dma_wait3A_80 = arith.constant 0 : i32
        %dma_wait3A_81 = arith.constant 0 : i32
        %dma_wait3A_82 = tpu.memref_slice %arg2[%dma_wait3A_80, %dma_wait3A_81] : memref<100000x128xf32, #tpu.memory_space<hbm>> -> memref<100000x128xf32, #tpu.memory_space<hbm>>
        tpu.wait_indirect_dma semaphore(%arg14 : memref<!tpu.dma_semaphore, #tpu.memory_space<semaphore_mem>>) src(%dma_wait3A_82 : memref<100000x128xf32, #tpu.memory_space<hbm>>) dst(%arg11 : memref<80x128xf32, #tpu.memory_space<vmem>>)
        %dma_start3A_83 = arith.constant 0 : i32
        %dma_start3A_84 = arith.constant 0 : i32
        %dma_start3A_85 = tpu.memref_slice %arg10[%dma_start3A_83, %dma_start3A_84] : memref<16x80xi32, #tpu.memory_space<vmem>> -> memref<1x80xi32, #tpu.memory_space<vmem>>
        %dma_start3A_86 = tpu.memref_squeeze %dma_start3A_85 : memref<1x80xi32, #tpu.memory_space<vmem>> -> memref<80xi32, #tpu.memory_space<vmem>>
        %dma_start3A_87 = arith.constant 0 : i32
        %dma_start3A_88 = arith.constant 0 : i32
        %dma_start3A_89 = tpu.memref_slice %arg13[%dma_start3A_87, %dma_start3A_88] : memref<10000x128xf32, #tpu.memory_space<vmem_shared>> -> memref<10000x128xf32, #tpu.memory_space<vmem_shared>>
        tpu.enqueue_indirect_dma source(%arg11 : memref<80x128xf32, #tpu.memory_space<vmem>>) target(%dma_start3A_89 : memref<10000x128xf32, #tpu.memory_space<vmem_shared>>) offsets(%dma_start3A_86 : memref<80xi32, #tpu.memory_space<vmem>>) semaphore(%arg16 : memref<!tpu.dma_semaphore, #tpu.memory_space<semaphore_mem>>) {add = true}
        %dma_wait3A_90 = arith.constant 0 : i32
        %dma_wait3A_91 = arith.constant 0 : i32
        %dma_wait3A_92 = tpu.memref_slice %arg10[%dma_wait3A_90, %dma_wait3A_91] : memref<16x80xi32, #tpu.memory_space<vmem>> -> memref<1x80xi32, #tpu.memory_space<vmem>>
        %dma_wait3A_93 = tpu.memref_squeeze %dma_wait3A_92 : memref<1x80xi32, #tpu.memory_space<vmem>> -> memref<80xi32, #tpu.memory_space<vmem>>
        %dma_wait3A_94 = arith.constant 0 : i32
        %dma_wait3A_95 = arith.constant 0 : i32
        %dma_wait3A_96 = tpu.memref_slice %arg13[%dma_wait3A_94, %dma_wait3A_95] : memref<10000x128xf32, #tpu.memory_space<vmem_shared>> -> memref<10000x128xf32, #tpu.memory_space<vmem_shared>>
        tpu.wait_indirect_dma semaphore(%arg16 : memref<!tpu.dma_semaphore, #tpu.memory_space<semaphore_mem>>) src(%arg11 : memref<80x128xf32, #tpu.memory_space<vmem>>) dst(%dma_wait3A_96 : memref<10000x128xf32, #tpu.memory_space<vmem_shared>>)
        %dma_start3A_97 = arith.constant 2 : i32
        %dma_start3A_98 = arith.constant 0 : i32
        %dma_start3A_99 = tpu.memref_slice %arg9[%dma_start3A_97, %dma_start3A_98] : memref<16x80xi32, #tpu.memory_space<vmem>> -> memref<1x80xi32, #tpu.memory_space<vmem>>
        %dma_start3A_100 = tpu.memref_squeeze %dma_start3A_99 : memref<1x80xi32, #tpu.memory_space<vmem>> -> memref<80xi32, #tpu.memory_space<vmem>>
        %dma_start3A_101 = arith.constant 0 : i32
        %dma_start3A_102 = arith.constant 0 : i32
        %dma_start3A_103 = tpu.memref_slice %arg2[%dma_start3A_101, %dma_start3A_102] : memref<100000x128xf32, #tpu.memory_space<hbm>> -> memref<100000x128xf32, #tpu.memory_space<hbm>>
        tpu.enqueue_indirect_dma source(%dma_start3A_103 : memref<100000x128xf32, #tpu.memory_space<hbm>>) target(%arg11 : memref<80x128xf32, #tpu.memory_space<vmem>>) offsets(%dma_start3A_100 : memref<80xi32, #tpu.memory_space<vmem>>) semaphore(%arg14 : memref<!tpu.dma_semaphore, #tpu.memory_space<semaphore_mem>>)
        %dma_wait3A_104 = arith.constant 1 : i32
        %dma_wait3A_105 = arith.constant 0 : i32
        %dma_wait3A_106 = tpu.memref_slice %arg9[%dma_wait3A_104, %dma_wait3A_105] : memref<16x80xi32, #tpu.memory_space<vmem>> -> memref<1x80xi32, #tpu.memory_space<vmem>>
        %dma_wait3A_107 = tpu.memref_squeeze %dma_wait3A_106 : memref<1x80xi32, #tpu.memory_space<vmem>> -> memref<80xi32, #tpu.memory_space<vmem>>
        %dma_wait3A_108 = arith.constant 0 : i32
        %dma_wait3A_109 = arith.constant 0 : i32
        %dma_wait3A_110 = tpu.memref_slice %arg2[%dma_wait3A_108, %dma_wait3A_109] : memref<100000x128xf32, #tpu.memory_space<hbm>> -> memref<100000x128xf32, #tpu.memory_space<hbm>>
        tpu.wait_indirect_dma semaphore(%arg15 : memref<!tpu.dma_semaphore, #tpu.memory_space<semaphore_mem>>) src(%dma_wait3A_110 : memref<100000x128xf32, #tpu.memory_space<hbm>>) dst(%arg12 : memref<80x128xf32, #tpu.memory_space<vmem>>)
        %dma_start3A_111 = arith.constant 1 : i32
        %dma_start3A_112 = arith.constant 0 : i32
        %dma_start3A_113 = tpu.memref_slice %arg10[%dma_start3A_111, %dma_start3A_112] : memref<16x80xi32, #tpu.memory_space<vmem>> -> memref<1x80xi32, #tpu.memory_space<vmem>>
        %dma_start3A_114 = tpu.memref_squeeze %dma_start3A_113 : memref<1x80xi32, #tpu.memory_space<vmem>> -> memref<80xi32, #tpu.memory_space<vmem>>
        %dma_start3A_115 = arith.constant 0 : i32
        %dma_start3A_116 = arith.constant 0 : i32
        %dma_start3A_117 = tpu.memref_slice %arg13[%dma_start3A_115, %dma_start3A_116] : memref<10000x128xf32, #tpu.memory_space<vmem_shared>> -> memref<10000x128xf32, #tpu.memory_space<vmem_shared>>
        tpu.enqueue_indirect_dma source(%arg12 : memref<80x128xf32, #tpu.memory_space<vmem>>) target(%dma_start3A_117 : memref<10000x128xf32, #tpu.memory_space<vmem_shared>>) offsets(%dma_start3A_114 : memref<80xi32, #tpu.memory_space<vmem>>) semaphore(%arg17 : memref<!tpu.dma_semaphore, #tpu.memory_space<semaphore_mem>>) {add = true}
        %dma_wait3A_118 = arith.constant 1 : i32
        %dma_wait3A_119 = arith.constant 0 : i32
        %dma_wait3A_120 = tpu.memref_slice %arg10[%dma_wait3A_118, %dma_wait3A_119] : memref<16x80xi32, #tpu.memory_space<vmem>> -> memref<1x80xi32, #tpu.memory_space<vmem>>
        %dma_wait3A_121 = tpu.memref_squeeze %dma_wait3A_120 : memref<1x80xi32, #tpu.memory_space<vmem>> -> memref<80xi32, #tpu.memory_space<vmem>>
        %dma_wait3A_122 = arith.constant 0 : i32
        %dma_wait3A_123 = arith.constant 0 : i32
        %dma_wait3A_124 = tpu.memref_slice %arg13[%dma_wait3A_122, %dma_wait3A_123] : memref<10000x128xf32, #tpu.memory_space<vmem_shared>> -> memref<10000x128xf32, #tpu.memory_space<vmem_shared>>
        tpu.wait_indirect_dma semaphore(%arg17 : memref<!tpu.dma_semaphore, #tpu.memory_space<semaphore_mem>>) src(%arg12 : memref<80x128xf32, #tpu.memory_space<vmem>>) dst(%dma_wait3A_124 : memref<10000x128xf32, #tpu.memory_space<vmem_shared>>)
        %dma_start3A_125 = arith.constant 3 : i32
        %dma_start3A_126 = arith.constant 0 : i32
        %dma_start3A_127 = tpu.memref_slice %arg9[%dma_start3A_125, %dma_start3A_126] : memref<16x80xi32, #tpu.memory_space<vmem>> -> memref<1x80xi32, #tpu.memory_space<vmem>>
        %dma_start3A_128 = tpu.memref_squeeze %dma_start3A_127 : memref<1x80xi32, #tpu.memory_space<vmem>> -> memref<80xi32, #tpu.memory_space<vmem>>
        %dma_start3A_129 = arith.constant 0 : i32
        %dma_start3A_130 = arith.constant 0 : i32
        %dma_start3A_131 = tpu.memref_slice %arg2[%dma_start3A_129, %dma_start3A_130] : memref<100000x128xf32, #tpu.memory_space<hbm>> -> memref<100000x128xf32, #tpu.memory_space<hbm>>
        tpu.enqueue_indirect_dma source(%dma_start3A_131 : memref<100000x128xf32, #tpu.memory_space<hbm>>) target(%arg12 : memref<80x128xf32, #tpu.memory_space<vmem>>) offsets(%dma_start3A_128 : memref<80xi32, #tpu.memory_space<vmem>>) semaphore(%arg15 : memref<!tpu.dma_semaphore, #tpu.memory_space<semaphore_mem>>)
        %dma_wait3A_132 = arith.constant 2 : i32
        %dma_wait3A_133 = arith.constant 0 : i32
        %dma_wait3A_134 = tpu.memref_slice %arg9[%dma_wait3A_132, %dma_wait3A_133] : memref<16x80xi32, #tpu.memory_space<vmem>> -> memref<1x80xi32, #tpu.memory_space<vmem>>
        %dma_wait3A_135 = tpu.memref_squeeze %dma_wait3A_134 : memref<1x80xi32, #tpu.memory_space<vmem>> -> memref<80xi32, #tpu.memory_space<vmem>>
        %dma_wait3A_136 = arith.constant 0 : i32
        %dma_wait3A_137 = arith.constant 0 : i32
        %dma_wait3A_138 = tpu.memref_slice %arg2[%dma_wait3A_136, %dma_wait3A_137] : memref<100000x128xf32, #tpu.memory_space<hbm>> -> memref<100000x128xf32, #tpu.memory_space<hbm>>
        tpu.wait_indirect_dma semaphore(%arg14 : memref<!tpu.dma_semaphore, #tpu.memory_space<semaphore_mem>>) src(%dma_wait3A_138 : memref<100000x128xf32, #tpu.memory_space<hbm>>) dst(%arg11 : memref<80x128xf32, #tpu.memory_space<vmem>>)
        %dma_start3A_139 = arith.constant 2 : i32
        %dma_start3A_140 = arith.constant 0 : i32
        %dma_start3A_141 = tpu.memref_slice %arg10[%dma_start3A_139, %dma_start3A_140] : memref<16x80xi32, #tpu.memory_space<vmem>> -> memref<1x80xi32, #tpu.memory_space<vmem>>
        %dma_start3A_142 = tpu.memref_squeeze %dma_start3A_141 : memref<1x80xi32, #tpu.memory_space<vmem>> -> memref<80xi32, #tpu.memory_space<vmem>>
        %dma_start3A_143 = arith.constant 0 : i32
        %dma_start3A_144 = arith.constant 0 : i32
        %dma_start3A_145 = tpu.memref_slice %arg13[%dma_start3A_143, %dma_start3A_144] : memref<10000x128xf32, #tpu.memory_space<vmem_shared>> -> memref<10000x128xf32, #tpu.memory_space<vmem_shared>>
        tpu.enqueue_indirect_dma source(%arg11 : memref<80x128xf32, #tpu.memory_space<vmem>>) target(%dma_start3A_145 : memref<10000x128xf32, #tpu.memory_space<vmem_shared>>) offsets(%dma_start3A_142 : memref<80xi32, #tpu.memory_space<vmem>>) semaphore(%arg16 : memref<!tpu.dma_semaphore, #tpu.memory_space<semaphore_mem>>) {add = true}
        %dma_wait3A_146 = arith.constant 2 : i32
        %dma_wait3A_147 = arith.constant 0 : i32
        %dma_wait3A_148 = tpu.memref_slice %arg10[%dma_wait3A_146, %dma_wait3A_147] : memref<16x80xi32, #tpu.memory_space<vmem>> -> memref<1x80xi32, #tpu.memory_space<vmem>>
        %dma_wait3A_149 = tpu.memref_squeeze %dma_wait3A_148 : memref<1x80xi32, #tpu.memory_space<vmem>> -> memref<80xi32, #tpu.memory_space<vmem>>
        %dma_wait3A_150 = arith.constant 0 : i32
        %dma_wait3A_151 = arith.constant 0 : i32
        %dma_wait3A_152 = tpu.memref_slice %arg13[%dma_wait3A_150, %dma_wait3A_151] : memref<10000x128xf32, #tpu.memory_space<vmem_shared>> -> memref<10000x128xf32, #tpu.memory_space<vmem_shared>>
        tpu.wait_indirect_dma semaphore(%arg16 : memref<!tpu.dma_semaphore, #tpu.memory_space<semaphore_mem>>) src(%arg11 : memref<80x128xf32, #tpu.memory_space<vmem>>) dst(%dma_wait3A_152 : memref<10000x128xf32, #tpu.memory_space<vmem_shared>>)
        %dma_start3A_153 = arith.constant 4 : i32
        %dma_start3A_154 = arith.constant 0 : i32
        %dma_start3A_155 = tpu.memref_slice %arg9[%dma_start3A_153, %dma_start3A_154] : memref<16x80xi32, #tpu.memory_space<vmem>> -> memref<1x80xi32, #tpu.memory_space<vmem>>
        %dma_start3A_156 = tpu.memref_squeeze %dma_start3A_155 : memref<1x80xi32, #tpu.memory_space<vmem>> -> memref<80xi32, #tpu.memory_space<vmem>>
        %dma_start3A_157 = arith.constant 0 : i32
        %dma_start3A_158 = arith.constant 0 : i32
        %dma_start3A_159 = tpu.memref_slice %arg2[%dma_start3A_157, %dma_start3A_158] : memref<100000x128xf32, #tpu.memory_space<hbm>> -> memref<100000x128xf32, #tpu.memory_space<hbm>>
        tpu.enqueue_indirect_dma source(%dma_start3A_159 : memref<100000x128xf32, #tpu.memory_space<hbm>>) target(%arg11 : memref<80x128xf32, #tpu.memory_space<vmem>>) offsets(%dma_start3A_156 : memref<80xi32, #tpu.memory_space<vmem>>) semaphore(%arg14 : memref<!tpu.dma_semaphore, #tpu.memory_space<semaphore_mem>>)
        %dma_wait3A_160 = arith.constant 3 : i32
        %dma_wait3A_161 = arith.constant 0 : i32
        %dma_wait3A_162 = tpu.memref_slice %arg9[%dma_wait3A_160, %dma_wait3A_161] : memref<16x80xi32, #tpu.memory_space<vmem>> -> memref<1x80xi32, #tpu.memory_space<vmem>>
        %dma_wait3A_163 = tpu.memref_squeeze %dma_wait3A_162 : memref<1x80xi32, #tpu.memory_space<vmem>> -> memref<80xi32, #tpu.memory_space<vmem>>
        %dma_wait3A_164 = arith.constant 0 : i32
        %dma_wait3A_165 = arith.constant 0 : i32
        %dma_wait3A_166 = tpu.memref_slice %arg2[%dma_wait3A_164, %dma_wait3A_165] : memref<100000x128xf32, #tpu.memory_space<hbm>> -> memref<100000x128xf32, #tpu.memory_space<hbm>>
        tpu.wait_indirect_dma semaphore(%arg15 : memref<!tpu.dma_semaphore, #tpu.memory_space<semaphore_mem>>) src(%dma_wait3A_166 : memref<100000x128xf32, #tpu.memory_space<hbm>>) dst(%arg12 : memref<80x128xf32, #tpu.memory_space<vmem>>)
        %dma_start3A_167 = arith.constant 3 : i32
        %dma_start3A_168 = arith.constant 0 : i32
        %dma_start3A_169 = tpu.memref_slice %arg10[%dma_start3A_167, %dma_start3A_168] : memref<16x80xi32, #tpu.memory_space<vmem>> -> memref<1x80xi32, #tpu.memory_space<vmem>>
        %dma_start3A_170 = tpu.memref_squeeze %dma_start3A_169 : memref<1x80xi32, #tpu.memory_space<vmem>> -> memref<80xi32, #tpu.memory_space<vmem>>
        %dma_start3A_171 = arith.constant 0 : i32
        %dma_start3A_172 = arith.constant 0 : i32
        %dma_start3A_173 = tpu.memref_slice %arg13[%dma_start3A_171, %dma_start3A_172] : memref<10000x128xf32, #tpu.memory_space<vmem_shared>> -> memref<10000x128xf32, #tpu.memory_space<vmem_shared>>
        tpu.enqueue_indirect_dma source(%arg12 : memref<80x128xf32, #tpu.memory_space<vmem>>) target(%dma_start3A_173 : memref<10000x128xf32, #tpu.memory_space<vmem_shared>>) offsets(%dma_start3A_170 : memref<80xi32, #tpu.memory_space<vmem>>) semaphore(%arg17 : memref<!tpu.dma_semaphore, #tpu.memory_space<semaphore_mem>>) {add = true}
        %dma_wait3A_174 = arith.constant 3 : i32
        %dma_wait3A_175 = arith.constant 0 : i32
        %dma_wait3A_176 = tpu.memref_slice %arg10[%dma_wait3A_174, %dma_wait3A_175] : memref<16x80xi32, #tpu.memory_space<vmem>> -> memref<1x80xi32, #tpu.memory_space<vmem>>
        %dma_wait3A_177 = tpu.memref_squeeze %dma_wait3A_176 : memref<1x80xi32, #tpu.memory_space<vmem>> -> memref<80xi32, #tpu.memory_space<vmem>>
        %dma_wait3A_178 = arith.constant 0 : i32
        %dma_wait3A_179 = arith.constant 0 : i32
        %dma_wait3A_180 = tpu.memref_slice %arg13[%dma_wait3A_178, %dma_wait3A_179] : memref<10000x128xf32, #tpu.memory_space<vmem_shared>> -> memref<10000x128xf32, #tpu.memory_space<vmem_shared>>
        tpu.wait_indirect_dma semaphore(%arg17 : memref<!tpu.dma_semaphore, #tpu.memory_space<semaphore_mem>>) src(%arg12 : memref<80x128xf32, #tpu.memory_space<vmem>>) dst(%dma_wait3A_180 : memref<10000x128xf32, #tpu.memory_space<vmem_shared>>)
        %dma_start3A_181 = arith.constant 5 : i32
        %dma_start3A_182 = arith.constant 0 : i32
        %dma_start3A_183 = tpu.memref_slice %arg9[%dma_start3A_181, %dma_start3A_182] : memref<16x80xi32, #tpu.memory_space<vmem>> -> memref<1x80xi32, #tpu.memory_space<vmem>>
        %dma_start3A_184 = tpu.memref_squeeze %dma_start3A_183 : memref<1x80xi32, #tpu.memory_space<vmem>> -> memref<80xi32, #tpu.memory_space<vmem>>
        %dma_start3A_185 = arith.constant 0 : i32
        %dma_start3A_186 = arith.constant 0 : i32
        %dma_start3A_187 = tpu.memref_slice %arg2[%dma_start3A_185, %dma_start3A_186] : memref<100000x128xf32, #tpu.memory_space<hbm>> -> memref<100000x128xf32, #tpu.memory_space<hbm>>
        tpu.enqueue_indirect_dma source(%dma_start3A_187 : memref<100000x128xf32, #tpu.memory_space<hbm>>) target(%arg12 : memref<80x128xf32, #tpu.memory_space<vmem>>) offsets(%dma_start3A_184 : memref<80xi32, #tpu.memory_space<vmem>>) semaphore(%arg15 : memref<!tpu.dma_semaphore, #tpu.memory_space<semaphore_mem>>)
        %dma_wait3A_188 = arith.constant 4 : i32
        %dma_wait3A_189 = arith.constant 0 : i32
        %dma_wait3A_190 = tpu.memref_slice %arg9[%dma_wait3A_188, %dma_wait3A_189] : memref<16x80xi32, #tpu.memory_space<vmem>> -> memref<1x80xi32, #tpu.memory_space<vmem>>
        %dma_wait3A_191 = tpu.memref_squeeze %dma_wait3A_190 : memref<1x80xi32, #tpu.memory_space<vmem>> -> memref<80xi32, #tpu.memory_space<vmem>>
        %dma_wait3A_192 = arith.constant 0 : i32
        %dma_wait3A_193 = arith.constant 0 : i32
        %dma_wait3A_194 = tpu.memref_slice %arg2[%dma_wait3A_192, %dma_wait3A_193] : memref<100000x128xf32, #tpu.memory_space<hbm>> -> memref<100000x128xf32, #tpu.memory_space<hbm>>
        tpu.wait_indirect_dma semaphore(%arg14 : memref<!tpu.dma_semaphore, #tpu.memory_space<semaphore_mem>>) src(%dma_wait3A_194 : memref<100000x128xf32, #tpu.memory_space<hbm>>) dst(%arg11 : memref<80x128xf32, #tpu.memory_space<vmem>>)
        %dma_start3A_195 = arith.constant 4 : i32
        %dma_start3A_196 = arith.constant 0 : i32
        %dma_start3A_197 = tpu.memref_slice %arg10[%dma_start3A_195, %dma_start3A_196] : memref<16x80xi32, #tpu.memory_space<vmem>> -> memref<1x80xi32, #tpu.memory_space<vmem>>
        %dma_start3A_198 = tpu.memref_squeeze %dma_start3A_197 : memref<1x80xi32, #tpu.memory_space<vmem>> -> memref<80xi32, #tpu.memory_space<vmem>>
        %dma_start3A_199 = arith.constant 0 : i32
        %dma_start3A_200 = arith.constant 0 : i32
        %dma_start3A_201 = tpu.memref_slice %arg13[%dma_start3A_199, %dma_start3A_200] : memref<10000x128xf32, #tpu.memory_space<vmem_shared>> -> memref<10000x128xf32, #tpu.memory_space<vmem_shared>>
        tpu.enqueue_indirect_dma source(%arg11 : memref<80x128xf32, #tpu.memory_space<vmem>>) target(%dma_start3A_201 : memref<10000x128xf32, #tpu.memory_space<vmem_shared>>) offsets(%dma_start3A_198 : memref<80xi32, #tpu.memory_space<vmem>>) semaphore(%arg16 : memref<!tpu.dma_semaphore, #tpu.memory_space<semaphore_mem>>) {add = true}
        %dma_wait3A_202 = arith.constant 4 : i32
        %dma_wait3A_203 = arith.constant 0 : i32
        %dma_wait3A_204 = tpu.memref_slice %arg10[%dma_wait3A_202, %dma_wait3A_203] : memref<16x80xi32, #tpu.memory_space<vmem>> -> memref<1x80xi32, #tpu.memory_space<vmem>>
        %dma_wait3A_205 = tpu.memref_squeeze %dma_wait3A_204 : memref<1x80xi32, #tpu.memory_space<vmem>> -> memref<80xi32, #tpu.memory_space<vmem>>
        %dma_wait3A_206 = arith.constant 0 : i32
        %dma_wait3A_207 = arith.constant 0 : i32
        %dma_wait3A_208 = tpu.memref_slice %arg13[%dma_wait3A_206, %dma_wait3A_207] : memref<10000x128xf32, #tpu.memory_space<vmem_shared>> -> memref<10000x128xf32, #tpu.memory_space<vmem_shared>>
        tpu.wait_indirect_dma semaphore(%arg16 : memref<!tpu.dma_semaphore, #tpu.memory_space<semaphore_mem>>) src(%arg11 : memref<80x128xf32, #tpu.memory_space<vmem>>) dst(%dma_wait3A_208 : memref<10000x128xf32, #tpu.memory_space<vmem_shared>>)
        %dma_start3A_209 = arith.constant 6 : i32
        %dma_start3A_210 = arith.constant 0 : i32
        %dma_start3A_211 = tpu.memref_slice %arg9[%dma_start3A_209, %dma_start3A_210] : memref<16x80xi32, #tpu.memory_space<vmem>> -> memref<1x80xi32, #tpu.memory_space<vmem>>
        %dma_start3A_212 = tpu.memref_squeeze %dma_start3A_211 : memref<1x80xi32, #tpu.memory_space<vmem>> -> memref<80xi32, #tpu.memory_space<vmem>>
        %dma_start3A_213 = arith.constant 0 : i32
        %dma_start3A_214 = arith.constant 0 : i32
        %dma_start3A_215 = tpu.memref_slice %arg2[%dma_start3A_213, %dma_start3A_214] : memref<100000x128xf32, #tpu.memory_space<hbm>> -> memref<100000x128xf32, #tpu.memory_space<hbm>>
        tpu.enqueue_indirect_dma source(%dma_start3A_215 : memref<100000x128xf32, #tpu.memory_space<hbm>>) target(%arg11 : memref<80x128xf32, #tpu.memory_space<vmem>>) offsets(%dma_start3A_212 : memref<80xi32, #tpu.memory_space<vmem>>) semaphore(%arg14 : memref<!tpu.dma_semaphore, #tpu.memory_space<semaphore_mem>>)
        %dma_wait3A_216 = arith.constant 5 : i32
        %dma_wait3A_217 = arith.constant 0 : i32
        %dma_wait3A_218 = tpu.memref_slice %arg9[%dma_wait3A_216, %dma_wait3A_217] : memref<16x80xi32, #tpu.memory_space<vmem>> -> memref<1x80xi32, #tpu.memory_space<vmem>>
        %dma_wait3A_219 = tpu.memref_squeeze %dma_wait3A_218 : memref<1x80xi32, #tpu.memory_space<vmem>> -> memref<80xi32, #tpu.memory_space<vmem>>
        %dma_wait3A_220 = arith.constant 0 : i32
        %dma_wait3A_221 = arith.constant 0 : i32
        %dma_wait3A_222 = tpu.memref_slice %arg2[%dma_wait3A_220, %dma_wait3A_221] : memref<100000x128xf32, #tpu.memory_space<hbm>> -> memref<100000x128xf32, #tpu.memory_space<hbm>>
        tpu.wait_indirect_dma semaphore(%arg15 : memref<!tpu.dma_semaphore, #tpu.memory_space<semaphore_mem>>) src(%dma_wait3A_222 : memref<100000x128xf32, #tpu.memory_space<hbm>>) dst(%arg12 : memref<80x128xf32, #tpu.memory_space<vmem>>)
        %dma_start3A_223 = arith.constant 5 : i32
        %dma_start3A_224 = arith.constant 0 : i32
        %dma_start3A_225 = tpu.memref_slice %arg10[%dma_start3A_223, %dma_start3A_224] : memref<16x80xi32, #tpu.memory_space<vmem>> -> memref<1x80xi32, #tpu.memory_space<vmem>>
        %dma_start3A_226 = tpu.memref_squeeze %dma_start3A_225 : memref<1x80xi32, #tpu.memory_space<vmem>> -> memref<80xi32, #tpu.memory_space<vmem>>
        %dma_start3A_227 = arith.constant 0 : i32
        %dma_start3A_228 = arith.constant 0 : i32
        %dma_start3A_229 = tpu.memref_slice %arg13[%dma_start3A_227, %dma_start3A_228] : memref<10000x128xf32, #tpu.memory_space<vmem_shared>> -> memref<10000x128xf32, #tpu.memory_space<vmem_shared>>
        tpu.enqueue_indirect_dma source(%arg12 : memref<80x128xf32, #tpu.memory_space<vmem>>) target(%dma_start3A_229 : memref<10000x128xf32, #tpu.memory_space<vmem_shared>>) offsets(%dma_start3A_226 : memref<80xi32, #tpu.memory_space<vmem>>) semaphore(%arg17 : memref<!tpu.dma_semaphore, #tpu.memory_space<semaphore_mem>>) {add = true}
        %dma_wait3A_230 = arith.constant 5 : i32
        %dma_wait3A_231 = arith.constant 0 : i32
        %dma_wait3A_232 = tpu.memref_slice %arg10[%dma_wait3A_230, %dma_wait3A_231] : memref<16x80xi32, #tpu.memory_space<vmem>> -> memref<1x80xi32, #tpu.memory_space<vmem>>
        %dma_wait3A_233 = tpu.memref_squeeze %dma_wait3A_232 : memref<1x80xi32, #tpu.memory_space<vmem>> -> memref<80xi32, #tpu.memory_space<vmem>>
        %dma_wait3A_234 = arith.constant 0 : i32
        %dma_wait3A_235 = arith.constant 0 : i32
        %dma_wait3A_236 = tpu.memref_slice %arg13[%dma_wait3A_234, %dma_wait3A_235] : memref<10000x128xf32, #tpu.memory_space<vmem_shared>> -> memref<10000x128xf32, #tpu.memory_space<vmem_shared>>
        tpu.wait_indirect_dma semaphore(%arg17 : memref<!tpu.dma_semaphore, #tpu.memory_space<semaphore_mem>>) src(%arg12 : memref<80x128xf32, #tpu.memory_space<vmem>>) dst(%dma_wait3A_236 : memref<10000x128xf32, #tpu.memory_space<vmem_shared>>)
        %dma_start3A_237 = arith.constant 7 : i32
        %dma_start3A_238 = arith.constant 0 : i32
        %dma_start3A_239 = tpu.memref_slice %arg9[%dma_start3A_237, %dma_start3A_238] : memref<16x80xi32, #tpu.memory_space<vmem>> -> memref<1x80xi32, #tpu.memory_space<vmem>>
        %dma_start3A_240 = tpu.memref_squeeze %dma_start3A_239 : memref<1x80xi32, #tpu.memory_space<vmem>> -> memref<80xi32, #tpu.memory_space<vmem>>
        %dma_start3A_241 = arith.constant 0 : i32
        %dma_start3A_242 = arith.constant 0 : i32
        %dma_start3A_243 = tpu.memref_slice %arg2[%dma_start3A_241, %dma_start3A_242] : memref<100000x128xf32, #tpu.memory_space<hbm>> -> memref<100000x128xf32, #tpu.memory_space<hbm>>
        tpu.enqueue_indirect_dma source(%dma_start3A_243 : memref<100000x128xf32, #tpu.memory_space<hbm>>) target(%arg12 : memref<80x128xf32, #tpu.memory_space<vmem>>) offsets(%dma_start3A_240 : memref<80xi32, #tpu.memory_space<vmem>>) semaphore(%arg15 : memref<!tpu.dma_semaphore, #tpu.memory_space<semaphore_mem>>)
        %dma_wait3A_244 = arith.constant 6 : i32
        %dma_wait3A_245 = arith.constant 0 : i32
        %dma_wait3A_246 = tpu.memref_slice %arg9[%dma_wait3A_244, %dma_wait3A_245] : memref<16x80xi32, #tpu.memory_space<vmem>> -> memref<1x80xi32, #tpu.memory_space<vmem>>
        %dma_wait3A_247 = tpu.memref_squeeze %dma_wait3A_246 : memref<1x80xi32, #tpu.memory_space<vmem>> -> memref<80xi32, #tpu.memory_space<vmem>>
        %dma_wait3A_248 = arith.constant 0 : i32
        %dma_wait3A_249 = arith.constant 0 : i32
        %dma_wait3A_250 = tpu.memref_slice %arg2[%dma_wait3A_248, %dma_wait3A_249] : memref<100000x128xf32, #tpu.memory_space<hbm>> -> memref<100000x128xf32, #tpu.memory_space<hbm>>
        tpu.wait_indirect_dma semaphore(%arg14 : memref<!tpu.dma_semaphore, #tpu.memory_space<semaphore_mem>>) src(%dma_wait3A_250 : memref<100000x128xf32, #tpu.memory_space<hbm>>) dst(%arg11 : memref<80x128xf32, #tpu.memory_space<vmem>>)
        %dma_start3A_251 = arith.constant 6 : i32
        %dma_start3A_252 = arith.constant 0 : i32
        %dma_start3A_253 = tpu.memref_slice %arg10[%dma_start3A_251, %dma_start3A_252] : memref<16x80xi32, #tpu.memory_space<vmem>> -> memref<1x80xi32, #tpu.memory_space<vmem>>
        %dma_start3A_254 = tpu.memref_squeeze %dma_start3A_253 : memref<1x80xi32, #tpu.memory_space<vmem>> -> memref<80xi32, #tpu.memory_space<vmem>>
        %dma_start3A_255 = arith.constant 0 : i32
        %dma_start3A_256 = arith.constant 0 : i32
        %dma_start3A_257 = tpu.memref_slice %arg13[%dma_start3A_255, %dma_start3A_256] : memref<10000x128xf32, #tpu.memory_space<vmem_shared>> -> memref<10000x128xf32, #tpu.memory_space<vmem_shared>>
        tpu.enqueue_indirect_dma source(%arg11 : memref<80x128xf32, #tpu.memory_space<vmem>>) target(%dma_start3A_257 : memref<10000x128xf32, #tpu.memory_space<vmem_shared>>) offsets(%dma_start3A_254 : memref<80xi32, #tpu.memory_space<vmem>>) semaphore(%arg16 : memref<!tpu.dma_semaphore, #tpu.memory_space<semaphore_mem>>) {add = true}
        %dma_wait3A_258 = arith.constant 6 : i32
        %dma_wait3A_259 = arith.constant 0 : i32
        %dma_wait3A_260 = tpu.memref_slice %arg10[%dma_wait3A_258, %dma_wait3A_259] : memref<16x80xi32, #tpu.memory_space<vmem>> -> memref<1x80xi32, #tpu.memory_space<vmem>>
        %dma_wait3A_261 = tpu.memref_squeeze %dma_wait3A_260 : memref<1x80xi32, #tpu.memory_space<vmem>> -> memref<80xi32, #tpu.memory_space<vmem>>
        %dma_wait3A_262 = arith.constant 0 : i32
        %dma_wait3A_263 = arith.constant 0 : i32
        %dma_wait3A_264 = tpu.memref_slice %arg13[%dma_wait3A_262, %dma_wait3A_263] : memref<10000x128xf32, #tpu.memory_space<vmem_shared>> -> memref<10000x128xf32, #tpu.memory_space<vmem_shared>>
        tpu.wait_indirect_dma semaphore(%arg16 : memref<!tpu.dma_semaphore, #tpu.memory_space<semaphore_mem>>) src(%arg11 : memref<80x128xf32, #tpu.memory_space<vmem>>) dst(%dma_wait3A_264 : memref<10000x128xf32, #tpu.memory_space<vmem_shared>>)
        %dma_start3A_265 = arith.constant 8 : i32
        %dma_start3A_266 = arith.constant 0 : i32
        %dma_start3A_267 = tpu.memref_slice %arg9[%dma_start3A_265, %dma_start3A_266] : memref<16x80xi32, #tpu.memory_space<vmem>> -> memref<1x80xi32, #tpu.memory_space<vmem>>
        %dma_start3A_268 = tpu.memref_squeeze %dma_start3A_267 : memref<1x80xi32, #tpu.memory_space<vmem>> -> memref<80xi32, #tpu.memory_space<vmem>>
        %dma_start3A_269 = arith.constant 0 : i32
        %dma_start3A_270 = arith.constant 0 : i32
        %dma_start3A_271 = tpu.memref_slice %arg2[%dma_start3A_269, %dma_start3A_270] : memref<100000x128xf32, #tpu.memory_space<hbm>> -> memref<100000x128xf32, #tpu.memory_space<hbm>>
        tpu.enqueue_indirect_dma source(%dma_start3A_271 : memref<100000x128xf32, #tpu.memory_space<hbm>>) target(%arg11 : memref<80x128xf32, #tpu.memory_space<vmem>>) offsets(%dma_start3A_268 : memref<80xi32, #tpu.memory_space<vmem>>) semaphore(%arg14 : memref<!tpu.dma_semaphore, #tpu.memory_space<semaphore_mem>>)
        %dma_wait3A_272 = arith.constant 7 : i32
        %dma_wait3A_273 = arith.constant 0 : i32
        %dma_wait3A_274 = tpu.memref_slice %arg9[%dma_wait3A_272, %dma_wait3A_273] : memref<16x80xi32, #tpu.memory_space<vmem>> -> memref<1x80xi32, #tpu.memory_space<vmem>>
        %dma_wait3A_275 = tpu.memref_squeeze %dma_wait3A_274 : memref<1x80xi32, #tpu.memory_space<vmem>> -> memref<80xi32, #tpu.memory_space<vmem>>
        %dma_wait3A_276 = arith.constant 0 : i32
        %dma_wait3A_277 = arith.constant 0 : i32
        %dma_wait3A_278 = tpu.memref_slice %arg2[%dma_wait3A_276, %dma_wait3A_277] : memref<100000x128xf32, #tpu.memory_space<hbm>> -> memref<100000x128xf32, #tpu.memory_space<hbm>>
        tpu.wait_indirect_dma semaphore(%arg15 : memref<!tpu.dma_semaphore, #tpu.memory_space<semaphore_mem>>) src(%dma_wait3A_278 : memref<100000x128xf32, #tpu.memory_space<hbm>>) dst(%arg12 : memref<80x128xf32, #tpu.memory_space<vmem>>)
        %dma_start3A_279 = arith.constant 7 : i32
        %dma_start3A_280 = arith.constant 0 : i32
        %dma_start3A_281 = tpu.memref_slice %arg10[%dma_start3A_279, %dma_start3A_280] : memref<16x80xi32, #tpu.memory_space<vmem>> -> memref<1x80xi32, #tpu.memory_space<vmem>>
        %dma_start3A_282 = tpu.memref_squeeze %dma_start3A_281 : memref<1x80xi32, #tpu.memory_space<vmem>> -> memref<80xi32, #tpu.memory_space<vmem>>
        %dma_start3A_283 = arith.constant 0 : i32
        %dma_start3A_284 = arith.constant 0 : i32
        %dma_start3A_285 = tpu.memref_slice %arg13[%dma_start3A_283, %dma_start3A_284] : memref<10000x128xf32, #tpu.memory_space<vmem_shared>> -> memref<10000x128xf32, #tpu.memory_space<vmem_shared>>
        tpu.enqueue_indirect_dma source(%arg12 : memref<80x128xf32, #tpu.memory_space<vmem>>) target(%dma_start3A_285 : memref<10000x128xf32, #tpu.memory_space<vmem_shared>>) offsets(%dma_start3A_282 : memref<80xi32, #tpu.memory_space<vmem>>) semaphore(%arg17 : memref<!tpu.dma_semaphore, #tpu.memory_space<semaphore_mem>>) {add = true}
        %dma_wait3A_286 = arith.constant 7 : i32
        %dma_wait3A_287 = arith.constant 0 : i32
        %dma_wait3A_288 = tpu.memref_slice %arg10[%dma_wait3A_286, %dma_wait3A_287] : memref<16x80xi32, #tpu.memory_space<vmem>> -> memref<1x80xi32, #tpu.memory_space<vmem>>
        %dma_wait3A_289 = tpu.memref_squeeze %dma_wait3A_288 : memref<1x80xi32, #tpu.memory_space<vmem>> -> memref<80xi32, #tpu.memory_space<vmem>>
        %dma_wait3A_290 = arith.constant 0 : i32
        %dma_wait3A_291 = arith.constant 0 : i32
        %dma_wait3A_292 = tpu.memref_slice %arg13[%dma_wait3A_290, %dma_wait3A_291] : memref<10000x128xf32, #tpu.memory_space<vmem_shared>> -> memref<10000x128xf32, #tpu.memory_space<vmem_shared>>
        tpu.wait_indirect_dma semaphore(%arg17 : memref<!tpu.dma_semaphore, #tpu.memory_space<semaphore_mem>>) src(%arg12 : memref<80x128xf32, #tpu.memory_space<vmem>>) dst(%dma_wait3A_292 : memref<10000x128xf32, #tpu.memory_space<vmem_shared>>)
        %dma_start3A_293 = arith.constant 9 : i32
        %dma_start3A_294 = arith.constant 0 : i32
        %dma_start3A_295 = tpu.memref_slice %arg9[%dma_start3A_293, %dma_start3A_294] : memref<16x80xi32, #tpu.memory_space<vmem>> -> memref<1x80xi32, #tpu.memory_space<vmem>>
        %dma_start3A_296 = tpu.memref_squeeze %dma_start3A_295 : memref<1x80xi32, #tpu.memory_space<vmem>> -> memref<80xi32, #tpu.memory_space<vmem>>
        %dma_start3A_297 = arith.constant 0 : i32
        %dma_start3A_298 = arith.constant 0 : i32
        %dma_start3A_299 = tpu.memref_slice %arg2[%dma_start3A_297, %dma_start3A_298] : memref<100000x128xf32, #tpu.memory_space<hbm>> -> memref<100000x128xf32, #tpu.memory_space<hbm>>
        tpu.enqueue_indirect_dma source(%dma_start3A_299 : memref<100000x128xf32, #tpu.memory_space<hbm>>) target(%arg12 : memref<80x128xf32, #tpu.memory_space<vmem>>) offsets(%dma_start3A_296 : memref<80xi32, #tpu.memory_space<vmem>>) semaphore(%arg15 : memref<!tpu.dma_semaphore, #tpu.memory_space<semaphore_mem>>)
        %dma_wait3A_300 = arith.constant 8 : i32
        %dma_wait3A_301 = arith.constant 0 : i32
        %dma_wait3A_302 = tpu.memref_slice %arg9[%dma_wait3A_300, %dma_wait3A_301] : memref<16x80xi32, #tpu.memory_space<vmem>> -> memref<1x80xi32, #tpu.memory_space<vmem>>
        %dma_wait3A_303 = tpu.memref_squeeze %dma_wait3A_302 : memref<1x80xi32, #tpu.memory_space<vmem>> -> memref<80xi32, #tpu.memory_space<vmem>>
        %dma_wait3A_304 = arith.constant 0 : i32
        %dma_wait3A_305 = arith.constant 0 : i32
        %dma_wait3A_306 = tpu.memref_slice %arg2[%dma_wait3A_304, %dma_wait3A_305] : memref<100000x128xf32, #tpu.memory_space<hbm>> -> memref<100000x128xf32, #tpu.memory_space<hbm>>
        tpu.wait_indirect_dma semaphore(%arg14 : memref<!tpu.dma_semaphore, #tpu.memory_space<semaphore_mem>>) src(%dma_wait3A_306 : memref<100000x128xf32, #tpu.memory_space<hbm>>) dst(%arg11 : memref<80x128xf32, #tpu.memory_space<vmem>>)
        %dma_start3A_307 = arith.constant 8 : i32
        %dma_start3A_308 = arith.constant 0 : i32
        %dma_start3A_309 = tpu.memref_slice %arg10[%dma_start3A_307, %dma_start3A_308] : memref<16x80xi32, #tpu.memory_space<vmem>> -> memref<1x80xi32, #tpu.memory_space<vmem>>
        %dma_start3A_310 = tpu.memref_squeeze %dma_start3A_309 : memref<1x80xi32, #tpu.memory_space<vmem>> -> memref<80xi32, #tpu.memory_space<vmem>>
        %dma_start3A_311 = arith.constant 0 : i32
        %dma_start3A_312 = arith.constant 0 : i32
        %dma_start3A_313 = tpu.memref_slice %arg13[%dma_start3A_311, %dma_start3A_312] : memref<10000x128xf32, #tpu.memory_space<vmem_shared>> -> memref<10000x128xf32, #tpu.memory_space<vmem_shared>>
        tpu.enqueue_indirect_dma source(%arg11 : memref<80x128xf32, #tpu.memory_space<vmem>>) target(%dma_start3A_313 : memref<10000x128xf32, #tpu.memory_space<vmem_shared>>) offsets(%dma_start3A_310 : memref<80xi32, #tpu.memory_space<vmem>>) semaphore(%arg16 : memref<!tpu.dma_semaphore, #tpu.memory_space<semaphore_mem>>) {add = true}
        %dma_wait3A_314 = arith.constant 8 : i32
        %dma_wait3A_315 = arith.constant 0 : i32
        %dma_wait3A_316 = tpu.memref_slice %arg10[%dma_wait3A_314, %dma_wait3A_315] : memref<16x80xi32, #tpu.memory_space<vmem>> -> memref<1x80xi32, #tpu.memory_space<vmem>>
        %dma_wait3A_317 = tpu.memref_squeeze %dma_wait3A_316 : memref<1x80xi32, #tpu.memory_space<vmem>> -> memref<80xi32, #tpu.memory_space<vmem>>
        %dma_wait3A_318 = arith.constant 0 : i32
        %dma_wait3A_319 = arith.constant 0 : i32
        %dma_wait3A_320 = tpu.memref_slice %arg13[%dma_wait3A_318, %dma_wait3A_319] : memref<10000x128xf32, #tpu.memory_space<vmem_shared>> -> memref<10000x128xf32, #tpu.memory_space<vmem_shared>>
        tpu.wait_indirect_dma semaphore(%arg16 : memref<!tpu.dma_semaphore, #tpu.memory_space<semaphore_mem>>) src(%arg11 : memref<80x128xf32, #tpu.memory_space<vmem>>) dst(%dma_wait3A_320 : memref<10000x128xf32, #tpu.memory_space<vmem_shared>>)
        %dma_start3A_321 = arith.constant 10 : i32
        %dma_start3A_322 = arith.constant 0 : i32
        %dma_start3A_323 = tpu.memref_slice %arg9[%dma_start3A_321, %dma_start3A_322] : memref<16x80xi32, #tpu.memory_space<vmem>> -> memref<1x80xi32, #tpu.memory_space<vmem>>
        %dma_start3A_324 = tpu.memref_squeeze %dma_start3A_323 : memref<1x80xi32, #tpu.memory_space<vmem>> -> memref<80xi32, #tpu.memory_space<vmem>>
        %dma_start3A_325 = arith.constant 0 : i32
        %dma_start3A_326 = arith.constant 0 : i32
        %dma_start3A_327 = tpu.memref_slice %arg2[%dma_start3A_325, %dma_start3A_326] : memref<100000x128xf32, #tpu.memory_space<hbm>> -> memref<100000x128xf32, #tpu.memory_space<hbm>>
        tpu.enqueue_indirect_dma source(%dma_start3A_327 : memref<100000x128xf32, #tpu.memory_space<hbm>>) target(%arg11 : memref<80x128xf32, #tpu.memory_space<vmem>>) offsets(%dma_start3A_324 : memref<80xi32, #tpu.memory_space<vmem>>) semaphore(%arg14 : memref<!tpu.dma_semaphore, #tpu.memory_space<semaphore_mem>>)
        %dma_wait3A_328 = arith.constant 9 : i32
        %dma_wait3A_329 = arith.constant 0 : i32
        %dma_wait3A_330 = tpu.memref_slice %arg9[%dma_wait3A_328, %dma_wait3A_329] : memref<16x80xi32, #tpu.memory_space<vmem>> -> memref<1x80xi32, #tpu.memory_space<vmem>>
        %dma_wait3A_331 = tpu.memref_squeeze %dma_wait3A_330 : memref<1x80xi32, #tpu.memory_space<vmem>> -> memref<80xi32, #tpu.memory_space<vmem>>
        %dma_wait3A_332 = arith.constant 0 : i32
        %dma_wait3A_333 = arith.constant 0 : i32
        %dma_wait3A_334 = tpu.memref_slice %arg2[%dma_wait3A_332, %dma_wait3A_333] : memref<100000x128xf32, #tpu.memory_space<hbm>> -> memref<100000x128xf32, #tpu.memory_space<hbm>>
        tpu.wait_indirect_dma semaphore(%arg15 : memref<!tpu.dma_semaphore, #tpu.memory_space<semaphore_mem>>) src(%dma_wait3A_334 : memref<100000x128xf32, #tpu.memory_space<hbm>>) dst(%arg12 : memref<80x128xf32, #tpu.memory_space<vmem>>)
        %dma_start3A_335 = arith.constant 9 : i32
        %dma_start3A_336 = arith.constant 0 : i32
        %dma_start3A_337 = tpu.memref_slice %arg10[%dma_start3A_335, %dma_start3A_336] : memref<16x80xi32, #tpu.memory_space<vmem>> -> memref<1x80xi32, #tpu.memory_space<vmem>>
        %dma_start3A_338 = tpu.memref_squeeze %dma_start3A_337 : memref<1x80xi32, #tpu.memory_space<vmem>> -> memref<80xi32, #tpu.memory_space<vmem>>
        %dma_start3A_339 = arith.constant 0 : i32
        %dma_start3A_340 = arith.constant 0 : i32
        %dma_start3A_341 = tpu.memref_slice %arg13[%dma_start3A_339, %dma_start3A_340] : memref<10000x128xf32, #tpu.memory_space<vmem_shared>> -> memref<10000x128xf32, #tpu.memory_space<vmem_shared>>
        tpu.enqueue_indirect_dma source(%arg12 : memref<80x128xf32, #tpu.memory_space<vmem>>) target(%dma_start3A_341 : memref<10000x128xf32, #tpu.memory_space<vmem_shared>>) offsets(%dma_start3A_338 : memref<80xi32, #tpu.memory_space<vmem>>) semaphore(%arg17 : memref<!tpu.dma_semaphore, #tpu.memory_space<semaphore_mem>>) {add = true}
        %dma_wait3A_342 = arith.constant 9 : i32
        %dma_wait3A_343 = arith.constant 0 : i32
        %dma_wait3A_344 = tpu.memref_slice %arg10[%dma_wait3A_342, %dma_wait3A_343] : memref<16x80xi32, #tpu.memory_space<vmem>> -> memref<1x80xi32, #tpu.memory_space<vmem>>
        %dma_wait3A_345 = tpu.memref_squeeze %dma_wait3A_344 : memref<1x80xi32, #tpu.memory_space<vmem>> -> memref<80xi32, #tpu.memory_space<vmem>>
        %dma_wait3A_346 = arith.constant 0 : i32
        %dma_wait3A_347 = arith.constant 0 : i32
        %dma_wait3A_348 = tpu.memref_slice %arg13[%dma_wait3A_346, %dma_wait3A_347] : memref<10000x128xf32, #tpu.memory_space<vmem_shared>> -> memref<10000x128xf32, #tpu.memory_space<vmem_shared>>
        tpu.wait_indirect_dma semaphore(%arg17 : memref<!tpu.dma_semaphore, #tpu.memory_space<semaphore_mem>>) src(%arg12 : memref<80x128xf32, #tpu.memory_space<vmem>>) dst(%dma_wait3A_348 : memref<10000x128xf32, #tpu.memory_space<vmem_shared>>)
        %dma_start3A_349 = arith.constant 11 : i32
        %dma_start3A_350 = arith.constant 0 : i32
        %dma_start3A_351 = tpu.memref_slice %arg9[%dma_start3A_349, %dma_start3A_350] : memref<16x80xi32, #tpu.memory_space<vmem>> -> memref<1x80xi32, #tpu.memory_space<vmem>>
        %dma_start3A_352 = tpu.memref_squeeze %dma_start3A_351 : memref<1x80xi32, #tpu.memory_space<vmem>> -> memref<80xi32, #tpu.memory_space<vmem>>
        %dma_start3A_353 = arith.constant 0 : i32
        %dma_start3A_354 = arith.constant 0 : i32
        %dma_start3A_355 = tpu.memref_slice %arg2[%dma_start3A_353, %dma_start3A_354] : memref<100000x128xf32, #tpu.memory_space<hbm>> -> memref<100000x128xf32, #tpu.memory_space<hbm>>
        tpu.enqueue_indirect_dma source(%dma_start3A_355 : memref<100000x128xf32, #tpu.memory_space<hbm>>) target(%arg12 : memref<80x128xf32, #tpu.memory_space<vmem>>) offsets(%dma_start3A_352 : memref<80xi32, #tpu.memory_space<vmem>>) semaphore(%arg15 : memref<!tpu.dma_semaphore, #tpu.memory_space<semaphore_mem>>)
        %dma_wait3A_356 = arith.constant 10 : i32
        %dma_wait3A_357 = arith.constant 0 : i32
        %dma_wait3A_358 = tpu.memref_slice %arg9[%dma_wait3A_356, %dma_wait3A_357] : memref<16x80xi32, #tpu.memory_space<vmem>> -> memref<1x80xi32, #tpu.memory_space<vmem>>
        %dma_wait3A_359 = tpu.memref_squeeze %dma_wait3A_358 : memref<1x80xi32, #tpu.memory_space<vmem>> -> memref<80xi32, #tpu.memory_space<vmem>>
        %dma_wait3A_360 = arith.constant 0 : i32
        %dma_wait3A_361 = arith.constant 0 : i32
        %dma_wait3A_362 = tpu.memref_slice %arg2[%dma_wait3A_360, %dma_wait3A_361] : memref<100000x128xf32, #tpu.memory_space<hbm>> -> memref<100000x128xf32, #tpu.memory_space<hbm>>
        tpu.wait_indirect_dma semaphore(%arg14 : memref<!tpu.dma_semaphore, #tpu.memory_space<semaphore_mem>>) src(%dma_wait3A_362 : memref<100000x128xf32, #tpu.memory_space<hbm>>) dst(%arg11 : memref<80x128xf32, #tpu.memory_space<vmem>>)
        %dma_start3A_363 = arith.constant 10 : i32
        %dma_start3A_364 = arith.constant 0 : i32
        %dma_start3A_365 = tpu.memref_slice %arg10[%dma_start3A_363, %dma_start3A_364] : memref<16x80xi32, #tpu.memory_space<vmem>> -> memref<1x80xi32, #tpu.memory_space<vmem>>
        %dma_start3A_366 = tpu.memref_squeeze %dma_start3A_365 : memref<1x80xi32, #tpu.memory_space<vmem>> -> memref<80xi32, #tpu.memory_space<vmem>>
        %dma_start3A_367 = arith.constant 0 : i32
        %dma_start3A_368 = arith.constant 0 : i32
        %dma_start3A_369 = tpu.memref_slice %arg13[%dma_start3A_367, %dma_start3A_368] : memref<10000x128xf32, #tpu.memory_space<vmem_shared>> -> memref<10000x128xf32, #tpu.memory_space<vmem_shared>>
        tpu.enqueue_indirect_dma source(%arg11 : memref<80x128xf32, #tpu.memory_space<vmem>>) target(%dma_start3A_369 : memref<10000x128xf32, #tpu.memory_space<vmem_shared>>) offsets(%dma_start3A_366 : memref<80xi32, #tpu.memory_space<vmem>>) semaphore(%arg16 : memref<!tpu.dma_semaphore, #tpu.memory_space<semaphore_mem>>) {add = true}
        %dma_wait3A_370 = arith.constant 10 : i32
        %dma_wait3A_371 = arith.constant 0 : i32
        %dma_wait3A_372 = tpu.memref_slice %arg10[%dma_wait3A_370, %dma_wait3A_371] : memref<16x80xi32, #tpu.memory_space<vmem>> -> memref<1x80xi32, #tpu.memory_space<vmem>>
        %dma_wait3A_373 = tpu.memref_squeeze %dma_wait3A_372 : memref<1x80xi32, #tpu.memory_space<vmem>> -> memref<80xi32, #tpu.memory_space<vmem>>
        %dma_wait3A_374 = arith.constant 0 : i32
        %dma_wait3A_375 = arith.constant 0 : i32
        %dma_wait3A_376 = tpu.memref_slice %arg13[%dma_wait3A_374, %dma_wait3A_375] : memref<10000x128xf32, #tpu.memory_space<vmem_shared>> -> memref<10000x128xf32, #tpu.memory_space<vmem_shared>>
        tpu.wait_indirect_dma semaphore(%arg16 : memref<!tpu.dma_semaphore, #tpu.memory_space<semaphore_mem>>) src(%arg11 : memref<80x128xf32, #tpu.memory_space<vmem>>) dst(%dma_wait3A_376 : memref<10000x128xf32, #tpu.memory_space<vmem_shared>>)
        %dma_start3A_377 = arith.constant 12 : i32
        %dma_start3A_378 = arith.constant 0 : i32
        %dma_start3A_379 = tpu.memref_slice %arg9[%dma_start3A_377, %dma_start3A_378] : memref<16x80xi32, #tpu.memory_space<vmem>> -> memref<1x80xi32, #tpu.memory_space<vmem>>
        %dma_start3A_380 = tpu.memref_squeeze %dma_start3A_379 : memref<1x80xi32, #tpu.memory_space<vmem>> -> memref<80xi32, #tpu.memory_space<vmem>>
        %dma_start3A_381 = arith.constant 0 : i32
        %dma_start3A_382 = arith.constant 0 : i32
        %dma_start3A_383 = tpu.memref_slice %arg2[%dma_start3A_381, %dma_start3A_382] : memref<100000x128xf32, #tpu.memory_space<hbm>> -> memref<100000x128xf32, #tpu.memory_space<hbm>>
        tpu.enqueue_indirect_dma source(%dma_start3A_383 : memref<100000x128xf32, #tpu.memory_space<hbm>>) target(%arg11 : memref<80x128xf32, #tpu.memory_space<vmem>>) offsets(%dma_start3A_380 : memref<80xi32, #tpu.memory_space<vmem>>) semaphore(%arg14 : memref<!tpu.dma_semaphore, #tpu.memory_space<semaphore_mem>>)
        %dma_wait3A_384 = arith.constant 11 : i32
        %dma_wait3A_385 = arith.constant 0 : i32
        %dma_wait3A_386 = tpu.memref_slice %arg9[%dma_wait3A_384, %dma_wait3A_385] : memref<16x80xi32, #tpu.memory_space<vmem>> -> memref<1x80xi32, #tpu.memory_space<vmem>>
        %dma_wait3A_387 = tpu.memref_squeeze %dma_wait3A_386 : memref<1x80xi32, #tpu.memory_space<vmem>> -> memref<80xi32, #tpu.memory_space<vmem>>
        %dma_wait3A_388 = arith.constant 0 : i32
        %dma_wait3A_389 = arith.constant 0 : i32
        %dma_wait3A_390 = tpu.memref_slice %arg2[%dma_wait3A_388, %dma_wait3A_389] : memref<100000x128xf32, #tpu.memory_space<hbm>> -> memref<100000x128xf32, #tpu.memory_space<hbm>>
        tpu.wait_indirect_dma semaphore(%arg15 : memref<!tpu.dma_semaphore, #tpu.memory_space<semaphore_mem>>) src(%dma_wait3A_390 : memref<100000x128xf32, #tpu.memory_space<hbm>>) dst(%arg12 : memref<80x128xf32, #tpu.memory_space<vmem>>)
        %dma_start3A_391 = arith.constant 11 : i32
        %dma_start3A_392 = arith.constant 0 : i32
        %dma_start3A_393 = tpu.memref_slice %arg10[%dma_start3A_391, %dma_start3A_392] : memref<16x80xi32, #tpu.memory_space<vmem>> -> memref<1x80xi32, #tpu.memory_space<vmem>>
        %dma_start3A_394 = tpu.memref_squeeze %dma_start3A_393 : memref<1x80xi32, #tpu.memory_space<vmem>> -> memref<80xi32, #tpu.memory_space<vmem>>
        %dma_start3A_395 = arith.constant 0 : i32
        %dma_start3A_396 = arith.constant 0 : i32
        %dma_start3A_397 = tpu.memref_slice %arg13[%dma_start3A_395, %dma_start3A_396] : memref<10000x128xf32, #tpu.memory_space<vmem_shared>> -> memref<10000x128xf32, #tpu.memory_space<vmem_shared>>
        tpu.enqueue_indirect_dma source(%arg12 : memref<80x128xf32, #tpu.memory_space<vmem>>) target(%dma_start3A_397 : memref<10000x128xf32, #tpu.memory_space<vmem_shared>>) offsets(%dma_start3A_394 : memref<80xi32, #tpu.memory_space<vmem>>) semaphore(%arg17 : memref<!tpu.dma_semaphore, #tpu.memory_space<semaphore_mem>>) {add = true}
        %dma_wait3A_398 = arith.constant 11 : i32
        %dma_wait3A_399 = arith.constant 0 : i32
        %dma_wait3A_400 = tpu.memref_slice %arg10[%dma_wait3A_398, %dma_wait3A_399] : memref<16x80xi32, #tpu.memory_space<vmem>> -> memref<1x80xi32, #tpu.memory_space<vmem>>
        %dma_wait3A_401 = tpu.memref_squeeze %dma_wait3A_400 : memref<1x80xi32, #tpu.memory_space<vmem>> -> memref<80xi32, #tpu.memory_space<vmem>>
        %dma_wait3A_402 = arith.constant 0 : i32
        %dma_wait3A_403 = arith.constant 0 : i32
        %dma_wait3A_404 = tpu.memref_slice %arg13[%dma_wait3A_402, %dma_wait3A_403] : memref<10000x128xf32, #tpu.memory_space<vmem_shared>> -> memref<10000x128xf32, #tpu.memory_space<vmem_shared>>
        tpu.wait_indirect_dma semaphore(%arg17 : memref<!tpu.dma_semaphore, #tpu.memory_space<semaphore_mem>>) src(%arg12 : memref<80x128xf32, #tpu.memory_space<vmem>>) dst(%dma_wait3A_404 : memref<10000x128xf32, #tpu.memory_space<vmem_shared>>)
        %dma_start3A_405 = arith.constant 13 : i32
        %dma_start3A_406 = arith.constant 0 : i32
        %dma_start3A_407 = tpu.memref_slice %arg9[%dma_start3A_405, %dma_start3A_406] : memref<16x80xi32, #tpu.memory_space<vmem>> -> memref<1x80xi32, #tpu.memory_space<vmem>>
        %dma_start3A_408 = tpu.memref_squeeze %dma_start3A_407 : memref<1x80xi32, #tpu.memory_space<vmem>> -> memref<80xi32, #tpu.memory_space<vmem>>
        %dma_start3A_409 = arith.constant 0 : i32
        %dma_start3A_410 = arith.constant 0 : i32
        %dma_start3A_411 = tpu.memref_slice %arg2[%dma_start3A_409, %dma_start3A_410] : memref<100000x128xf32, #tpu.memory_space<hbm>> -> memref<100000x128xf32, #tpu.memory_space<hbm>>
        tpu.enqueue_indirect_dma source(%dma_start3A_411 : memref<100000x128xf32, #tpu.memory_space<hbm>>) target(%arg12 : memref<80x128xf32, #tpu.memory_space<vmem>>) offsets(%dma_start3A_408 : memref<80xi32, #tpu.memory_space<vmem>>) semaphore(%arg15 : memref<!tpu.dma_semaphore, #tpu.memory_space<semaphore_mem>>)
        %dma_wait3A_412 = arith.constant 12 : i32
        %dma_wait3A_413 = arith.constant 0 : i32
        %dma_wait3A_414 = tpu.memref_slice %arg9[%dma_wait3A_412, %dma_wait3A_413] : memref<16x80xi32, #tpu.memory_space<vmem>> -> memref<1x80xi32, #tpu.memory_space<vmem>>
        %dma_wait3A_415 = tpu.memref_squeeze %dma_wait3A_414 : memref<1x80xi32, #tpu.memory_space<vmem>> -> memref<80xi32, #tpu.memory_space<vmem>>
        %dma_wait3A_416 = arith.constant 0 : i32
        %dma_wait3A_417 = arith.constant 0 : i32
        %dma_wait3A_418 = tpu.memref_slice %arg2[%dma_wait3A_416, %dma_wait3A_417] : memref<100000x128xf32, #tpu.memory_space<hbm>> -> memref<100000x128xf32, #tpu.memory_space<hbm>>
        tpu.wait_indirect_dma semaphore(%arg14 : memref<!tpu.dma_semaphore, #tpu.memory_space<semaphore_mem>>) src(%dma_wait3A_418 : memref<100000x128xf32, #tpu.memory_space<hbm>>) dst(%arg11 : memref<80x128xf32, #tpu.memory_space<vmem>>)
        %dma_start3A_419 = arith.constant 12 : i32
        %dma_start3A_420 = arith.constant 0 : i32
        %dma_start3A_421 = tpu.memref_slice %arg10[%dma_start3A_419, %dma_start3A_420] : memref<16x80xi32, #tpu.memory_space<vmem>> -> memref<1x80xi32, #tpu.memory_space<vmem>>
        %dma_start3A_422 = tpu.memref_squeeze %dma_start3A_421 : memref<1x80xi32, #tpu.memory_space<vmem>> -> memref<80xi32, #tpu.memory_space<vmem>>
        %dma_start3A_423 = arith.constant 0 : i32
        %dma_start3A_424 = arith.constant 0 : i32
        %dma_start3A_425 = tpu.memref_slice %arg13[%dma_start3A_423, %dma_start3A_424] : memref<10000x128xf32, #tpu.memory_space<vmem_shared>> -> memref<10000x128xf32, #tpu.memory_space<vmem_shared>>
        tpu.enqueue_indirect_dma source(%arg11 : memref<80x128xf32, #tpu.memory_space<vmem>>) target(%dma_start3A_425 : memref<10000x128xf32, #tpu.memory_space<vmem_shared>>) offsets(%dma_start3A_422 : memref<80xi32, #tpu.memory_space<vmem>>) semaphore(%arg16 : memref<!tpu.dma_semaphore, #tpu.memory_space<semaphore_mem>>) {add = true}
        %dma_wait3A_426 = arith.constant 12 : i32
        %dma_wait3A_427 = arith.constant 0 : i32
        %dma_wait3A_428 = tpu.memref_slice %arg10[%dma_wait3A_426, %dma_wait3A_427] : memref<16x80xi32, #tpu.memory_space<vmem>> -> memref<1x80xi32, #tpu.memory_space<vmem>>
        %dma_wait3A_429 = tpu.memref_squeeze %dma_wait3A_428 : memref<1x80xi32, #tpu.memory_space<vmem>> -> memref<80xi32, #tpu.memory_space<vmem>>
        %dma_wait3A_430 = arith.constant 0 : i32
        %dma_wait3A_431 = arith.constant 0 : i32
        %dma_wait3A_432 = tpu.memref_slice %arg13[%dma_wait3A_430, %dma_wait3A_431] : memref<10000x128xf32, #tpu.memory_space<vmem_shared>> -> memref<10000x128xf32, #tpu.memory_space<vmem_shared>>
        tpu.wait_indirect_dma semaphore(%arg16 : memref<!tpu.dma_semaphore, #tpu.memory_space<semaphore_mem>>) src(%arg11 : memref<80x128xf32, #tpu.memory_space<vmem>>) dst(%dma_wait3A_432 : memref<10000x128xf32, #tpu.memory_space<vmem_shared>>)
        %dma_start3A_433 = arith.constant 14 : i32
        %dma_start3A_434 = arith.constant 0 : i32
        %dma_start3A_435 = tpu.memref_slice %arg9[%dma_start3A_433, %dma_start3A_434] : memref<16x80xi32, #tpu.memory_space<vmem>> -> memref<1x80xi32, #tpu.memory_space<vmem>>
        %dma_start3A_436 = tpu.memref_squeeze %dma_start3A_435 : memref<1x80xi32, #tpu.memory_space<vmem>> -> memref<80xi32, #tpu.memory_space<vmem>>
        %dma_start3A_437 = arith.constant 0 : i32
        %dma_start3A_438 = arith.constant 0 : i32
        %dma_start3A_439 = tpu.memref_slice %arg2[%dma_start3A_437, %dma_start3A_438] : memref<100000x128xf32, #tpu.memory_space<hbm>> -> memref<100000x128xf32, #tpu.memory_space<hbm>>
        tpu.enqueue_indirect_dma source(%dma_start3A_439 : memref<100000x128xf32, #tpu.memory_space<hbm>>) target(%arg11 : memref<80x128xf32, #tpu.memory_space<vmem>>) offsets(%dma_start3A_436 : memref<80xi32, #tpu.memory_space<vmem>>) semaphore(%arg14 : memref<!tpu.dma_semaphore, #tpu.memory_space<semaphore_mem>>)
        %dma_wait3A_440 = arith.constant 13 : i32
        %dma_wait3A_441 = arith.constant 0 : i32
        %dma_wait3A_442 = tpu.memref_slice %arg9[%dma_wait3A_440, %dma_wait3A_441] : memref<16x80xi32, #tpu.memory_space<vmem>> -> memref<1x80xi32, #tpu.memory_space<vmem>>
        %dma_wait3A_443 = tpu.memref_squeeze %dma_wait3A_442 : memref<1x80xi32, #tpu.memory_space<vmem>> -> memref<80xi32, #tpu.memory_space<vmem>>
        %dma_wait3A_444 = arith.constant 0 : i32
        %dma_wait3A_445 = arith.constant 0 : i32
        %dma_wait3A_446 = tpu.memref_slice %arg2[%dma_wait3A_444, %dma_wait3A_445] : memref<100000x128xf32, #tpu.memory_space<hbm>> -> memref<100000x128xf32, #tpu.memory_space<hbm>>
        tpu.wait_indirect_dma semaphore(%arg15 : memref<!tpu.dma_semaphore, #tpu.memory_space<semaphore_mem>>) src(%dma_wait3A_446 : memref<100000x128xf32, #tpu.memory_space<hbm>>) dst(%arg12 : memref<80x128xf32, #tpu.memory_space<vmem>>)
        %dma_start3A_447 = arith.constant 13 : i32
        %dma_start3A_448 = arith.constant 0 : i32
        %dma_start3A_449 = tpu.memref_slice %arg10[%dma_start3A_447, %dma_start3A_448] : memref<16x80xi32, #tpu.memory_space<vmem>> -> memref<1x80xi32, #tpu.memory_space<vmem>>
        %dma_start3A_450 = tpu.memref_squeeze %dma_start3A_449 : memref<1x80xi32, #tpu.memory_space<vmem>> -> memref<80xi32, #tpu.memory_space<vmem>>
        %dma_start3A_451 = arith.constant 0 : i32
        %dma_start3A_452 = arith.constant 0 : i32
        %dma_start3A_453 = tpu.memref_slice %arg13[%dma_start3A_451, %dma_start3A_452] : memref<10000x128xf32, #tpu.memory_space<vmem_shared>> -> memref<10000x128xf32, #tpu.memory_space<vmem_shared>>
        tpu.enqueue_indirect_dma source(%arg12 : memref<80x128xf32, #tpu.memory_space<vmem>>) target(%dma_start3A_453 : memref<10000x128xf32, #tpu.memory_space<vmem_shared>>) offsets(%dma_start3A_450 : memref<80xi32, #tpu.memory_space<vmem>>) semaphore(%arg17 : memref<!tpu.dma_semaphore, #tpu.memory_space<semaphore_mem>>) {add = true}
        %dma_wait3A_454 = arith.constant 13 : i32
        %dma_wait3A_455 = arith.constant 0 : i32
        %dma_wait3A_456 = tpu.memref_slice %arg10[%dma_wait3A_454, %dma_wait3A_455] : memref<16x80xi32, #tpu.memory_space<vmem>> -> memref<1x80xi32, #tpu.memory_space<vmem>>
        %dma_wait3A_457 = tpu.memref_squeeze %dma_wait3A_456 : memref<1x80xi32, #tpu.memory_space<vmem>> -> memref<80xi32, #tpu.memory_space<vmem>>
        %dma_wait3A_458 = arith.constant 0 : i32
        %dma_wait3A_459 = arith.constant 0 : i32
        %dma_wait3A_460 = tpu.memref_slice %arg13[%dma_wait3A_458, %dma_wait3A_459] : memref<10000x128xf32, #tpu.memory_space<vmem_shared>> -> memref<10000x128xf32, #tpu.memory_space<vmem_shared>>
        tpu.wait_indirect_dma semaphore(%arg17 : memref<!tpu.dma_semaphore, #tpu.memory_space<semaphore_mem>>) src(%arg12 : memref<80x128xf32, #tpu.memory_space<vmem>>) dst(%dma_wait3A_460 : memref<10000x128xf32, #tpu.memory_space<vmem_shared>>)
        %dma_start3A_461 = arith.constant 15 : i32
        %dma_start3A_462 = arith.constant 0 : i32
        %dma_start3A_463 = tpu.memref_slice %arg9[%dma_start3A_461, %dma_start3A_462] : memref<16x80xi32, #tpu.memory_space<vmem>> -> memref<1x80xi32, #tpu.memory_space<vmem>>
        %dma_start3A_464 = tpu.memref_squeeze %dma_start3A_463 : memref<1x80xi32, #tpu.memory_space<vmem>> -> memref<80xi32, #tpu.memory_space<vmem>>
        %dma_start3A_465 = arith.constant 0 : i32
        %dma_start3A_466 = arith.constant 0 : i32
        %dma_start3A_467 = tpu.memref_slice %arg2[%dma_start3A_465, %dma_start3A_466] : memref<100000x128xf32, #tpu.memory_space<hbm>> -> memref<100000x128xf32, #tpu.memory_space<hbm>>
        tpu.enqueue_indirect_dma source(%dma_start3A_467 : memref<100000x128xf32, #tpu.memory_space<hbm>>) target(%arg12 : memref<80x128xf32, #tpu.memory_space<vmem>>) offsets(%dma_start3A_464 : memref<80xi32, #tpu.memory_space<vmem>>) semaphore(%arg15 : memref<!tpu.dma_semaphore, #tpu.memory_space<semaphore_mem>>)
        %dma_wait3A_468 = arith.constant 14 : i32
        %dma_wait3A_469 = arith.constant 0 : i32
        %dma_wait3A_470 = tpu.memref_slice %arg9[%dma_wait3A_468, %dma_wait3A_469] : memref<16x80xi32, #tpu.memory_space<vmem>> -> memref<1x80xi32, #tpu.memory_space<vmem>>
        %dma_wait3A_471 = tpu.memref_squeeze %dma_wait3A_470 : memref<1x80xi32, #tpu.memory_space<vmem>> -> memref<80xi32, #tpu.memory_space<vmem>>
        %dma_wait3A_472 = arith.constant 0 : i32
        %dma_wait3A_473 = arith.constant 0 : i32
        %dma_wait3A_474 = tpu.memref_slice %arg2[%dma_wait3A_472, %dma_wait3A_473] : memref<100000x128xf32, #tpu.memory_space<hbm>> -> memref<100000x128xf32, #tpu.memory_space<hbm>>
        tpu.wait_indirect_dma semaphore(%arg14 : memref<!tpu.dma_semaphore, #tpu.memory_space<semaphore_mem>>) src(%dma_wait3A_474 : memref<100000x128xf32, #tpu.memory_space<hbm>>) dst(%arg11 : memref<80x128xf32, #tpu.memory_space<vmem>>)
        %dma_start3A_475 = arith.constant 14 : i32
        %dma_start3A_476 = arith.constant 0 : i32
        %dma_start3A_477 = tpu.memref_slice %arg10[%dma_start3A_475, %dma_start3A_476] : memref<16x80xi32, #tpu.memory_space<vmem>> -> memref<1x80xi32, #tpu.memory_space<vmem>>
        %dma_start3A_478 = tpu.memref_squeeze %dma_start3A_477 : memref<1x80xi32, #tpu.memory_space<vmem>> -> memref<80xi32, #tpu.memory_space<vmem>>
        %dma_start3A_479 = arith.constant 0 : i32
        %dma_start3A_480 = arith.constant 0 : i32
        %dma_start3A_481 = tpu.memref_slice %arg13[%dma_start3A_479, %dma_start3A_480] : memref<10000x128xf32, #tpu.memory_space<vmem_shared>> -> memref<10000x128xf32, #tpu.memory_space<vmem_shared>>
        tpu.enqueue_indirect_dma source(%arg11 : memref<80x128xf32, #tpu.memory_space<vmem>>) target(%dma_start3A_481 : memref<10000x128xf32, #tpu.memory_space<vmem_shared>>) offsets(%dma_start3A_478 : memref<80xi32, #tpu.memory_space<vmem>>) semaphore(%arg16 : memref<!tpu.dma_semaphore, #tpu.memory_space<semaphore_mem>>) {add = true}
        %dma_wait3A_482 = arith.constant 15 : i32
        %dma_wait3A_483 = arith.constant 0 : i32
        %dma_wait3A_484 = tpu.memref_slice %arg9[%dma_wait3A_482, %dma_wait3A_483] : memref<16x80xi32, #tpu.memory_space<vmem>> -> memref<1x80xi32, #tpu.memory_space<vmem>>
        %dma_wait3A_485 = tpu.memref_squeeze %dma_wait3A_484 : memref<1x80xi32, #tpu.memory_space<vmem>> -> memref<80xi32, #tpu.memory_space<vmem>>
        %dma_wait3A_486 = arith.constant 0 : i32
        %dma_wait3A_487 = arith.constant 0 : i32
        %dma_wait3A_488 = tpu.memref_slice %arg2[%dma_wait3A_486, %dma_wait3A_487] : memref<100000x128xf32, #tpu.memory_space<hbm>> -> memref<100000x128xf32, #tpu.memory_space<hbm>>
        tpu.wait_indirect_dma semaphore(%arg15 : memref<!tpu.dma_semaphore, #tpu.memory_space<semaphore_mem>>) src(%dma_wait3A_488 : memref<100000x128xf32, #tpu.memory_space<hbm>>) dst(%arg12 : memref<80x128xf32, #tpu.memory_space<vmem>>)
        %dma_start3A_489 = arith.constant 15 : i32
        %dma_start3A_490 = arith.constant 0 : i32
        %dma_start3A_491 = tpu.memref_slice %arg10[%dma_start3A_489, %dma_start3A_490] : memref<16x80xi32, #tpu.memory_space<vmem>> -> memref<1x80xi32, #tpu.memory_space<vmem>>
        %dma_start3A_492 = tpu.memref_squeeze %dma_start3A_491 : memref<1x80xi32, #tpu.memory_space<vmem>> -> memref<80xi32, #tpu.memory_space<vmem>>
        %dma_start3A_493 = arith.constant 0 : i32
        %dma_start3A_494 = arith.constant 0 : i32
        %dma_start3A_495 = tpu.memref_slice %arg13[%dma_start3A_493, %dma_start3A_494] : memref<10000x128xf32, #tpu.memory_space<vmem_shared>> -> memref<10000x128xf32, #tpu.memory_space<vmem_shared>>
        tpu.enqueue_indirect_dma source(%arg12 : memref<80x128xf32, #tpu.memory_space<vmem>>) target(%dma_start3A_495 : memref<10000x128xf32, #tpu.memory_space<vmem_shared>>) offsets(%dma_start3A_492 : memref<80xi32, #tpu.memory_space<vmem>>) semaphore(%arg17 : memref<!tpu.dma_semaphore, #tpu.memory_space<semaphore_mem>>) {add = true}
        %dma_wait3A_496 = arith.constant 14 : i32
        %dma_wait3A_497 = arith.constant 0 : i32
        %dma_wait3A_498 = tpu.memref_slice %arg10[%dma_wait3A_496, %dma_wait3A_497] : memref<16x80xi32, #tpu.memory_space<vmem>> -> memref<1x80xi32, #tpu.memory_space<vmem>>
        %dma_wait3A_499 = tpu.memref_squeeze %dma_wait3A_498 : memref<1x80xi32, #tpu.memory_space<vmem>> -> memref<80xi32, #tpu.memory_space<vmem>>
        %dma_wait3A_500 = arith.constant 0 : i32
        %dma_wait3A_501 = arith.constant 0 : i32
        %dma_wait3A_502 = tpu.memref_slice %arg13[%dma_wait3A_500, %dma_wait3A_501] : memref<10000x128xf32, #tpu.memory_space<vmem_shared>> -> memref<10000x128xf32, #tpu.memory_space<vmem_shared>>
        tpu.wait_indirect_dma semaphore(%arg16 : memref<!tpu.dma_semaphore, #tpu.memory_space<semaphore_mem>>) src(%arg11 : memref<80x128xf32, #tpu.memory_space<vmem>>) dst(%dma_wait3A_502 : memref<10000x128xf32, #tpu.memory_space<vmem_shared>>)
        %dma_wait3A_503 = arith.constant 15 : i32
        %dma_wait3A_504 = arith.constant 0 : i32
        %dma_wait3A_505 = tpu.memref_slice %arg10[%dma_wait3A_503, %dma_wait3A_504] : memref<16x80xi32, #tpu.memory_space<vmem>> -> memref<1x80xi32, #tpu.memory_space<vmem>>
        %dma_wait3A_506 = tpu.memref_squeeze %dma_wait3A_505 : memref<1x80xi32, #tpu.memory_space<vmem>> -> memref<80xi32, #tpu.memory_space<vmem>>
        %dma_wait3A_507 = arith.constant 0 : i32
        %dma_wait3A_508 = arith.constant 0 : i32
        %dma_wait3A_509 = tpu.memref_slice %arg13[%dma_wait3A_507, %dma_wait3A_508] : memref<10000x128xf32, #tpu.memory_space<vmem_shared>> -> memref<10000x128xf32, #tpu.memory_space<vmem_shared>>
        tpu.wait_indirect_dma semaphore(%arg17 : memref<!tpu.dma_semaphore, #tpu.memory_space<semaphore_mem>>) src(%arg12 : memref<80x128xf32, #tpu.memory_space<vmem>>) dst(%dma_wait3A_509 : memref<10000x128xf32, #tpu.memory_space<vmem_shared>>)
      } else {
      }
    }
    %scan3A_11 = arith.constant 16 : i32
    %barrier3A_12 = arith.constant 0 : index
    tpu.barrier barrier_id(%barrier3A_12)
    %eq3A_13 = arith.constant 0 : i32
    %eq3A_14 = arith.cmpi eq, %arg0, %eq3A_13 : i32
    %lt3A_15 = arith.constant 15 : i32
    %lt3A_16 = arith.cmpi slt, %arg1, %lt3A_15 : i32
    %and3A = arith.andi %eq3A_14, %lt3A_16 : i1
    %convert_element_type3A_17 = arith.extui %and3A : i1 to i32
    %cond3A_18 = arith.constant 0 : i32
    %cond3A_19 = arith.cmpi ne, %convert_element_type3A_17, %cond3A_18 : i32
    scf.if %cond3A_19 {
      "tpu.region"() ({
        %run_scoped3A = tpu.sem_alloc : memref<!tpu.dma_semaphore, #tpu.memory_space<semaphore_mem>>
        %dma_start3A = arith.constant 0 : i32
        %dma_start3A_44 = tpu.memref_slice %arg7[%mul3A_0, %dma_start3A] : memref<10000x128xf32, #tpu.memory_space<hbm>> -> memref<640x128xf32, #tpu.memory_space<hbm>>
        %dma_start3A_45 = arith.constant 0 : i32
        %dma_start3A_46 = tpu.memref_slice %arg13[%mul3A_0, %dma_start3A_45] : memref<10000x128xf32, #tpu.memory_space<vmem_shared>> -> memref<640x128xf32, #tpu.memory_space<vmem_shared>>
        tpu.enqueue_dma source(%dma_start3A_46 : memref<640x128xf32, #tpu.memory_space<vmem_shared>>) target(%dma_start3A_44 : memref<640x128xf32, #tpu.memory_space<hbm>>) target_semaphore(%run_scoped3A : memref<!tpu.dma_semaphore, #tpu.memory_space<semaphore_mem>>)
        %dma_wait3A = arith.constant 0 : i32
        %dma_wait3A_47 = tpu.memref_slice %arg7[%mul3A_0, %dma_wait3A] : memref<10000x128xf32, #tpu.memory_space<hbm>> -> memref<640x128xf32, #tpu.memory_space<hbm>>
        %dma_wait3A_48 = arith.constant 0 : i32
        %dma_wait3A_49 = tpu.memref_slice %arg13[%mul3A_0, %dma_wait3A_48] : memref<10000x128xf32, #tpu.memory_space<vmem_shared>> -> memref<640x128xf32, #tpu.memory_space<vmem_shared>>
        tpu.wait_dma2 semaphore(%run_scoped3A : memref<!tpu.dma_semaphore, #tpu.memory_space<semaphore_mem>>) src(%dma_wait3A_49 : memref<640x128xf32, #tpu.memory_space<vmem_shared>>) dst(%dma_wait3A_47 : memref<640x128xf32, #tpu.memory_space<hbm>>)
        tpu.yield
      }) : () -> ()
    } else {
    }
    %eq3A_20 = arith.constant 0 : i32
    %eq3A_21 = arith.cmpi eq, %arg0, %eq3A_20 : i32
    %eq3A_22 = arith.constant 15 : i32
    %eq3A_23 = arith.cmpi eq, %arg1, %eq3A_22 : i32
    %and3A_24 = arith.andi %eq3A_21, %eq3A_23 : i1
    %convert_element_type3A_25 = arith.extui %and3A_24 : i1 to i32
    %cond3A_26 = arith.constant 0 : i32
    %cond3A_27 = arith.cmpi ne, %convert_element_type3A_25, %cond3A_26 : i32
    scf.if %cond3A_27 {
      "tpu.region"() ({
        %run_scoped3A = tpu.sem_alloc : memref<!tpu.dma_semaphore, #tpu.memory_space<semaphore_mem>>
        %dma_start3A = arith.constant 9600 : i32
        %dma_start3A_44 = arith.constant 0 : i32
        %dma_start3A_45 = tpu.memref_slice %arg7[%dma_start3A, %dma_start3A_44] : memref<10000x128xf32, #tpu.memory_space<hbm>> -> memref<400x128xf32, #tpu.memory_space<hbm>>
        %dma_start3A_46 = arith.constant 9600 : i32
        %dma_start3A_47 = arith.constant 0 : i32
        %dma_start3A_48 = tpu.memref_slice %arg13[%dma_start3A_46, %dma_start3A_47] : memref<10000x128xf32, #tpu.memory_space<vmem_shared>> -> memref<400x128xf32, #tpu.memory_space<vmem_shared>>
        tpu.enqueue_dma source(%dma_start3A_48 : memref<400x128xf32, #tpu.memory_space<vmem_shared>>) target(%dma_start3A_45 : memref<400x128xf32, #tpu.memory_space<hbm>>) target_semaphore(%run_scoped3A : memref<!tpu.dma_semaphore, #tpu.memory_space<semaphore_mem>>)
        %dma_wait3A = arith.constant 9600 : i32
        %dma_wait3A_49 = arith.constant 0 : i32
        %dma_wait3A_50 = tpu.memref_slice %arg7[%dma_wait3A, %dma_wait3A_49] : memref<10000x128xf32, #tpu.memory_space<hbm>> -> memref<400x128xf32, #tpu.memory_space<hbm>>
        %dma_wait3A_51 = arith.constant 9600 : i32
        %dma_wait3A_52 = arith.constant 0 : i32
        %dma_wait3A_53 = tpu.memref_slice %arg13[%dma_wait3A_51, %dma_wait3A_52] : memref<10000x128xf32, #tpu.memory_space<vmem_shared>> -> memref<400x128xf32, #tpu.memory_space<vmem_shared>>
        tpu.wait_dma2 semaphore(%run_scoped3A : memref<!tpu.dma_semaphore, #tpu.memory_space<semaphore_mem>>) src(%dma_wait3A_53 : memref<400x128xf32, #tpu.memory_space<vmem_shared>>) dst(%dma_wait3A_50 : memref<400x128xf32, #tpu.memory_space<hbm>>)
        tpu.yield
      }) : () -> ()
    } else {
    }
    %eq3A_28 = arith.constant 1 : i32
    %eq3A_29 = arith.cmpi eq, %arg0, %eq3A_28 : i32
    %lt3A_30 = arith.constant 15 : i32
    %lt3A_31 = arith.cmpi slt, %arg1, %lt3A_30 : i32
    %and3A_32 = arith.andi %eq3A_29, %lt3A_31 : i1
    %convert_element_type3A_33 = arith.extui %and3A_32 : i1 to i32
    %cond3A_34 = arith.constant 0 : i32
    %cond3A_35 = arith.cmpi ne, %convert_element_type3A_33, %cond3A_34 : i32
    scf.if %cond3A_35 {
      "tpu.region"() ({
        %run_scoped3A = tpu.sem_alloc : memref<!tpu.dma_semaphore, #tpu.memory_space<semaphore_mem>>
        %dma_start3A = arith.constant 0 : i32
        %dma_start3A_44 = tpu.memref_slice %arg8[%mul3A_0, %dma_start3A] : memref<10000x128xf32, #tpu.memory_space<hbm>> -> memref<640x128xf32, #tpu.memory_space<hbm>>
        %dma_start3A_45 = arith.constant 0 : i32
        %dma_start3A_46 = tpu.memref_slice %arg13[%mul3A_0, %dma_start3A_45] : memref<10000x128xf32, #tpu.memory_space<vmem_shared>> -> memref<640x128xf32, #tpu.memory_space<vmem_shared>>
        tpu.enqueue_dma source(%dma_start3A_46 : memref<640x128xf32, #tpu.memory_space<vmem_shared>>) target(%dma_start3A_44 : memref<640x128xf32, #tpu.memory_space<hbm>>) target_semaphore(%run_scoped3A : memref<!tpu.dma_semaphore, #tpu.memory_space<semaphore_mem>>)
        %dma_wait3A = arith.constant 0 : i32
        %dma_wait3A_47 = tpu.memref_slice %arg8[%mul3A_0, %dma_wait3A] : memref<10000x128xf32, #tpu.memory_space<hbm>> -> memref<640x128xf32, #tpu.memory_space<hbm>>
        %dma_wait3A_48 = arith.constant 0 : i32
        %dma_wait3A_49 = tpu.memref_slice %arg13[%mul3A_0, %dma_wait3A_48] : memref<10000x128xf32, #tpu.memory_space<vmem_shared>> -> memref<640x128xf32, #tpu.memory_space<vmem_shared>>
        tpu.wait_dma2 semaphore(%run_scoped3A : memref<!tpu.dma_semaphore, #tpu.memory_space<semaphore_mem>>) src(%dma_wait3A_49 : memref<640x128xf32, #tpu.memory_space<vmem_shared>>) dst(%dma_wait3A_47 : memref<640x128xf32, #tpu.memory_space<hbm>>)
        tpu.yield
      }) : () -> ()
    } else {
    }
    %eq3A_36 = arith.constant 1 : i32
    %eq3A_37 = arith.cmpi eq, %arg0, %eq3A_36 : i32
    %eq3A_38 = arith.constant 15 : i32
    %eq3A_39 = arith.cmpi eq, %arg1, %eq3A_38 : i32
    %and3A_40 = arith.andi %eq3A_37, %eq3A_39 : i1
    %convert_element_type3A_41 = arith.extui %and3A_40 : i1 to i32
    %cond3A_42 = arith.constant 0 : i32
    %cond3A_43 = arith.cmpi ne, %convert_element_type3A_41, %cond3A_42 : i32
    scf.if %cond3A_43 {
      "tpu.region"() ({
        %run_scoped3A = tpu.sem_alloc : memref<!tpu.dma_semaphore, #tpu.memory_space<semaphore_mem>>
        %dma_start3A = arith.constant 9600 : i32
        %dma_start3A_44 = arith.constant 0 : i32
        %dma_start3A_45 = tpu.memref_slice %arg8[%dma_start3A, %dma_start3A_44] : memref<10000x128xf32, #tpu.memory_space<hbm>> -> memref<400x128xf32, #tpu.memory_space<hbm>>
        %dma_start3A_46 = arith.constant 9600 : i32
        %dma_start3A_47 = arith.constant 0 : i32
        %dma_start3A_48 = tpu.memref_slice %arg13[%dma_start3A_46, %dma_start3A_47] : memref<10000x128xf32, #tpu.memory_space<vmem_shared>> -> memref<400x128xf32, #tpu.memory_space<vmem_shared>>
        tpu.enqueue_dma source(%dma_start3A_48 : memref<400x128xf32, #tpu.memory_space<vmem_shared>>) target(%dma_start3A_45 : memref<400x128xf32, #tpu.memory_space<hbm>>) target_semaphore(%run_scoped3A : memref<!tpu.dma_semaphore, #tpu.memory_space<semaphore_mem>>)
        %dma_wait3A = arith.constant 9600 : i32
        %dma_wait3A_49 = arith.constant 0 : i32
        %dma_wait3A_50 = tpu.memref_slice %arg8[%dma_wait3A, %dma_wait3A_49] : memref<10000x128xf32, #tpu.memory_space<hbm>> -> memref<400x128xf32, #tpu.memory_space<hbm>>
        %dma_wait3A_51 = arith.constant 9600 : i32
        %dma_wait3A_52 = arith.constant 0 : i32
        %dma_wait3A_53 = tpu.memref_slice %arg13[%dma_wait3A_51, %dma_wait3A_52] : memref<10000x128xf32, #tpu.memory_space<vmem_shared>> -> memref<400x128xf32, #tpu.memory_space<vmem_shared>>
        tpu.wait_dma2 semaphore(%run_scoped3A : memref<!tpu.dma_semaphore, #tpu.memory_space<semaphore_mem>>) src(%dma_wait3A_53 : memref<400x128xf32, #tpu.memory_space<vmem_shared>>) dst(%dma_wait3A_50 : memref<400x128xf32, #tpu.memory_space<hbm>>)
        tpu.yield
      }) : () -> ()
    } else {
    }
    return
  }
}

#map = affine_map<(d0, d1) -> (0, 0)>
module attributes {stable_mosaic.version = 14 : i64} {
  func.func @_sc_body(%arg0: i32, %arg1: i32, %arg2: memref<100000x128xf32, #tpu.memory_space<hbm>>, %arg3: memref<4000x80xi32, #tpu.memory_space<hbm>>, %arg4: memref<4000x80xi32, #tpu.memory_space<hbm>>, %arg5: memref<4000x80xi32, #tpu.memory_space<hbm>>, %arg6: memref<640x128xf32, #tpu.memory_space<hbm>>, %arg7: memref<10000x128xf32, #tpu.memory_space<hbm>>, %arg8: memref<10000x128xf32, #tpu.memory_space<hbm>>, %arg9: memref<16x80xi32, #tpu.memory_space<vmem>>, %arg10: memref<16x80xi32, #tpu.memory_space<vmem>>, %arg11: memref<80x128xf32, #tpu.memory_space<vmem>>, %arg12: memref<80x128xf32, #tpu.memory_space<vmem>>, %arg13: memref<10000x128xf32, #tpu.memory_space<vmem_shared>>, %arg14: memref<!tpu.dma_semaphore, #tpu.memory_space<semaphore_mem>>, %arg15: memref<!tpu.dma_semaphore, #tpu.memory_space<semaphore_mem>>, %arg16: memref<!tpu.dma_semaphore, #tpu.memory_space<semaphore_mem>>, %arg17: memref<!tpu.dma_semaphore, #tpu.memory_space<semaphore_mem>>) attributes {dimension_semantics = [#tpu.dimension_semantics<core_parallel>, #tpu.dimension_semantics<subcore_parallel>], iteration_bounds = array<i64: 2, 16>, scalar_prefetch = 0 : i64, scratch_operands = 9 : i64, tpu.core_type = #tpu.core_type<sc_vector_subcore>, window_params = [{transform_indices = #map}, {transform_indices = #map}, {transform_indices = #map}, {transform_indices = #map}, {transform_indices = #map}, {transform_indices = #map}, {transform_indices = #map}]} {
    %mul3A = arith.constant 640 : i32
    %mul3A_0 = arith.muli %arg1, %mul3A : i32
    %lt3A = arith.constant 15 : i32
    %lt3A_1 = arith.cmpi slt, %arg1, %lt3A : i32
    %convert_element_type3A = arith.extui %lt3A_1 : i1 to i32
    %cond3A = arith.constant 0 : i32
    %cond3A_2 = arith.cmpi ne, %convert_element_type3A, %cond3A : i32
    scf.if %cond3A_2 {
      "tpu.region"() ({
        %run_scoped3A = tpu.sem_alloc : memref<!tpu.dma_semaphore, #tpu.memory_space<semaphore_mem>>
        %dma_start3A = arith.constant 0 : i32
        %dma_start3A_44 = tpu.memref_slice %arg13[%mul3A_0, %dma_start3A] : memref<10000x128xf32, #tpu.memory_space<vmem_shared>> -> memref<640x128xf32, #tpu.memory_space<vmem_shared>>
        tpu.enqueue_dma source(%arg6 : memref<640x128xf32, #tpu.memory_space<hbm>>) target(%dma_start3A_44 : memref<640x128xf32, #tpu.memory_space<vmem_shared>>) target_semaphore(%run_scoped3A : memref<!tpu.dma_semaphore, #tpu.memory_space<semaphore_mem>>)
        %dma_wait3A = arith.constant 0 : i32
        %dma_wait3A_45 = tpu.memref_slice %arg13[%mul3A_0, %dma_wait3A] : memref<10000x128xf32, #tpu.memory_space<vmem_shared>> -> memref<640x128xf32, #tpu.memory_space<vmem_shared>>
        tpu.wait_dma2 semaphore(%run_scoped3A : memref<!tpu.dma_semaphore, #tpu.memory_space<semaphore_mem>>) src(%arg6 : memref<640x128xf32, #tpu.memory_space<hbm>>) dst(%dma_wait3A_45 : memref<640x128xf32, #tpu.memory_space<vmem_shared>>)
        tpu.yield
      }) : () -> ()
    } else {
    }
    %eq3A = arith.constant 15 : i32
    %eq3A_3 = arith.cmpi eq, %arg1, %eq3A : i32
    %convert_element_type3A_4 = arith.extui %eq3A_3 : i1 to i32
    %cond3A_5 = arith.constant 0 : i32
    %cond3A_6 = arith.cmpi ne, %convert_element_type3A_4, %cond3A_5 : i32
    scf.if %cond3A_6 {
      "tpu.region"() ({
        %run_scoped3A = tpu.sem_alloc : memref<!tpu.dma_semaphore, #tpu.memory_space<semaphore_mem>>
        %dma_start3A = arith.constant 9600 : i32
        %dma_start3A_44 = arith.constant 0 : i32
        %dma_start3A_45 = tpu.memref_slice %arg13[%dma_start3A, %dma_start3A_44] : memref<10000x128xf32, #tpu.memory_space<vmem_shared>> -> memref<400x128xf32, #tpu.memory_space<vmem_shared>>
        %dma_start3A_46 = arith.constant 0 : i32
        %dma_start3A_47 = arith.constant 0 : i32
        %dma_start3A_48 = tpu.memref_slice %arg6[%dma_start3A_46, %dma_start3A_47] : memref<640x128xf32, #tpu.memory_space<hbm>> -> memref<400x128xf32, #tpu.memory_space<hbm>>
        tpu.enqueue_dma source(%dma_start3A_48 : memref<400x128xf32, #tpu.memory_space<hbm>>) target(%dma_start3A_45 : memref<400x128xf32, #tpu.memory_space<vmem_shared>>) target_semaphore(%run_scoped3A : memref<!tpu.dma_semaphore, #tpu.memory_space<semaphore_mem>>)
        %dma_wait3A = arith.constant 9600 : i32
        %dma_wait3A_49 = arith.constant 0 : i32
        %dma_wait3A_50 = tpu.memref_slice %arg13[%dma_wait3A, %dma_wait3A_49] : memref<10000x128xf32, #tpu.memory_space<vmem_shared>> -> memref<400x128xf32, #tpu.memory_space<vmem_shared>>
        %dma_wait3A_51 = arith.constant 0 : i32
        %dma_wait3A_52 = arith.constant 0 : i32
        %dma_wait3A_53 = tpu.memref_slice %arg6[%dma_wait3A_51, %dma_wait3A_52] : memref<640x128xf32, #tpu.memory_space<hbm>> -> memref<400x128xf32, #tpu.memory_space<hbm>>
        tpu.wait_dma2 semaphore(%run_scoped3A : memref<!tpu.dma_semaphore, #tpu.memory_space<semaphore_mem>>) src(%dma_wait3A_53 : memref<400x128xf32, #tpu.memory_space<hbm>>) dst(%dma_wait3A_50 : memref<400x128xf32, #tpu.memory_space<vmem_shared>>)
        tpu.yield
      }) : () -> ()
    } else {
    }
    %barrier3A = arith.constant 0 : index
    tpu.barrier barrier_id(%barrier3A)
    %scan3A = arith.constant 0 : i32
    %scan3A_7 = arith.constant 0 : i32
    %scan3A_8 = arith.constant 16 : i32
    %scan3A_9 = arith.addi %scan3A_7, %scan3A_8 : i32
    %scan3A_10 = arith.constant 1 : i32
    scf.for %scan3A_44 = %scan3A_7 to %scan3A_9 step %scan3A_10  : i32 {
      %mul3A_45 = arith.constant 16 : i32
      %mul3A_46 = arith.muli %scan3A_44, %mul3A_45 : i32
      %add3A = arith.addi %mul3A_46, %arg1 : i32
      %lt3A_47 = arith.constant 250 : i32
      %lt3A_48 = arith.cmpi slt, %add3A, %lt3A_47 : i32
      %convert_element_type3A_49 = arith.extui %lt3A_48 : i1 to i32
      %cond3A_50 = arith.constant 0 : i32
      %cond3A_51 = arith.cmpi ne, %convert_element_type3A_49, %cond3A_50 : i32
      scf.if %cond3A_51 {
        %mul3A_52 = arith.constant 16 : i32
        %mul3A_53 = arith.muli %add3A, %mul3A_52 : i32
        %eq3A_54 = arith.constant 0 : i32
        %eq3A_55 = arith.cmpi eq, %arg0, %eq3A_54 : i32
        %convert_element_type3A_56 = arith.extui %eq3A_55 : i1 to i32
        %cond3A_57 = arith.constant 0 : i32
        %cond3A_58 = arith.cmpi ne, %convert_element_type3A_56, %cond3A_57 : i32
        scf.if %cond3A_58 {
          "tpu.region"() ({
            %run_scoped3A = tpu.sem_alloc : memref<!tpu.dma_semaphore, #tpu.memory_space<semaphore_mem>>
            %dma_start3A_510 = arith.constant 0 : i32
            %dma_start3A_511 = tpu.memref_slice %arg3[%mul3A_53, %dma_start3A_510] : memref<4000x80xi32, #tpu.memory_space<hbm>> -> memref<16x80xi32, #tpu.memory_space<hbm>>
            %dma_start3A_512 = arith.constant 0 : i32
            %dma_start3A_513 = tpu.memref_slice %arg3[%mul3A_53, %dma_start3A_512] : memref<4000x80xi32, #tpu.memory_space<hbm>> -> memref<16x80xi32, #tpu.memory_space<hbm>>
            tpu.enqueue_dma source(%dma_start3A_513 : memref<16x80xi32, #tpu.memory_space<hbm>>) target(%arg9 : memref<16x80xi32, #tpu.memory_space<vmem>>) target_semaphore(%run_scoped3A : memref<!tpu.dma_semaphore, #tpu.memory_space<semaphore_mem>>)
            %dma_wait3A_514 = arith.constant 0 : i32
            %dma_wait3A_515 = tpu.memref_slice %arg3[%mul3A_53, %dma_wait3A_514] : memref<4000x80xi32, #tpu.memory_space<hbm>> -> memref<16x80xi32, #tpu.memory_space<hbm>>
            %dma_wait3A_516 = arith.constant 0 : i32
            %dma_wait3A_517 = tpu.memref_slice %arg3[%mul3A_53, %dma_wait3A_516] : memref<4000x80xi32, #tpu.memory_space<hbm>> -> memref<16x80xi32, #tpu.memory_space<hbm>>
            tpu.wait_dma2 semaphore(%run_scoped3A : memref<!tpu.dma_semaphore, #tpu.memory_space<semaphore_mem>>) src(%dma_wait3A_517 : memref<16x80xi32, #tpu.memory_space<hbm>>) dst(%arg9 : memref<16x80xi32, #tpu.memory_space<vmem>>)
            tpu.yield
          }) : () -> ()
        } else {
        }
        %eq3A_59 = arith.constant 1 : i32
        %eq3A_60 = arith.cmpi eq, %arg0, %eq3A_59 : i32
        %convert_element_type3A_61 = arith.extui %eq3A_60 : i1 to i32
        %cond3A_62 = arith.constant 0 : i32
        %cond3A_63 = arith.cmpi ne, %convert_element_type3A_61, %cond3A_62 : i32
        scf.if %cond3A_63 {
          "tpu.region"() ({
            %run_scoped3A = tpu.sem_alloc : memref<!tpu.dma_semaphore, #tpu.memory_space<semaphore_mem>>
            %dma_start3A_510 = arith.constant 0 : i32
            %dma_start3A_511 = tpu.memref_slice %arg4[%mul3A_53, %dma_start3A_510] : memref<4000x80xi32, #tpu.memory_space<hbm>> -> memref<16x80xi32, #tpu.memory_space<hbm>>
            %dma_start3A_512 = arith.constant 0 : i32
            %dma_start3A_513 = tpu.memref_slice %arg4[%mul3A_53, %dma_start3A_512] : memref<4000x80xi32, #tpu.memory_space<hbm>> -> memref<16x80xi32, #tpu.memory_space<hbm>>
            tpu.enqueue_dma source(%dma_start3A_513 : memref<16x80xi32, #tpu.memory_space<hbm>>) target(%arg9 : memref<16x80xi32, #tpu.memory_space<vmem>>) target_semaphore(%run_scoped3A : memref<!tpu.dma_semaphore, #tpu.memory_space<semaphore_mem>>)
            %dma_wait3A_514 = arith.constant 0 : i32
            %dma_wait3A_515 = tpu.memref_slice %arg4[%mul3A_53, %dma_wait3A_514] : memref<4000x80xi32, #tpu.memory_space<hbm>> -> memref<16x80xi32, #tpu.memory_space<hbm>>
            %dma_wait3A_516 = arith.constant 0 : i32
            %dma_wait3A_517 = tpu.memref_slice %arg4[%mul3A_53, %dma_wait3A_516] : memref<4000x80xi32, #tpu.memory_space<hbm>> -> memref<16x80xi32, #tpu.memory_space<hbm>>
            tpu.wait_dma2 semaphore(%run_scoped3A : memref<!tpu.dma_semaphore, #tpu.memory_space<semaphore_mem>>) src(%dma_wait3A_517 : memref<16x80xi32, #tpu.memory_space<hbm>>) dst(%arg9 : memref<16x80xi32, #tpu.memory_space<vmem>>)
            tpu.yield
          }) : () -> ()
        } else {
        }
        "tpu.region"() ({
          %run_scoped3A = tpu.sem_alloc : memref<!tpu.dma_semaphore, #tpu.memory_space<semaphore_mem>>
          %dma_start3A_510 = arith.constant 0 : i32
          %dma_start3A_511 = tpu.memref_slice %arg5[%mul3A_53, %dma_start3A_510] : memref<4000x80xi32, #tpu.memory_space<hbm>> -> memref<16x80xi32, #tpu.memory_space<hbm>>
          %dma_start3A_512 = arith.constant 0 : i32
          %dma_start3A_513 = tpu.memref_slice %arg5[%mul3A_53, %dma_start3A_512] : memref<4000x80xi32, #tpu.memory_space<hbm>> -> memref<16x80xi32, #tpu.memory_space<hbm>>
          tpu.enqueue_dma source(%dma_start3A_513 : memref<16x80xi32, #tpu.memory_space<hbm>>) target(%arg10 : memref<16x80xi32, #tpu.memory_space<vmem>>) target_semaphore(%run_scoped3A : memref<!tpu.dma_semaphore, #tpu.memory_space<semaphore_mem>>)
          %dma_wait3A_514 = arith.constant 0 : i32
          %dma_wait3A_515 = tpu.memref_slice %arg5[%mul3A_53, %dma_wait3A_514] : memref<4000x80xi32, #tpu.memory_space<hbm>> -> memref<16x80xi32, #tpu.memory_space<hbm>>
          %dma_wait3A_516 = arith.constant 0 : i32
          %dma_wait3A_517 = tpu.memref_slice %arg5[%mul3A_53, %dma_wait3A_516] : memref<4000x80xi32, #tpu.memory_space<hbm>> -> memref<16x80xi32, #tpu.memory_space<hbm>>
          tpu.wait_dma2 semaphore(%run_scoped3A : memref<!tpu.dma_semaphore, #tpu.memory_space<semaphore_mem>>) src(%dma_wait3A_517 : memref<16x80xi32, #tpu.memory_space<hbm>>) dst(%arg10 : memref<16x80xi32, #tpu.memory_space<vmem>>)
          tpu.yield
        }) : () -> ()
        %dma_start3A = arith.constant 0 : i32
        %dma_start3A_64 = arith.constant 0 : i32
        %dma_start3A_65 = tpu.memref_slice %arg9[%dma_start3A, %dma_start3A_64] : memref<16x80xi32, #tpu.memory_space<vmem>> -> memref<1x80xi32, #tpu.memory_space<vmem>>
        %dma_start3A_66 = tpu.memref_squeeze %dma_start3A_65 : memref<1x80xi32, #tpu.memory_space<vmem>> -> memref<80xi32, #tpu.memory_space<vmem>>
        %dma_start3A_67 = arith.constant 0 : i32
        %dma_start3A_68 = arith.constant 0 : i32
        %dma_start3A_69 = tpu.memref_slice %arg2[%dma_start3A_67, %dma_start3A_68] : memref<100000x128xf32, #tpu.memory_space<hbm>> -> memref<100000x128xf32, #tpu.memory_space<hbm>>
        tpu.enqueue_indirect_dma source(%dma_start3A_69 : memref<100000x128xf32, #tpu.memory_space<hbm>>) target(%arg11 : memref<80x128xf32, #tpu.memory_space<vmem>>) offsets(%dma_start3A_66 : memref<80xi32, #tpu.memory_space<vmem>>) semaphore(%arg14 : memref<!tpu.dma_semaphore, #tpu.memory_space<semaphore_mem>>)
        %dma_start3A_70 = arith.constant 1 : i32
        %dma_start3A_71 = arith.constant 0 : i32
        %dma_start3A_72 = tpu.memref_slice %arg9[%dma_start3A_70, %dma_start3A_71] : memref<16x80xi32, #tpu.memory_space<vmem>> -> memref<1x80xi32, #tpu.memory_space<vmem>>
        %dma_start3A_73 = tpu.memref_squeeze %dma_start3A_72 : memref<1x80xi32, #tpu.memory_space<vmem>> -> memref<80xi32, #tpu.memory_space<vmem>>
        %dma_start3A_74 = arith.constant 0 : i32
        %dma_start3A_75 = arith.constant 0 : i32
        %dma_start3A_76 = tpu.memref_slice %arg2[%dma_start3A_74, %dma_start3A_75] : memref<100000x128xf32, #tpu.memory_space<hbm>> -> memref<100000x128xf32, #tpu.memory_space<hbm>>
        tpu.enqueue_indirect_dma source(%dma_start3A_76 : memref<100000x128xf32, #tpu.memory_space<hbm>>) target(%arg12 : memref<80x128xf32, #tpu.memory_space<vmem>>) offsets(%dma_start3A_73 : memref<80xi32, #tpu.memory_space<vmem>>) semaphore(%arg15 : memref<!tpu.dma_semaphore, #tpu.memory_space<semaphore_mem>>)
        %dma_wait3A = arith.constant 0 : i32
        %dma_wait3A_77 = arith.constant 0 : i32
        %dma_wait3A_78 = tpu.memref_slice %arg9[%dma_wait3A, %dma_wait3A_77] : memref<16x80xi32, #tpu.memory_space<vmem>> -> memref<1x80xi32, #tpu.memory_space<vmem>>
        %dma_wait3A_79 = tpu.memref_squeeze %dma_wait3A_78 : memref<1x80xi32, #tpu.memory_space<vmem>> -> memref<80xi32, #tpu.memory_space<vmem>>
        %dma_wait3A_80 = arith.constant 0 : i32
        %dma_wait3A_81 = arith.constant 0 : i32
        %dma_wait3A_82 = tpu.memref_slice %arg2[%dma_wait3A_80, %dma_wait3A_81] : memref<100000x128xf32, #tpu.memory_space<hbm>> -> memref<100000x128xf32, #tpu.memory_space<hbm>>
        tpu.wait_indirect_dma semaphore(%arg14 : memref<!tpu.dma_semaphore, #tpu.memory_space<semaphore_mem>>) src(%dma_wait3A_82 : memref<100000x128xf32, #tpu.memory_space<hbm>>) dst(%arg11 : memref<80x128xf32, #tpu.memory_space<vmem>>)
        %dma_start3A_83 = arith.constant 0 : i32
        %dma_start3A_84 = arith.constant 0 : i32
        %dma_start3A_85 = tpu.memref_slice %arg10[%dma_start3A_83, %dma_start3A_84] : memref<16x80xi32, #tpu.memory_space<vmem>> -> memref<1x80xi32, #tpu.memory_space<vmem>>
        %dma_start3A_86 = tpu.memref_squeeze %dma_start3A_85 : memref<1x80xi32, #tpu.memory_space<vmem>> -> memref<80xi32, #tpu.memory_space<vmem>>
        %dma_start3A_87 = arith.constant 0 : i32
        %dma_start3A_88 = arith.constant 0 : i32
        %dma_start3A_89 = tpu.memref_slice %arg13[%dma_start3A_87, %dma_start3A_88] : memref<10000x128xf32, #tpu.memory_space<vmem_shared>> -> memref<10000x128xf32, #tpu.memory_space<vmem_shared>>
        tpu.enqueue_indirect_dma source(%arg11 : memref<80x128xf32, #tpu.memory_space<vmem>>) target(%dma_start3A_89 : memref<10000x128xf32, #tpu.memory_space<vmem_shared>>) offsets(%dma_start3A_86 : memref<80xi32, #tpu.memory_space<vmem>>) semaphore(%arg16 : memref<!tpu.dma_semaphore, #tpu.memory_space<semaphore_mem>>) {add = true}
        %dma_wait3A_90 = arith.constant 0 : i32
        %dma_wait3A_91 = arith.constant 0 : i32
        %dma_wait3A_92 = tpu.memref_slice %arg10[%dma_wait3A_90, %dma_wait3A_91] : memref<16x80xi32, #tpu.memory_space<vmem>> -> memref<1x80xi32, #tpu.memory_space<vmem>>
        %dma_wait3A_93 = tpu.memref_squeeze %dma_wait3A_92 : memref<1x80xi32, #tpu.memory_space<vmem>> -> memref<80xi32, #tpu.memory_space<vmem>>
        %dma_wait3A_94 = arith.constant 0 : i32
        %dma_wait3A_95 = arith.constant 0 : i32
        %dma_wait3A_96 = tpu.memref_slice %arg13[%dma_wait3A_94, %dma_wait3A_95] : memref<10000x128xf32, #tpu.memory_space<vmem_shared>> -> memref<10000x128xf32, #tpu.memory_space<vmem_shared>>
        tpu.wait_indirect_dma semaphore(%arg16 : memref<!tpu.dma_semaphore, #tpu.memory_space<semaphore_mem>>) src(%arg11 : memref<80x128xf32, #tpu.memory_space<vmem>>) dst(%dma_wait3A_96 : memref<10000x128xf32, #tpu.memory_space<vmem_shared>>)
        %dma_start3A_97 = arith.constant 2 : i32
        %dma_start3A_98 = arith.constant 0 : i32
        %dma_start3A_99 = tpu.memref_slice %arg9[%dma_start3A_97, %dma_start3A_98] : memref<16x80xi32, #tpu.memory_space<vmem>> -> memref<1x80xi32, #tpu.memory_space<vmem>>
        %dma_start3A_100 = tpu.memref_squeeze %dma_start3A_99 : memref<1x80xi32, #tpu.memory_space<vmem>> -> memref<80xi32, #tpu.memory_space<vmem>>
        %dma_start3A_101 = arith.constant 0 : i32
        %dma_start3A_102 = arith.constant 0 : i32
        %dma_start3A_103 = tpu.memref_slice %arg2[%dma_start3A_101, %dma_start3A_102] : memref<100000x128xf32, #tpu.memory_space<hbm>> -> memref<100000x128xf32, #tpu.memory_space<hbm>>
        tpu.enqueue_indirect_dma source(%dma_start3A_103 : memref<100000x128xf32, #tpu.memory_space<hbm>>) target(%arg11 : memref<80x128xf32, #tpu.memory_space<vmem>>) offsets(%dma_start3A_100 : memref<80xi32, #tpu.memory_space<vmem>>) semaphore(%arg14 : memref<!tpu.dma_semaphore, #tpu.memory_space<semaphore_mem>>)
        %dma_wait3A_104 = arith.constant 1 : i32
        %dma_wait3A_105 = arith.constant 0 : i32
        %dma_wait3A_106 = tpu.memref_slice %arg9[%dma_wait3A_104, %dma_wait3A_105] : memref<16x80xi32, #tpu.memory_space<vmem>> -> memref<1x80xi32, #tpu.memory_space<vmem>>
        %dma_wait3A_107 = tpu.memref_squeeze %dma_wait3A_106 : memref<1x80xi32, #tpu.memory_space<vmem>> -> memref<80xi32, #tpu.memory_space<vmem>>
        %dma_wait3A_108 = arith.constant 0 : i32
        %dma_wait3A_109 = arith.constant 0 : i32
        %dma_wait3A_110 = tpu.memref_slice %arg2[%dma_wait3A_108, %dma_wait3A_109] : memref<100000x128xf32, #tpu.memory_space<hbm>> -> memref<100000x128xf32, #tpu.memory_space<hbm>>
        tpu.wait_indirect_dma semaphore(%arg15 : memref<!tpu.dma_semaphore, #tpu.memory_space<semaphore_mem>>) src(%dma_wait3A_110 : memref<100000x128xf32, #tpu.memory_space<hbm>>) dst(%arg12 : memref<80x128xf32, #tpu.memory_space<vmem>>)
        %dma_start3A_111 = arith.constant 1 : i32
        %dma_start3A_112 = arith.constant 0 : i32
        %dma_start3A_113 = tpu.memref_slice %arg10[%dma_start3A_111, %dma_start3A_112] : memref<16x80xi32, #tpu.memory_space<vmem>> -> memref<1x80xi32, #tpu.memory_space<vmem>>
        %dma_start3A_114 = tpu.memref_squeeze %dma_start3A_113 : memref<1x80xi32, #tpu.memory_space<vmem>> -> memref<80xi32, #tpu.memory_space<vmem>>
        %dma_start3A_115 = arith.constant 0 : i32
        %dma_start3A_116 = arith.constant 0 : i32
        %dma_start3A_117 = tpu.memref_slice %arg13[%dma_start3A_115, %dma_start3A_116] : memref<10000x128xf32, #tpu.memory_space<vmem_shared>> -> memref<10000x128xf32, #tpu.memory_space<vmem_shared>>
        tpu.enqueue_indirect_dma source(%arg12 : memref<80x128xf32, #tpu.memory_space<vmem>>) target(%dma_start3A_117 : memref<10000x128xf32, #tpu.memory_space<vmem_shared>>) offsets(%dma_start3A_114 : memref<80xi32, #tpu.memory_space<vmem>>) semaphore(%arg17 : memref<!tpu.dma_semaphore, #tpu.memory_space<semaphore_mem>>) {add = true}
        %dma_wait3A_118 = arith.constant 1 : i32
        %dma_wait3A_119 = arith.constant 0 : i32
        %dma_wait3A_120 = tpu.memref_slice %arg10[%dma_wait3A_118, %dma_wait3A_119] : memref<16x80xi32, #tpu.memory_space<vmem>> -> memref<1x80xi32, #tpu.memory_space<vmem>>
        %dma_wait3A_121 = tpu.memref_squeeze %dma_wait3A_120 : memref<1x80xi32, #tpu.memory_space<vmem>> -> memref<80xi32, #tpu.memory_space<vmem>>
        %dma_wait3A_122 = arith.constant 0 : i32
        %dma_wait3A_123 = arith.constant 0 : i32
        %dma_wait3A_124 = tpu.memref_slice %arg13[%dma_wait3A_122, %dma_wait3A_123] : memref<10000x128xf32, #tpu.memory_space<vmem_shared>> -> memref<10000x128xf32, #tpu.memory_space<vmem_shared>>
        tpu.wait_indirect_dma semaphore(%arg17 : memref<!tpu.dma_semaphore, #tpu.memory_space<semaphore_mem>>) src(%arg12 : memref<80x128xf32, #tpu.memory_space<vmem>>) dst(%dma_wait3A_124 : memref<10000x128xf32, #tpu.memory_space<vmem_shared>>)
        %dma_start3A_125 = arith.constant 3 : i32
        %dma_start3A_126 = arith.constant 0 : i32
        %dma_start3A_127 = tpu.memref_slice %arg9[%dma_start3A_125, %dma_start3A_126] : memref<16x80xi32, #tpu.memory_space<vmem>> -> memref<1x80xi32, #tpu.memory_space<vmem>>
        %dma_start3A_128 = tpu.memref_squeeze %dma_start3A_127 : memref<1x80xi32, #tpu.memory_space<vmem>> -> memref<80xi32, #tpu.memory_space<vmem>>
        %dma_start3A_129 = arith.constant 0 : i32
        %dma_start3A_130 = arith.constant 0 : i32
        %dma_start3A_131 = tpu.memref_slice %arg2[%dma_start3A_129, %dma_start3A_130] : memref<100000x128xf32, #tpu.memory_space<hbm>> -> memref<100000x128xf32, #tpu.memory_space<hbm>>
        tpu.enqueue_indirect_dma source(%dma_start3A_131 : memref<100000x128xf32, #tpu.memory_space<hbm>>) target(%arg12 : memref<80x128xf32, #tpu.memory_space<vmem>>) offsets(%dma_start3A_128 : memref<80xi32, #tpu.memory_space<vmem>>) semaphore(%arg15 : memref<!tpu.dma_semaphore, #tpu.memory_space<semaphore_mem>>)
        %dma_wait3A_132 = arith.constant 2 : i32
        %dma_wait3A_133 = arith.constant 0 : i32
        %dma_wait3A_134 = tpu.memref_slice %arg9[%dma_wait3A_132, %dma_wait3A_133] : memref<16x80xi32, #tpu.memory_space<vmem>> -> memref<1x80xi32, #tpu.memory_space<vmem>>
        %dma_wait3A_135 = tpu.memref_squeeze %dma_wait3A_134 : memref<1x80xi32, #tpu.memory_space<vmem>> -> memref<80xi32, #tpu.memory_space<vmem>>
        %dma_wait3A_136 = arith.constant 0 : i32
        %dma_wait3A_137 = arith.constant 0 : i32
        %dma_wait3A_138 = tpu.memref_slice %arg2[%dma_wait3A_136, %dma_wait3A_137] : memref<100000x128xf32, #tpu.memory_space<hbm>> -> memref<100000x128xf32, #tpu.memory_space<hbm>>
        tpu.wait_indirect_dma semaphore(%arg14 : memref<!tpu.dma_semaphore, #tpu.memory_space<semaphore_mem>>) src(%dma_wait3A_138 : memref<100000x128xf32, #tpu.memory_space<hbm>>) dst(%arg11 : memref<80x128xf32, #tpu.memory_space<vmem>>)
        %dma_start3A_139 = arith.constant 2 : i32
        %dma_start3A_140 = arith.constant 0 : i32
        %dma_start3A_141 = tpu.memref_slice %arg10[%dma_start3A_139, %dma_start3A_140] : memref<16x80xi32, #tpu.memory_space<vmem>> -> memref<1x80xi32, #tpu.memory_space<vmem>>
        %dma_start3A_142 = tpu.memref_squeeze %dma_start3A_141 : memref<1x80xi32, #tpu.memory_space<vmem>> -> memref<80xi32, #tpu.memory_space<vmem>>
        %dma_start3A_143 = arith.constant 0 : i32
        %dma_start3A_144 = arith.constant 0 : i32
        %dma_start3A_145 = tpu.memref_slice %arg13[%dma_start3A_143, %dma_start3A_144] : memref<10000x128xf32, #tpu.memory_space<vmem_shared>> -> memref<10000x128xf32, #tpu.memory_space<vmem_shared>>
        tpu.enqueue_indirect_dma source(%arg11 : memref<80x128xf32, #tpu.memory_space<vmem>>) target(%dma_start3A_145 : memref<10000x128xf32, #tpu.memory_space<vmem_shared>>) offsets(%dma_start3A_142 : memref<80xi32, #tpu.memory_space<vmem>>) semaphore(%arg16 : memref<!tpu.dma_semaphore, #tpu.memory_space<semaphore_mem>>) {add = true}
        %dma_wait3A_146 = arith.constant 2 : i32
        %dma_wait3A_147 = arith.constant 0 : i32
        %dma_wait3A_148 = tpu.memref_slice %arg10[%dma_wait3A_146, %dma_wait3A_147] : memref<16x80xi32, #tpu.memory_space<vmem>> -> memref<1x80xi32, #tpu.memory_space<vmem>>
        %dma_wait3A_149 = tpu.memref_squeeze %dma_wait3A_148 : memref<1x80xi32, #tpu.memory_space<vmem>> -> memref<80xi32, #tpu.memory_space<vmem>>
        %dma_wait3A_150 = arith.constant 0 : i32
        %dma_wait3A_151 = arith.constant 0 : i32
        %dma_wait3A_152 = tpu.memref_slice %arg13[%dma_wait3A_150, %dma_wait3A_151] : memref<10000x128xf32, #tpu.memory_space<vmem_shared>> -> memref<10000x128xf32, #tpu.memory_space<vmem_shared>>
        tpu.wait_indirect_dma semaphore(%arg16 : memref<!tpu.dma_semaphore, #tpu.memory_space<semaphore_mem>>) src(%arg11 : memref<80x128xf32, #tpu.memory_space<vmem>>) dst(%dma_wait3A_152 : memref<10000x128xf32, #tpu.memory_space<vmem_shared>>)
        %dma_start3A_153 = arith.constant 4 : i32
        %dma_start3A_154 = arith.constant 0 : i32
        %dma_start3A_155 = tpu.memref_slice %arg9[%dma_start3A_153, %dma_start3A_154] : memref<16x80xi32, #tpu.memory_space<vmem>> -> memref<1x80xi32, #tpu.memory_space<vmem>>
        %dma_start3A_156 = tpu.memref_squeeze %dma_start3A_155 : memref<1x80xi32, #tpu.memory_space<vmem>> -> memref<80xi32, #tpu.memory_space<vmem>>
        %dma_start3A_157 = arith.constant 0 : i32
        %dma_start3A_158 = arith.constant 0 : i32
        %dma_start3A_159 = tpu.memref_slice %arg2[%dma_start3A_157, %dma_start3A_158] : memref<100000x128xf32, #tpu.memory_space<hbm>> -> memref<100000x128xf32, #tpu.memory_space<hbm>>
        tpu.enqueue_indirect_dma source(%dma_start3A_159 : memref<100000x128xf32, #tpu.memory_space<hbm>>) target(%arg11 : memref<80x128xf32, #tpu.memory_space<vmem>>) offsets(%dma_start3A_156 : memref<80xi32, #tpu.memory_space<vmem>>) semaphore(%arg14 : memref<!tpu.dma_semaphore, #tpu.memory_space<semaphore_mem>>)
        %dma_wait3A_160 = arith.constant 3 : i32
        %dma_wait3A_161 = arith.constant 0 : i32
        %dma_wait3A_162 = tpu.memref_slice %arg9[%dma_wait3A_160, %dma_wait3A_161] : memref<16x80xi32, #tpu.memory_space<vmem>> -> memref<1x80xi32, #tpu.memory_space<vmem>>
        %dma_wait3A_163 = tpu.memref_squeeze %dma_wait3A_162 : memref<1x80xi32, #tpu.memory_space<vmem>> -> memref<80xi32, #tpu.memory_space<vmem>>
        %dma_wait3A_164 = arith.constant 0 : i32
        %dma_wait3A_165 = arith.constant 0 : i32
        %dma_wait3A_166 = tpu.memref_slice %arg2[%dma_wait3A_164, %dma_wait3A_165] : memref<100000x128xf32, #tpu.memory_space<hbm>> -> memref<100000x128xf32, #tpu.memory_space<hbm>>
        tpu.wait_indirect_dma semaphore(%arg15 : memref<!tpu.dma_semaphore, #tpu.memory_space<semaphore_mem>>) src(%dma_wait3A_166 : memref<100000x128xf32, #tpu.memory_space<hbm>>) dst(%arg12 : memref<80x128xf32, #tpu.memory_space<vmem>>)
        %dma_start3A_167 = arith.constant 3 : i32
        %dma_start3A_168 = arith.constant 0 : i32
        %dma_start3A_169 = tpu.memref_slice %arg10[%dma_start3A_167, %dma_start3A_168] : memref<16x80xi32, #tpu.memory_space<vmem>> -> memref<1x80xi32, #tpu.memory_space<vmem>>
        %dma_start3A_170 = tpu.memref_squeeze %dma_start3A_169 : memref<1x80xi32, #tpu.memory_space<vmem>> -> memref<80xi32, #tpu.memory_space<vmem>>
        %dma_start3A_171 = arith.constant 0 : i32
        %dma_start3A_172 = arith.constant 0 : i32
        %dma_start3A_173 = tpu.memref_slice %arg13[%dma_start3A_171, %dma_start3A_172] : memref<10000x128xf32, #tpu.memory_space<vmem_shared>> -> memref<10000x128xf32, #tpu.memory_space<vmem_shared>>
        tpu.enqueue_indirect_dma source(%arg12 : memref<80x128xf32, #tpu.memory_space<vmem>>) target(%dma_start3A_173 : memref<10000x128xf32, #tpu.memory_space<vmem_shared>>) offsets(%dma_start3A_170 : memref<80xi32, #tpu.memory_space<vmem>>) semaphore(%arg17 : memref<!tpu.dma_semaphore, #tpu.memory_space<semaphore_mem>>) {add = true}
        %dma_wait3A_174 = arith.constant 3 : i32
        %dma_wait3A_175 = arith.constant 0 : i32
        %dma_wait3A_176 = tpu.memref_slice %arg10[%dma_wait3A_174, %dma_wait3A_175] : memref<16x80xi32, #tpu.memory_space<vmem>> -> memref<1x80xi32, #tpu.memory_space<vmem>>
        %dma_wait3A_177 = tpu.memref_squeeze %dma_wait3A_176 : memref<1x80xi32, #tpu.memory_space<vmem>> -> memref<80xi32, #tpu.memory_space<vmem>>
        %dma_wait3A_178 = arith.constant 0 : i32
        %dma_wait3A_179 = arith.constant 0 : i32
        %dma_wait3A_180 = tpu.memref_slice %arg13[%dma_wait3A_178, %dma_wait3A_179] : memref<10000x128xf32, #tpu.memory_space<vmem_shared>> -> memref<10000x128xf32, #tpu.memory_space<vmem_shared>>
        tpu.wait_indirect_dma semaphore(%arg17 : memref<!tpu.dma_semaphore, #tpu.memory_space<semaphore_mem>>) src(%arg12 : memref<80x128xf32, #tpu.memory_space<vmem>>) dst(%dma_wait3A_180 : memref<10000x128xf32, #tpu.memory_space<vmem_shared>>)
        %dma_start3A_181 = arith.constant 5 : i32
        %dma_start3A_182 = arith.constant 0 : i32
        %dma_start3A_183 = tpu.memref_slice %arg9[%dma_start3A_181, %dma_start3A_182] : memref<16x80xi32, #tpu.memory_space<vmem>> -> memref<1x80xi32, #tpu.memory_space<vmem>>
        %dma_start3A_184 = tpu.memref_squeeze %dma_start3A_183 : memref<1x80xi32, #tpu.memory_space<vmem>> -> memref<80xi32, #tpu.memory_space<vmem>>
        %dma_start3A_185 = arith.constant 0 : i32
        %dma_start3A_186 = arith.constant 0 : i32
        %dma_start3A_187 = tpu.memref_slice %arg2[%dma_start3A_185, %dma_start3A_186] : memref<100000x128xf32, #tpu.memory_space<hbm>> -> memref<100000x128xf32, #tpu.memory_space<hbm>>
        tpu.enqueue_indirect_dma source(%dma_start3A_187 : memref<100000x128xf32, #tpu.memory_space<hbm>>) target(%arg12 : memref<80x128xf32, #tpu.memory_space<vmem>>) offsets(%dma_start3A_184 : memref<80xi32, #tpu.memory_space<vmem>>) semaphore(%arg15 : memref<!tpu.dma_semaphore, #tpu.memory_space<semaphore_mem>>)
        %dma_wait3A_188 = arith.constant 4 : i32
        %dma_wait3A_189 = arith.constant 0 : i32
        %dma_wait3A_190 = tpu.memref_slice %arg9[%dma_wait3A_188, %dma_wait3A_189] : memref<16x80xi32, #tpu.memory_space<vmem>> -> memref<1x80xi32, #tpu.memory_space<vmem>>
        %dma_wait3A_191 = tpu.memref_squeeze %dma_wait3A_190 : memref<1x80xi32, #tpu.memory_space<vmem>> -> memref<80xi32, #tpu.memory_space<vmem>>
        %dma_wait3A_192 = arith.constant 0 : i32
        %dma_wait3A_193 = arith.constant 0 : i32
        %dma_wait3A_194 = tpu.memref_slice %arg2[%dma_wait3A_192, %dma_wait3A_193] : memref<100000x128xf32, #tpu.memory_space<hbm>> -> memref<100000x128xf32, #tpu.memory_space<hbm>>
        tpu.wait_indirect_dma semaphore(%arg14 : memref<!tpu.dma_semaphore, #tpu.memory_space<semaphore_mem>>) src(%dma_wait3A_194 : memref<100000x128xf32, #tpu.memory_space<hbm>>) dst(%arg11 : memref<80x128xf32, #tpu.memory_space<vmem>>)
        %dma_start3A_195 = arith.constant 4 : i32
        %dma_start3A_196 = arith.constant 0 : i32
        %dma_start3A_197 = tpu.memref_slice %arg10[%dma_start3A_195, %dma_start3A_196] : memref<16x80xi32, #tpu.memory_space<vmem>> -> memref<1x80xi32, #tpu.memory_space<vmem>>
        %dma_start3A_198 = tpu.memref_squeeze %dma_start3A_197 : memref<1x80xi32, #tpu.memory_space<vmem>> -> memref<80xi32, #tpu.memory_space<vmem>>
        %dma_start3A_199 = arith.constant 0 : i32
        %dma_start3A_200 = arith.constant 0 : i32
        %dma_start3A_201 = tpu.memref_slice %arg13[%dma_start3A_199, %dma_start3A_200] : memref<10000x128xf32, #tpu.memory_space<vmem_shared>> -> memref<10000x128xf32, #tpu.memory_space<vmem_shared>>
        tpu.enqueue_indirect_dma source(%arg11 : memref<80x128xf32, #tpu.memory_space<vmem>>) target(%dma_start3A_201 : memref<10000x128xf32, #tpu.memory_space<vmem_shared>>) offsets(%dma_start3A_198 : memref<80xi32, #tpu.memory_space<vmem>>) semaphore(%arg16 : memref<!tpu.dma_semaphore, #tpu.memory_space<semaphore_mem>>) {add = true}
        %dma_wait3A_202 = arith.constant 4 : i32
        %dma_wait3A_203 = arith.constant 0 : i32
        %dma_wait3A_204 = tpu.memref_slice %arg10[%dma_wait3A_202, %dma_wait3A_203] : memref<16x80xi32, #tpu.memory_space<vmem>> -> memref<1x80xi32, #tpu.memory_space<vmem>>
        %dma_wait3A_205 = tpu.memref_squeeze %dma_wait3A_204 : memref<1x80xi32, #tpu.memory_space<vmem>> -> memref<80xi32, #tpu.memory_space<vmem>>
        %dma_wait3A_206 = arith.constant 0 : i32
        %dma_wait3A_207 = arith.constant 0 : i32
        %dma_wait3A_208 = tpu.memref_slice %arg13[%dma_wait3A_206, %dma_wait3A_207] : memref<10000x128xf32, #tpu.memory_space<vmem_shared>> -> memref<10000x128xf32, #tpu.memory_space<vmem_shared>>
        tpu.wait_indirect_dma semaphore(%arg16 : memref<!tpu.dma_semaphore, #tpu.memory_space<semaphore_mem>>) src(%arg11 : memref<80x128xf32, #tpu.memory_space<vmem>>) dst(%dma_wait3A_208 : memref<10000x128xf32, #tpu.memory_space<vmem_shared>>)
        %dma_start3A_209 = arith.constant 6 : i32
        %dma_start3A_210 = arith.constant 0 : i32
        %dma_start3A_211 = tpu.memref_slice %arg9[%dma_start3A_209, %dma_start3A_210] : memref<16x80xi32, #tpu.memory_space<vmem>> -> memref<1x80xi32, #tpu.memory_space<vmem>>
        %dma_start3A_212 = tpu.memref_squeeze %dma_start3A_211 : memref<1x80xi32, #tpu.memory_space<vmem>> -> memref<80xi32, #tpu.memory_space<vmem>>
        %dma_start3A_213 = arith.constant 0 : i32
        %dma_start3A_214 = arith.constant 0 : i32
        %dma_start3A_215 = tpu.memref_slice %arg2[%dma_start3A_213, %dma_start3A_214] : memref<100000x128xf32, #tpu.memory_space<hbm>> -> memref<100000x128xf32, #tpu.memory_space<hbm>>
        tpu.enqueue_indirect_dma source(%dma_start3A_215 : memref<100000x128xf32, #tpu.memory_space<hbm>>) target(%arg11 : memref<80x128xf32, #tpu.memory_space<vmem>>) offsets(%dma_start3A_212 : memref<80xi32, #tpu.memory_space<vmem>>) semaphore(%arg14 : memref<!tpu.dma_semaphore, #tpu.memory_space<semaphore_mem>>)
        %dma_wait3A_216 = arith.constant 5 : i32
        %dma_wait3A_217 = arith.constant 0 : i32
        %dma_wait3A_218 = tpu.memref_slice %arg9[%dma_wait3A_216, %dma_wait3A_217] : memref<16x80xi32, #tpu.memory_space<vmem>> -> memref<1x80xi32, #tpu.memory_space<vmem>>
        %dma_wait3A_219 = tpu.memref_squeeze %dma_wait3A_218 : memref<1x80xi32, #tpu.memory_space<vmem>> -> memref<80xi32, #tpu.memory_space<vmem>>
        %dma_wait3A_220 = arith.constant 0 : i32
        %dma_wait3A_221 = arith.constant 0 : i32
        %dma_wait3A_222 = tpu.memref_slice %arg2[%dma_wait3A_220, %dma_wait3A_221] : memref<100000x128xf32, #tpu.memory_space<hbm>> -> memref<100000x128xf32, #tpu.memory_space<hbm>>
        tpu.wait_indirect_dma semaphore(%arg15 : memref<!tpu.dma_semaphore, #tpu.memory_space<semaphore_mem>>) src(%dma_wait3A_222 : memref<100000x128xf32, #tpu.memory_space<hbm>>) dst(%arg12 : memref<80x128xf32, #tpu.memory_space<vmem>>)
        %dma_start3A_223 = arith.constant 5 : i32
        %dma_start3A_224 = arith.constant 0 : i32
        %dma_start3A_225 = tpu.memref_slice %arg10[%dma_start3A_223, %dma_start3A_224] : memref<16x80xi32, #tpu.memory_space<vmem>> -> memref<1x80xi32, #tpu.memory_space<vmem>>
        %dma_start3A_226 = tpu.memref_squeeze %dma_start3A_225 : memref<1x80xi32, #tpu.memory_space<vmem>> -> memref<80xi32, #tpu.memory_space<vmem>>
        %dma_start3A_227 = arith.constant 0 : i32
        %dma_start3A_228 = arith.constant 0 : i32
        %dma_start3A_229 = tpu.memref_slice %arg13[%dma_start3A_227, %dma_start3A_228] : memref<10000x128xf32, #tpu.memory_space<vmem_shared>> -> memref<10000x128xf32, #tpu.memory_space<vmem_shared>>
        tpu.enqueue_indirect_dma source(%arg12 : memref<80x128xf32, #tpu.memory_space<vmem>>) target(%dma_start3A_229 : memref<10000x128xf32, #tpu.memory_space<vmem_shared>>) offsets(%dma_start3A_226 : memref<80xi32, #tpu.memory_space<vmem>>) semaphore(%arg17 : memref<!tpu.dma_semaphore, #tpu.memory_space<semaphore_mem>>) {add = true}
        %dma_wait3A_230 = arith.constant 5 : i32
        %dma_wait3A_231 = arith.constant 0 : i32
        %dma_wait3A_232 = tpu.memref_slice %arg10[%dma_wait3A_230, %dma_wait3A_231] : memref<16x80xi32, #tpu.memory_space<vmem>> -> memref<1x80xi32, #tpu.memory_space<vmem>>
        %dma_wait3A_233 = tpu.memref_squeeze %dma_wait3A_232 : memref<1x80xi32, #tpu.memory_space<vmem>> -> memref<80xi32, #tpu.memory_space<vmem>>
        %dma_wait3A_234 = arith.constant 0 : i32
        %dma_wait3A_235 = arith.constant 0 : i32
        %dma_wait3A_236 = tpu.memref_slice %arg13[%dma_wait3A_234, %dma_wait3A_235] : memref<10000x128xf32, #tpu.memory_space<vmem_shared>> -> memref<10000x128xf32, #tpu.memory_space<vmem_shared>>
        tpu.wait_indirect_dma semaphore(%arg17 : memref<!tpu.dma_semaphore, #tpu.memory_space<semaphore_mem>>) src(%arg12 : memref<80x128xf32, #tpu.memory_space<vmem>>) dst(%dma_wait3A_236 : memref<10000x128xf32, #tpu.memory_space<vmem_shared>>)
        %dma_start3A_237 = arith.constant 7 : i32
        %dma_start3A_238 = arith.constant 0 : i32
        %dma_start3A_239 = tpu.memref_slice %arg9[%dma_start3A_237, %dma_start3A_238] : memref<16x80xi32, #tpu.memory_space<vmem>> -> memref<1x80xi32, #tpu.memory_space<vmem>>
        %dma_start3A_240 = tpu.memref_squeeze %dma_start3A_239 : memref<1x80xi32, #tpu.memory_space<vmem>> -> memref<80xi32, #tpu.memory_space<vmem>>
        %dma_start3A_241 = arith.constant 0 : i32
        %dma_start3A_242 = arith.constant 0 : i32
        %dma_start3A_243 = tpu.memref_slice %arg2[%dma_start3A_241, %dma_start3A_242] : memref<100000x128xf32, #tpu.memory_space<hbm>> -> memref<100000x128xf32, #tpu.memory_space<hbm>>
        tpu.enqueue_indirect_dma source(%dma_start3A_243 : memref<100000x128xf32, #tpu.memory_space<hbm>>) target(%arg12 : memref<80x128xf32, #tpu.memory_space<vmem>>) offsets(%dma_start3A_240 : memref<80xi32, #tpu.memory_space<vmem>>) semaphore(%arg15 : memref<!tpu.dma_semaphore, #tpu.memory_space<semaphore_mem>>)
        %dma_wait3A_244 = arith.constant 6 : i32
        %dma_wait3A_245 = arith.constant 0 : i32
        %dma_wait3A_246 = tpu.memref_slice %arg9[%dma_wait3A_244, %dma_wait3A_245] : memref<16x80xi32, #tpu.memory_space<vmem>> -> memref<1x80xi32, #tpu.memory_space<vmem>>
        %dma_wait3A_247 = tpu.memref_squeeze %dma_wait3A_246 : memref<1x80xi32, #tpu.memory_space<vmem>> -> memref<80xi32, #tpu.memory_space<vmem>>
        %dma_wait3A_248 = arith.constant 0 : i32
        %dma_wait3A_249 = arith.constant 0 : i32
        %dma_wait3A_250 = tpu.memref_slice %arg2[%dma_wait3A_248, %dma_wait3A_249] : memref<100000x128xf32, #tpu.memory_space<hbm>> -> memref<100000x128xf32, #tpu.memory_space<hbm>>
        tpu.wait_indirect_dma semaphore(%arg14 : memref<!tpu.dma_semaphore, #tpu.memory_space<semaphore_mem>>) src(%dma_wait3A_250 : memref<100000x128xf32, #tpu.memory_space<hbm>>) dst(%arg11 : memref<80x128xf32, #tpu.memory_space<vmem>>)
        %dma_start3A_251 = arith.constant 6 : i32
        %dma_start3A_252 = arith.constant 0 : i32
        %dma_start3A_253 = tpu.memref_slice %arg10[%dma_start3A_251, %dma_start3A_252] : memref<16x80xi32, #tpu.memory_space<vmem>> -> memref<1x80xi32, #tpu.memory_space<vmem>>
        %dma_start3A_254 = tpu.memref_squeeze %dma_start3A_253 : memref<1x80xi32, #tpu.memory_space<vmem>> -> memref<80xi32, #tpu.memory_space<vmem>>
        %dma_start3A_255 = arith.constant 0 : i32
        %dma_start3A_256 = arith.constant 0 : i32
        %dma_start3A_257 = tpu.memref_slice %arg13[%dma_start3A_255, %dma_start3A_256] : memref<10000x128xf32, #tpu.memory_space<vmem_shared>> -> memref<10000x128xf32, #tpu.memory_space<vmem_shared>>
        tpu.enqueue_indirect_dma source(%arg11 : memref<80x128xf32, #tpu.memory_space<vmem>>) target(%dma_start3A_257 : memref<10000x128xf32, #tpu.memory_space<vmem_shared>>) offsets(%dma_start3A_254 : memref<80xi32, #tpu.memory_space<vmem>>) semaphore(%arg16 : memref<!tpu.dma_semaphore, #tpu.memory_space<semaphore_mem>>) {add = true}
        %dma_wait3A_258 = arith.constant 6 : i32
        %dma_wait3A_259 = arith.constant 0 : i32
        %dma_wait3A_260 = tpu.memref_slice %arg10[%dma_wait3A_258, %dma_wait3A_259] : memref<16x80xi32, #tpu.memory_space<vmem>> -> memref<1x80xi32, #tpu.memory_space<vmem>>
        %dma_wait3A_261 = tpu.memref_squeeze %dma_wait3A_260 : memref<1x80xi32, #tpu.memory_space<vmem>> -> memref<80xi32, #tpu.memory_space<vmem>>
        %dma_wait3A_262 = arith.constant 0 : i32
        %dma_wait3A_263 = arith.constant 0 : i32
        %dma_wait3A_264 = tpu.memref_slice %arg13[%dma_wait3A_262, %dma_wait3A_263] : memref<10000x128xf32, #tpu.memory_space<vmem_shared>> -> memref<10000x128xf32, #tpu.memory_space<vmem_shared>>
        tpu.wait_indirect_dma semaphore(%arg16 : memref<!tpu.dma_semaphore, #tpu.memory_space<semaphore_mem>>) src(%arg11 : memref<80x128xf32, #tpu.memory_space<vmem>>) dst(%dma_wait3A_264 : memref<10000x128xf32, #tpu.memory_space<vmem_shared>>)
        %dma_start3A_265 = arith.constant 8 : i32
        %dma_start3A_266 = arith.constant 0 : i32
        %dma_start3A_267 = tpu.memref_slice %arg9[%dma_start3A_265, %dma_start3A_266] : memref<16x80xi32, #tpu.memory_space<vmem>> -> memref<1x80xi32, #tpu.memory_space<vmem>>
        %dma_start3A_268 = tpu.memref_squeeze %dma_start3A_267 : memref<1x80xi32, #tpu.memory_space<vmem>> -> memref<80xi32, #tpu.memory_space<vmem>>
        %dma_start3A_269 = arith.constant 0 : i32
        %dma_start3A_270 = arith.constant 0 : i32
        %dma_start3A_271 = tpu.memref_slice %arg2[%dma_start3A_269, %dma_start3A_270] : memref<100000x128xf32, #tpu.memory_space<hbm>> -> memref<100000x128xf32, #tpu.memory_space<hbm>>
        tpu.enqueue_indirect_dma source(%dma_start3A_271 : memref<100000x128xf32, #tpu.memory_space<hbm>>) target(%arg11 : memref<80x128xf32, #tpu.memory_space<vmem>>) offsets(%dma_start3A_268 : memref<80xi32, #tpu.memory_space<vmem>>) semaphore(%arg14 : memref<!tpu.dma_semaphore, #tpu.memory_space<semaphore_mem>>)
        %dma_wait3A_272 = arith.constant 7 : i32
        %dma_wait3A_273 = arith.constant 0 : i32
        %dma_wait3A_274 = tpu.memref_slice %arg9[%dma_wait3A_272, %dma_wait3A_273] : memref<16x80xi32, #tpu.memory_space<vmem>> -> memref<1x80xi32, #tpu.memory_space<vmem>>
        %dma_wait3A_275 = tpu.memref_squeeze %dma_wait3A_274 : memref<1x80xi32, #tpu.memory_space<vmem>> -> memref<80xi32, #tpu.memory_space<vmem>>
        %dma_wait3A_276 = arith.constant 0 : i32
        %dma_wait3A_277 = arith.constant 0 : i32
        %dma_wait3A_278 = tpu.memref_slice %arg2[%dma_wait3A_276, %dma_wait3A_277] : memref<100000x128xf32, #tpu.memory_space<hbm>> -> memref<100000x128xf32, #tpu.memory_space<hbm>>
        tpu.wait_indirect_dma semaphore(%arg15 : memref<!tpu.dma_semaphore, #tpu.memory_space<semaphore_mem>>) src(%dma_wait3A_278 : memref<100000x128xf32, #tpu.memory_space<hbm>>) dst(%arg12 : memref<80x128xf32, #tpu.memory_space<vmem>>)
        %dma_start3A_279 = arith.constant 7 : i32
        %dma_start3A_280 = arith.constant 0 : i32
        %dma_start3A_281 = tpu.memref_slice %arg10[%dma_start3A_279, %dma_start3A_280] : memref<16x80xi32, #tpu.memory_space<vmem>> -> memref<1x80xi32, #tpu.memory_space<vmem>>
        %dma_start3A_282 = tpu.memref_squeeze %dma_start3A_281 : memref<1x80xi32, #tpu.memory_space<vmem>> -> memref<80xi32, #tpu.memory_space<vmem>>
        %dma_start3A_283 = arith.constant 0 : i32
        %dma_start3A_284 = arith.constant 0 : i32
        %dma_start3A_285 = tpu.memref_slice %arg13[%dma_start3A_283, %dma_start3A_284] : memref<10000x128xf32, #tpu.memory_space<vmem_shared>> -> memref<10000x128xf32, #tpu.memory_space<vmem_shared>>
        tpu.enqueue_indirect_dma source(%arg12 : memref<80x128xf32, #tpu.memory_space<vmem>>) target(%dma_start3A_285 : memref<10000x128xf32, #tpu.memory_space<vmem_shared>>) offsets(%dma_start3A_282 : memref<80xi32, #tpu.memory_space<vmem>>) semaphore(%arg17 : memref<!tpu.dma_semaphore, #tpu.memory_space<semaphore_mem>>) {add = true}
        %dma_wait3A_286 = arith.constant 7 : i32
        %dma_wait3A_287 = arith.constant 0 : i32
        %dma_wait3A_288 = tpu.memref_slice %arg10[%dma_wait3A_286, %dma_wait3A_287] : memref<16x80xi32, #tpu.memory_space<vmem>> -> memref<1x80xi32, #tpu.memory_space<vmem>>
        %dma_wait3A_289 = tpu.memref_squeeze %dma_wait3A_288 : memref<1x80xi32, #tpu.memory_space<vmem>> -> memref<80xi32, #tpu.memory_space<vmem>>
        %dma_wait3A_290 = arith.constant 0 : i32
        %dma_wait3A_291 = arith.constant 0 : i32
        %dma_wait3A_292 = tpu.memref_slice %arg13[%dma_wait3A_290, %dma_wait3A_291] : memref<10000x128xf32, #tpu.memory_space<vmem_shared>> -> memref<10000x128xf32, #tpu.memory_space<vmem_shared>>
        tpu.wait_indirect_dma semaphore(%arg17 : memref<!tpu.dma_semaphore, #tpu.memory_space<semaphore_mem>>) src(%arg12 : memref<80x128xf32, #tpu.memory_space<vmem>>) dst(%dma_wait3A_292 : memref<10000x128xf32, #tpu.memory_space<vmem_shared>>)
        %dma_start3A_293 = arith.constant 9 : i32
        %dma_start3A_294 = arith.constant 0 : i32
        %dma_start3A_295 = tpu.memref_slice %arg9[%dma_start3A_293, %dma_start3A_294] : memref<16x80xi32, #tpu.memory_space<vmem>> -> memref<1x80xi32, #tpu.memory_space<vmem>>
        %dma_start3A_296 = tpu.memref_squeeze %dma_start3A_295 : memref<1x80xi32, #tpu.memory_space<vmem>> -> memref<80xi32, #tpu.memory_space<vmem>>
        %dma_start3A_297 = arith.constant 0 : i32
        %dma_start3A_298 = arith.constant 0 : i32
        %dma_start3A_299 = tpu.memref_slice %arg2[%dma_start3A_297, %dma_start3A_298] : memref<100000x128xf32, #tpu.memory_space<hbm>> -> memref<100000x128xf32, #tpu.memory_space<hbm>>
        tpu.enqueue_indirect_dma source(%dma_start3A_299 : memref<100000x128xf32, #tpu.memory_space<hbm>>) target(%arg12 : memref<80x128xf32, #tpu.memory_space<vmem>>) offsets(%dma_start3A_296 : memref<80xi32, #tpu.memory_space<vmem>>) semaphore(%arg15 : memref<!tpu.dma_semaphore, #tpu.memory_space<semaphore_mem>>)
        %dma_wait3A_300 = arith.constant 8 : i32
        %dma_wait3A_301 = arith.constant 0 : i32
        %dma_wait3A_302 = tpu.memref_slice %arg9[%dma_wait3A_300, %dma_wait3A_301] : memref<16x80xi32, #tpu.memory_space<vmem>> -> memref<1x80xi32, #tpu.memory_space<vmem>>
        %dma_wait3A_303 = tpu.memref_squeeze %dma_wait3A_302 : memref<1x80xi32, #tpu.memory_space<vmem>> -> memref<80xi32, #tpu.memory_space<vmem>>
        %dma_wait3A_304 = arith.constant 0 : i32
        %dma_wait3A_305 = arith.constant 0 : i32
        %dma_wait3A_306 = tpu.memref_slice %arg2[%dma_wait3A_304, %dma_wait3A_305] : memref<100000x128xf32, #tpu.memory_space<hbm>> -> memref<100000x128xf32, #tpu.memory_space<hbm>>
        tpu.wait_indirect_dma semaphore(%arg14 : memref<!tpu.dma_semaphore, #tpu.memory_space<semaphore_mem>>) src(%dma_wait3A_306 : memref<100000x128xf32, #tpu.memory_space<hbm>>) dst(%arg11 : memref<80x128xf32, #tpu.memory_space<vmem>>)
        %dma_start3A_307 = arith.constant 8 : i32
        %dma_start3A_308 = arith.constant 0 : i32
        %dma_start3A_309 = tpu.memref_slice %arg10[%dma_start3A_307, %dma_start3A_308] : memref<16x80xi32, #tpu.memory_space<vmem>> -> memref<1x80xi32, #tpu.memory_space<vmem>>
        %dma_start3A_310 = tpu.memref_squeeze %dma_start3A_309 : memref<1x80xi32, #tpu.memory_space<vmem>> -> memref<80xi32, #tpu.memory_space<vmem>>
        %dma_start3A_311 = arith.constant 0 : i32
        %dma_start3A_312 = arith.constant 0 : i32
        %dma_start3A_313 = tpu.memref_slice %arg13[%dma_start3A_311, %dma_start3A_312] : memref<10000x128xf32, #tpu.memory_space<vmem_shared>> -> memref<10000x128xf32, #tpu.memory_space<vmem_shared>>
        tpu.enqueue_indirect_dma source(%arg11 : memref<80x128xf32, #tpu.memory_space<vmem>>) target(%dma_start3A_313 : memref<10000x128xf32, #tpu.memory_space<vmem_shared>>) offsets(%dma_start3A_310 : memref<80xi32, #tpu.memory_space<vmem>>) semaphore(%arg16 : memref<!tpu.dma_semaphore, #tpu.memory_space<semaphore_mem>>) {add = true}
        %dma_wait3A_314 = arith.constant 8 : i32
        %dma_wait3A_315 = arith.constant 0 : i32
        %dma_wait3A_316 = tpu.memref_slice %arg10[%dma_wait3A_314, %dma_wait3A_315] : memref<16x80xi32, #tpu.memory_space<vmem>> -> memref<1x80xi32, #tpu.memory_space<vmem>>
        %dma_wait3A_317 = tpu.memref_squeeze %dma_wait3A_316 : memref<1x80xi32, #tpu.memory_space<vmem>> -> memref<80xi32, #tpu.memory_space<vmem>>
        %dma_wait3A_318 = arith.constant 0 : i32
        %dma_wait3A_319 = arith.constant 0 : i32
        %dma_wait3A_320 = tpu.memref_slice %arg13[%dma_wait3A_318, %dma_wait3A_319] : memref<10000x128xf32, #tpu.memory_space<vmem_shared>> -> memref<10000x128xf32, #tpu.memory_space<vmem_shared>>
        tpu.wait_indirect_dma semaphore(%arg16 : memref<!tpu.dma_semaphore, #tpu.memory_space<semaphore_mem>>) src(%arg11 : memref<80x128xf32, #tpu.memory_space<vmem>>) dst(%dma_wait3A_320 : memref<10000x128xf32, #tpu.memory_space<vmem_shared>>)
        %dma_start3A_321 = arith.constant 10 : i32
        %dma_start3A_322 = arith.constant 0 : i32
        %dma_start3A_323 = tpu.memref_slice %arg9[%dma_start3A_321, %dma_start3A_322] : memref<16x80xi32, #tpu.memory_space<vmem>> -> memref<1x80xi32, #tpu.memory_space<vmem>>
        %dma_start3A_324 = tpu.memref_squeeze %dma_start3A_323 : memref<1x80xi32, #tpu.memory_space<vmem>> -> memref<80xi32, #tpu.memory_space<vmem>>
        %dma_start3A_325 = arith.constant 0 : i32
        %dma_start3A_326 = arith.constant 0 : i32
        %dma_start3A_327 = tpu.memref_slice %arg2[%dma_start3A_325, %dma_start3A_326] : memref<100000x128xf32, #tpu.memory_space<hbm>> -> memref<100000x128xf32, #tpu.memory_space<hbm>>
        tpu.enqueue_indirect_dma source(%dma_start3A_327 : memref<100000x128xf32, #tpu.memory_space<hbm>>) target(%arg11 : memref<80x128xf32, #tpu.memory_space<vmem>>) offsets(%dma_start3A_324 : memref<80xi32, #tpu.memory_space<vmem>>) semaphore(%arg14 : memref<!tpu.dma_semaphore, #tpu.memory_space<semaphore_mem>>)
        %dma_wait3A_328 = arith.constant 9 : i32
        %dma_wait3A_329 = arith.constant 0 : i32
        %dma_wait3A_330 = tpu.memref_slice %arg9[%dma_wait3A_328, %dma_wait3A_329] : memref<16x80xi32, #tpu.memory_space<vmem>> -> memref<1x80xi32, #tpu.memory_space<vmem>>
        %dma_wait3A_331 = tpu.memref_squeeze %dma_wait3A_330 : memref<1x80xi32, #tpu.memory_space<vmem>> -> memref<80xi32, #tpu.memory_space<vmem>>
        %dma_wait3A_332 = arith.constant 0 : i32
        %dma_wait3A_333 = arith.constant 0 : i32
        %dma_wait3A_334 = tpu.memref_slice %arg2[%dma_wait3A_332, %dma_wait3A_333] : memref<100000x128xf32, #tpu.memory_space<hbm>> -> memref<100000x128xf32, #tpu.memory_space<hbm>>
        tpu.wait_indirect_dma semaphore(%arg15 : memref<!tpu.dma_semaphore, #tpu.memory_space<semaphore_mem>>) src(%dma_wait3A_334 : memref<100000x128xf32, #tpu.memory_space<hbm>>) dst(%arg12 : memref<80x128xf32, #tpu.memory_space<vmem>>)
        %dma_start3A_335 = arith.constant 9 : i32
        %dma_start3A_336 = arith.constant 0 : i32
        %dma_start3A_337 = tpu.memref_slice %arg10[%dma_start3A_335, %dma_start3A_336] : memref<16x80xi32, #tpu.memory_space<vmem>> -> memref<1x80xi32, #tpu.memory_space<vmem>>
        %dma_start3A_338 = tpu.memref_squeeze %dma_start3A_337 : memref<1x80xi32, #tpu.memory_space<vmem>> -> memref<80xi32, #tpu.memory_space<vmem>>
        %dma_start3A_339 = arith.constant 0 : i32
        %dma_start3A_340 = arith.constant 0 : i32
        %dma_start3A_341 = tpu.memref_slice %arg13[%dma_start3A_339, %dma_start3A_340] : memref<10000x128xf32, #tpu.memory_space<vmem_shared>> -> memref<10000x128xf32, #tpu.memory_space<vmem_shared>>
        tpu.enqueue_indirect_dma source(%arg12 : memref<80x128xf32, #tpu.memory_space<vmem>>) target(%dma_start3A_341 : memref<10000x128xf32, #tpu.memory_space<vmem_shared>>) offsets(%dma_start3A_338 : memref<80xi32, #tpu.memory_space<vmem>>) semaphore(%arg17 : memref<!tpu.dma_semaphore, #tpu.memory_space<semaphore_mem>>) {add = true}
        %dma_wait3A_342 = arith.constant 9 : i32
        %dma_wait3A_343 = arith.constant 0 : i32
        %dma_wait3A_344 = tpu.memref_slice %arg10[%dma_wait3A_342, %dma_wait3A_343] : memref<16x80xi32, #tpu.memory_space<vmem>> -> memref<1x80xi32, #tpu.memory_space<vmem>>
        %dma_wait3A_345 = tpu.memref_squeeze %dma_wait3A_344 : memref<1x80xi32, #tpu.memory_space<vmem>> -> memref<80xi32, #tpu.memory_space<vmem>>
        %dma_wait3A_346 = arith.constant 0 : i32
        %dma_wait3A_347 = arith.constant 0 : i32
        %dma_wait3A_348 = tpu.memref_slice %arg13[%dma_wait3A_346, %dma_wait3A_347] : memref<10000x128xf32, #tpu.memory_space<vmem_shared>> -> memref<10000x128xf32, #tpu.memory_space<vmem_shared>>
        tpu.wait_indirect_dma semaphore(%arg17 : memref<!tpu.dma_semaphore, #tpu.memory_space<semaphore_mem>>) src(%arg12 : memref<80x128xf32, #tpu.memory_space<vmem>>) dst(%dma_wait3A_348 : memref<10000x128xf32, #tpu.memory_space<vmem_shared>>)
        %dma_start3A_349 = arith.constant 11 : i32
        %dma_start3A_350 = arith.constant 0 : i32
        %dma_start3A_351 = tpu.memref_slice %arg9[%dma_start3A_349, %dma_start3A_350] : memref<16x80xi32, #tpu.memory_space<vmem>> -> memref<1x80xi32, #tpu.memory_space<vmem>>
        %dma_start3A_352 = tpu.memref_squeeze %dma_start3A_351 : memref<1x80xi32, #tpu.memory_space<vmem>> -> memref<80xi32, #tpu.memory_space<vmem>>
        %dma_start3A_353 = arith.constant 0 : i32
        %dma_start3A_354 = arith.constant 0 : i32
        %dma_start3A_355 = tpu.memref_slice %arg2[%dma_start3A_353, %dma_start3A_354] : memref<100000x128xf32, #tpu.memory_space<hbm>> -> memref<100000x128xf32, #tpu.memory_space<hbm>>
        tpu.enqueue_indirect_dma source(%dma_start3A_355 : memref<100000x128xf32, #tpu.memory_space<hbm>>) target(%arg12 : memref<80x128xf32, #tpu.memory_space<vmem>>) offsets(%dma_start3A_352 : memref<80xi32, #tpu.memory_space<vmem>>) semaphore(%arg15 : memref<!tpu.dma_semaphore, #tpu.memory_space<semaphore_mem>>)
        %dma_wait3A_356 = arith.constant 10 : i32
        %dma_wait3A_357 = arith.constant 0 : i32
        %dma_wait3A_358 = tpu.memref_slice %arg9[%dma_wait3A_356, %dma_wait3A_357] : memref<16x80xi32, #tpu.memory_space<vmem>> -> memref<1x80xi32, #tpu.memory_space<vmem>>
        %dma_wait3A_359 = tpu.memref_squeeze %dma_wait3A_358 : memref<1x80xi32, #tpu.memory_space<vmem>> -> memref<80xi32, #tpu.memory_space<vmem>>
        %dma_wait3A_360 = arith.constant 0 : i32
        %dma_wait3A_361 = arith.constant 0 : i32
        %dma_wait3A_362 = tpu.memref_slice %arg2[%dma_wait3A_360, %dma_wait3A_361] : memref<100000x128xf32, #tpu.memory_space<hbm>> -> memref<100000x128xf32, #tpu.memory_space<hbm>>
        tpu.wait_indirect_dma semaphore(%arg14 : memref<!tpu.dma_semaphore, #tpu.memory_space<semaphore_mem>>) src(%dma_wait3A_362 : memref<100000x128xf32, #tpu.memory_space<hbm>>) dst(%arg11 : memref<80x128xf32, #tpu.memory_space<vmem>>)
        %dma_start3A_363 = arith.constant 10 : i32
        %dma_start3A_364 = arith.constant 0 : i32
        %dma_start3A_365 = tpu.memref_slice %arg10[%dma_start3A_363, %dma_start3A_364] : memref<16x80xi32, #tpu.memory_space<vmem>> -> memref<1x80xi32, #tpu.memory_space<vmem>>
        %dma_start3A_366 = tpu.memref_squeeze %dma_start3A_365 : memref<1x80xi32, #tpu.memory_space<vmem>> -> memref<80xi32, #tpu.memory_space<vmem>>
        %dma_start3A_367 = arith.constant 0 : i32
        %dma_start3A_368 = arith.constant 0 : i32
        %dma_start3A_369 = tpu.memref_slice %arg13[%dma_start3A_367, %dma_start3A_368] : memref<10000x128xf32, #tpu.memory_space<vmem_shared>> -> memref<10000x128xf32, #tpu.memory_space<vmem_shared>>
        tpu.enqueue_indirect_dma source(%arg11 : memref<80x128xf32, #tpu.memory_space<vmem>>) target(%dma_start3A_369 : memref<10000x128xf32, #tpu.memory_space<vmem_shared>>) offsets(%dma_start3A_366 : memref<80xi32, #tpu.memory_space<vmem>>) semaphore(%arg16 : memref<!tpu.dma_semaphore, #tpu.memory_space<semaphore_mem>>) {add = true}
        %dma_wait3A_370 = arith.constant 10 : i32
        %dma_wait3A_371 = arith.constant 0 : i32
        %dma_wait3A_372 = tpu.memref_slice %arg10[%dma_wait3A_370, %dma_wait3A_371] : memref<16x80xi32, #tpu.memory_space<vmem>> -> memref<1x80xi32, #tpu.memory_space<vmem>>
        %dma_wait3A_373 = tpu.memref_squeeze %dma_wait3A_372 : memref<1x80xi32, #tpu.memory_space<vmem>> -> memref<80xi32, #tpu.memory_space<vmem>>
        %dma_wait3A_374 = arith.constant 0 : i32
        %dma_wait3A_375 = arith.constant 0 : i32
        %dma_wait3A_376 = tpu.memref_slice %arg13[%dma_wait3A_374, %dma_wait3A_375] : memref<10000x128xf32, #tpu.memory_space<vmem_shared>> -> memref<10000x128xf32, #tpu.memory_space<vmem_shared>>
        tpu.wait_indirect_dma semaphore(%arg16 : memref<!tpu.dma_semaphore, #tpu.memory_space<semaphore_mem>>) src(%arg11 : memref<80x128xf32, #tpu.memory_space<vmem>>) dst(%dma_wait3A_376 : memref<10000x128xf32, #tpu.memory_space<vmem_shared>>)
        %dma_start3A_377 = arith.constant 12 : i32
        %dma_start3A_378 = arith.constant 0 : i32
        %dma_start3A_379 = tpu.memref_slice %arg9[%dma_start3A_377, %dma_start3A_378] : memref<16x80xi32, #tpu.memory_space<vmem>> -> memref<1x80xi32, #tpu.memory_space<vmem>>
        %dma_start3A_380 = tpu.memref_squeeze %dma_start3A_379 : memref<1x80xi32, #tpu.memory_space<vmem>> -> memref<80xi32, #tpu.memory_space<vmem>>
        %dma_start3A_381 = arith.constant 0 : i32
        %dma_start3A_382 = arith.constant 0 : i32
        %dma_start3A_383 = tpu.memref_slice %arg2[%dma_start3A_381, %dma_start3A_382] : memref<100000x128xf32, #tpu.memory_space<hbm>> -> memref<100000x128xf32, #tpu.memory_space<hbm>>
        tpu.enqueue_indirect_dma source(%dma_start3A_383 : memref<100000x128xf32, #tpu.memory_space<hbm>>) target(%arg11 : memref<80x128xf32, #tpu.memory_space<vmem>>) offsets(%dma_start3A_380 : memref<80xi32, #tpu.memory_space<vmem>>) semaphore(%arg14 : memref<!tpu.dma_semaphore, #tpu.memory_space<semaphore_mem>>)
        %dma_wait3A_384 = arith.constant 11 : i32
        %dma_wait3A_385 = arith.constant 0 : i32
        %dma_wait3A_386 = tpu.memref_slice %arg9[%dma_wait3A_384, %dma_wait3A_385] : memref<16x80xi32, #tpu.memory_space<vmem>> -> memref<1x80xi32, #tpu.memory_space<vmem>>
        %dma_wait3A_387 = tpu.memref_squeeze %dma_wait3A_386 : memref<1x80xi32, #tpu.memory_space<vmem>> -> memref<80xi32, #tpu.memory_space<vmem>>
        %dma_wait3A_388 = arith.constant 0 : i32
        %dma_wait3A_389 = arith.constant 0 : i32
        %dma_wait3A_390 = tpu.memref_slice %arg2[%dma_wait3A_388, %dma_wait3A_389] : memref<100000x128xf32, #tpu.memory_space<hbm>> -> memref<100000x128xf32, #tpu.memory_space<hbm>>
        tpu.wait_indirect_dma semaphore(%arg15 : memref<!tpu.dma_semaphore, #tpu.memory_space<semaphore_mem>>) src(%dma_wait3A_390 : memref<100000x128xf32, #tpu.memory_space<hbm>>) dst(%arg12 : memref<80x128xf32, #tpu.memory_space<vmem>>)
        %dma_start3A_391 = arith.constant 11 : i32
        %dma_start3A_392 = arith.constant 0 : i32
        %dma_start3A_393 = tpu.memref_slice %arg10[%dma_start3A_391, %dma_start3A_392] : memref<16x80xi32, #tpu.memory_space<vmem>> -> memref<1x80xi32, #tpu.memory_space<vmem>>
        %dma_start3A_394 = tpu.memref_squeeze %dma_start3A_393 : memref<1x80xi32, #tpu.memory_space<vmem>> -> memref<80xi32, #tpu.memory_space<vmem>>
        %dma_start3A_395 = arith.constant 0 : i32
        %dma_start3A_396 = arith.constant 0 : i32
        %dma_start3A_397 = tpu.memref_slice %arg13[%dma_start3A_395, %dma_start3A_396] : memref<10000x128xf32, #tpu.memory_space<vmem_shared>> -> memref<10000x128xf32, #tpu.memory_space<vmem_shared>>
        tpu.enqueue_indirect_dma source(%arg12 : memref<80x128xf32, #tpu.memory_space<vmem>>) target(%dma_start3A_397 : memref<10000x128xf32, #tpu.memory_space<vmem_shared>>) offsets(%dma_start3A_394 : memref<80xi32, #tpu.memory_space<vmem>>) semaphore(%arg17 : memref<!tpu.dma_semaphore, #tpu.memory_space<semaphore_mem>>) {add = true}
        %dma_wait3A_398 = arith.constant 11 : i32
        %dma_wait3A_399 = arith.constant 0 : i32
        %dma_wait3A_400 = tpu.memref_slice %arg10[%dma_wait3A_398, %dma_wait3A_399] : memref<16x80xi32, #tpu.memory_space<vmem>> -> memref<1x80xi32, #tpu.memory_space<vmem>>
        %dma_wait3A_401 = tpu.memref_squeeze %dma_wait3A_400 : memref<1x80xi32, #tpu.memory_space<vmem>> -> memref<80xi32, #tpu.memory_space<vmem>>
        %dma_wait3A_402 = arith.constant 0 : i32
        %dma_wait3A_403 = arith.constant 0 : i32
        %dma_wait3A_404 = tpu.memref_slice %arg13[%dma_wait3A_402, %dma_wait3A_403] : memref<10000x128xf32, #tpu.memory_space<vmem_shared>> -> memref<10000x128xf32, #tpu.memory_space<vmem_shared>>
        tpu.wait_indirect_dma semaphore(%arg17 : memref<!tpu.dma_semaphore, #tpu.memory_space<semaphore_mem>>) src(%arg12 : memref<80x128xf32, #tpu.memory_space<vmem>>) dst(%dma_wait3A_404 : memref<10000x128xf32, #tpu.memory_space<vmem_shared>>)
        %dma_start3A_405 = arith.constant 13 : i32
        %dma_start3A_406 = arith.constant 0 : i32
        %dma_start3A_407 = tpu.memref_slice %arg9[%dma_start3A_405, %dma_start3A_406] : memref<16x80xi32, #tpu.memory_space<vmem>> -> memref<1x80xi32, #tpu.memory_space<vmem>>
        %dma_start3A_408 = tpu.memref_squeeze %dma_start3A_407 : memref<1x80xi32, #tpu.memory_space<vmem>> -> memref<80xi32, #tpu.memory_space<vmem>>
        %dma_start3A_409 = arith.constant 0 : i32
        %dma_start3A_410 = arith.constant 0 : i32
        %dma_start3A_411 = tpu.memref_slice %arg2[%dma_start3A_409, %dma_start3A_410] : memref<100000x128xf32, #tpu.memory_space<hbm>> -> memref<100000x128xf32, #tpu.memory_space<hbm>>
        tpu.enqueue_indirect_dma source(%dma_start3A_411 : memref<100000x128xf32, #tpu.memory_space<hbm>>) target(%arg12 : memref<80x128xf32, #tpu.memory_space<vmem>>) offsets(%dma_start3A_408 : memref<80xi32, #tpu.memory_space<vmem>>) semaphore(%arg15 : memref<!tpu.dma_semaphore, #tpu.memory_space<semaphore_mem>>)
        %dma_wait3A_412 = arith.constant 12 : i32
        %dma_wait3A_413 = arith.constant 0 : i32
        %dma_wait3A_414 = tpu.memref_slice %arg9[%dma_wait3A_412, %dma_wait3A_413] : memref<16x80xi32, #tpu.memory_space<vmem>> -> memref<1x80xi32, #tpu.memory_space<vmem>>
        %dma_wait3A_415 = tpu.memref_squeeze %dma_wait3A_414 : memref<1x80xi32, #tpu.memory_space<vmem>> -> memref<80xi32, #tpu.memory_space<vmem>>
        %dma_wait3A_416 = arith.constant 0 : i32
        %dma_wait3A_417 = arith.constant 0 : i32
        %dma_wait3A_418 = tpu.memref_slice %arg2[%dma_wait3A_416, %dma_wait3A_417] : memref<100000x128xf32, #tpu.memory_space<hbm>> -> memref<100000x128xf32, #tpu.memory_space<hbm>>
        tpu.wait_indirect_dma semaphore(%arg14 : memref<!tpu.dma_semaphore, #tpu.memory_space<semaphore_mem>>) src(%dma_wait3A_418 : memref<100000x128xf32, #tpu.memory_space<hbm>>) dst(%arg11 : memref<80x128xf32, #tpu.memory_space<vmem>>)
        %dma_start3A_419 = arith.constant 12 : i32
        %dma_start3A_420 = arith.constant 0 : i32
        %dma_start3A_421 = tpu.memref_slice %arg10[%dma_start3A_419, %dma_start3A_420] : memref<16x80xi32, #tpu.memory_space<vmem>> -> memref<1x80xi32, #tpu.memory_space<vmem>>
        %dma_start3A_422 = tpu.memref_squeeze %dma_start3A_421 : memref<1x80xi32, #tpu.memory_space<vmem>> -> memref<80xi32, #tpu.memory_space<vmem>>
        %dma_start3A_423 = arith.constant 0 : i32
        %dma_start3A_424 = arith.constant 0 : i32
        %dma_start3A_425 = tpu.memref_slice %arg13[%dma_start3A_423, %dma_start3A_424] : memref<10000x128xf32, #tpu.memory_space<vmem_shared>> -> memref<10000x128xf32, #tpu.memory_space<vmem_shared>>
        tpu.enqueue_indirect_dma source(%arg11 : memref<80x128xf32, #tpu.memory_space<vmem>>) target(%dma_start3A_425 : memref<10000x128xf32, #tpu.memory_space<vmem_shared>>) offsets(%dma_start3A_422 : memref<80xi32, #tpu.memory_space<vmem>>) semaphore(%arg16 : memref<!tpu.dma_semaphore, #tpu.memory_space<semaphore_mem>>) {add = true}
        %dma_wait3A_426 = arith.constant 12 : i32
        %dma_wait3A_427 = arith.constant 0 : i32
        %dma_wait3A_428 = tpu.memref_slice %arg10[%dma_wait3A_426, %dma_wait3A_427] : memref<16x80xi32, #tpu.memory_space<vmem>> -> memref<1x80xi32, #tpu.memory_space<vmem>>
        %dma_wait3A_429 = tpu.memref_squeeze %dma_wait3A_428 : memref<1x80xi32, #tpu.memory_space<vmem>> -> memref<80xi32, #tpu.memory_space<vmem>>
        %dma_wait3A_430 = arith.constant 0 : i32
        %dma_wait3A_431 = arith.constant 0 : i32
        %dma_wait3A_432 = tpu.memref_slice %arg13[%dma_wait3A_430, %dma_wait3A_431] : memref<10000x128xf32, #tpu.memory_space<vmem_shared>> -> memref<10000x128xf32, #tpu.memory_space<vmem_shared>>
        tpu.wait_indirect_dma semaphore(%arg16 : memref<!tpu.dma_semaphore, #tpu.memory_space<semaphore_mem>>) src(%arg11 : memref<80x128xf32, #tpu.memory_space<vmem>>) dst(%dma_wait3A_432 : memref<10000x128xf32, #tpu.memory_space<vmem_shared>>)
        %dma_start3A_433 = arith.constant 14 : i32
        %dma_start3A_434 = arith.constant 0 : i32
        %dma_start3A_435 = tpu.memref_slice %arg9[%dma_start3A_433, %dma_start3A_434] : memref<16x80xi32, #tpu.memory_space<vmem>> -> memref<1x80xi32, #tpu.memory_space<vmem>>
        %dma_start3A_436 = tpu.memref_squeeze %dma_start3A_435 : memref<1x80xi32, #tpu.memory_space<vmem>> -> memref<80xi32, #tpu.memory_space<vmem>>
        %dma_start3A_437 = arith.constant 0 : i32
        %dma_start3A_438 = arith.constant 0 : i32
        %dma_start3A_439 = tpu.memref_slice %arg2[%dma_start3A_437, %dma_start3A_438] : memref<100000x128xf32, #tpu.memory_space<hbm>> -> memref<100000x128xf32, #tpu.memory_space<hbm>>
        tpu.enqueue_indirect_dma source(%dma_start3A_439 : memref<100000x128xf32, #tpu.memory_space<hbm>>) target(%arg11 : memref<80x128xf32, #tpu.memory_space<vmem>>) offsets(%dma_start3A_436 : memref<80xi32, #tpu.memory_space<vmem>>) semaphore(%arg14 : memref<!tpu.dma_semaphore, #tpu.memory_space<semaphore_mem>>)
        %dma_wait3A_440 = arith.constant 13 : i32
        %dma_wait3A_441 = arith.constant 0 : i32
        %dma_wait3A_442 = tpu.memref_slice %arg9[%dma_wait3A_440, %dma_wait3A_441] : memref<16x80xi32, #tpu.memory_space<vmem>> -> memref<1x80xi32, #tpu.memory_space<vmem>>
        %dma_wait3A_443 = tpu.memref_squeeze %dma_wait3A_442 : memref<1x80xi32, #tpu.memory_space<vmem>> -> memref<80xi32, #tpu.memory_space<vmem>>
        %dma_wait3A_444 = arith.constant 0 : i32
        %dma_wait3A_445 = arith.constant 0 : i32
        %dma_wait3A_446 = tpu.memref_slice %arg2[%dma_wait3A_444, %dma_wait3A_445] : memref<100000x128xf32, #tpu.memory_space<hbm>> -> memref<100000x128xf32, #tpu.memory_space<hbm>>
        tpu.wait_indirect_dma semaphore(%arg15 : memref<!tpu.dma_semaphore, #tpu.memory_space<semaphore_mem>>) src(%dma_wait3A_446 : memref<100000x128xf32, #tpu.memory_space<hbm>>) dst(%arg12 : memref<80x128xf32, #tpu.memory_space<vmem>>)
        %dma_start3A_447 = arith.constant 13 : i32
        %dma_start3A_448 = arith.constant 0 : i32
        %dma_start3A_449 = tpu.memref_slice %arg10[%dma_start3A_447, %dma_start3A_448] : memref<16x80xi32, #tpu.memory_space<vmem>> -> memref<1x80xi32, #tpu.memory_space<vmem>>
        %dma_start3A_450 = tpu.memref_squeeze %dma_start3A_449 : memref<1x80xi32, #tpu.memory_space<vmem>> -> memref<80xi32, #tpu.memory_space<vmem>>
        %dma_start3A_451 = arith.constant 0 : i32
        %dma_start3A_452 = arith.constant 0 : i32
        %dma_start3A_453 = tpu.memref_slice %arg13[%dma_start3A_451, %dma_start3A_452] : memref<10000x128xf32, #tpu.memory_space<vmem_shared>> -> memref<10000x128xf32, #tpu.memory_space<vmem_shared>>
        tpu.enqueue_indirect_dma source(%arg12 : memref<80x128xf32, #tpu.memory_space<vmem>>) target(%dma_start3A_453 : memref<10000x128xf32, #tpu.memory_space<vmem_shared>>) offsets(%dma_start3A_450 : memref<80xi32, #tpu.memory_space<vmem>>) semaphore(%arg17 : memref<!tpu.dma_semaphore, #tpu.memory_space<semaphore_mem>>) {add = true}
        %dma_wait3A_454 = arith.constant 13 : i32
        %dma_wait3A_455 = arith.constant 0 : i32
        %dma_wait3A_456 = tpu.memref_slice %arg10[%dma_wait3A_454, %dma_wait3A_455] : memref<16x80xi32, #tpu.memory_space<vmem>> -> memref<1x80xi32, #tpu.memory_space<vmem>>
        %dma_wait3A_457 = tpu.memref_squeeze %dma_wait3A_456 : memref<1x80xi32, #tpu.memory_space<vmem>> -> memref<80xi32, #tpu.memory_space<vmem>>
        %dma_wait3A_458 = arith.constant 0 : i32
        %dma_wait3A_459 = arith.constant 0 : i32
        %dma_wait3A_460 = tpu.memref_slice %arg13[%dma_wait3A_458, %dma_wait3A_459] : memref<10000x128xf32, #tpu.memory_space<vmem_shared>> -> memref<10000x128xf32, #tpu.memory_space<vmem_shared>>
        tpu.wait_indirect_dma semaphore(%arg17 : memref<!tpu.dma_semaphore, #tpu.memory_space<semaphore_mem>>) src(%arg12 : memref<80x128xf32, #tpu.memory_space<vmem>>) dst(%dma_wait3A_460 : memref<10000x128xf32, #tpu.memory_space<vmem_shared>>)
        %dma_start3A_461 = arith.constant 15 : i32
        %dma_start3A_462 = arith.constant 0 : i32
        %dma_start3A_463 = tpu.memref_slice %arg9[%dma_start3A_461, %dma_start3A_462] : memref<16x80xi32, #tpu.memory_space<vmem>> -> memref<1x80xi32, #tpu.memory_space<vmem>>
        %dma_start3A_464 = tpu.memref_squeeze %dma_start3A_463 : memref<1x80xi32, #tpu.memory_space<vmem>> -> memref<80xi32, #tpu.memory_space<vmem>>
        %dma_start3A_465 = arith.constant 0 : i32
        %dma_start3A_466 = arith.constant 0 : i32
        %dma_start3A_467 = tpu.memref_slice %arg2[%dma_start3A_465, %dma_start3A_466] : memref<100000x128xf32, #tpu.memory_space<hbm>> -> memref<100000x128xf32, #tpu.memory_space<hbm>>
        tpu.enqueue_indirect_dma source(%dma_start3A_467 : memref<100000x128xf32, #tpu.memory_space<hbm>>) target(%arg12 : memref<80x128xf32, #tpu.memory_space<vmem>>) offsets(%dma_start3A_464 : memref<80xi32, #tpu.memory_space<vmem>>) semaphore(%arg15 : memref<!tpu.dma_semaphore, #tpu.memory_space<semaphore_mem>>)
        %dma_wait3A_468 = arith.constant 14 : i32
        %dma_wait3A_469 = arith.constant 0 : i32
        %dma_wait3A_470 = tpu.memref_slice %arg9[%dma_wait3A_468, %dma_wait3A_469] : memref<16x80xi32, #tpu.memory_space<vmem>> -> memref<1x80xi32, #tpu.memory_space<vmem>>
        %dma_wait3A_471 = tpu.memref_squeeze %dma_wait3A_470 : memref<1x80xi32, #tpu.memory_space<vmem>> -> memref<80xi32, #tpu.memory_space<vmem>>
        %dma_wait3A_472 = arith.constant 0 : i32
        %dma_wait3A_473 = arith.constant 0 : i32
        %dma_wait3A_474 = tpu.memref_slice %arg2[%dma_wait3A_472, %dma_wait3A_473] : memref<100000x128xf32, #tpu.memory_space<hbm>> -> memref<100000x128xf32, #tpu.memory_space<hbm>>
        tpu.wait_indirect_dma semaphore(%arg14 : memref<!tpu.dma_semaphore, #tpu.memory_space<semaphore_mem>>) src(%dma_wait3A_474 : memref<100000x128xf32, #tpu.memory_space<hbm>>) dst(%arg11 : memref<80x128xf32, #tpu.memory_space<vmem>>)
        %dma_start3A_475 = arith.constant 14 : i32
        %dma_start3A_476 = arith.constant 0 : i32
        %dma_start3A_477 = tpu.memref_slice %arg10[%dma_start3A_475, %dma_start3A_476] : memref<16x80xi32, #tpu.memory_space<vmem>> -> memref<1x80xi32, #tpu.memory_space<vmem>>
        %dma_start3A_478 = tpu.memref_squeeze %dma_start3A_477 : memref<1x80xi32, #tpu.memory_space<vmem>> -> memref<80xi32, #tpu.memory_space<vmem>>
        %dma_start3A_479 = arith.constant 0 : i32
        %dma_start3A_480 = arith.constant 0 : i32
        %dma_start3A_481 = tpu.memref_slice %arg13[%dma_start3A_479, %dma_start3A_480] : memref<10000x128xf32, #tpu.memory_space<vmem_shared>> -> memref<10000x128xf32, #tpu.memory_space<vmem_shared>>
        tpu.enqueue_indirect_dma source(%arg11 : memref<80x128xf32, #tpu.memory_space<vmem>>) target(%dma_start3A_481 : memref<10000x128xf32, #tpu.memory_space<vmem_shared>>) offsets(%dma_start3A_478 : memref<80xi32, #tpu.memory_space<vmem>>) semaphore(%arg16 : memref<!tpu.dma_semaphore, #tpu.memory_space<semaphore_mem>>) {add = true}
        %dma_wait3A_482 = arith.constant 15 : i32
        %dma_wait3A_483 = arith.constant 0 : i32
        %dma_wait3A_484 = tpu.memref_slice %arg9[%dma_wait3A_482, %dma_wait3A_483] : memref<16x80xi32, #tpu.memory_space<vmem>> -> memref<1x80xi32, #tpu.memory_space<vmem>>
        %dma_wait3A_485 = tpu.memref_squeeze %dma_wait3A_484 : memref<1x80xi32, #tpu.memory_space<vmem>> -> memref<80xi32, #tpu.memory_space<vmem>>
        %dma_wait3A_486 = arith.constant 0 : i32
        %dma_wait3A_487 = arith.constant 0 : i32
        %dma_wait3A_488 = tpu.memref_slice %arg2[%dma_wait3A_486, %dma_wait3A_487] : memref<100000x128xf32, #tpu.memory_space<hbm>> -> memref<100000x128xf32, #tpu.memory_space<hbm>>
        tpu.wait_indirect_dma semaphore(%arg15 : memref<!tpu.dma_semaphore, #tpu.memory_space<semaphore_mem>>) src(%dma_wait3A_488 : memref<100000x128xf32, #tpu.memory_space<hbm>>) dst(%arg12 : memref<80x128xf32, #tpu.memory_space<vmem>>)
        %dma_start3A_489 = arith.constant 15 : i32
        %dma_start3A_490 = arith.constant 0 : i32
        %dma_start3A_491 = tpu.memref_slice %arg10[%dma_start3A_489, %dma_start3A_490] : memref<16x80xi32, #tpu.memory_space<vmem>> -> memref<1x80xi32, #tpu.memory_space<vmem>>
        %dma_start3A_492 = tpu.memref_squeeze %dma_start3A_491 : memref<1x80xi32, #tpu.memory_space<vmem>> -> memref<80xi32, #tpu.memory_space<vmem>>
        %dma_start3A_493 = arith.constant 0 : i32
        %dma_start3A_494 = arith.constant 0 : i32
        %dma_start3A_495 = tpu.memref_slice %arg13[%dma_start3A_493, %dma_start3A_494] : memref<10000x128xf32, #tpu.memory_space<vmem_shared>> -> memref<10000x128xf32, #tpu.memory_space<vmem_shared>>
        tpu.enqueue_indirect_dma source(%arg12 : memref<80x128xf32, #tpu.memory_space<vmem>>) target(%dma_start3A_495 : memref<10000x128xf32, #tpu.memory_space<vmem_shared>>) offsets(%dma_start3A_492 : memref<80xi32, #tpu.memory_space<vmem>>) semaphore(%arg17 : memref<!tpu.dma_semaphore, #tpu.memory_space<semaphore_mem>>) {add = true}
        %dma_wait3A_496 = arith.constant 14 : i32
        %dma_wait3A_497 = arith.constant 0 : i32
        %dma_wait3A_498 = tpu.memref_slice %arg10[%dma_wait3A_496, %dma_wait3A_497] : memref<16x80xi32, #tpu.memory_space<vmem>> -> memref<1x80xi32, #tpu.memory_space<vmem>>
        %dma_wait3A_499 = tpu.memref_squeeze %dma_wait3A_498 : memref<1x80xi32, #tpu.memory_space<vmem>> -> memref<80xi32, #tpu.memory_space<vmem>>
        %dma_wait3A_500 = arith.constant 0 : i32
        %dma_wait3A_501 = arith.constant 0 : i32
        %dma_wait3A_502 = tpu.memref_slice %arg13[%dma_wait3A_500, %dma_wait3A_501] : memref<10000x128xf32, #tpu.memory_space<vmem_shared>> -> memref<10000x128xf32, #tpu.memory_space<vmem_shared>>
        tpu.wait_indirect_dma semaphore(%arg16 : memref<!tpu.dma_semaphore, #tpu.memory_space<semaphore_mem>>) src(%arg11 : memref<80x128xf32, #tpu.memory_space<vmem>>) dst(%dma_wait3A_502 : memref<10000x128xf32, #tpu.memory_space<vmem_shared>>)
        %dma_wait3A_503 = arith.constant 15 : i32
        %dma_wait3A_504 = arith.constant 0 : i32
        %dma_wait3A_505 = tpu.memref_slice %arg10[%dma_wait3A_503, %dma_wait3A_504] : memref<16x80xi32, #tpu.memory_space<vmem>> -> memref<1x80xi32, #tpu.memory_space<vmem>>
        %dma_wait3A_506 = tpu.memref_squeeze %dma_wait3A_505 : memref<1x80xi32, #tpu.memory_space<vmem>> -> memref<80xi32, #tpu.memory_space<vmem>>
        %dma_wait3A_507 = arith.constant 0 : i32
        %dma_wait3A_508 = arith.constant 0 : i32
        %dma_wait3A_509 = tpu.memref_slice %arg13[%dma_wait3A_507, %dma_wait3A_508] : memref<10000x128xf32, #tpu.memory_space<vmem_shared>> -> memref<10000x128xf32, #tpu.memory_space<vmem_shared>>
        tpu.wait_indirect_dma semaphore(%arg17 : memref<!tpu.dma_semaphore, #tpu.memory_space<semaphore_mem>>) src(%arg12 : memref<80x128xf32, #tpu.memory_space<vmem>>) dst(%dma_wait3A_509 : memref<10000x128xf32, #tpu.memory_space<vmem_shared>>)
      } else {
      }
    }
    %scan3A_11 = arith.constant 16 : i32
    %barrier3A_12 = arith.constant 0 : index
    tpu.barrier barrier_id(%barrier3A_12)
    %eq3A_13 = arith.constant 0 : i32
    %eq3A_14 = arith.cmpi eq, %arg0, %eq3A_13 : i32
    %lt3A_15 = arith.constant 15 : i32
    %lt3A_16 = arith.cmpi slt, %arg1, %lt3A_15 : i32
    %and3A = arith.andi %eq3A_14, %lt3A_16 : i1
    %convert_element_type3A_17 = arith.extui %and3A : i1 to i32
    %cond3A_18 = arith.constant 0 : i32
    %cond3A_19 = arith.cmpi ne, %convert_element_type3A_17, %cond3A_18 : i32
    scf.if %cond3A_19 {
      "tpu.region"() ({
        %run_scoped3A = tpu.sem_alloc : memref<!tpu.dma_semaphore, #tpu.memory_space<semaphore_mem>>
        %dma_start3A = arith.constant 0 : i32
        %dma_start3A_44 = tpu.memref_slice %arg7[%mul3A_0, %dma_start3A] : memref<10000x128xf32, #tpu.memory_space<hbm>> -> memref<640x128xf32, #tpu.memory_space<hbm>>
        %dma_start3A_45 = arith.constant 0 : i32
        %dma_start3A_46 = tpu.memref_slice %arg13[%mul3A_0, %dma_start3A_45] : memref<10000x128xf32, #tpu.memory_space<vmem_shared>> -> memref<640x128xf32, #tpu.memory_space<vmem_shared>>
        tpu.enqueue_dma source(%dma_start3A_46 : memref<640x128xf32, #tpu.memory_space<vmem_shared>>) target(%dma_start3A_44 : memref<640x128xf32, #tpu.memory_space<hbm>>) target_semaphore(%run_scoped3A : memref<!tpu.dma_semaphore, #tpu.memory_space<semaphore_mem>>)
        %dma_wait3A = arith.constant 0 : i32
        %dma_wait3A_47 = tpu.memref_slice %arg7[%mul3A_0, %dma_wait3A] : memref<10000x128xf32, #tpu.memory_space<hbm>> -> memref<640x128xf32, #tpu.memory_space<hbm>>
        %dma_wait3A_48 = arith.constant 0 : i32
        %dma_wait3A_49 = tpu.memref_slice %arg13[%mul3A_0, %dma_wait3A_48] : memref<10000x128xf32, #tpu.memory_space<vmem_shared>> -> memref<640x128xf32, #tpu.memory_space<vmem_shared>>
        tpu.wait_dma2 semaphore(%run_scoped3A : memref<!tpu.dma_semaphore, #tpu.memory_space<semaphore_mem>>) src(%dma_wait3A_49 : memref<640x128xf32, #tpu.memory_space<vmem_shared>>) dst(%dma_wait3A_47 : memref<640x128xf32, #tpu.memory_space<hbm>>)
        tpu.yield
      }) : () -> ()
    } else {
    }
    %eq3A_20 = arith.constant 0 : i32
    %eq3A_21 = arith.cmpi eq, %arg0, %eq3A_20 : i32
    %eq3A_22 = arith.constant 15 : i32
    %eq3A_23 = arith.cmpi eq, %arg1, %eq3A_22 : i32
    %and3A_24 = arith.andi %eq3A_21, %eq3A_23 : i1
    %convert_element_type3A_25 = arith.extui %and3A_24 : i1 to i32
    %cond3A_26 = arith.constant 0 : i32
    %cond3A_27 = arith.cmpi ne, %convert_element_type3A_25, %cond3A_26 : i32
    scf.if %cond3A_27 {
      "tpu.region"() ({
        %run_scoped3A = tpu.sem_alloc : memref<!tpu.dma_semaphore, #tpu.memory_space<semaphore_mem>>
        %dma_start3A = arith.constant 9600 : i32
        %dma_start3A_44 = arith.constant 0 : i32
        %dma_start3A_45 = tpu.memref_slice %arg7[%dma_start3A, %dma_start3A_44] : memref<10000x128xf32, #tpu.memory_space<hbm>> -> memref<400x128xf32, #tpu.memory_space<hbm>>
        %dma_start3A_46 = arith.constant 9600 : i32
        %dma_start3A_47 = arith.constant 0 : i32
        %dma_start3A_48 = tpu.memref_slice %arg13[%dma_start3A_46, %dma_start3A_47] : memref<10000x128xf32, #tpu.memory_space<vmem_shared>> -> memref<400x128xf32, #tpu.memory_space<vmem_shared>>
        tpu.enqueue_dma source(%dma_start3A_48 : memref<400x128xf32, #tpu.memory_space<vmem_shared>>) target(%dma_start3A_45 : memref<400x128xf32, #tpu.memory_space<hbm>>) target_semaphore(%run_scoped3A : memref<!tpu.dma_semaphore, #tpu.memory_space<semaphore_mem>>)
        %dma_wait3A = arith.constant 9600 : i32
        %dma_wait3A_49 = arith.constant 0 : i32
        %dma_wait3A_50 = tpu.memref_slice %arg7[%dma_wait3A, %dma_wait3A_49] : memref<10000x128xf32, #tpu.memory_space<hbm>> -> memref<400x128xf32, #tpu.memory_space<hbm>>
        %dma_wait3A_51 = arith.constant 9600 : i32
        %dma_wait3A_52 = arith.constant 0 : i32
        %dma_wait3A_53 = tpu.memref_slice %arg13[%dma_wait3A_51, %dma_wait3A_52] : memref<10000x128xf32, #tpu.memory_space<vmem_shared>> -> memref<400x128xf32, #tpu.memory_space<vmem_shared>>
        tpu.wait_dma2 semaphore(%run_scoped3A : memref<!tpu.dma_semaphore, #tpu.memory_space<semaphore_mem>>) src(%dma_wait3A_53 : memref<400x128xf32, #tpu.memory_space<vmem_shared>>) dst(%dma_wait3A_50 : memref<400x128xf32, #tpu.memory_space<hbm>>)
        tpu.yield
      }) : () -> ()
    } else {
    }
    %eq3A_28 = arith.constant 1 : i32
    %eq3A_29 = arith.cmpi eq, %arg0, %eq3A_28 : i32
    %lt3A_30 = arith.constant 15 : i32
    %lt3A_31 = arith.cmpi slt, %arg1, %lt3A_30 : i32
    %and3A_32 = arith.andi %eq3A_29, %lt3A_31 : i1
    %convert_element_type3A_33 = arith.extui %and3A_32 : i1 to i32
    %cond3A_34 = arith.constant 0 : i32
    %cond3A_35 = arith.cmpi ne, %convert_element_type3A_33, %cond3A_34 : i32
    scf.if %cond3A_35 {
      "tpu.region"() ({
        %run_scoped3A = tpu.sem_alloc : memref<!tpu.dma_semaphore, #tpu.memory_space<semaphore_mem>>
        %dma_start3A = arith.constant 0 : i32
        %dma_start3A_44 = tpu.memref_slice %arg8[%mul3A_0, %dma_start3A] : memref<10000x128xf32, #tpu.memory_space<hbm>> -> memref<640x128xf32, #tpu.memory_space<hbm>>
        %dma_start3A_45 = arith.constant 0 : i32
        %dma_start3A_46 = tpu.memref_slice %arg13[%mul3A_0, %dma_start3A_45] : memref<10000x128xf32, #tpu.memory_space<vmem_shared>> -> memref<640x128xf32, #tpu.memory_space<vmem_shared>>
        tpu.enqueue_dma source(%dma_start3A_46 : memref<640x128xf32, #tpu.memory_space<vmem_shared>>) target(%dma_start3A_44 : memref<640x128xf32, #tpu.memory_space<hbm>>) target_semaphore(%run_scoped3A : memref<!tpu.dma_semaphore, #tpu.memory_space<semaphore_mem>>)
        %dma_wait3A = arith.constant 0 : i32
        %dma_wait3A_47 = tpu.memref_slice %arg8[%mul3A_0, %dma_wait3A] : memref<10000x128xf32, #tpu.memory_space<hbm>> -> memref<640x128xf32, #tpu.memory_space<hbm>>
        %dma_wait3A_48 = arith.constant 0 : i32
        %dma_wait3A_49 = tpu.memref_slice %arg13[%mul3A_0, %dma_wait3A_48] : memref<10000x128xf32, #tpu.memory_space<vmem_shared>> -> memref<640x128xf32, #tpu.memory_space<vmem_shared>>
        tpu.wait_dma2 semaphore(%run_scoped3A : memref<!tpu.dma_semaphore, #tpu.memory_space<semaphore_mem>>) src(%dma_wait3A_49 : memref<640x128xf32, #tpu.memory_space<vmem_shared>>) dst(%dma_wait3A_47 : memref<640x128xf32, #tpu.memory_space<hbm>>)
        tpu.yield
      }) : () -> ()
    } else {
    }
    %eq3A_36 = arith.constant 1 : i32
    %eq3A_37 = arith.cmpi eq, %arg0, %eq3A_36 : i32
    %eq3A_38 = arith.constant 15 : i32
    %eq3A_39 = arith.cmpi eq, %arg1, %eq3A_38 : i32
    %and3A_40 = arith.andi %eq3A_37, %eq3A_39 : i1
    %convert_element_type3A_41 = arith.extui %and3A_40 : i1 to i32
    %cond3A_42 = arith.constant 0 : i32
    %cond3A_43 = arith.cmpi ne, %convert_element_type3A_41, %cond3A_42 : i32
    scf.if %cond3A_43 {
      "tpu.region"() ({
        %run_scoped3A = tpu.sem_alloc : memref<!tpu.dma_semaphore, #tpu.memory_space<semaphore_mem>>
        %dma_start3A = arith.constant 9600 : i32
        %dma_start3A_44 = arith.constant 0 : i32
        %dma_start3A_45 = tpu.memref_slice %arg8[%dma_start3A, %dma_start3A_44] : memref<10000x128xf32, #tpu.memory_space<hbm>> -> memref<400x128xf32, #tpu.memory_space<hbm>>
        %dma_start3A_46 = arith.constant 9600 : i32
        %dma_start3A_47 = arith.constant 0 : i32
        %dma_start3A_48 = tpu.memref_slice %arg13[%dma_start3A_46, %dma_start3A_47] : memref<10000x128xf32, #tpu.memory_space<vmem_shared>> -> memref<400x128xf32, #tpu.memory_space<vmem_shared>>
        tpu.enqueue_dma source(%dma_start3A_48 : memref<400x128xf32, #tpu.memory_space<vmem_shared>>) target(%dma_start3A_45 : memref<400x128xf32, #tpu.memory_space<hbm>>) target_semaphore(%run_scoped3A : memref<!tpu.dma_semaphore, #tpu.memory_space<semaphore_mem>>)
        %dma_wait3A = arith.constant 9600 : i32
        %dma_wait3A_49 = arith.constant 0 : i32
        %dma_wait3A_50 = tpu.memref_slice %arg8[%dma_wait3A, %dma_wait3A_49] : memref<10000x128xf32, #tpu.memory_space<hbm>> -> memref<400x128xf32, #tpu.memory_space<hbm>>
        %dma_wait3A_51 = arith.constant 9600 : i32
        %dma_wait3A_52 = arith.constant 0 : i32
        %dma_wait3A_53 = tpu.memref_slice %arg13[%dma_wait3A_51, %dma_wait3A_52] : memref<10000x128xf32, #tpu.memory_space<vmem_shared>> -> memref<400x128xf32, #tpu.memory_space<vmem_shared>>
        tpu.wait_dma2 semaphore(%run_scoped3A : memref<!tpu.dma_semaphore, #tpu.memory_space<semaphore_mem>>) src(%dma_wait3A_53 : memref<400x128xf32, #tpu.memory_space<vmem_shared>>) dst(%dma_wait3A_50 : memref<400x128xf32, #tpu.memory_space<hbm>>)
        tpu.yield
      }) : () -> ()
    } else {
    }
    return
  }
}

module attributes {stable_mosaic.version = 14 : i64} {
  func.func @_prep_body(%arg0: i32, %arg1: i32, %arg2: memref<2000x128xf32, #tpu.memory_space<vmem>>, %arg3: memref<1x1x128xf32, #tpu.memory_space<vmem>>, %arg4: memref<29x128xf32, #tpu.memory_space<vmem>>, %arg5: memref<2000x1xi32, #tpu.memory_space<vmem>>, %arg6: memref<2000x128xf32, #tpu.memory_space<vmem>>) attributes {dimension_semantics = [#tpu.dimension_semantics<arbitrary>, #tpu.dimension_semantics<arbitrary>], iteration_bounds = array<i64: 10, 5>, scalar_prefetch = 0 : i64, scratch_operands = 0 : i64, tpu.core_type = #tpu.core_type<tc>, window_params = [{transform_indices = @transform_0, window_bounds = array<i64: 2000, 128>}, {transform_indices = @transform_1, window_bounds = array<i64: 1, 1, 128>}, {pipeline_mode = #tpu.pipeline_mode<synchronous>, transform_indices = @transform_2, window_bounds = array<i64: 29, 128>}, {transform_indices = @transform_3, window_bounds = array<i64: 2000, 1>}, {transform_indices = @transform_4, window_bounds = array<i64: 2000, 128>}]} {
    %get3A = arith.constant 0 : index
    %get3A_0 = arith.constant 0 : index
    %get3A_1 = vector.load %arg2[%get3A, %get3A_0] : memref<2000x128xf32, #tpu.memory_space<vmem>>, vector<2000x128xf32>
    %lt3A = arith.constant 9 : i32
    %lt3A_2 = arith.cmpi slt, %arg0, %lt3A : i32
    %convert_element_type3A = arith.extui %lt3A_2 : i1 to i32
    %cond3A = arith.constant 0 : i32
    %cond3A_3 = arith.cmpi ne, %convert_element_type3A, %cond3A : i32
    scf.if %cond3A_3 {
      %get3A_8 = arith.constant 0 : index
      %get3A_9 = arith.constant 0 : index
      %get3A_10 = arith.constant 0 : index
      %get3A_11 = vector.load %arg3[%get3A_8, %get3A_9, %get3A_10] : memref<1x1x128xf32, #tpu.memory_space<vmem>>, vector<1x1x128xf32>
      %get3A_12 = vector.shape_cast %get3A_11 : vector<1x1x128xf32> to vector<1x128xf32>
      %mul3A = vector.broadcast %get3A_12 : vector<1x128xf32> to vector<2000x128xf32>
      %mul3A_13 = arith.mulf %get3A_1, %mul3A : vector<2000x128xf32>
      %swap3A = arith.constant 0 : index
      %swap3A_14 = arith.constant 0 : index
      %swap3A_15 = vector.load %arg6[%swap3A, %swap3A_14] : memref<2000x128xf32, #tpu.memory_space<vmem>>, vector<2000x128xf32>
      tpu.vector_store %arg6[%swap3A, %swap3A_14], %mul3A_13 {strides = array<i32>} : memref<2000x128xf32, #tpu.memory_space<vmem>>, vector<2000x128xf32>,
    } else {
    }
    %eq3A = arith.constant 9 : i32
    %eq3A_4 = arith.cmpi eq, %arg0, %eq3A : i32
    %convert_element_type3A_5 = arith.extui %eq3A_4 : i1 to i32
    %cond3A_6 = arith.constant 0 : i32
    %cond3A_7 = arith.cmpi ne, %convert_element_type3A_5, %cond3A_6 : i32
    scf.if %cond3A_7 {
      %get3A_8 = arith.constant 0 : index
      %get3A_9 = arith.constant 0 : index
      %get3A_10 = vector.load %arg5[%get3A_8, %get3A_9] : memref<2000x1xi32, #tpu.memory_space<vmem>>, vector<2000x1xi32>
      %get3A_11 = arith.constant 0 : index
      %get3A_12 = arith.constant 0 : index
      %get3A_13 = vector.load %arg4[%get3A_11, %get3A_12] : memref<29x128xf32, #tpu.memory_space<vmem>>, vector<29x128xf32>
      %sub3A = arith.constant 1 : i32
      %sub3A_14 = vector.broadcast %sub3A : i32 to vector<2000x1xi32>
      %sub3A_15 = arith.subi %get3A_10, %sub3A_14 : vector<2000x1xi32>
      %iota3A = tpu.iota {dimensions = array<i32: 1>} : vector<2000x29xi32>
      %eq3A_16 = vector.broadcast %sub3A_15 : vector<2000x1xi32> to vector<2000x29xi32>
      %eq3A_17 = arith.cmpi eq, %eq3A_16, %iota3A : vector<2000x29xi32>
      %convert_element_type3A_18 = arith.extui %eq3A_17 : vector<2000x29xi1> to vector<2000x29xi32>
      %convert_element_type3A_19 = arith.sitofp %convert_element_type3A_18 : vector<2000x29xi32> to vector<2000x29xf32>
      %dot_general3A = arith.constant dense<0.000000e+00> : vector<2000x128xf32>
      %dot_general3A_20 = tpu.matmul %convert_element_type3A_19, %get3A_13, %dot_general3A {dimension_numbers = #tpu.dot_dimension_numbers<[1], [0], [0], [1], [0, 0, 1, 1], [], []>, transpose_lhs_hint = false} : vector<2000x29xf32>, vector<29x128xf32>, vector<2000x128xf32> -> vector<2000x128xf32>
      %mul3A = arith.mulf %get3A_1, %dot_general3A_20 : vector<2000x128xf32>
      %swap3A = arith.constant 0 : index
      %swap3A_21 = arith.constant 0 : index
      %swap3A_22 = vector.load %arg6[%swap3A, %swap3A_21] : memref<2000x128xf32, #tpu.memory_space<vmem>>, vector<2000x128xf32>
      tpu.vector_store %arg6[%swap3A, %swap3A_21], %mul3A {strides = array<i32>} : memref<2000x128xf32, #tpu.memory_space<vmem>>, vector<2000x128xf32>,
    } else {
    }
    return
  }
  func.func @transform_0(%arg0: i32, %arg1: i32) -> (i32, i32) {
    %c0_i32 = arith.constant 0 : i32
    %c0_i32_0 = arith.constant 0 : i32
    return %arg1, %c0_i32 : i32, i32
  }
  func.func @transform_1(%arg0: i32, %arg1: i32) -> (i32, i32, i32) {
    %min3A = arith.constant 8 : i32
    %min3A_0 = arith.minsi %arg0, %min3A : i32
    %c0_i32 = arith.constant 0 : i32
    %c0_i32_1 = arith.constant 0 : i32
    %c0_i32_2 = arith.constant 0 : i32
    return %min3A_0, %c0_i32, %c0_i32_1 : i32, i32, i32
  }
  func.func @transform_2(%arg0: i32, %arg1: i32) -> (i32, i32) {
    %c0_i32 = arith.constant 0 : i32
    %c0_i32_0 = arith.constant 0 : i32
    %c0_i32_1 = arith.constant 0 : i32
    return %c0_i32, %c0_i32_0 : i32, i32
  }
  func.func @transform_3(%arg0: i32, %arg1: i32) -> (i32, i32) {
    %c0_i32 = arith.constant 0 : i32
    %c0_i32_0 = arith.constant 0 : i32
    return %arg1, %c0_i32 : i32, i32
  }
  func.func @transform_4(%arg0: i32, %arg1: i32) -> (i32, i32) {
    %mul3A = arith.constant 5 : i32
    %mul3A_0 = arith.muli %arg0, %mul3A : i32
    %add3A = arith.addi %mul3A_0, %arg1 : i32
    %c0_i32 = arith.constant 0 : i32
    %c0_i32_1 = arith.constant 0 : i32
    return %add3A, %c0_i32 : i32, i32
  }
}

module attributes {stable_mosaic.version = 14 : i64} {
  func.func @_ent0_body(%arg0: i32, %arg1: i32, %arg2: memref<2000x128xf32, #tpu.memory_space<vmem>>, %arg3: memref<2000x128xf32, #tpu.memory_space<vmem>>, %arg4: memref<2000x128xf32, #tpu.memory_space<vmem>>, %arg5: memref<2000x128xf32, #tpu.memory_space<vmem>>, %arg6: memref<1x1x128xf32, #tpu.memory_space<vmem>>, %arg7: memref<29x128xf32, #tpu.memory_space<vmem>>, %arg8: memref<2000x1xi32, #tpu.memory_space<vmem>>, %arg9: memref<2000x128xf32, #tpu.memory_space<vmem>>, %arg10: memref<2000x128xf32, #tpu.memory_space<vmem>>, %arg11: memref<2000x128xf32, #tpu.memory_space<vmem>>) attributes {dimension_semantics = [#tpu.dimension_semantics<arbitrary>, #tpu.dimension_semantics<arbitrary>], iteration_bounds = array<i64: 10, 5>, scalar_prefetch = 0 : i64, scratch_operands = 0 : i64, tpu.core_type = #tpu.core_type<tc>, window_params = [{transform_indices = @transform_0, window_bounds = array<i64: 2000, 128>}, {transform_indices = @transform_1, window_bounds = array<i64: 2000, 128>}, {transform_indices = @transform_2, window_bounds = array<i64: 2000, 128>}, {transform_indices = @transform_3, window_bounds = array<i64: 2000, 128>}, {transform_indices = @transform_4, window_bounds = array<i64: 1, 1, 128>}, {pipeline_mode = #tpu.pipeline_mode<synchronous>, transform_indices = @transform_5, window_bounds = array<i64: 29, 128>}, {transform_indices = @transform_6, window_bounds = array<i64: 2000, 1>}, {transform_indices = @transform_7, window_bounds = array<i64: 2000, 128>}, {transform_indices = @transform_8, window_bounds = array<i64: 2000, 128>}, {transform_indices = @transform_9, window_bounds = array<i64: 2000, 128>}]} {
    %get3A = arith.constant 0 : index
    %get3A_0 = arith.constant 0 : index
    %get3A_1 = vector.load %arg4[%get3A, %get3A_0] : memref<2000x128xf32, #tpu.memory_space<vmem>>, vector<2000x128xf32>
    %slice3A = vector.extract_strided_slice %get3A_1 {offsets = [0, 0], sizes = [2000, 1], strides = [1, 1]} : vector<2000x128xf32> to vector<2000x1xf32>
    %get3A_2 = arith.constant 0 : index
    %get3A_3 = arith.constant 0 : index
    %get3A_4 = vector.load %arg5[%get3A_2, %get3A_3] : memref<2000x128xf32, #tpu.memory_space<vmem>>, vector<2000x128xf32>
    %slice3A_5 = vector.extract_strided_slice %get3A_4 {offsets = [0, 0], sizes = [2000, 1], strides = [1, 1]} : vector<2000x128xf32> to vector<2000x1xf32>
    %add3A = arith.addf %slice3A, %slice3A_5 : vector<2000x1xf32>
    %jit3A = arith.constant 1.000000e+00 : f32
    %max3A = vector.broadcast %jit3A : f32 to vector<2000x1xf32>
    %max3A_6 = arith.maximumf %max3A, %add3A : vector<2000x1xf32>
    %get3A_7 = arith.constant 0 : index
    %get3A_8 = arith.constant 0 : index
    %get3A_9 = vector.load %arg2[%get3A_7, %get3A_8] : memref<2000x128xf32, #tpu.memory_space<vmem>>, vector<2000x128xf32>
    %div3A = vector.broadcast %max3A_6 : vector<2000x1xf32> to vector<2000x128xf32>
    %div3A_10 = arith.divf %get3A_9, %div3A : vector<2000x128xf32>
    %mul3A = arith.mulf %div3A_10, %div3A_10 : vector<2000x128xf32>
    %reduce_sum3A = arith.constant dense<0.000000e+00> : vector<2000xf32>
    %reduce_sum3A_11 = vector.multi_reduction <add>, %mul3A, %reduce_sum3A [1] : vector<2000x128xf32> to vector<2000xf32>
    %broadcast_in_dim3A = vector.shape_cast %reduce_sum3A_11 : vector<2000xf32> to vector<2000x1xf32>
    %sqrt3A = math.sqrt %broadcast_in_dim3A : vector<2000x1xf32>
    %jit3A_12 = arith.constant 9.99999996E-13 : f32
    %max3A_13 = vector.broadcast %jit3A_12 : f32 to vector<2000x1xf32>
    %max3A_14 = arith.maximumf %max3A_13, %sqrt3A : vector<2000x1xf32>
    %div3A_15 = vector.broadcast %max3A_14 : vector<2000x1xf32> to vector<2000x128xf32>
    %div3A_16 = arith.divf %div3A_10, %div3A_15 : vector<2000x128xf32>
    %get3A_17 = arith.constant 0 : index
    %get3A_18 = arith.constant 0 : index
    %get3A_19 = vector.load %arg3[%get3A_17, %get3A_18] : memref<2000x128xf32, #tpu.memory_space<vmem>>, vector<2000x128xf32>
    %div3A_20 = vector.broadcast %max3A_6 : vector<2000x1xf32> to vector<2000x128xf32>
    %div3A_21 = arith.divf %get3A_19, %div3A_20 : vector<2000x128xf32>
    %mul3A_22 = arith.mulf %div3A_21, %div3A_21 : vector<2000x128xf32>
    %reduce_sum3A_23 = arith.constant dense<0.000000e+00> : vector<2000xf32>
    %reduce_sum3A_24 = vector.multi_reduction <add>, %mul3A_22, %reduce_sum3A_23 [1] : vector<2000x128xf32> to vector<2000xf32>
    %broadcast_in_dim3A_25 = vector.shape_cast %reduce_sum3A_24 : vector<2000xf32> to vector<2000x1xf32>
    %sqrt3A_26 = math.sqrt %broadcast_in_dim3A_25 : vector<2000x1xf32>
    %jit3A_27 = arith.constant 9.99999996E-13 : f32
    %max3A_28 = vector.broadcast %jit3A_27 : f32 to vector<2000x1xf32>
    %max3A_29 = arith.maximumf %max3A_28, %sqrt3A_26 : vector<2000x1xf32>
    %div3A_30 = vector.broadcast %max3A_29 : vector<2000x1xf32> to vector<2000x128xf32>
    %div3A_31 = arith.divf %div3A_21, %div3A_30 : vector<2000x128xf32>
    %swap3A = arith.constant 0 : index
    %swap3A_32 = arith.constant 0 : index
    %swap3A_33 = vector.load %arg9[%swap3A, %swap3A_32] : memref<2000x128xf32, #tpu.memory_space<vmem>>, vector<2000x128xf32>
    tpu.vector_store %arg9[%swap3A, %swap3A_32], %div3A_16 {strides = array<i32>} : memref<2000x128xf32, #tpu.memory_space<vmem>>, vector<2000x128xf32>,
    %swap3A_34 = arith.constant 0 : index
    %swap3A_35 = arith.constant 0 : index
    %swap3A_36 = vector.load %arg10[%swap3A_34, %swap3A_35] : memref<2000x128xf32, #tpu.memory_space<vmem>>, vector<2000x128xf32>
    tpu.vector_store %arg10[%swap3A_34, %swap3A_35], %div3A_31 {strides = array<i32>} : memref<2000x128xf32, #tpu.memory_space<vmem>>, vector<2000x128xf32>,
    %lt3A = arith.constant 9 : i32
    %lt3A_37 = arith.cmpi slt, %arg0, %lt3A : i32
    %convert_element_type3A = arith.extui %lt3A_37 : i1 to i32
    %cond3A = arith.constant 0 : i32
    %cond3A_38 = arith.cmpi ne, %convert_element_type3A, %cond3A : i32
    scf.if %cond3A_38 {
      %get3A_43 = arith.constant 0 : index
      %get3A_44 = arith.constant 0 : index
      %get3A_45 = arith.constant 0 : index
      %get3A_46 = vector.load %arg6[%get3A_43, %get3A_44, %get3A_45] : memref<1x1x128xf32, #tpu.memory_space<vmem>>, vector<1x1x128xf32>
      %get3A_47 = vector.shape_cast %get3A_46 : vector<1x1x128xf32> to vector<1x128xf32>
      %mul3A_48 = vector.broadcast %get3A_47 : vector<1x128xf32> to vector<2000x128xf32>
      %mul3A_49 = arith.mulf %div3A_16, %mul3A_48 : vector<2000x128xf32>
      %swap3A_50 = arith.constant 0 : index
      %swap3A_51 = arith.constant 0 : index
      %swap3A_52 = vector.load %arg11[%swap3A_50, %swap3A_51] : memref<2000x128xf32, #tpu.memory_space<vmem>>, vector<2000x128xf32>
      tpu.vector_store %arg11[%swap3A_50, %swap3A_51], %mul3A_49 {strides = array<i32>} : memref<2000x128xf32, #tpu.memory_space<vmem>>, vector<2000x128xf32>,
    } else {
    }
    %eq3A = arith.constant 9 : i32
    %eq3A_39 = arith.cmpi eq, %arg0, %eq3A : i32
    %convert_element_type3A_40 = arith.extui %eq3A_39 : i1 to i32
    %cond3A_41 = arith.constant 0 : i32
    %cond3A_42 = arith.cmpi ne, %convert_element_type3A_40, %cond3A_41 : i32
    scf.if %cond3A_42 {
      %get3A_43 = arith.constant 0 : index
      %get3A_44 = arith.constant 0 : index
      %get3A_45 = vector.load %arg8[%get3A_43, %get3A_44] : memref<2000x1xi32, #tpu.memory_space<vmem>>, vector<2000x1xi32>
      %get3A_46 = arith.constant 0 : index
      %get3A_47 = arith.constant 0 : index
      %get3A_48 = vector.load %arg7[%get3A_46, %get3A_47] : memref<29x128xf32, #tpu.memory_space<vmem>>, vector<29x128xf32>
      %sub3A = arith.constant 1 : i32
      %sub3A_49 = vector.broadcast %sub3A : i32 to vector<2000x1xi32>
      %sub3A_50 = arith.subi %get3A_45, %sub3A_49 : vector<2000x1xi32>
      %iota3A = tpu.iota {dimensions = array<i32: 1>} : vector<2000x29xi32>
      %eq3A_51 = vector.broadcast %sub3A_50 : vector<2000x1xi32> to vector<2000x29xi32>
      %eq3A_52 = arith.cmpi eq, %eq3A_51, %iota3A : vector<2000x29xi32>
      %convert_element_type3A_53 = arith.extui %eq3A_52 : vector<2000x29xi1> to vector<2000x29xi32>
      %convert_element_type3A_54 = arith.sitofp %convert_element_type3A_53 : vector<2000x29xi32> to vector<2000x29xf32>
      %dot_general3A = arith.constant dense<0.000000e+00> : vector<2000x128xf32>
      %dot_general3A_55 = tpu.matmul %convert_element_type3A_54, %get3A_48, %dot_general3A {dimension_numbers = #tpu.dot_dimension_numbers<[1], [0], [0], [1], [0, 0, 1, 1], [], []>, transpose_lhs_hint = false} : vector<2000x29xf32>, vector<29x128xf32>, vector<2000x128xf32> -> vector<2000x128xf32>
      %mul3A_56 = arith.mulf %div3A_31, %dot_general3A_55 : vector<2000x128xf32>
      %swap3A_57 = arith.constant 0 : index
      %swap3A_58 = arith.constant 0 : index
      %swap3A_59 = vector.load %arg11[%swap3A_57, %swap3A_58] : memref<2000x128xf32, #tpu.memory_space<vmem>>, vector<2000x128xf32>
      tpu.vector_store %arg11[%swap3A_57, %swap3A_58], %mul3A_56 {strides = array<i32>} : memref<2000x128xf32, #tpu.memory_space<vmem>>, vector<2000x128xf32>,
    } else {
    }
    return
  }
  func.func @transform_0(%arg0: i32, %arg1: i32) -> (i32, i32) {
    %c0_i32 = arith.constant 0 : i32
    %c0_i32_0 = arith.constant 0 : i32
    return %arg1, %c0_i32 : i32, i32
  }
  func.func @transform_1(%arg0: i32, %arg1: i32) -> (i32, i32) {
    %c0_i32 = arith.constant 0 : i32
    %c0_i32_0 = arith.constant 0 : i32
    return %arg1, %c0_i32 : i32, i32
  }
  func.func @transform_2(%arg0: i32, %arg1: i32) -> (i32, i32) {
    %c0_i32 = arith.constant 0 : i32
    %c0_i32_0 = arith.constant 0 : i32
    return %arg1, %c0_i32 : i32, i32
  }
  func.func @transform_3(%arg0: i32, %arg1: i32) -> (i32, i32) {
    %c0_i32 = arith.constant 0 : i32
    %c0_i32_0 = arith.constant 0 : i32
    return %arg1, %c0_i32 : i32, i32
  }
  func.func @transform_4(%arg0: i32, %arg1: i32) -> (i32, i32, i32) {
    %min3A = arith.constant 8 : i32
    %min3A_0 = arith.minsi %arg0, %min3A : i32
    %c0_i32 = arith.constant 0 : i32
    %c0_i32_1 = arith.constant 0 : i32
    %c0_i32_2 = arith.constant 0 : i32
    return %min3A_0, %c0_i32, %c0_i32_1 : i32, i32, i32
  }
  func.func @transform_5(%arg0: i32, %arg1: i32) -> (i32, i32) {
    %c0_i32 = arith.constant 0 : i32
    %c0_i32_0 = arith.constant 0 : i32
    %c0_i32_1 = arith.constant 0 : i32
    return %c0_i32, %c0_i32_0 : i32, i32
  }
  func.func @transform_6(%arg0: i32, %arg1: i32) -> (i32, i32) {
    %c0_i32 = arith.constant 0 : i32
    %c0_i32_0 = arith.constant 0 : i32
    return %arg1, %c0_i32 : i32, i32
  }
  func.func @transform_7(%arg0: i32, %arg1: i32) -> (i32, i32) {
    %c0_i32 = arith.constant 0 : i32
    %c0_i32_0 = arith.constant 0 : i32
    return %arg1, %c0_i32 : i32, i32
  }
  func.func @transform_8(%arg0: i32, %arg1: i32) -> (i32, i32) {
    %c0_i32 = arith.constant 0 : i32
    %c0_i32_0 = arith.constant 0 : i32
    return %arg1, %c0_i32 : i32, i32
  }
  func.func @transform_9(%arg0: i32, %arg1: i32) -> (i32, i32) {
    %mul3A = arith.constant 5 : i32
    %mul3A_0 = arith.muli %arg0, %mul3A : i32
    %add3A = arith.addi %mul3A_0, %arg1 : i32
    %c0_i32 = arith.constant 0 : i32
    %c0_i32_1 = arith.constant 0 : i32
    return %add3A, %c0_i32 : i32, i32
  }
}

module attributes {stable_mosaic.version = 14 : i64} {
  func.func @_user0_body(%arg0: i32, %arg1: memref<128x10000xf32, #tpu.memory_space<vmem>>, %arg2: memref<10000x128xf32, #tpu.memory_space<vmem>>, %arg3: memref<128x128xf32, #tpu.memory_space<vmem>>, %arg4: memref<4x128xf32, #tpu.memory_space<vmem>>, %arg5: memref<4x128xf32, #tpu.memory_space<vmem>>, %arg6: memref<9x128xf32, #tpu.memory_space<vmem>>, %arg7: memref<29x128xf32, #tpu.memory_space<vmem>>, %arg8: memref<128x128xf32, #tpu.memory_space<vmem>>, %arg9: memref<1x128xf32, #tpu.memory_space<vmem>>, %arg10: memref<4x4xf32, #tpu.memory_space<vmem>>, %arg11: memref<1x4xf32, #tpu.memory_space<vmem>>, %arg12: memref<128x128xf32, #tpu.memory_space<vmem>>, %arg13: memref<1x128xf32, #tpu.memory_space<vmem>>, %arg14: memref<9x9xf32, #tpu.memory_space<vmem>>, %arg15: memref<1x9xf32, #tpu.memory_space<vmem>>, %arg16: memref<128x128xf32, #tpu.memory_space<vmem>>, %arg17: memref<1x128xf32, #tpu.memory_space<vmem>>, %arg18: memref<4x4xf32, #tpu.memory_space<vmem>>, %arg19: memref<1x4xf32, #tpu.memory_space<vmem>>, %arg20: memref<128x128xf32, #tpu.memory_space<vmem>>, %arg21: memref<1x128xf32, #tpu.memory_space<vmem>>, %arg22: memref<29x29xf32, #tpu.memory_space<vmem>>, %arg23: memref<1x29xf32, #tpu.memory_space<vmem>>, %arg24: memref<128x128xf32, #tpu.memory_space<vmem>>, %arg25: memref<128x128xf32, #tpu.memory_space<vmem>>, %arg26: memref<4x128xf32, #tpu.memory_space<vmem>>, %arg27: memref<4x128xf32, #tpu.memory_space<vmem>>, %arg28: memref<1x1xf32, #tpu.memory_space<vmem>>) attributes {dimension_semantics = [#tpu.dimension_semantics<arbitrary>], iteration_bounds = array<i64: 8>, scalar_prefetch = 0 : i64, scratch_operands = 0 : i64, tpu.core_type = #tpu.core_type<tc>, window_params = [{transform_indices = @transform_0, window_bounds = array<i64: 128, 10000>}, {pipeline_mode = #tpu.pipeline_mode<synchronous>, transform_indices = @transform_1, window_bounds = array<i64: 10000, 128>}, {transform_indices = @transform_2, window_bounds = array<i64: 128, 128>}, {pipeline_mode = #tpu.pipeline_mode<synchronous>, transform_indices = @transform_3, window_bounds = array<i64: 4, 128>}, {pipeline_mode = #tpu.pipeline_mode<synchronous>, transform_indices = @transform_4, window_bounds = array<i64: 4, 128>}, {pipeline_mode = #tpu.pipeline_mode<synchronous>, transform_indices = @transform_5, window_bounds = array<i64: 9, 128>}, {pipeline_mode = #tpu.pipeline_mode<synchronous>, transform_indices = @transform_6, window_bounds = array<i64: 29, 128>}, {pipeline_mode = #tpu.pipeline_mode<synchronous>, transform_indices = @transform_7, window_bounds = array<i64: 128, 128>}, {pipeline_mode = #tpu.pipeline_mode<synchronous>, transform_indices = @transform_8, window_bounds = array<i64: 1, 128>}, {pipeline_mode = #tpu.pipeline_mode<synchronous>, transform_indices = @transform_9, window_bounds = array<i64: 4, 4>}, {pipeline_mode = #tpu.pipeline_mode<synchronous>, transform_indices = @transform_10, window_bounds = array<i64: 1, 4>}, {pipeline_mode = #tpu.pipeline_mode<synchronous>, transform_indices = @transform_11, window_bounds = array<i64: 128, 128>}, {pipeline_mode = #tpu.pipeline_mode<synchronous>, transform_indices = @transform_12, window_bounds = array<i64: 1, 128>}, {pipeline_mode = #tpu.pipeline_mode<synchronous>, transform_indices = @transform_13, window_bounds = array<i64: 9, 9>}, {pipeline_mode = #tpu.pipeline_mode<synchronous>, transform_indices = @transform_14, window_bounds = array<i64: 1, 9>}, {pipeline_mode = #tpu.pipeline_mode<synchronous>, transform_indices = @transform_15, window_bounds = array<i64: 128, 128>}, {pipeline_mode = #tpu.pipeline_mode<synchronous>, transform_indices = @transform_16, window_bounds = array<i64: 1, 128>}, {pipeline_mode = #tpu.pipeline_mode<synchronous>, transform_indices = @transform_17, window_bounds = array<i64: 4, 4>}, {pipeline_mode = #tpu.pipeline_mode<synchronous>, transform_indices = @transform_18, window_bounds = array<i64: 1, 4>}, {pipeline_mode = #tpu.pipeline_mode<synchronous>, transform_indices = @transform_19, window_bounds = array<i64: 128, 128>}, {pipeline_mode = #tpu.pipeline_mode<synchronous>, transform_indices = @transform_20, window_bounds = array<i64: 1, 128>}, {pipeline_mode = #tpu.pipeline_mode<synchronous>, transform_indices = @transform_21, window_bounds = array<i64: 29, 29>}, {pipeline_mode = #tpu.pipeline_mode<synchronous>, transform_indices = @transform_22, window_bounds = array<i64: 1, 29>}, {transform_indices = @transform_23, window_bounds = array<i64: 128, 128>}, {transform_indices = @transform_24, window_bounds = array<i64: 128, 128>}, {pipeline_mode = #tpu.pipeline_mode<synchronous>, transform_indices = @transform_25, window_bounds = array<i64: 4, 128>}, {pipeline_mode = #tpu.pipeline_mode<synchronous>, transform_indices = @transform_26, window_bounds = array<i64: 4, 128>}, {pipeline_mode = #tpu.pipeline_mode<synchronous>, transform_indices = @transform_27, window_bounds = array<i64: 1, 1>}]} {
    %get3A = arith.constant 0 : index
    %get3A_0 = arith.constant 0 : index
    %get3A_1 = vector.load %arg8[%get3A, %get3A_0] : memref<128x128xf32, #tpu.memory_space<vmem>>, vector<128x128xf32>
    %get3A_2 = arith.constant 0 : index
    %get3A_3 = arith.constant 0 : index
    %get3A_4 = vector.load %arg9[%get3A_2, %get3A_3] : memref<1x128xf32, #tpu.memory_space<vmem>>, vector<1x128xf32>
    %get3A_5 = arith.constant 0 : index
    %get3A_6 = arith.constant 0 : index
    %get3A_7 = vector.load %arg10[%get3A_5, %get3A_6] : memref<4x4xf32, #tpu.memory_space<vmem>>, vector<4x4xf32>
    %get3A_8 = arith.constant 0 : index
    %get3A_9 = arith.constant 0 : index
    %get3A_10 = vector.load %arg11[%get3A_8, %get3A_9] : memref<1x4xf32, #tpu.memory_space<vmem>>, vector<1x4xf32>
    %get3A_11 = arith.constant 0 : index
    %get3A_12 = arith.constant 0 : index
    %get3A_13 = vector.load %arg12[%get3A_11, %get3A_12] : memref<128x128xf32, #tpu.memory_space<vmem>>, vector<128x128xf32>
    %get3A_14 = arith.constant 0 : index
    %get3A_15 = arith.constant 0 : index
    %get3A_16 = vector.load %arg13[%get3A_14, %get3A_15] : memref<1x128xf32, #tpu.memory_space<vmem>>, vector<1x128xf32>
    %get3A_17 = arith.constant 0 : index
    %get3A_18 = arith.constant 0 : index
    %get3A_19 = vector.load %arg14[%get3A_17, %get3A_18] : memref<9x9xf32, #tpu.memory_space<vmem>>, vector<9x9xf32>
    %get3A_20 = arith.constant 0 : index
    %get3A_21 = arith.constant 0 : index
    %get3A_22 = vector.load %arg15[%get3A_20, %get3A_21] : memref<1x9xf32, #tpu.memory_space<vmem>>, vector<1x9xf32>
    %get3A_23 = arith.constant 0 : index
    %get3A_24 = arith.constant 0 : index
    %get3A_25 = vector.load %arg16[%get3A_23, %get3A_24] : memref<128x128xf32, #tpu.memory_space<vmem>>, vector<128x128xf32>
    %get3A_26 = arith.constant 0 : index
    %get3A_27 = arith.constant 0 : index
    %get3A_28 = vector.load %arg17[%get3A_26, %get3A_27] : memref<1x128xf32, #tpu.memory_space<vmem>>, vector<1x128xf32>
    %get3A_29 = arith.constant 0 : index
    %get3A_30 = arith.constant 0 : index
    %get3A_31 = vector.load %arg18[%get3A_29, %get3A_30] : memref<4x4xf32, #tpu.memory_space<vmem>>, vector<4x4xf32>
    %get3A_32 = arith.constant 0 : index
    %get3A_33 = arith.constant 0 : index
    %get3A_34 = vector.load %arg19[%get3A_32, %get3A_33] : memref<1x4xf32, #tpu.memory_space<vmem>>, vector<1x4xf32>
    %get3A_35 = arith.constant 0 : index
    %get3A_36 = arith.constant 0 : index
    %get3A_37 = vector.load %arg20[%get3A_35, %get3A_36] : memref<128x128xf32, #tpu.memory_space<vmem>>, vector<128x128xf32>
    %get3A_38 = arith.constant 0 : index
    %get3A_39 = arith.constant 0 : index
    %get3A_40 = vector.load %arg21[%get3A_38, %get3A_39] : memref<1x128xf32, #tpu.memory_space<vmem>>, vector<1x128xf32>
    %get3A_41 = arith.constant 0 : index
    %get3A_42 = arith.constant 0 : index
    %get3A_43 = vector.load %arg22[%get3A_41, %get3A_42] : memref<29x29xf32, #tpu.memory_space<vmem>>, vector<29x29xf32>
    %get3A_44 = arith.constant 0 : index
    %get3A_45 = arith.constant 0 : index
    %get3A_46 = vector.load %arg23[%get3A_44, %get3A_45] : memref<1x29xf32, #tpu.memory_space<vmem>>, vector<1x29xf32>
    %get3A_47 = arith.constant 0 : index
    %get3A_48 = arith.constant 0 : index
    %get3A_49 = vector.load %arg1[%get3A_47, %get3A_48] : memref<128x10000xf32, #tpu.memory_space<vmem>>, vector<128x10000xf32>
    %get3A_50 = arith.constant 0 : index
    %get3A_51 = arith.constant 0 : index
    %get3A_52 = vector.load %arg2[%get3A_50, %get3A_51] : memref<10000x128xf32, #tpu.memory_space<vmem>>, vector<10000x128xf32>
    %dot_general3A = arith.constant dense<0.000000e+00> : vector<128x128xf32>
    %dot_general3A_53 = tpu.matmul %get3A_49, %get3A_52, %dot_general3A {dimension_numbers = #tpu.dot_dimension_numbers<[1], [0], [0], [1], [0, 0, 1, 1], [], []>, transpose_lhs_hint = false} : vector<128x10000xf32>, vector<10000x128xf32>, vector<128x128xf32> -> vector<128x128xf32>
    %get3A_54 = arith.constant 0 : index
    %get3A_55 = arith.constant 0 : index
    %get3A_56 = vector.load %arg3[%get3A_54, %get3A_55] : memref<128x128xf32, #tpu.memory_space<vmem>>, vector<128x128xf32>
    %get3A_57 = arith.constant 0 : index
    %get3A_58 = arith.constant 0 : index
    %get3A_59 = vector.load %arg4[%get3A_57, %get3A_58] : memref<4x128xf32, #tpu.memory_space<vmem>>, vector<4x128xf32>
    %get3A_60 = arith.constant 0 : index
    %get3A_61 = arith.constant 0 : index
    %get3A_62 = vector.load %arg6[%get3A_60, %get3A_61] : memref<9x128xf32, #tpu.memory_space<vmem>>, vector<9x128xf32>
    %dot_general3A_63 = arith.constant dense<0.000000e+00> : vector<128x128xf32>
    %dot_general3A_64 = tpu.matmul %get3A_56, %get3A_1, %dot_general3A_63 {dimension_numbers = #tpu.dot_dimension_numbers<[1], [1], [0], [0], [0, 0, 1, 0], [], []>, transpose_lhs_hint = false} : vector<128x128xf32>, vector<128x128xf32>, vector<128x128xf32> -> vector<128x128xf32>
    %add3A = vector.broadcast %get3A_4 : vector<1x128xf32> to vector<128x128xf32>
    %add3A_65 = arith.addf %dot_general3A_64, %add3A : vector<128x128xf32>
    %dot_general3A_66 = arith.constant dense<0.000000e+00> : vector<4x128xf32>
    %dot_general3A_67 = tpu.matmul %get3A_59, %get3A_1, %dot_general3A_66 {dimension_numbers = #tpu.dot_dimension_numbers<[1], [1], [0], [0], [0, 0, 1, 0], [], []>, transpose_lhs_hint = false} : vector<4x128xf32>, vector<128x128xf32>, vector<4x128xf32> -> vector<4x128xf32>
    %add3A_68 = vector.broadcast %get3A_4 : vector<1x128xf32> to vector<4x128xf32>
    %add3A_69 = arith.addf %dot_general3A_67, %add3A_68 : vector<4x128xf32>
    %dot_general3A_70 = arith.constant dense<0.000000e+00> : vector<128x4xf32>
    %dot_general3A_71 = tpu.matmul %add3A_65, %add3A_69, %dot_general3A_70 {dimension_numbers = #tpu.dot_dimension_numbers<[1], [1], [0], [0], [0, 0, 1, 0], [], []>, transpose_lhs_hint = false} : vector<128x128xf32>, vector<4x128xf32>, vector<128x4xf32> -> vector<128x4xf32>
    %dot_general3A_72 = arith.constant dense<0.000000e+00> : vector<128x4xf32>
    %dot_general3A_73 = tpu.matmul %dot_general3A_71, %get3A_7, %dot_general3A_72 {dimension_numbers = #tpu.dot_dimension_numbers<[1], [1], [0], [0], [0, 0, 1, 0], [], []>, transpose_lhs_hint = false} : vector<128x4xf32>, vector<4x4xf32>, vector<128x4xf32> -> vector<128x4xf32>
    %add3A_74 = vector.broadcast %get3A_10 : vector<1x4xf32> to vector<128x4xf32>
    %add3A_75 = arith.addf %dot_general3A_73, %add3A_74 : vector<128x4xf32>
    %ge3A = arith.constant 0.000000e+00 : f32
    %ge3A_76 = vector.broadcast %ge3A : f32 to vector<128x4xf32>
    %ge3A_77 = arith.cmpf oge, %add3A_75, %ge3A_76 : vector<128x4xf32>
    %mul3A = arith.constant 2.000000e-01 : f32
    %mul3A_78 = vector.broadcast %mul3A : f32 to vector<128x4xf32>
    %mul3A_79 = arith.mulf %mul3A_78, %add3A_75 : vector<128x4xf32>
    %select_n3A = arith.select %ge3A_77, %add3A_75, %mul3A_79 : vector<128x4xi1>, vector<128x4xf32>
    %reduce_max3A = arith.constant dense<0xFF800000> : vector<128xf32>
    %reduce_max3A_80 = vector.multi_reduction <maximumf>, %select_n3A, %reduce_max3A [1] : vector<128x4xf32> to vector<128xf32>
    %broadcast_in_dim3A = vector.shape_cast %reduce_max3A_80 : vector<128xf32> to vector<128x1xf32>
    %sub3A = vector.broadcast %broadcast_in_dim3A : vector<128x1xf32> to vector<128x4xf32>
    %sub3A_81 = arith.subf %select_n3A, %sub3A : vector<128x4xf32>
    %exp3A = math.exp %sub3A_81 : vector<128x4xf32>
    %reduce_sum3A = arith.constant dense<0.000000e+00> : vector<128xf32>
    %reduce_sum3A_82 = vector.multi_reduction <add>, %exp3A, %reduce_sum3A [1] : vector<128x4xf32> to vector<128xf32>
    %broadcast_in_dim3A_83 = vector.shape_cast %reduce_sum3A_82 : vector<128xf32> to vector<128x1xf32>
    %div3A = vector.broadcast %broadcast_in_dim3A_83 : vector<128x1xf32> to vector<128x4xf32>
    %div3A_84 = arith.divf %exp3A, %div3A : vector<128x4xf32>
    %dot_general3A_85 = arith.constant dense<0.000000e+00> : vector<4x128xf32>
    %dot_general3A_86 = tpu.matmul %get3A_59, %get3A_13, %dot_general3A_85 {dimension_numbers = #tpu.dot_dimension_numbers<[1], [1], [0], [0], [0, 0, 1, 0], [], []>, transpose_lhs_hint = false} : vector<4x128xf32>, vector<128x128xf32>, vector<4x128xf32> -> vector<4x128xf32>
    %add3A_87 = vector.broadcast %get3A_16 : vector<1x128xf32> to vector<4x128xf32>
    %add3A_88 = arith.addf %dot_general3A_86, %add3A_87 : vector<4x128xf32>
    %dot_general3A_89 = arith.constant dense<0.000000e+00> : vector<9x128xf32>
    %dot_general3A_90 = tpu.matmul %get3A_62, %get3A_13, %dot_general3A_89 {dimension_numbers = #tpu.dot_dimension_numbers<[1], [1], [0], [0], [0, 0, 1, 0], [], []>, transpose_lhs_hint = false} : vector<9x128xf32>, vector<128x128xf32>, vector<9x128xf32> -> vector<9x128xf32>
    %add3A_91 = vector.broadcast %get3A_16 : vector<1x128xf32> to vector<9x128xf32>
    %add3A_92 = arith.addf %dot_general3A_90, %add3A_91 : vector<9x128xf32>
    %dot_general3A_93 = arith.constant dense<0.000000e+00> : vector<4x9xf32>
    %dot_general3A_94 = tpu.matmul %add3A_88, %add3A_92, %dot_general3A_93 {dimension_numbers = #tpu.dot_dimension_numbers<[1], [1], [0], [0], [0, 0, 1, 0], [], []>, transpose_lhs_hint = false} : vector<4x128xf32>, vector<9x128xf32>, vector<4x9xf32> -> vector<4x9xf32>
    %dot_general3A_95 = arith.constant dense<0.000000e+00> : vector<4x9xf32>
    %dot_general3A_96 = tpu.matmul %dot_general3A_94, %get3A_19, %dot_general3A_95 {dimension_numbers = #tpu.dot_dimension_numbers<[1], [1], [0], [0], [0, 0, 1, 0], [], []>, transpose_lhs_hint = false} : vector<4x9xf32>, vector<9x9xf32>, vector<4x9xf32> -> vector<4x9xf32>
    %add3A_97 = vector.broadcast %get3A_22 : vector<1x9xf32> to vector<4x9xf32>
    %add3A_98 = arith.addf %dot_general3A_96, %add3A_97 : vector<4x9xf32>
    %ge3A_99 = arith.constant 0.000000e+00 : f32
    %ge3A_100 = vector.broadcast %ge3A_99 : f32 to vector<4x9xf32>
    %ge3A_101 = arith.cmpf oge, %add3A_98, %ge3A_100 : vector<4x9xf32>
    %mul3A_102 = arith.constant 2.000000e-01 : f32
    %mul3A_103 = vector.broadcast %mul3A_102 : f32 to vector<4x9xf32>
    %mul3A_104 = arith.mulf %mul3A_103, %add3A_98 : vector<4x9xf32>
    %select_n3A_105 = arith.select %ge3A_101, %add3A_98, %mul3A_104 : vector<4x9xi1>, vector<4x9xf32>
    %reduce_max3A_106 = arith.constant dense<0xFF800000> : vector<4xf32>
    %reduce_max3A_107 = vector.multi_reduction <maximumf>, %select_n3A_105, %reduce_max3A_106 [1] : vector<4x9xf32> to vector<4xf32>
    %broadcast_in_dim3A_108 = vector.shape_cast %reduce_max3A_107 : vector<4xf32> to vector<4x1xf32>
    %sub3A_109 = vector.broadcast %broadcast_in_dim3A_108 : vector<4x1xf32> to vector<4x9xf32>
    %sub3A_110 = arith.subf %select_n3A_105, %sub3A_109 : vector<4x9xf32>
    %exp3A_111 = math.exp %sub3A_110 : vector<4x9xf32>
    %reduce_sum3A_112 = arith.constant dense<0.000000e+00> : vector<4xf32>
    %reduce_sum3A_113 = vector.multi_reduction <add>, %exp3A_111, %reduce_sum3A_112 [1] : vector<4x9xf32> to vector<4xf32>
    %broadcast_in_dim3A_114 = vector.shape_cast %reduce_sum3A_113 : vector<4xf32> to vector<4x1xf32>
    %div3A_115 = vector.broadcast %broadcast_in_dim3A_114 : vector<4x1xf32> to vector<4x9xf32>
    %div3A_116 = arith.divf %exp3A_111, %div3A_115 : vector<4x9xf32>
    %dot_general3A_117 = arith.constant dense<0.000000e+00> : vector<4x128xf32>
    %dot_general3A_118 = tpu.matmul %div3A_116, %get3A_62, %dot_general3A_117 {dimension_numbers = #tpu.dot_dimension_numbers<[1], [0], [0], [1], [0, 0, 1, 1], [], []>, transpose_lhs_hint = false} : vector<4x9xf32>, vector<9x128xf32>, vector<4x128xf32> -> vector<4x128xf32>
    %dot_general3A_119 = arith.constant dense<0.000000e+00> : vector<128x128xf32>
    %dot_general3A_120 = tpu.matmul %div3A_84, %dot_general3A_118, %dot_general3A_119 {dimension_numbers = #tpu.dot_dimension_numbers<[1], [0], [0], [1], [0, 0, 1, 1], [], []>, transpose_lhs_hint = false} : vector<128x4xf32>, vector<4x128xf32>, vector<128x128xf32> -> vector<128x128xf32>
    %mul3A_121 = arith.mulf %dot_general3A_53, %dot_general3A_120 : vector<128x128xf32>
    %add3A_122 = arith.addf %mul3A_121, %dot_general3A_53 : vector<128x128xf32>
    %mul3A_123 = arith.mulf %add3A_122, %add3A_122 : vector<128x128xf32>
    %reduce_sum3A_124 = arith.constant dense<0.000000e+00> : vector<128xf32>
    %reduce_sum3A_125 = vector.multi_reduction <add>, %mul3A_123, %reduce_sum3A_124 [1] : vector<128x128xf32> to vector<128xf32>
    %broadcast_in_dim3A_126 = vector.shape_cast %reduce_sum3A_125 : vector<128xf32> to vector<128x1xf32>
    %sqrt3A = math.sqrt %broadcast_in_dim3A_126 : vector<128x1xf32>
    %jit3A = arith.constant 9.99999996E-13 : f32
    %max3A = vector.broadcast %jit3A : f32 to vector<128x1xf32>
    %max3A_127 = arith.maximumf %max3A, %sqrt3A : vector<128x1xf32>
    %div3A_128 = vector.broadcast %max3A_127 : vector<128x1xf32> to vector<128x128xf32>
    %div3A_129 = arith.divf %add3A_122, %div3A_128 : vector<128x128xf32>
    %get3A_130 = arith.constant 0 : index
    %get3A_131 = arith.constant 0 : index
    %get3A_132 = vector.load %arg5[%get3A_130, %get3A_131] : memref<4x128xf32, #tpu.memory_space<vmem>>, vector<4x128xf32>
    %get3A_133 = arith.constant 0 : index
    %get3A_134 = arith.constant 0 : index
    %get3A_135 = vector.load %arg7[%get3A_133, %get3A_134] : memref<29x128xf32, #tpu.memory_space<vmem>>, vector<29x128xf32>
    %dot_general3A_136 = arith.constant dense<0.000000e+00> : vector<128x128xf32>
    %dot_general3A_137 = tpu.matmul %get3A_56, %get3A_25, %dot_general3A_136 {dimension_numbers = #tpu.dot_dimension_numbers<[1], [1], [0], [0], [0, 0, 1, 0], [], []>, transpose_lhs_hint = false} : vector<128x128xf32>, vector<128x128xf32>, vector<128x128xf32> -> vector<128x128xf32>
    %add3A_138 = vector.broadcast %get3A_28 : vector<1x128xf32> to vector<128x128xf32>
    %add3A_139 = arith.addf %dot_general3A_137, %add3A_138 : vector<128x128xf32>
    %dot_general3A_140 = arith.constant dense<0.000000e+00> : vector<4x128xf32>
    %dot_general3A_141 = tpu.matmul %get3A_132, %get3A_25, %dot_general3A_140 {dimension_numbers = #tpu.dot_dimension_numbers<[1], [1], [0], [0], [0, 0, 1, 0], [], []>, transpose_lhs_hint = false} : vector<4x128xf32>, vector<128x128xf32>, vector<4x128xf32> -> vector<4x128xf32>
    %add3A_142 = vector.broadcast %get3A_28 : vector<1x128xf32> to vector<4x128xf32>
    %add3A_143 = arith.addf %dot_general3A_141, %add3A_142 : vector<4x128xf32>
    %dot_general3A_144 = arith.constant dense<0.000000e+00> : vector<128x4xf32>
    %dot_general3A_145 = tpu.matmul %add3A_139, %add3A_143, %dot_general3A_144 {dimension_numbers = #tpu.dot_dimension_numbers<[1], [1], [0], [0], [0, 0, 1, 0], [], []>, transpose_lhs_hint = false} : vector<128x128xf32>, vector<4x128xf32>, vector<128x4xf32> -> vector<128x4xf32>
    %dot_general3A_146 = arith.constant dense<0.000000e+00> : vector<128x4xf32>
    %dot_general3A_147 = tpu.matmul %dot_general3A_145, %get3A_31, %dot_general3A_146 {dimension_numbers = #tpu.dot_dimension_numbers<[1], [1], [0], [0], [0, 0, 1, 0], [], []>, transpose_lhs_hint = false} : vector<128x4xf32>, vector<4x4xf32>, vector<128x4xf32> -> vector<128x4xf32>
    %add3A_148 = vector.broadcast %get3A_34 : vector<1x4xf32> to vector<128x4xf32>
    %add3A_149 = arith.addf %dot_general3A_147, %add3A_148 : vector<128x4xf32>
    %ge3A_150 = arith.constant 0.000000e+00 : f32
    %ge3A_151 = vector.broadcast %ge3A_150 : f32 to vector<128x4xf32>
    %ge3A_152 = arith.cmpf oge, %add3A_149, %ge3A_151 : vector<128x4xf32>
    %mul3A_153 = arith.constant 2.000000e-01 : f32
    %mul3A_154 = vector.broadcast %mul3A_153 : f32 to vector<128x4xf32>
    %mul3A_155 = arith.mulf %mul3A_154, %add3A_149 : vector<128x4xf32>
    %select_n3A_156 = arith.select %ge3A_152, %add3A_149, %mul3A_155 : vector<128x4xi1>, vector<128x4xf32>
    %reduce_max3A_157 = arith.constant dense<0xFF800000> : vector<128xf32>
    %reduce_max3A_158 = vector.multi_reduction <maximumf>, %select_n3A_156, %reduce_max3A_157 [1] : vector<128x4xf32> to vector<128xf32>
    %broadcast_in_dim3A_159 = vector.shape_cast %reduce_max3A_158 : vector<128xf32> to vector<128x1xf32>
    %sub3A_160 = vector.broadcast %broadcast_in_dim3A_159 : vector<128x1xf32> to vector<128x4xf32>
    %sub3A_161 = arith.subf %select_n3A_156, %sub3A_160 : vector<128x4xf32>
    %exp3A_162 = math.exp %sub3A_161 : vector<128x4xf32>
    %reduce_sum3A_163 = arith.constant dense<0.000000e+00> : vector<128xf32>
    %reduce_sum3A_164 = vector.multi_reduction <add>, %exp3A_162, %reduce_sum3A_163 [1] : vector<128x4xf32> to vector<128xf32>
    %broadcast_in_dim3A_165 = vector.shape_cast %reduce_sum3A_164 : vector<128xf32> to vector<128x1xf32>
    %div3A_166 = vector.broadcast %broadcast_in_dim3A_165 : vector<128x1xf32> to vector<128x4xf32>
    %div3A_167 = arith.divf %exp3A_162, %div3A_166 : vector<128x4xf32>
    %dot_general3A_168 = arith.constant dense<0.000000e+00> : vector<4x128xf32>
    %dot_general3A_169 = tpu.matmul %get3A_132, %get3A_37, %dot_general3A_168 {dimension_numbers = #tpu.dot_dimension_numbers<[1], [1], [0], [0], [0, 0, 1, 0], [], []>, transpose_lhs_hint = false} : vector<4x128xf32>, vector<128x128xf32>, vector<4x128xf32> -> vector<4x128xf32>
    %add3A_170 = vector.broadcast %get3A_40 : vector<1x128xf32> to vector<4x128xf32>
    %add3A_171 = arith.addf %dot_general3A_169, %add3A_170 : vector<4x128xf32>
    %dot_general3A_172 = arith.constant dense<0.000000e+00> : vector<29x128xf32>
    %dot_general3A_173 = tpu.matmul %get3A_135, %get3A_37, %dot_general3A_172 {dimension_numbers = #tpu.dot_dimension_numbers<[1], [1], [0], [0], [0, 0, 1, 0], [], []>, transpose_lhs_hint = false} : vector<29x128xf32>, vector<128x128xf32>, vector<29x128xf32> -> vector<29x128xf32>
    %add3A_174 = vector.broadcast %get3A_40 : vector<1x128xf32> to vector<29x128xf32>
    %add3A_175 = arith.addf %dot_general3A_173, %add3A_174 : vector<29x128xf32>
    %dot_general3A_176 = arith.constant dense<0.000000e+00> : vector<4x29xf32>
    %dot_general3A_177 = tpu.matmul %add3A_171, %add3A_175, %dot_general3A_176 {dimension_numbers = #tpu.dot_dimension_numbers<[1], [1], [0], [0], [0, 0, 1, 0], [], []>, transpose_lhs_hint = false} : vector<4x128xf32>, vector<29x128xf32>, vector<4x29xf32> -> vector<4x29xf32>
    %dot_general3A_178 = arith.constant dense<0.000000e+00> : vector<4x29xf32>
    %dot_general3A_179 = tpu.matmul %dot_general3A_177, %get3A_43, %dot_general3A_178 {dimension_numbers = #tpu.dot_dimension_numbers<[1], [1], [0], [0], [0, 0, 1, 0], [], []>, transpose_lhs_hint = false} : vector<4x29xf32>, vector<29x29xf32>, vector<4x29xf32> -> vector<4x29xf32>
    %add3A_180 = vector.broadcast %get3A_46 : vector<1x29xf32> to vector<4x29xf32>
    %add3A_181 = arith.addf %dot_general3A_179, %add3A_180 : vector<4x29xf32>
    %ge3A_182 = arith.constant 0.000000e+00 : f32
    %ge3A_183 = vector.broadcast %ge3A_182 : f32 to vector<4x29xf32>
    %ge3A_184 = arith.cmpf oge, %add3A_181, %ge3A_183 : vector<4x29xf32>
    %mul3A_185 = arith.constant 2.000000e-01 : f32
    %mul3A_186 = vector.broadcast %mul3A_185 : f32 to vector<4x29xf32>
    %mul3A_187 = arith.mulf %mul3A_186, %add3A_181 : vector<4x29xf32>
    %select_n3A_188 = arith.select %ge3A_184, %add3A_181, %mul3A_187 : vector<4x29xi1>, vector<4x29xf32>
    %reduce_max3A_189 = arith.constant dense<0xFF800000> : vector<4xf32>
    %reduce_max3A_190 = vector.multi_reduction <maximumf>, %select_n3A_188, %reduce_max3A_189 [1] : vector<4x29xf32> to vector<4xf32>
    %broadcast_in_dim3A_191 = vector.shape_cast %reduce_max3A_190 : vector<4xf32> to vector<4x1xf32>
    %sub3A_192 = vector.broadcast %broadcast_in_dim3A_191 : vector<4x1xf32> to vector<4x29xf32>
    %sub3A_193 = arith.subf %select_n3A_188, %sub3A_192 : vector<4x29xf32>
    %exp3A_194 = math.exp %sub3A_193 : vector<4x29xf32>
    %reduce_sum3A_195 = arith.constant dense<0.000000e+00> : vector<4xf32>
    %reduce_sum3A_196 = vector.multi_reduction <add>, %exp3A_194, %reduce_sum3A_195 [1] : vector<4x29xf32> to vector<4xf32>
    %broadcast_in_dim3A_197 = vector.shape_cast %reduce_sum3A_196 : vector<4xf32> to vector<4x1xf32>
    %div3A_198 = vector.broadcast %broadcast_in_dim3A_197 : vector<4x1xf32> to vector<4x29xf32>
    %div3A_199 = arith.divf %exp3A_194, %div3A_198 : vector<4x29xf32>
    %dot_general3A_200 = arith.constant dense<0.000000e+00> : vector<4x128xf32>
    %dot_general3A_201 = tpu.matmul %div3A_199, %get3A_135, %dot_general3A_200 {dimension_numbers = #tpu.dot_dimension_numbers<[1], [0], [0], [1], [0, 0, 1, 1], [], []>, transpose_lhs_hint = false} : vector<4x29xf32>, vector<29x128xf32>, vector<4x128xf32> -> vector<4x128xf32>
    %dot_general3A_202 = arith.constant dense<0.000000e+00> : vector<128x128xf32>
    %dot_general3A_203 = tpu.matmul %div3A_167, %dot_general3A_201, %dot_general3A_202 {dimension_numbers = #tpu.dot_dimension_numbers<[1], [0], [0], [1], [0, 0, 1, 1], [], []>, transpose_lhs_hint = false} : vector<128x4xf32>, vector<4x128xf32>, vector<128x128xf32> -> vector<128x128xf32>
    %mul3A_204 = arith.mulf %dot_general3A_53, %dot_general3A_203 : vector<128x128xf32>
    %add3A_205 = arith.addf %mul3A_204, %dot_general3A_53 : vector<128x128xf32>
    %mul3A_206 = arith.mulf %add3A_205, %add3A_205 : vector<128x128xf32>
    %reduce_sum3A_207 = arith.constant dense<0.000000e+00> : vector<128xf32>
    %reduce_sum3A_208 = vector.multi_reduction <add>, %mul3A_206, %reduce_sum3A_207 [1] : vector<128x128xf32> to vector<128xf32>
    %broadcast_in_dim3A_209 = vector.shape_cast %reduce_sum3A_208 : vector<128xf32> to vector<128x1xf32>
    %sqrt3A_210 = math.sqrt %broadcast_in_dim3A_209 : vector<128x1xf32>
    %jit3A_211 = arith.constant 9.99999996E-13 : f32
    %max3A_212 = vector.broadcast %jit3A_211 : f32 to vector<128x1xf32>
    %max3A_213 = arith.maximumf %max3A_212, %sqrt3A_210 : vector<128x1xf32>
    %div3A_214 = vector.broadcast %max3A_213 : vector<128x1xf32> to vector<128x128xf32>
    %div3A_215 = arith.divf %add3A_205, %div3A_214 : vector<128x128xf32>
    %swap3A = arith.constant 0 : index
    %swap3A_216 = arith.constant 0 : index
    %swap3A_217 = vector.load %arg24[%swap3A, %swap3A_216] : memref<128x128xf32, #tpu.memory_space<vmem>>, vector<128x128xf32>
    tpu.vector_store %arg24[%swap3A, %swap3A_216], %div3A_129 {strides = array<i32>} : memref<128x128xf32, #tpu.memory_space<vmem>>, vector<128x128xf32>,
    %swap3A_218 = arith.constant 0 : index
    %swap3A_219 = arith.constant 0 : index
    %swap3A_220 = vector.load %arg25[%swap3A_218, %swap3A_219] : memref<128x128xf32, #tpu.memory_space<vmem>>, vector<128x128xf32>
    tpu.vector_store %arg25[%swap3A_218, %swap3A_219], %div3A_215 {strides = array<i32>} : memref<128x128xf32, #tpu.memory_space<vmem>>, vector<128x128xf32>,
    %swap3A_221 = arith.constant 0 : index
    %swap3A_222 = arith.constant 0 : index
    %swap3A_223 = vector.load %arg26[%swap3A_221, %swap3A_222] : memref<4x128xf32, #tpu.memory_space<vmem>>, vector<4x128xf32>
    tpu.vector_store %arg26[%swap3A_221, %swap3A_222], %dot_general3A_118 {strides = array<i32>} : memref<4x128xf32, #tpu.memory_space<vmem>>, vector<4x128xf32>,
    %swap3A_224 = arith.constant 0 : index
    %swap3A_225 = arith.constant 0 : index
    %swap3A_226 = vector.load %arg27[%swap3A_224, %swap3A_225] : memref<4x128xf32, #tpu.memory_space<vmem>>, vector<4x128xf32>
    tpu.vector_store %arg27[%swap3A_224, %swap3A_225], %dot_general3A_201 {strides = array<i32>} : memref<4x128xf32, #tpu.memory_space<vmem>>, vector<4x128xf32>,
    %get3A_227 = arith.constant 0 : index
    %get3A_228 = arith.constant 0 : index
    %get3A_229 = vector.load %arg6[%get3A_227, %get3A_228] : memref<9x128xf32, #tpu.memory_space<vmem>>, vector<9x128xf32>
    %transpose3A = tpu.transpose %get3A_229, [1, 0] : vector<9x128xf32> -> vector<128x9xf32>
    %mul3A_230 = arith.mulf %transpose3A, %transpose3A : vector<128x9xf32>
    %reduce_sum3A_231 = arith.constant dense<0.000000e+00> : vector<128xf32>
    %reduce_sum3A_232 = vector.multi_reduction <add>, %mul3A_230, %reduce_sum3A_231 [1] : vector<128x9xf32> to vector<128xf32>
    %broadcast_in_dim3A_233 = vector.shape_cast %reduce_sum3A_232 : vector<128xf32> to vector<128x1xf32>
    %sqrt3A_234 = math.sqrt %broadcast_in_dim3A_233 : vector<128x1xf32>
    %div3A_235 = vector.broadcast %sqrt3A_234 : vector<128x1xf32> to vector<128x9xf32>
    %div3A_236 = arith.divf %transpose3A, %div3A_235 : vector<128x9xf32>
    %mul3A_237 = arith.mulf %div3A_236, %div3A_236 : vector<128x9xf32>
    %reduce_sum3A_238 = arith.constant dense<0.000000e+00> : vector<128xf32>
    %reduce_sum3A_239 = vector.multi_reduction <add>, %mul3A_237, %reduce_sum3A_238 [1] : vector<128x9xf32> to vector<128xf32>
    %dot_general3A_240 = arith.constant dense<0.000000e+00> : vector<128x128xf32>
    %dot_general3A_241 = tpu.matmul %transpose3A, %get3A_229, %dot_general3A_240 {dimension_numbers = #tpu.dot_dimension_numbers<[1], [0], [0], [1], [0, 0, 1, 1], [], []>, transpose_lhs_hint = false} : vector<128x9xf32>, vector<9x128xf32>, vector<128x128xf32> -> vector<128x128xf32>
    %reduce_sum3A_242 = arith.constant dense<0.000000e+00> : vector<128xf32>
    %reduce_sum3A_243 = vector.multi_reduction <add>, %dot_general3A_241, %reduce_sum3A_242 [1] : vector<128x128xf32> to vector<128xf32>
    %broadcast_in_dim3A_244 = arith.constant 0.000000e+00 : f32
    %broadcast_in_dim3A_245 = vector.broadcast %broadcast_in_dim3A_244 : f32 to vector<1x1xf32>
    %sub3A_246 = arith.subf %reduce_sum3A_243, %reduce_sum3A_239 : vector<128xf32>
    %reduce_sum3A_247 = vector.shape_cast %sub3A_246 : vector<128xf32> to vector<1x128xf32>
    %reduce_sum3A_248 = arith.constant dense<0.000000e+00> : vector<1xf32>
    %reduce_sum3A_249 = vector.multi_reduction <add>, %reduce_sum3A_247, %reduce_sum3A_248 [1] : vector<1x128xf32> to vector<1xf32>
    %reduce_sum3A_250 = vector.shape_cast %reduce_sum3A_249 : vector<1xf32> to vector<1x1xf32>
    %reduce_sum3A_251 = vector.extract %reduce_sum3A_250[0, 0] : f32 from vector<1x1xf32>
    %div3A_252 = arith.constant 2.000000e-01 : f32
    %div3A_253 = arith.divf %reduce_sum3A_251, %div3A_252 : f32
    %add3A_254 = vector.broadcast %div3A_253 : f32 to vector<1x1xf32>
    %add3A_255 = arith.addf %broadcast_in_dim3A_245, %add3A_254 : vector<1x1xf32>
    %swap3A_256 = arith.constant 0 : index
    %swap3A_257 = arith.constant 0 : index
    %swap3A_258 = vector.load %arg28[%swap3A_256, %swap3A_257] : memref<1x1xf32, #tpu.memory_space<vmem>>, vector<1x1xf32>
    tpu.vector_store %arg28[%swap3A_256, %swap3A_257], %add3A_255 {strides = array<i32>} : memref<1x1xf32, #tpu.memory_space<vmem>>, vector<1x1xf32>,
    return
  }
  func.func @transform_0(%arg0: i32) -> (i32, i32) {
    %c0_i32 = arith.constant 0 : i32
    %c0_i32_0 = arith.constant 0 : i32
    return %arg0, %c0_i32 : i32, i32
  }
  func.func @transform_1(%arg0: i32) -> (i32, i32) {
    %c0_i32 = arith.constant 0 : i32
    %c0_i32_0 = arith.constant 0 : i32
    %c0_i32_1 = arith.constant 0 : i32
    return %c0_i32, %c0_i32_0 : i32, i32
  }
  func.func @transform_2(%arg0: i32) -> (i32, i32) {
    %c0_i32 = arith.constant 0 : i32
    %c0_i32_0 = arith.constant 0 : i32
    return %arg0, %c0_i32 : i32, i32
  }
  func.func @transform_3(%arg0: i32) -> (i32, i32) {
    %c0_i32 = arith.constant 0 : i32
    %c0_i32_0 = arith.constant 0 : i32
    %c0_i32_1 = arith.constant 0 : i32
    return %c0_i32, %c0_i32_0 : i32, i32
  }
  func.func @transform_4(%arg0: i32) -> (i32, i32) {
    %c0_i32 = arith.constant 0 : i32
    %c0_i32_0 = arith.constant 0 : i32
    %c0_i32_1 = arith.constant 0 : i32
    return %c0_i32, %c0_i32_0 : i32, i32
  }
  func.func @transform_5(%arg0: i32) -> (i32, i32) {
    %c0_i32 = arith.constant 0 : i32
    %c0_i32_0 = arith.constant 0 : i32
    %c0_i32_1 = arith.constant 0 : i32
    return %c0_i32, %c0_i32_0 : i32, i32
  }
  func.func @transform_6(%arg0: i32) -> (i32, i32) {
    %c0_i32 = arith.constant 0 : i32
    %c0_i32_0 = arith.constant 0 : i32
    %c0_i32_1 = arith.constant 0 : i32
    return %c0_i32, %c0_i32_0 : i32, i32
  }
  func.func @transform_7(%arg0: i32) -> (i32, i32) {
    %c0_i32 = arith.constant 0 : i32
    %c0_i32_0 = arith.constant 0 : i32
    %c0_i32_1 = arith.constant 0 : i32
    return %c0_i32, %c0_i32_0 : i32, i32
  }
  func.func @transform_8(%arg0: i32) -> (i32, i32) {
    %c0_i32 = arith.constant 0 : i32
    %c0_i32_0 = arith.constant 0 : i32
    %c0_i32_1 = arith.constant 0 : i32
    return %c0_i32, %c0_i32_0 : i32, i32
  }
  func.func @transform_9(%arg0: i32) -> (i32, i32) {
    %c0_i32 = arith.constant 0 : i32
    %c0_i32_0 = arith.constant 0 : i32
    %c0_i32_1 = arith.constant 0 : i32
    return %c0_i32, %c0_i32_0 : i32, i32
  }
  func.func @transform_10(%arg0: i32) -> (i32, i32) {
    %c0_i32 = arith.constant 0 : i32
    %c0_i32_0 = arith.constant 0 : i32
    %c0_i32_1 = arith.constant 0 : i32
    return %c0_i32, %c0_i32_0 : i32, i32
  }
  func.func @transform_11(%arg0: i32) -> (i32, i32) {
    %c0_i32 = arith.constant 0 : i32
    %c0_i32_0 = arith.constant 0 : i32
    %c0_i32_1 = arith.constant 0 : i32
    return %c0_i32, %c0_i32_0 : i32, i32
  }
  func.func @transform_12(%arg0: i32) -> (i32, i32) {
    %c0_i32 = arith.constant 0 : i32
    %c0_i32_0 = arith.constant 0 : i32
    %c0_i32_1 = arith.constant 0 : i32
    return %c0_i32, %c0_i32_0 : i32, i32
  }
  func.func @transform_13(%arg0: i32) -> (i32, i32) {
    %c0_i32 = arith.constant 0 : i32
    %c0_i32_0 = arith.constant 0 : i32
    %c0_i32_1 = arith.constant 0 : i32
    return %c0_i32, %c0_i32_0 : i32, i32
  }
  func.func @transform_14(%arg0: i32) -> (i32, i32) {
    %c0_i32 = arith.constant 0 : i32
    %c0_i32_0 = arith.constant 0 : i32
    %c0_i32_1 = arith.constant 0 : i32
    return %c0_i32, %c0_i32_0 : i32, i32
  }
  func.func @transform_15(%arg0: i32) -> (i32, i32) {
    %c0_i32 = arith.constant 0 : i32
    %c0_i32_0 = arith.constant 0 : i32
    %c0_i32_1 = arith.constant 0 : i32
    return %c0_i32, %c0_i32_0 : i32, i32
  }
  func.func @transform_16(%arg0: i32) -> (i32, i32) {
    %c0_i32 = arith.constant 0 : i32
    %c0_i32_0 = arith.constant 0 : i32
    %c0_i32_1 = arith.constant 0 : i32
    return %c0_i32, %c0_i32_0 : i32, i32
  }
  func.func @transform_17(%arg0: i32) -> (i32, i32) {
    %c0_i32 = arith.constant 0 : i32
    %c0_i32_0 = arith.constant 0 : i32
    %c0_i32_1 = arith.constant 0 : i32
    return %c0_i32, %c0_i32_0 : i32, i32
  }
  func.func @transform_18(%arg0: i32) -> (i32, i32) {
    %c0_i32 = arith.constant 0 : i32
    %c0_i32_0 = arith.constant 0 : i32
    %c0_i32_1 = arith.constant 0 : i32
    return %c0_i32, %c0_i32_0 : i32, i32
  }
  func.func @transform_19(%arg0: i32) -> (i32, i32) {
    %c0_i32 = arith.constant 0 : i32
    %c0_i32_0 = arith.constant 0 : i32
    %c0_i32_1 = arith.constant 0 : i32
    return %c0_i32, %c0_i32_0 : i32, i32
  }
  func.func @transform_20(%arg0: i32) -> (i32, i32) {
    %c0_i32 = arith.constant 0 : i32
    %c0_i32_0 = arith.constant 0 : i32
    %c0_i32_1 = arith.constant 0 : i32
    return %c0_i32, %c0_i32_0 : i32, i32
  }
  func.func @transform_21(%arg0: i32) -> (i32, i32) {
    %c0_i32 = arith.constant 0 : i32
    %c0_i32_0 = arith.constant 0 : i32
    %c0_i32_1 = arith.constant 0 : i32
    return %c0_i32, %c0_i32_0 : i32, i32
  }
  func.func @transform_22(%arg0: i32) -> (i32, i32) {
    %c0_i32 = arith.constant 0 : i32
    %c0_i32_0 = arith.constant 0 : i32
    %c0_i32_1 = arith.constant 0 : i32
    return %c0_i32, %c0_i32_0 : i32, i32
  }
  func.func @transform_23(%arg0: i32) -> (i32, i32) {
    %c0_i32 = arith.constant 0 : i32
    %c0_i32_0 = arith.constant 0 : i32
    return %arg0, %c0_i32 : i32, i32
  }
  func.func @transform_24(%arg0: i32) -> (i32, i32) {
    %c0_i32 = arith.constant 0 : i32
    %c0_i32_0 = arith.constant 0 : i32
    return %arg0, %c0_i32 : i32, i32
  }
  func.func @transform_25(%arg0: i32) -> (i32, i32) {
    %c0_i32 = arith.constant 0 : i32
    %c0_i32_0 = arith.constant 0 : i32
    %c0_i32_1 = arith.constant 0 : i32
    return %c0_i32, %c0_i32_0 : i32, i32
  }
  func.func @transform_26(%arg0: i32) -> (i32, i32) {
    %c0_i32 = arith.constant 0 : i32
    %c0_i32_0 = arith.constant 0 : i32
    %c0_i32_1 = arith.constant 0 : i32
    return %c0_i32, %c0_i32_0 : i32, i32
  }
  func.func @transform_27(%arg0: i32) -> (i32, i32) {
    %c0_i32 = arith.constant 0 : i32
    %c0_i32_0 = arith.constant 0 : i32
    %c0_i32_1 = arith.constant 0 : i32
    return %c0_i32, %c0_i32_0 : i32, i32
  }
}

module attributes {stable_mosaic.version = 14 : i64} {
  func.func @_user1_body(%arg0: i32, %arg1: memref<128x10000xf32, #tpu.memory_space<vmem>>, %arg2: memref<10000x128xf32, #tpu.memory_space<vmem>>, %arg3: memref<10000x128xf32, #tpu.memory_space<vmem>>, %arg4: memref<128x128xf32, #tpu.memory_space<vmem>>, %arg5: memref<128x128xf32, #tpu.memory_space<vmem>>, %arg6: memref<4x128xf32, #tpu.memory_space<vmem>>, %arg7: memref<4x128xf32, #tpu.memory_space<vmem>>, %arg8: memref<9x128xf32, #tpu.memory_space<vmem>>, %arg9: memref<29x128xf32, #tpu.memory_space<vmem>>, %arg10: memref<128x128xf32, #tpu.memory_space<vmem>>, %arg11: memref<128x128xf32, #tpu.memory_space<vmem>>, %arg12: memref<1x128xf32, #tpu.memory_space<vmem>>, %arg13: memref<4x4xf32, #tpu.memory_space<vmem>>, %arg14: memref<1x4xf32, #tpu.memory_space<vmem>>, %arg15: memref<128x128xf32, #tpu.memory_space<vmem>>, %arg16: memref<1x128xf32, #tpu.memory_space<vmem>>, %arg17: memref<9x9xf32, #tpu.memory_space<vmem>>, %arg18: memref<1x9xf32, #tpu.memory_space<vmem>>, %arg19: memref<128x128xf32, #tpu.memory_space<vmem>>, %arg20: memref<1x128xf32, #tpu.memory_space<vmem>>, %arg21: memref<4x4xf32, #tpu.memory_space<vmem>>, %arg22: memref<1x4xf32, #tpu.memory_space<vmem>>, %arg23: memref<128x128xf32, #tpu.memory_space<vmem>>, %arg24: memref<1x128xf32, #tpu.memory_space<vmem>>, %arg25: memref<29x29xf32, #tpu.memory_space<vmem>>, %arg26: memref<1x29xf32, #tpu.memory_space<vmem>>, %arg27: memref<128x128xf32, #tpu.memory_space<vmem>>) attributes {dimension_semantics = [#tpu.dimension_semantics<arbitrary>], iteration_bounds = array<i64: 8>, scalar_prefetch = 0 : i64, scratch_operands = 0 : i64, tpu.core_type = #tpu.core_type<tc>, window_params = [{transform_indices = @transform_0, window_bounds = array<i64: 128, 10000>}, {pipeline_mode = #tpu.pipeline_mode<synchronous>, transform_indices = @transform_1, window_bounds = array<i64: 10000, 128>}, {pipeline_mode = #tpu.pipeline_mode<synchronous>, transform_indices = @transform_2, window_bounds = array<i64: 10000, 128>}, {transform_indices = @transform_3, window_bounds = array<i64: 128, 128>}, {transform_indices = @transform_4, window_bounds = array<i64: 128, 128>}, {pipeline_mode = #tpu.pipeline_mode<synchronous>, transform_indices = @transform_5, window_bounds = array<i64: 4, 128>}, {pipeline_mode = #tpu.pipeline_mode<synchronous>, transform_indices = @transform_6, window_bounds = array<i64: 4, 128>}, {pipeline_mode = #tpu.pipeline_mode<synchronous>, transform_indices = @transform_7, window_bounds = array<i64: 9, 128>}, {pipeline_mode = #tpu.pipeline_mode<synchronous>, transform_indices = @transform_8, window_bounds = array<i64: 29, 128>}, {transform_indices = @transform_9, window_bounds = array<i64: 128, 128>}, {pipeline_mode = #tpu.pipeline_mode<synchronous>, transform_indices = @transform_10, window_bounds = array<i64: 128, 128>}, {pipeline_mode = #tpu.pipeline_mode<synchronous>, transform_indices = @transform_11, window_bounds = array<i64: 1, 128>}, {pipeline_mode = #tpu.pipeline_mode<synchronous>, transform_indices = @transform_12, window_bounds = array<i64: 4, 4>}, {pipeline_mode = #tpu.pipeline_mode<synchronous>, transform_indices = @transform_13, window_bounds = array<i64: 1, 4>}, {pipeline_mode = #tpu.pipeline_mode<synchronous>, transform_indices = @transform_14, window_bounds = array<i64: 128, 128>}, {pipeline_mode = #tpu.pipeline_mode<synchronous>, transform_indices = @transform_15, window_bounds = array<i64: 1, 128>}, {pipeline_mode = #tpu.pipeline_mode<synchronous>, transform_indices = @transform_16, window_bounds = array<i64: 9, 9>}, {pipeline_mode = #tpu.pipeline_mode<synchronous>, transform_indices = @transform_17, window_bounds = array<i64: 1, 9>}, {pipeline_mode = #tpu.pipeline_mode<synchronous>, transform_indices = @transform_18, window_bounds = array<i64: 128, 128>}, {pipeline_mode = #tpu.pipeline_mode<synchronous>, transform_indices = @transform_19, window_bounds = array<i64: 1, 128>}, {pipeline_mode = #tpu.pipeline_mode<synchronous>, transform_indices = @transform_20, window_bounds = array<i64: 4, 4>}, {pipeline_mode = #tpu.pipeline_mode<synchronous>, transform_indices = @transform_21, window_bounds = array<i64: 1, 4>}, {pipeline_mode = #tpu.pipeline_mode<synchronous>, transform_indices = @transform_22, window_bounds = array<i64: 128, 128>}, {pipeline_mode = #tpu.pipeline_mode<synchronous>, transform_indices = @transform_23, window_bounds = array<i64: 1, 128>}, {pipeline_mode = #tpu.pipeline_mode<synchronous>, transform_indices = @transform_24, window_bounds = array<i64: 29, 29>}, {pipeline_mode = #tpu.pipeline_mode<synchronous>, transform_indices = @transform_25, window_bounds = array<i64: 1, 29>}, {transform_indices = @transform_26, window_bounds = array<i64: 128, 128>}]} {
    %get3A = arith.constant 0 : index
    %get3A_0 = arith.constant 0 : index
    %get3A_1 = vector.load %arg11[%get3A, %get3A_0] : memref<128x128xf32, #tpu.memory_space<vmem>>, vector<128x128xf32>
    %get3A_2 = arith.constant 0 : index
    %get3A_3 = arith.constant 0 : index
    %get3A_4 = vector.load %arg12[%get3A_2, %get3A_3] : memref<1x128xf32, #tpu.memory_space<vmem>>, vector<1x128xf32>
    %get3A_5 = arith.constant 0 : index
    %get3A_6 = arith.constant 0 : index
    %get3A_7 = vector.load %arg13[%get3A_5, %get3A_6] : memref<4x4xf32, #tpu.memory_space<vmem>>, vector<4x4xf32>
    %get3A_8 = arith.constant 0 : index
    %get3A_9 = arith.constant 0 : index
    %get3A_10 = vector.load %arg14[%get3A_8, %get3A_9] : memref<1x4xf32, #tpu.memory_space<vmem>>, vector<1x4xf32>
    %get3A_11 = arith.constant 0 : index
    %get3A_12 = arith.constant 0 : index
    %get3A_13 = vector.load %arg15[%get3A_11, %get3A_12] : memref<128x128xf32, #tpu.memory_space<vmem>>, vector<128x128xf32>
    %get3A_14 = arith.constant 0 : index
    %get3A_15 = arith.constant 0 : index
    %get3A_16 = vector.load %arg16[%get3A_14, %get3A_15] : memref<1x128xf32, #tpu.memory_space<vmem>>, vector<1x128xf32>
    %get3A_17 = arith.constant 0 : index
    %get3A_18 = arith.constant 0 : index
    %get3A_19 = vector.load %arg17[%get3A_17, %get3A_18] : memref<9x9xf32, #tpu.memory_space<vmem>>, vector<9x9xf32>
    %get3A_20 = arith.constant 0 : index
    %get3A_21 = arith.constant 0 : index
    %get3A_22 = vector.load %arg18[%get3A_20, %get3A_21] : memref<1x9xf32, #tpu.memory_space<vmem>>, vector<1x9xf32>
    %get3A_23 = arith.constant 0 : index
    %get3A_24 = arith.constant 0 : index
    %get3A_25 = vector.load %arg19[%get3A_23, %get3A_24] : memref<128x128xf32, #tpu.memory_space<vmem>>, vector<128x128xf32>
    %get3A_26 = arith.constant 0 : index
    %get3A_27 = arith.constant 0 : index
    %get3A_28 = vector.load %arg20[%get3A_26, %get3A_27] : memref<1x128xf32, #tpu.memory_space<vmem>>, vector<1x128xf32>
    %get3A_29 = arith.constant 0 : index
    %get3A_30 = arith.constant 0 : index
    %get3A_31 = vector.load %arg21[%get3A_29, %get3A_30] : memref<4x4xf32, #tpu.memory_space<vmem>>, vector<4x4xf32>
    %get3A_32 = arith.constant 0 : index
    %get3A_33 = arith.constant 0 : index
    %get3A_34 = vector.load %arg22[%get3A_32, %get3A_33] : memref<1x4xf32, #tpu.memory_space<vmem>>, vector<1x4xf32>
    %get3A_35 = arith.constant 0 : index
    %get3A_36 = arith.constant 0 : index
    %get3A_37 = vector.load %arg23[%get3A_35, %get3A_36] : memref<128x128xf32, #tpu.memory_space<vmem>>, vector<128x128xf32>
    %get3A_38 = arith.constant 0 : index
    %get3A_39 = arith.constant 0 : index
    %get3A_40 = vector.load %arg24[%get3A_38, %get3A_39] : memref<1x128xf32, #tpu.memory_space<vmem>>, vector<1x128xf32>
    %get3A_41 = arith.constant 0 : index
    %get3A_42 = arith.constant 0 : index
    %get3A_43 = vector.load %arg25[%get3A_41, %get3A_42] : memref<29x29xf32, #tpu.memory_space<vmem>>, vector<29x29xf32>
    %get3A_44 = arith.constant 0 : index
    %get3A_45 = arith.constant 0 : index
    %get3A_46 = vector.load %arg26[%get3A_44, %get3A_45] : memref<1x29xf32, #tpu.memory_space<vmem>>, vector<1x29xf32>
    %get3A_47 = arith.constant 0 : index
    %get3A_48 = arith.constant 0 : index
    %get3A_49 = vector.load %arg1[%get3A_47, %get3A_48] : memref<128x10000xf32, #tpu.memory_space<vmem>>, vector<128x10000xf32>
    %get3A_50 = arith.constant 0 : index
    %get3A_51 = arith.constant 0 : index
    %get3A_52 = vector.load %arg2[%get3A_50, %get3A_51] : memref<10000x128xf32, #tpu.memory_space<vmem>>, vector<10000x128xf32>
    %dot_general3A = arith.constant dense<0.000000e+00> : vector<128x128xf32>
    %dot_general3A_53 = tpu.matmul %get3A_49, %get3A_52, %dot_general3A {dimension_numbers = #tpu.dot_dimension_numbers<[1], [0], [0], [1], [0, 0, 1, 1], [], []>, transpose_lhs_hint = false} : vector<128x10000xf32>, vector<10000x128xf32>, vector<128x128xf32> -> vector<128x128xf32>
    %get3A_54 = arith.constant 0 : index
    %get3A_55 = arith.constant 0 : index
    %get3A_56 = vector.load %arg3[%get3A_54, %get3A_55] : memref<10000x128xf32, #tpu.memory_space<vmem>>, vector<10000x128xf32>
    %dot_general3A_57 = arith.constant dense<0.000000e+00> : vector<128x128xf32>
    %dot_general3A_58 = tpu.matmul %get3A_49, %get3A_56, %dot_general3A_57 {dimension_numbers = #tpu.dot_dimension_numbers<[1], [0], [0], [1], [0, 0, 1, 1], [], []>, transpose_lhs_hint = false} : vector<128x10000xf32>, vector<10000x128xf32>, vector<128x128xf32> -> vector<128x128xf32>
    %get3A_59 = arith.constant 0 : index
    %get3A_60 = arith.constant 0 : index
    %get3A_61 = vector.load %arg4[%get3A_59, %get3A_60] : memref<128x128xf32, #tpu.memory_space<vmem>>, vector<128x128xf32>
    %get3A_62 = arith.constant 0 : index
    %get3A_63 = arith.constant 0 : index
    %get3A_64 = vector.load %arg6[%get3A_62, %get3A_63] : memref<4x128xf32, #tpu.memory_space<vmem>>, vector<4x128xf32>
    %get3A_65 = arith.constant 0 : index
    %get3A_66 = arith.constant 0 : index
    %get3A_67 = vector.load %arg8[%get3A_65, %get3A_66] : memref<9x128xf32, #tpu.memory_space<vmem>>, vector<9x128xf32>
    %dot_general3A_68 = arith.constant dense<0.000000e+00> : vector<128x128xf32>
    %dot_general3A_69 = tpu.matmul %get3A_61, %get3A_1, %dot_general3A_68 {dimension_numbers = #tpu.dot_dimension_numbers<[1], [1], [0], [0], [0, 0, 1, 0], [], []>, transpose_lhs_hint = false} : vector<128x128xf32>, vector<128x128xf32>, vector<128x128xf32> -> vector<128x128xf32>
    %add3A = vector.broadcast %get3A_4 : vector<1x128xf32> to vector<128x128xf32>
    %add3A_70 = arith.addf %dot_general3A_69, %add3A : vector<128x128xf32>
    %dot_general3A_71 = arith.constant dense<0.000000e+00> : vector<4x128xf32>
    %dot_general3A_72 = tpu.matmul %get3A_64, %get3A_1, %dot_general3A_71 {dimension_numbers = #tpu.dot_dimension_numbers<[1], [1], [0], [0], [0, 0, 1, 0], [], []>, transpose_lhs_hint = false} : vector<4x128xf32>, vector<128x128xf32>, vector<4x128xf32> -> vector<4x128xf32>
    %add3A_73 = vector.broadcast %get3A_4 : vector<1x128xf32> to vector<4x128xf32>
    %add3A_74 = arith.addf %dot_general3A_72, %add3A_73 : vector<4x128xf32>
    %dot_general3A_75 = arith.constant dense<0.000000e+00> : vector<128x4xf32>
    %dot_general3A_76 = tpu.matmul %add3A_70, %add3A_74, %dot_general3A_75 {dimension_numbers = #tpu.dot_dimension_numbers<[1], [1], [0], [0], [0, 0, 1, 0], [], []>, transpose_lhs_hint = false} : vector<128x128xf32>, vector<4x128xf32>, vector<128x4xf32> -> vector<128x4xf32>
    %dot_general3A_77 = arith.constant dense<0.000000e+00> : vector<128x4xf32>
    %dot_general3A_78 = tpu.matmul %dot_general3A_76, %get3A_7, %dot_general3A_77 {dimension_numbers = #tpu.dot_dimension_numbers<[1], [1], [0], [0], [0, 0, 1, 0], [], []>, transpose_lhs_hint = false} : vector<128x4xf32>, vector<4x4xf32>, vector<128x4xf32> -> vector<128x4xf32>
    %add3A_79 = vector.broadcast %get3A_10 : vector<1x4xf32> to vector<128x4xf32>
    %add3A_80 = arith.addf %dot_general3A_78, %add3A_79 : vector<128x4xf32>
    %ge3A = arith.constant 0.000000e+00 : f32
    %ge3A_81 = vector.broadcast %ge3A : f32 to vector<128x4xf32>
    %ge3A_82 = arith.cmpf oge, %add3A_80, %ge3A_81 : vector<128x4xf32>
    %mul3A = arith.constant 2.000000e-01 : f32
    %mul3A_83 = vector.broadcast %mul3A : f32 to vector<128x4xf32>
    %mul3A_84 = arith.mulf %mul3A_83, %add3A_80 : vector<128x4xf32>
    %select_n3A = arith.select %ge3A_82, %add3A_80, %mul3A_84 : vector<128x4xi1>, vector<128x4xf32>
    %reduce_max3A = arith.constant dense<0xFF800000> : vector<128xf32>
    %reduce_max3A_85 = vector.multi_reduction <maximumf>, %select_n3A, %reduce_max3A [1] : vector<128x4xf32> to vector<128xf32>
    %broadcast_in_dim3A = vector.shape_cast %reduce_max3A_85 : vector<128xf32> to vector<128x1xf32>
    %sub3A = vector.broadcast %broadcast_in_dim3A : vector<128x1xf32> to vector<128x4xf32>
    %sub3A_86 = arith.subf %select_n3A, %sub3A : vector<128x4xf32>
    %exp3A = math.exp %sub3A_86 : vector<128x4xf32>
    %reduce_sum3A = arith.constant dense<0.000000e+00> : vector<128xf32>
    %reduce_sum3A_87 = vector.multi_reduction <add>, %exp3A, %reduce_sum3A [1] : vector<128x4xf32> to vector<128xf32>
    %broadcast_in_dim3A_88 = vector.shape_cast %reduce_sum3A_87 : vector<128xf32> to vector<128x1xf32>
    %div3A = vector.broadcast %broadcast_in_dim3A_88 : vector<128x1xf32> to vector<128x4xf32>
    %div3A_89 = arith.divf %exp3A, %div3A : vector<128x4xf32>
    %dot_general3A_90 = arith.constant dense<0.000000e+00> : vector<4x128xf32>
    %dot_general3A_91 = tpu.matmul %get3A_64, %get3A_13, %dot_general3A_90 {dimension_numbers = #tpu.dot_dimension_numbers<[1], [1], [0], [0], [0, 0, 1, 0], [], []>, transpose_lhs_hint = false} : vector<4x128xf32>, vector<128x128xf32>, vector<4x128xf32> -> vector<4x128xf32>
    %add3A_92 = vector.broadcast %get3A_16 : vector<1x128xf32> to vector<4x128xf32>
    %add3A_93 = arith.addf %dot_general3A_91, %add3A_92 : vector<4x128xf32>
    %dot_general3A_94 = arith.constant dense<0.000000e+00> : vector<9x128xf32>
    %dot_general3A_95 = tpu.matmul %get3A_67, %get3A_13, %dot_general3A_94 {dimension_numbers = #tpu.dot_dimension_numbers<[1], [1], [0], [0], [0, 0, 1, 0], [], []>, transpose_lhs_hint = false} : vector<9x128xf32>, vector<128x128xf32>, vector<9x128xf32> -> vector<9x128xf32>
    %add3A_96 = vector.broadcast %get3A_16 : vector<1x128xf32> to vector<9x128xf32>
    %add3A_97 = arith.addf %dot_general3A_95, %add3A_96 : vector<9x128xf32>
    %dot_general3A_98 = arith.constant dense<0.000000e+00> : vector<4x9xf32>
    %dot_general3A_99 = tpu.matmul %add3A_93, %add3A_97, %dot_general3A_98 {dimension_numbers = #tpu.dot_dimension_numbers<[1], [1], [0], [0], [0, 0, 1, 0], [], []>, transpose_lhs_hint = false} : vector<4x128xf32>, vector<9x128xf32>, vector<4x9xf32> -> vector<4x9xf32>
    %dot_general3A_100 = arith.constant dense<0.000000e+00> : vector<4x9xf32>
    %dot_general3A_101 = tpu.matmul %dot_general3A_99, %get3A_19, %dot_general3A_100 {dimension_numbers = #tpu.dot_dimension_numbers<[1], [1], [0], [0], [0, 0, 1, 0], [], []>, transpose_lhs_hint = false} : vector<4x9xf32>, vector<9x9xf32>, vector<4x9xf32> -> vector<4x9xf32>
    %add3A_102 = vector.broadcast %get3A_22 : vector<1x9xf32> to vector<4x9xf32>
    %add3A_103 = arith.addf %dot_general3A_101, %add3A_102 : vector<4x9xf32>
    %ge3A_104 = arith.constant 0.000000e+00 : f32
    %ge3A_105 = vector.broadcast %ge3A_104 : f32 to vector<4x9xf32>
    %ge3A_106 = arith.cmpf oge, %add3A_103, %ge3A_105 : vector<4x9xf32>
    %mul3A_107 = arith.constant 2.000000e-01 : f32
    %mul3A_108 = vector.broadcast %mul3A_107 : f32 to vector<4x9xf32>
    %mul3A_109 = arith.mulf %mul3A_108, %add3A_103 : vector<4x9xf32>
    %select_n3A_110 = arith.select %ge3A_106, %add3A_103, %mul3A_109 : vector<4x9xi1>, vector<4x9xf32>
    %reduce_max3A_111 = arith.constant dense<0xFF800000> : vector<4xf32>
    %reduce_max3A_112 = vector.multi_reduction <maximumf>, %select_n3A_110, %reduce_max3A_111 [1] : vector<4x9xf32> to vector<4xf32>
    %broadcast_in_dim3A_113 = vector.shape_cast %reduce_max3A_112 : vector<4xf32> to vector<4x1xf32>
    %sub3A_114 = vector.broadcast %broadcast_in_dim3A_113 : vector<4x1xf32> to vector<4x9xf32>
    %sub3A_115 = arith.subf %select_n3A_110, %sub3A_114 : vector<4x9xf32>
    %exp3A_116 = math.exp %sub3A_115 : vector<4x9xf32>
    %reduce_sum3A_117 = arith.constant dense<0.000000e+00> : vector<4xf32>
    %reduce_sum3A_118 = vector.multi_reduction <add>, %exp3A_116, %reduce_sum3A_117 [1] : vector<4x9xf32> to vector<4xf32>
    %broadcast_in_dim3A_119 = vector.shape_cast %reduce_sum3A_118 : vector<4xf32> to vector<4x1xf32>
    %div3A_120 = vector.broadcast %broadcast_in_dim3A_119 : vector<4x1xf32> to vector<4x9xf32>
    %div3A_121 = arith.divf %exp3A_116, %div3A_120 : vector<4x9xf32>
    %dot_general3A_122 = arith.constant dense<0.000000e+00> : vector<4x128xf32>
    %dot_general3A_123 = tpu.matmul %div3A_121, %get3A_67, %dot_general3A_122 {dimension_numbers = #tpu.dot_dimension_numbers<[1], [0], [0], [1], [0, 0, 1, 1], [], []>, transpose_lhs_hint = false} : vector<4x9xf32>, vector<9x128xf32>, vector<4x128xf32> -> vector<4x128xf32>
    %dot_general3A_124 = arith.constant dense<0.000000e+00> : vector<128x128xf32>
    %dot_general3A_125 = tpu.matmul %div3A_89, %dot_general3A_123, %dot_general3A_124 {dimension_numbers = #tpu.dot_dimension_numbers<[1], [0], [0], [1], [0, 0, 1, 1], [], []>, transpose_lhs_hint = false} : vector<128x4xf32>, vector<4x128xf32>, vector<128x128xf32> -> vector<128x128xf32>
    %mul3A_126 = arith.mulf %dot_general3A_53, %dot_general3A_125 : vector<128x128xf32>
    %add3A_127 = arith.addf %mul3A_126, %dot_general3A_53 : vector<128x128xf32>
    %mul3A_128 = arith.mulf %add3A_127, %add3A_127 : vector<128x128xf32>
    %reduce_sum3A_129 = arith.constant dense<0.000000e+00> : vector<128xf32>
    %reduce_sum3A_130 = vector.multi_reduction <add>, %mul3A_128, %reduce_sum3A_129 [1] : vector<128x128xf32> to vector<128xf32>
    %broadcast_in_dim3A_131 = vector.shape_cast %reduce_sum3A_130 : vector<128xf32> to vector<128x1xf32>
    %sqrt3A = math.sqrt %broadcast_in_dim3A_131 : vector<128x1xf32>
    %jit3A = arith.constant 9.99999996E-13 : f32
    %max3A = vector.broadcast %jit3A : f32 to vector<128x1xf32>
    %max3A_132 = arith.maximumf %max3A, %sqrt3A : vector<128x1xf32>
    %div3A_133 = vector.broadcast %max3A_132 : vector<128x1xf32> to vector<128x128xf32>
    %div3A_134 = arith.divf %add3A_127, %div3A_133 : vector<128x128xf32>
    %get3A_135 = arith.constant 0 : index
    %get3A_136 = arith.constant 0 : index
    %get3A_137 = vector.load %arg5[%get3A_135, %get3A_136] : memref<128x128xf32, #tpu.memory_space<vmem>>, vector<128x128xf32>
    %get3A_138 = arith.constant 0 : index
    %get3A_139 = arith.constant 0 : index
    %get3A_140 = vector.load %arg7[%get3A_138, %get3A_139] : memref<4x128xf32, #tpu.memory_space<vmem>>, vector<4x128xf32>
    %get3A_141 = arith.constant 0 : index
    %get3A_142 = arith.constant 0 : index
    %get3A_143 = vector.load %arg9[%get3A_141, %get3A_142] : memref<29x128xf32, #tpu.memory_space<vmem>>, vector<29x128xf32>
    %dot_general3A_144 = arith.constant dense<0.000000e+00> : vector<128x128xf32>
    %dot_general3A_145 = tpu.matmul %get3A_137, %get3A_25, %dot_general3A_144 {dimension_numbers = #tpu.dot_dimension_numbers<[1], [1], [0], [0], [0, 0, 1, 0], [], []>, transpose_lhs_hint = false} : vector<128x128xf32>, vector<128x128xf32>, vector<128x128xf32> -> vector<128x128xf32>
    %add3A_146 = vector.broadcast %get3A_28 : vector<1x128xf32> to vector<128x128xf32>
    %add3A_147 = arith.addf %dot_general3A_145, %add3A_146 : vector<128x128xf32>
    %dot_general3A_148 = arith.constant dense<0.000000e+00> : vector<4x128xf32>
    %dot_general3A_149 = tpu.matmul %get3A_140, %get3A_25, %dot_general3A_148 {dimension_numbers = #tpu.dot_dimension_numbers<[1], [1], [0], [0], [0, 0, 1, 0], [], []>, transpose_lhs_hint = false} : vector<4x128xf32>, vector<128x128xf32>, vector<4x128xf32> -> vector<4x128xf32>
    %add3A_150 = vector.broadcast %get3A_28 : vector<1x128xf32> to vector<4x128xf32>
    %add3A_151 = arith.addf %dot_general3A_149, %add3A_150 : vector<4x128xf32>
    %dot_general3A_152 = arith.constant dense<0.000000e+00> : vector<128x4xf32>
    %dot_general3A_153 = tpu.matmul %add3A_147, %add3A_151, %dot_general3A_152 {dimension_numbers = #tpu.dot_dimension_numbers<[1], [1], [0], [0], [0, 0, 1, 0], [], []>, transpose_lhs_hint = false} : vector<128x128xf32>, vector<4x128xf32>, vector<128x4xf32> -> vector<128x4xf32>
    %dot_general3A_154 = arith.constant dense<0.000000e+00> : vector<128x4xf32>
    %dot_general3A_155 = tpu.matmul %dot_general3A_153, %get3A_31, %dot_general3A_154 {dimension_numbers = #tpu.dot_dimension_numbers<[1], [1], [0], [0], [0, 0, 1, 0], [], []>, transpose_lhs_hint = false} : vector<128x4xf32>, vector<4x4xf32>, vector<128x4xf32> -> vector<128x4xf32>
    %add3A_156 = vector.broadcast %get3A_34 : vector<1x4xf32> to vector<128x4xf32>
    %add3A_157 = arith.addf %dot_general3A_155, %add3A_156 : vector<128x4xf32>
    %ge3A_158 = arith.constant 0.000000e+00 : f32
    %ge3A_159 = vector.broadcast %ge3A_158 : f32 to vector<128x4xf32>
    %ge3A_160 = arith.cmpf oge, %add3A_157, %ge3A_159 : vector<128x4xf32>
    %mul3A_161 = arith.constant 2.000000e-01 : f32
    %mul3A_162 = vector.broadcast %mul3A_161 : f32 to vector<128x4xf32>
    %mul3A_163 = arith.mulf %mul3A_162, %add3A_157 : vector<128x4xf32>
    %select_n3A_164 = arith.select %ge3A_160, %add3A_157, %mul3A_163 : vector<128x4xi1>, vector<128x4xf32>
    %reduce_max3A_165 = arith.constant dense<0xFF800000> : vector<128xf32>
    %reduce_max3A_166 = vector.multi_reduction <maximumf>, %select_n3A_164, %reduce_max3A_165 [1] : vector<128x4xf32> to vector<128xf32>
    %broadcast_in_dim3A_167 = vector.shape_cast %reduce_max3A_166 : vector<128xf32> to vector<128x1xf32>
    %sub3A_168 = vector.broadcast %broadcast_in_dim3A_167 : vector<128x1xf32> to vector<128x4xf32>
    %sub3A_169 = arith.subf %select_n3A_164, %sub3A_168 : vector<128x4xf32>
    %exp3A_170 = math.exp %sub3A_169 : vector<128x4xf32>
    %reduce_sum3A_171 = arith.constant dense<0.000000e+00> : vector<128xf32>
    %reduce_sum3A_172 = vector.multi_reduction <add>, %exp3A_170, %reduce_sum3A_171 [1] : vector<128x4xf32> to vector<128xf32>
    %broadcast_in_dim3A_173 = vector.shape_cast %reduce_sum3A_172 : vector<128xf32> to vector<128x1xf32>
    %div3A_174 = vector.broadcast %broadcast_in_dim3A_173 : vector<128x1xf32> to vector<128x4xf32>
    %div3A_175 = arith.divf %exp3A_170, %div3A_174 : vector<128x4xf32>
    %dot_general3A_176 = arith.constant dense<0.000000e+00> : vector<4x128xf32>
    %dot_general3A_177 = tpu.matmul %get3A_140, %get3A_37, %dot_general3A_176 {dimension_numbers = #tpu.dot_dimension_numbers<[1], [1], [0], [0], [0, 0, 1, 0], [], []>, transpose_lhs_hint = false} : vector<4x128xf32>, vector<128x128xf32>, vector<4x128xf32> -> vector<4x128xf32>
    %add3A_178 = vector.broadcast %get3A_40 : vector<1x128xf32> to vector<4x128xf32>
    %add3A_179 = arith.addf %dot_general3A_177, %add3A_178 : vector<4x128xf32>
    %dot_general3A_180 = arith.constant dense<0.000000e+00> : vector<29x128xf32>
    %dot_general3A_181 = tpu.matmul %get3A_143, %get3A_37, %dot_general3A_180 {dimension_numbers = #tpu.dot_dimension_numbers<[1], [1], [0], [0], [0, 0, 1, 0], [], []>, transpose_lhs_hint = false} : vector<29x128xf32>, vector<128x128xf32>, vector<29x128xf32> -> vector<29x128xf32>
    %add3A_182 = vector.broadcast %get3A_40 : vector<1x128xf32> to vector<29x128xf32>
    %add3A_183 = arith.addf %dot_general3A_181, %add3A_182 : vector<29x128xf32>
    %dot_general3A_184 = arith.constant dense<0.000000e+00> : vector<4x29xf32>
    %dot_general3A_185 = tpu.matmul %add3A_179, %add3A_183, %dot_general3A_184 {dimension_numbers = #tpu.dot_dimension_numbers<[1], [1], [0], [0], [0, 0, 1, 0], [], []>, transpose_lhs_hint = false} : vector<4x128xf32>, vector<29x128xf32>, vector<4x29xf32> -> vector<4x29xf32>
    %dot_general3A_186 = arith.constant dense<0.000000e+00> : vector<4x29xf32>
    %dot_general3A_187 = tpu.matmul %dot_general3A_185, %get3A_43, %dot_general3A_186 {dimension_numbers = #tpu.dot_dimension_numbers<[1], [1], [0], [0], [0, 0, 1, 0], [], []>, transpose_lhs_hint = false} : vector<4x29xf32>, vector<29x29xf32>, vector<4x29xf32> -> vector<4x29xf32>
    %add3A_188 = vector.broadcast %get3A_46 : vector<1x29xf32> to vector<4x29xf32>
    %add3A_189 = arith.addf %dot_general3A_187, %add3A_188 : vector<4x29xf32>
    %ge3A_190 = arith.constant 0.000000e+00 : f32
    %ge3A_191 = vector.broadcast %ge3A_190 : f32 to vector<4x29xf32>
    %ge3A_192 = arith.cmpf oge, %add3A_189, %ge3A_191 : vector<4x29xf32>
    %mul3A_193 = arith.constant 2.000000e-01 : f32
    %mul3A_194 = vector.broadcast %mul3A_193 : f32 to vector<4x29xf32>
    %mul3A_195 = arith.mulf %mul3A_194, %add3A_189 : vector<4x29xf32>
    %select_n3A_196 = arith.select %ge3A_192, %add3A_189, %mul3A_195 : vector<4x29xi1>, vector<4x29xf32>
    %reduce_max3A_197 = arith.constant dense<0xFF800000> : vector<4xf32>
    %reduce_max3A_198 = vector.multi_reduction <maximumf>, %select_n3A_196, %reduce_max3A_197 [1] : vector<4x29xf32> to vector<4xf32>
    %broadcast_in_dim3A_199 = vector.shape_cast %reduce_max3A_198 : vector<4xf32> to vector<4x1xf32>
    %sub3A_200 = vector.broadcast %broadcast_in_dim3A_199 : vector<4x1xf32> to vector<4x29xf32>
    %sub3A_201 = arith.subf %select_n3A_196, %sub3A_200 : vector<4x29xf32>
    %exp3A_202 = math.exp %sub3A_201 : vector<4x29xf32>
    %reduce_sum3A_203 = arith.constant dense<0.000000e+00> : vector<4xf32>
    %reduce_sum3A_204 = vector.multi_reduction <add>, %exp3A_202, %reduce_sum3A_203 [1] : vector<4x29xf32> to vector<4xf32>
    %broadcast_in_dim3A_205 = vector.shape_cast %reduce_sum3A_204 : vector<4xf32> to vector<4x1xf32>
    %div3A_206 = vector.broadcast %broadcast_in_dim3A_205 : vector<4x1xf32> to vector<4x29xf32>
    %div3A_207 = arith.divf %exp3A_202, %div3A_206 : vector<4x29xf32>
    %dot_general3A_208 = arith.constant dense<0.000000e+00> : vector<4x128xf32>
    %dot_general3A_209 = tpu.matmul %div3A_207, %get3A_143, %dot_general3A_208 {dimension_numbers = #tpu.dot_dimension_numbers<[1], [0], [0], [1], [0, 0, 1, 1], [], []>, transpose_lhs_hint = false} : vector<4x29xf32>, vector<29x128xf32>, vector<4x128xf32> -> vector<4x128xf32>
    %dot_general3A_210 = arith.constant dense<0.000000e+00> : vector<128x128xf32>
    %dot_general3A_211 = tpu.matmul %div3A_175, %dot_general3A_209, %dot_general3A_210 {dimension_numbers = #tpu.dot_dimension_numbers<[1], [0], [0], [1], [0, 0, 1, 1], [], []>, transpose_lhs_hint = false} : vector<128x4xf32>, vector<4x128xf32>, vector<128x128xf32> -> vector<128x128xf32>
    %mul3A_212 = arith.mulf %dot_general3A_58, %dot_general3A_211 : vector<128x128xf32>
    %add3A_213 = arith.addf %mul3A_212, %dot_general3A_58 : vector<128x128xf32>
    %mul3A_214 = arith.mulf %add3A_213, %add3A_213 : vector<128x128xf32>
    %reduce_sum3A_215 = arith.constant dense<0.000000e+00> : vector<128xf32>
    %reduce_sum3A_216 = vector.multi_reduction <add>, %mul3A_214, %reduce_sum3A_215 [1] : vector<128x128xf32> to vector<128xf32>
    %broadcast_in_dim3A_217 = vector.shape_cast %reduce_sum3A_216 : vector<128xf32> to vector<128x1xf32>
    %sqrt3A_218 = math.sqrt %broadcast_in_dim3A_217 : vector<128x1xf32>
    %jit3A_219 = arith.constant 9.99999996E-13 : f32
    %max3A_220 = vector.broadcast %jit3A_219 : f32 to vector<128x1xf32>
    %max3A_221 = arith.maximumf %max3A_220, %sqrt3A_218 : vector<128x1xf32>
    %div3A_222 = vector.broadcast %max3A_221 : vector<128x1xf32> to vector<128x128xf32>
    %div3A_223 = arith.divf %add3A_213, %div3A_222 : vector<128x128xf32>
    %get3A_224 = arith.constant 0 : index
    %get3A_225 = arith.constant 0 : index
    %get3A_226 = vector.load %arg10[%get3A_224, %get3A_225] : memref<128x128xf32, #tpu.memory_space<vmem>>, vector<128x128xf32>
    %mul3A_227 = arith.constant 2.000000e+00 : f32
    %mul3A_228 = vector.broadcast %mul3A_227 : f32 to vector<128x128xf32>
    %mul3A_229 = arith.mulf %mul3A_228, %get3A_226 : vector<128x128xf32>
    %get3A_230 = arith.constant 0 : index
    %get3A_231 = arith.constant 0 : index
    %get3A_232 = vector.load %arg4[%get3A_230, %get3A_231] : memref<128x128xf32, #tpu.memory_space<vmem>>, vector<128x128xf32>
    %add3A_233 = arith.addf %mul3A_229, %get3A_232 : vector<128x128xf32>
    %get3A_234 = arith.constant 0 : index
    %get3A_235 = arith.constant 0 : index
    %get3A_236 = vector.load %arg5[%get3A_234, %get3A_235] : memref<128x128xf32, #tpu.memory_space<vmem>>, vector<128x128xf32>
    %add3A_237 = arith.addf %add3A_233, %get3A_236 : vector<128x128xf32>
    %add3A_238 = arith.addf %add3A_237, %div3A_134 : vector<128x128xf32>
    %add3A_239 = arith.addf %add3A_238, %div3A_223 : vector<128x128xf32>
    %swap3A = arith.constant 0 : index
    %swap3A_240 = arith.constant 0 : index
    %swap3A_241 = vector.load %arg27[%swap3A, %swap3A_240] : memref<128x128xf32, #tpu.memory_space<vmem>>, vector<128x128xf32>
    tpu.vector_store %arg27[%swap3A, %swap3A_240], %add3A_239 {strides = array<i32>} : memref<128x128xf32, #tpu.memory_space<vmem>>, vector<128x128xf32>,
    return
  }
  func.func @transform_0(%arg0: i32) -> (i32, i32) {
    %c0_i32 = arith.constant 0 : i32
    %c0_i32_0 = arith.constant 0 : i32
    return %arg0, %c0_i32 : i32, i32
  }
  func.func @transform_1(%arg0: i32) -> (i32, i32) {
    %c0_i32 = arith.constant 0 : i32
    %c0_i32_0 = arith.constant 0 : i32
    %c0_i32_1 = arith.constant 0 : i32
    return %c0_i32, %c0_i32_0 : i32, i32
  }
  func.func @transform_2(%arg0: i32) -> (i32, i32) {
    %c0_i32 = arith.constant 0 : i32
    %c0_i32_0 = arith.constant 0 : i32
    %c0_i32_1 = arith.constant 0 : i32
    return %c0_i32, %c0_i32_0 : i32, i32
  }
  func.func @transform_3(%arg0: i32) -> (i32, i32) {
    %c0_i32 = arith.constant 0 : i32
    %c0_i32_0 = arith.constant 0 : i32
    return %arg0, %c0_i32 : i32, i32
  }
  func.func @transform_4(%arg0: i32) -> (i32, i32) {
    %c0_i32 = arith.constant 0 : i32
    %c0_i32_0 = arith.constant 0 : i32
    return %arg0, %c0_i32 : i32, i32
  }
  func.func @transform_5(%arg0: i32) -> (i32, i32) {
    %c0_i32 = arith.constant 0 : i32
    %c0_i32_0 = arith.constant 0 : i32
    %c0_i32_1 = arith.constant 0 : i32
    return %c0_i32, %c0_i32_0 : i32, i32
  }
  func.func @transform_6(%arg0: i32) -> (i32, i32) {
    %c0_i32 = arith.constant 0 : i32
    %c0_i32_0 = arith.constant 0 : i32
    %c0_i32_1 = arith.constant 0 : i32
    return %c0_i32, %c0_i32_0 : i32, i32
  }
  func.func @transform_7(%arg0: i32) -> (i32, i32) {
    %c0_i32 = arith.constant 0 : i32
    %c0_i32_0 = arith.constant 0 : i32
    %c0_i32_1 = arith.constant 0 : i32
    return %c0_i32, %c0_i32_0 : i32, i32
  }
  func.func @transform_8(%arg0: i32) -> (i32, i32) {
    %c0_i32 = arith.constant 0 : i32
    %c0_i32_0 = arith.constant 0 : i32
    %c0_i32_1 = arith.constant 0 : i32
    return %c0_i32, %c0_i32_0 : i32, i32
  }
  func.func @transform_9(%arg0: i32) -> (i32, i32) {
    %c0_i32 = arith.constant 0 : i32
    %c0_i32_0 = arith.constant 0 : i32
    return %arg0, %c0_i32 : i32, i32
  }
  func.func @transform_10(%arg0: i32) -> (i32, i32) {
    %c0_i32 = arith.constant 0 : i32
    %c0_i32_0 = arith.constant 0 : i32
    %c0_i32_1 = arith.constant 0 : i32
    return %c0_i32, %c0_i32_0 : i32, i32
  }
  func.func @transform_11(%arg0: i32) -> (i32, i32) {
    %c0_i32 = arith.constant 0 : i32
    %c0_i32_0 = arith.constant 0 : i32
    %c0_i32_1 = arith.constant 0 : i32
    return %c0_i32, %c0_i32_0 : i32, i32
  }
  func.func @transform_12(%arg0: i32) -> (i32, i32) {
    %c0_i32 = arith.constant 0 : i32
    %c0_i32_0 = arith.constant 0 : i32
    %c0_i32_1 = arith.constant 0 : i32
    return %c0_i32, %c0_i32_0 : i32, i32
  }
  func.func @transform_13(%arg0: i32) -> (i32, i32) {
    %c0_i32 = arith.constant 0 : i32
    %c0_i32_0 = arith.constant 0 : i32
    %c0_i32_1 = arith.constant 0 : i32
    return %c0_i32, %c0_i32_0 : i32, i32
  }
  func.func @transform_14(%arg0: i32) -> (i32, i32) {
    %c0_i32 = arith.constant 0 : i32
    %c0_i32_0 = arith.constant 0 : i32
    %c0_i32_1 = arith.constant 0 : i32
    return %c0_i32, %c0_i32_0 : i32, i32
  }
  func.func @transform_15(%arg0: i32) -> (i32, i32) {
    %c0_i32 = arith.constant 0 : i32
    %c0_i32_0 = arith.constant 0 : i32
    %c0_i32_1 = arith.constant 0 : i32
    return %c0_i32, %c0_i32_0 : i32, i32
  }
  func.func @transform_16(%arg0: i32) -> (i32, i32) {
    %c0_i32 = arith.constant 0 : i32
    %c0_i32_0 = arith.constant 0 : i32
    %c0_i32_1 = arith.constant 0 : i32
    return %c0_i32, %c0_i32_0 : i32, i32
  }
  func.func @transform_17(%arg0: i32) -> (i32, i32) {
    %c0_i32 = arith.constant 0 : i32
    %c0_i32_0 = arith.constant 0 : i32
    %c0_i32_1 = arith.constant 0 : i32
    return %c0_i32, %c0_i32_0 : i32, i32
  }
  func.func @transform_18(%arg0: i32) -> (i32, i32) {
    %c0_i32 = arith.constant 0 : i32
    %c0_i32_0 = arith.constant 0 : i32
    %c0_i32_1 = arith.constant 0 : i32
    return %c0_i32, %c0_i32_0 : i32, i32
  }
  func.func @transform_19(%arg0: i32) -> (i32, i32) {
    %c0_i32 = arith.constant 0 : i32
    %c0_i32_0 = arith.constant 0 : i32
    %c0_i32_1 = arith.constant 0 : i32
    return %c0_i32, %c0_i32_0 : i32, i32
  }
  func.func @transform_20(%arg0: i32) -> (i32, i32) {
    %c0_i32 = arith.constant 0 : i32
    %c0_i32_0 = arith.constant 0 : i32
    %c0_i32_1 = arith.constant 0 : i32
    return %c0_i32, %c0_i32_0 : i32, i32
  }
  func.func @transform_21(%arg0: i32) -> (i32, i32) {
    %c0_i32 = arith.constant 0 : i32
    %c0_i32_0 = arith.constant 0 : i32
    %c0_i32_1 = arith.constant 0 : i32
    return %c0_i32, %c0_i32_0 : i32, i32
  }
  func.func @transform_22(%arg0: i32) -> (i32, i32) {
    %c0_i32 = arith.constant 0 : i32
    %c0_i32_0 = arith.constant 0 : i32
    %c0_i32_1 = arith.constant 0 : i32
    return %c0_i32, %c0_i32_0 : i32, i32
  }
  func.func @transform_23(%arg0: i32) -> (i32, i32) {
    %c0_i32 = arith.constant 0 : i32
    %c0_i32_0 = arith.constant 0 : i32
    %c0_i32_1 = arith.constant 0 : i32
    return %c0_i32, %c0_i32_0 : i32, i32
  }
  func.func @transform_24(%arg0: i32) -> (i32, i32) {
    %c0_i32 = arith.constant 0 : i32
    %c0_i32_0 = arith.constant 0 : i32
    %c0_i32_1 = arith.constant 0 : i32
    return %c0_i32, %c0_i32_0 : i32, i32
  }
  func.func @transform_25(%arg0: i32) -> (i32, i32) {
    %c0_i32 = arith.constant 0 : i32
    %c0_i32_0 = arith.constant 0 : i32
    %c0_i32_1 = arith.constant 0 : i32
    return %c0_i32, %c0_i32_0 : i32, i32
  }
  func.func @transform_26(%arg0: i32) -> (i32, i32) {
    %c0_i32 = arith.constant 0 : i32
    %c0_i32_0 = arith.constant 0 : i32
    return %arg0, %c0_i32 : i32, i32
  }
}

module attributes {stable_mosaic.version = 14 : i64} {
  func.func @_ent1_body(%arg0: i32, %arg1: memref<2000x128xf32, #tpu.memory_space<vmem>>, %arg2: memref<2000x128xf32, #tpu.memory_space<vmem>>, %arg3: memref<2000x128xf32, #tpu.memory_space<vmem>>, %arg4: memref<2000x128xf32, #tpu.memory_space<vmem>>, %arg5: memref<2000x128xf32, #tpu.memory_space<vmem>>, %arg6: memref<2000x128xf32, #tpu.memory_space<vmem>>, %arg7: memref<2000x128xf32, #tpu.memory_space<vmem>>, %arg8: memref<2000x128xf32, #tpu.memory_space<vmem>>) attributes {dimension_semantics = [#tpu.dimension_semantics<arbitrary>], iteration_bounds = array<i64: 5>, scalar_prefetch = 0 : i64, scratch_operands = 0 : i64, tpu.core_type = #tpu.core_type<tc>, window_params = [{transform_indices = @transform_0, window_bounds = array<i64: 2000, 128>}, {transform_indices = @transform_1, window_bounds = array<i64: 2000, 128>}, {transform_indices = @transform_2, window_bounds = array<i64: 2000, 128>}, {transform_indices = @transform_3, window_bounds = array<i64: 2000, 128>}, {transform_indices = @transform_4, window_bounds = array<i64: 2000, 128>}, {transform_indices = @transform_5, window_bounds = array<i64: 2000, 128>}, {transform_indices = @transform_6, window_bounds = array<i64: 2000, 128>}, {transform_indices = @transform_7, window_bounds = array<i64: 2000, 128>}]} {
    %get3A = arith.constant 0 : index
    %get3A_0 = arith.constant 0 : index
    %get3A_1 = vector.load %arg3[%get3A, %get3A_0] : memref<2000x128xf32, #tpu.memory_space<vmem>>, vector<2000x128xf32>
    %slice3A = vector.extract_strided_slice %get3A_1 {offsets = [0, 0], sizes = [2000, 1], strides = [1, 1]} : vector<2000x128xf32> to vector<2000x1xf32>
    %get3A_2 = arith.constant 0 : index
    %get3A_3 = arith.constant 0 : index
    %get3A_4 = vector.load %arg4[%get3A_2, %get3A_3] : memref<2000x128xf32, #tpu.memory_space<vmem>>, vector<2000x128xf32>
    %slice3A_5 = vector.extract_strided_slice %get3A_4 {offsets = [0, 0], sizes = [2000, 1], strides = [1, 1]} : vector<2000x128xf32> to vector<2000x1xf32>
    %add3A = arith.addf %slice3A, %slice3A_5 : vector<2000x1xf32>
    %jit3A = arith.constant 1.000000e+00 : f32
    %max3A = vector.broadcast %jit3A : f32 to vector<2000x1xf32>
    %max3A_6 = arith.maximumf %max3A, %add3A : vector<2000x1xf32>
    %get3A_7 = arith.constant 0 : index
    %get3A_8 = arith.constant 0 : index
    %get3A_9 = vector.load %arg5[%get3A_7, %get3A_8] : memref<2000x128xf32, #tpu.memory_space<vmem>>, vector<2000x128xf32>
    %mul3A = arith.constant 2.000000e+00 : f32
    %mul3A_10 = vector.broadcast %mul3A : f32 to vector<2000x128xf32>
    %mul3A_11 = arith.mulf %mul3A_10, %get3A_9 : vector<2000x128xf32>
    %get3A_12 = arith.constant 0 : index
    %get3A_13 = arith.constant 0 : index
    %get3A_14 = vector.load %arg6[%get3A_12, %get3A_13] : memref<2000x128xf32, #tpu.memory_space<vmem>>, vector<2000x128xf32>
    %add3A_15 = arith.addf %mul3A_11, %get3A_14 : vector<2000x128xf32>
    %get3A_16 = arith.constant 0 : index
    %get3A_17 = arith.constant 0 : index
    %get3A_18 = vector.load %arg7[%get3A_16, %get3A_17] : memref<2000x128xf32, #tpu.memory_space<vmem>>, vector<2000x128xf32>
    %add3A_19 = arith.addf %add3A_15, %get3A_18 : vector<2000x128xf32>
    %get3A_20 = arith.constant 0 : index
    %get3A_21 = arith.constant 0 : index
    %get3A_22 = vector.load %arg1[%get3A_20, %get3A_21] : memref<2000x128xf32, #tpu.memory_space<vmem>>, vector<2000x128xf32>
    %div3A = vector.broadcast %max3A_6 : vector<2000x1xf32> to vector<2000x128xf32>
    %div3A_23 = arith.divf %get3A_22, %div3A : vector<2000x128xf32>
    %mul3A_24 = arith.mulf %div3A_23, %div3A_23 : vector<2000x128xf32>
    %reduce_sum3A = arith.constant dense<0.000000e+00> : vector<2000xf32>
    %reduce_sum3A_25 = vector.multi_reduction <add>, %mul3A_24, %reduce_sum3A [1] : vector<2000x128xf32> to vector<2000xf32>
    %broadcast_in_dim3A = vector.shape_cast %reduce_sum3A_25 : vector<2000xf32> to vector<2000x1xf32>
    %sqrt3A = math.sqrt %broadcast_in_dim3A : vector<2000x1xf32>
    %jit3A_26 = arith.constant 9.99999996E-13 : f32
    %max3A_27 = vector.broadcast %jit3A_26 : f32 to vector<2000x1xf32>
    %max3A_28 = arith.maximumf %max3A_27, %sqrt3A : vector<2000x1xf32>
    %div3A_29 = vector.broadcast %max3A_28 : vector<2000x1xf32> to vector<2000x128xf32>
    %div3A_30 = arith.divf %div3A_23, %div3A_29 : vector<2000x128xf32>
    %add3A_31 = arith.addf %add3A_19, %div3A_30 : vector<2000x128xf32>
    %get3A_32 = arith.constant 0 : index
    %get3A_33 = arith.constant 0 : index
    %get3A_34 = vector.load %arg2[%get3A_32, %get3A_33] : memref<2000x128xf32, #tpu.memory_space<vmem>>, vector<2000x128xf32>
    %div3A_35 = vector.broadcast %max3A_6 : vector<2000x1xf32> to vector<2000x128xf32>
    %div3A_36 = arith.divf %get3A_34, %div3A_35 : vector<2000x128xf32>
    %mul3A_37 = arith.mulf %div3A_36, %div3A_36 : vector<2000x128xf32>
    %reduce_sum3A_38 = arith.constant dense<0.000000e+00> : vector<2000xf32>
    %reduce_sum3A_39 = vector.multi_reduction <add>, %mul3A_37, %reduce_sum3A_38 [1] : vector<2000x128xf32> to vector<2000xf32>
    %broadcast_in_dim3A_40 = vector.shape_cast %reduce_sum3A_39 : vector<2000xf32> to vector<2000x1xf32>
    %sqrt3A_41 = math.sqrt %broadcast_in_dim3A_40 : vector<2000x1xf32>
    %jit3A_42 = arith.constant 9.99999996E-13 : f32
    %max3A_43 = vector.broadcast %jit3A_42 : f32 to vector<2000x1xf32>
    %max3A_44 = arith.maximumf %max3A_43, %sqrt3A_41 : vector<2000x1xf32>
    %div3A_45 = vector.broadcast %max3A_44 : vector<2000x1xf32> to vector<2000x128xf32>
    %div3A_46 = arith.divf %div3A_36, %div3A_45 : vector<2000x128xf32>
    %add3A_47 = arith.addf %add3A_31, %div3A_46 : vector<2000x128xf32>
    %swap3A = arith.constant 0 : index
    %swap3A_48 = arith.constant 0 : index
    %swap3A_49 = vector.load %arg8[%swap3A, %swap3A_48] : memref<2000x128xf32, #tpu.memory_space<vmem>>, vector<2000x128xf32>
    tpu.vector_store %arg8[%swap3A, %swap3A_48], %add3A_47 {strides = array<i32>} : memref<2000x128xf32, #tpu.memory_space<vmem>>, vector<2000x128xf32>,
    return
  }
  func.func @transform_0(%arg0: i32) -> (i32, i32) {
    %c0_i32 = arith.constant 0 : i32
    %c0_i32_0 = arith.constant 0 : i32
    return %arg0, %c0_i32 : i32, i32
  }
  func.func @transform_1(%arg0: i32) -> (i32, i32) {
    %c0_i32 = arith.constant 0 : i32
    %c0_i32_0 = arith.constant 0 : i32
    return %arg0, %c0_i32 : i32, i32
  }
  func.func @transform_2(%arg0: i32) -> (i32, i32) {
    %c0_i32 = arith.constant 0 : i32
    %c0_i32_0 = arith.constant 0 : i32
    return %arg0, %c0_i32 : i32, i32
  }
  func.func @transform_3(%arg0: i32) -> (i32, i32) {
    %c0_i32 = arith.constant 0 : i32
    %c0_i32_0 = arith.constant 0 : i32
    return %arg0, %c0_i32 : i32, i32
  }
  func.func @transform_4(%arg0: i32) -> (i32, i32) {
    %c0_i32 = arith.constant 0 : i32
    %c0_i32_0 = arith.constant 0 : i32
    return %arg0, %c0_i32 : i32, i32
  }
  func.func @transform_5(%arg0: i32) -> (i32, i32) {
    %c0_i32 = arith.constant 0 : i32
    %c0_i32_0 = arith.constant 0 : i32
    return %arg0, %c0_i32 : i32, i32
  }
  func.func @transform_6(%arg0: i32) -> (i32, i32) {
    %c0_i32 = arith.constant 0 : i32
    %c0_i32_0 = arith.constant 0 : i32
    return %arg0, %c0_i32 : i32, i32
  }
  func.func @transform_7(%arg0: i32) -> (i32, i32) {
    %c0_i32 = arith.constant 0 : i32
    %c0_i32_0 = arith.constant 0 : i32
    return %arg0, %c0_i32 : i32, i32
  }
}

</mosaic_0001>

<sc_bundles>
// kernel: kernel.10.cloned.1.call-start
scs
__scs_entry_jumppad:
0x0: {  	(pc) =	sbr.rel $0x88, $3  }
0x1: {  	(tag) =	ssettag $0x0;
	lr =	simm.s32 $0x1  }
0x2: {  	[smem:$0x3F87] =	sst lr;
	_ =	strace $0xD0000000  }
0x3: {  	_ = 	snop  }
0x4: {  	_ = 	snop  }
0x5: {  	_ = 	snop  }
0x6: {  	_ = 	snop  }
0x7: {  	_ = 	snop  }
__scs_overlays_trampoline_lowered:
0x8: {  	[smem:$0x3F96] =	sst s0  }
0x9: {  	[smem:$0x3F97] =	sst s1  }
0xa: {  	[smem:$0x3F98] =	sst s2  }
0xb: {  	[smem:$0x3F99] =	sst s3  }
0xc: {  	[smem:$0x3F9A] =	sst s4  }
0xd: {  	[smem:$0x3F9B] =	sst s5  }
0xe: {  	[smem:$0x3F9C] =	sst s6  }
0xf: {  	[smem:$0x3F9D] =	sst s7  }
0x10: {  	[smem:$0x3F9E] =	sst s8  }
0x11: {  	[smem:$0x3F9F] =	sst s9;
	s0 =	simm.s32 @!p0 $0x0  }
0x12: {  	s1 =	sld [smem:$0x3F85];
	s0 =	simm.s32 @p0 $0x1  }
0x13: {  	[smem:$0x3FA0] =	sst s0;
	s0 =	simm.s32 @!p1 $0x0  }
0x14: {  	s2 =	sld [smem:$0x3F84];
	s0 =	simm.s32 @p1 $0x1  }
0x15: {  	[smem:$0x3FA1] =	sst s0;
	s0 =	simm.s32 @!p2 $0x0  }
0x16: {  	s3 =	sld [smem:$0x3FDB];
	s0 =	simm.s32 @p2 $0x1  }
0x17: {  	s4 =	simm.s32 $0x1BF5;
	[smem:$0x3FA3] =	sst s0  }
0x18: {  	s0 =	sld [smem:$0x3F86];
	_ =	swait.ge [sflag:s4], $0x0  }
0x19: {  	s7 =	sld [smem:$0x3F87]  }
0x1a: {  	s8 =	sadd.s32 $0xFFFFE003, lr  }
0x1b: {  	s9 =	sadd.s32 $0xFFFFFEF7, lr;
	s5 =	simm.s32 $0xFFFFFFFF;
	p2 =	slt.u32 s8, $0xFFFFF086  }
0x1c: {  	p1 =	slt.u32 s9, $0xF7A;
	s5 =	simm.s32 @!p2 $0x0  }
0x1d: {  	s5 =	simm.s32 @p1 $0x1;
	p0 =	seq.s32 s7, s2  }
0x1e: {  	s7 =	smul.u32 @!p0 $0xF7A, s2;
	p2 =	seq.s32 @!p0 s5, $0x0  }
0x1f: {  	s9 =	smul.u32 $0xF7A, s1;
	s8 =	simm.s32 @!p0 $0x1BF5;
	p2 =	por !p2, p0  }
0x20: {  	[sflag:s8] =	ssyncset.s32 @!p0 $0xFFFFF086;
	s6 =	sadd.s32 @!p0 s3, s7;
	s7 =	simm.s32 @!p0 $0x108  }
0x21: {  	s3 =	sadd.s32 s3, s9;
	s6 =	sadd.s32 @!p0 $0x88, s6;
	s7 =	simm.s32 @p2 $0x1082  }
0x22: {  	[simem:s7], [sflag:s8] =	dma.local @!p0 [hbm:s6], $0xF7A  }
0x23: {  	s9 =	sor.u32 $0xD0000000, s2;
	s6 =	simm.s32 $0x108;
	_ =	swait.ge @!p0 [sflag:s8], $0x0  }
0x24: {  	s3 =	sadd.s32 $0x88, s3;
	s6 =	simm.s32 @!p1 $0x1082;
	[sflag:s4] =	ssyncset.s32 $0xFFFFF086  }
0x25: {  	[simem:s6], [sflag:s4] =	dma.local [hbm:s3], $0xF7A  }
0x26: {  	[smem:$0x3F87] =	sst s1;
	(tag) =	ssettag s2;
	_ =	strace s9  }
0x27: {  	s1 =	sld [smem:$0x3F97]  }
0x28: {  	s2 =	sld [smem:$0x3F98]  }
0x29: {  	s4 =	sld [smem:$0x3F9A]  }
0x2a: {  	p0 =	seq.s32 s5, $0x0;
	s5 =	sld [smem:$0x3F9B]  }
0x2b: {  	s6 =	sld [smem:$0x3F9C]  }
0x2c: {  	s7 =	sld [smem:$0x3F9D]  }
0x2d: {  	s3 =	simm.s32 $0x108;
	s8 =	sld [smem:$0x3F9E]  }
0x2e: {  	s3 =	simm.s32 @!p0 $0x1082;
	s9 =	sld [smem:$0x3F9F]  }
0x2f: {  	lr =	sadd.s32 s0, s3;
	s0 =	sld [smem:$0x3F96]  }
0x30: {  	s3 =	sld [smem:$0x3F99]  }
0x31: {  	[smem:$0x3FA2] =	sst s10  }
0x32: {  	s10 =	sld [smem:$0x3FA0];
	_ =	sdelay $0x3  }
0x33: {  	p0 =	seq.s32 s10, $0x1;
	s10 =	sld [smem:$0x3FA2];
	_ =	sdelay $0x3  }
0x34: {  	[smem:$0x3FA2] =	sst s10  }
0x35: {  	s10 =	sld [smem:$0x3FA1];
	_ =	sdelay $0x3  }
0x36: {  	p1 =	seq.s32 s10, $0x1;
	s10 =	sld [smem:$0x3FA2];
	_ =	sdelay $0x3  }
0x37: {  	[smem:$0x3FA2] =	sst s10  }
0x38: {  	s10 =	sld [smem:$0x3FA3]  }
0x39: {  	_ = 	snop;
	(pc) =	sbr.ind lr, $3  }
0x3a: {  	_ = 	snop  }
0x3b: {  	_ = 	snop  }
0x3c: {  	p2 =	seq.s32 s10, $0x1;
	s10 =	sld [smem:$0x3FA2]  }
0x3d: {  	_ =	shalt  }
0x3e: {  	_ =	shalt  }
0x3f: {  	_ =	shalt  }
0x40: {  	_ =	shalt  }
0x41: {  	_ =	shalt  }
0x42: {  	_ =	shalt  }
0x43: {  	_ =	shalt  }
0x44: {  	_ =	shalt  }
0x45: {  	_ =	shalt  }
0x46: {  	_ =	shalt  }
0x47: {  	_ =	shalt  }
0x48: {  	_ =	shalt  }
0x49: {  	_ =	shalt  }
0x4a: {  	_ =	shalt  }
0x4b: {  	_ =	shalt  }
0x4c: {  	_ =	shalt  }
0x4d: {  	_ =	shalt  }
0x4e: {  	_ =	shalt  }
0x4f: {  	_ =	shalt  }
0x50: {  	_ =	shalt  }
0x51: {  	_ =	shalt  }
0x52: {  	_ =	shalt  }
0x53: {  	_ =	shalt  }
0x54: {  	_ =	shalt  }
0x55: {  	_ =	shalt  }
0x56: {  	_ =	shalt  }
0x57: {  	_ =	shalt  }
0x58: {  	_ =	shalt  }
0x59: {  	_ =	shalt  }
0x5a: {  	_ =	shalt  }
0x5b: {  	_ =	shalt  }
0x5c: {  	_ =	shalt  }
0x5d: {  	_ =	shalt  }
0x5e: {  	_ =	shalt  }
0x5f: {  	_ =	shalt  }
0x60: {  	_ =	shalt  }
0x61: {  	_ =	shalt  }
0x62: {  	_ =	shalt  }
0x63: {  	_ =	shalt  }
0x64: {  	_ =	shalt  }
0x65: {  	_ =	shalt  }
0x66: {  	_ =	shalt  }
0x67: {  	_ =	shalt  }
0x68: {  	_ =	shalt  }
0x69: {  	_ =	shalt  }
0x6a: {  	_ =	shalt  }
0x6b: {  	_ =	shalt  }
0x6c: {  	_ =	shalt  }
0x6d: {  	_ =	shalt  }
0x6e: {  	_ =	shalt  }
0x6f: {  	_ =	shalt  }
0x70: {  	_ =	shalt  }
0x71: {  	_ =	shalt  }
0x72: {  	_ =	shalt  }
0x73: {  	_ =	shalt  }
0x74: {  	_ =	shalt  }
0x75: {  	_ =	shalt  }
0x76: {  	_ =	shalt  }
0x77: {  	_ =	shalt  }
0x78: {  	_ =	shalt  }
0x79: {  	_ =	shalt  }
0x7a: {  	_ =	shalt  }
0x7b: {  	_ =	shalt  }
0x7c: {  	_ =	shalt  }
0x7d: {  	_ =	shalt  }
0x7e: {  	_ =	shalt  }
0x7f: {  	_ =	shalt  }
0x80: {  	_ =	shalt  }
0x81: {  	_ =	shalt  }
0x82: {  	_ =	shalt  }
0x83: {  	_ =	shalt  }
0x84: {  	_ =	shalt  }
0x85: {  	_ =	shalt  }
0x86: {  	_ =	shalt  }
0x87: {  	_ =	shalt  }
.Lfunc_end0:
.L_simem_size_0:
called_computation_lowered:
.L_overlay_start_0:
0x88: {  	s2 =	sld [smem:$0x3FD9]  }
0x89: {  	s3 =	sld [smem:$0x3FFE];
	_ =	sdelay $0x1  }
0x8a: {  	s1 =	srdreg.scid  }
0x8b: {  	s0 =	sand.u32 $0x1, s1  }
0x8c: {  	s15 =	sshll.u32 s0, $0xA;
	s2 =	sadd.s32 s3, s2  }
0x8d: {  	s2 =	sadd.s32 s2, s15  }
0x8e: {  	[smem:$0x3FAE] =	sst s2  }
0x8f: {  	_ = 	snop  }
0x90: {  	s2 =	sld [smem:$0x3FD0];
	_ =	sdelay $0x2  }
0x91: {  	s16 =	simm.s32 $0xB;
	s4 =	simm.s32 $0x10  }
0x92: {  	[smem:s4], [sflag:s16] =	dma.local [hbm:s2], $0x1  }
0x93: {  	_ =	swait.eq [sflag:s16], $0x1  }
0x94: {  	[sflag:s16] =	ssyncset.done $0x0  }
0x95: {  	[sflag:s16] =	ssyncadd.s32 $0xFFFFFFFF  }
0x96: {  	s17 =	sld [smem:$0x11];
	(tm) =	ssettm $0x1  }
0x97: {  	s18 =	sld [smem:$0x3FFB];
	_ =	sdelay $0x3  }
0x98: {  	_ =	strace s18  }
0x99: {  	s2 =	sld [smem:$0x3FFC];
	_ =	sdelay $0x3  }
0x9a: {  	_ =	strace s2  }
0x9b: {  	s2 =	sld [smem:$0x3FFD];
	_ =	sdelay $0x3  }
0x9c: {  	_ =	strace s2  }
0x9d: {  	_ =	strace $0x8FFFFFFF  }
0x9e: {  	s19 =	sld [smem:$0x3FDB];
	_ =	sdelay $0x1  }
0x9f: {  	s20 =	simm.s32 $_scs_section_size  }
0xa0: {  	s5 =	simm.s32 $_size__tile_overlayer_lowered;
	s6 =	simm.s32 $_tile_overlayer_lowered  }
0xa1: {  	s7 =	simm.s32 $0x1BFF;
	s21 =	sshll.u32 s6, $0x1;
	s4 =	sadd.s32 s20, s19  }
0xa2: {  	s22 =	simm.s32 $0x0;
	s5 =	sshll.u32 s5, $0x1;
	s6 =	sadd.s32 s21, s4  }
0xa3: {  	[timem:s22], [sflag:s7] =	dma.local [hbm:s6], s5  }
0xa4: {  	_ =	swait.ge [sflag:s7], s5  }
0xa5: {  	s5 =	ssub.s32 $0x0, s5;
	[sflag:s7] =	ssyncset.done $0x0  }
0xa6: {  	[sflag:s7] =	ssyncadd.s32 s5;
	_ =	sdelay $0x1  }
0xa7: {  	s23 =	simm.s32 $0x1B8B  }
0xa8: {  	_ =	swait.ge [sflag:s23], $0x1  }
0xa9: {  	[sflag:s23] =	ssyncset.done $0x0  }
0xaa: {  	[sflag:s23] =	ssyncadd.s32 $0xFFFFFFFF  }
0xab: {  	s5 =	sld [smem:$0x0]  }
0xac: {  	s6 =	sand.u32 $0xFFFFFFFE, s1  }
0xad: {  	p0 =	sne.s32 s1, s6  }
0xae: {  	s6 =	sshll.u32 @p0 s6, $0xE  }
0xaf: {  	s6 =	sadd.s32 @p0 $0x11B8D, s6;
	s7 =	sshll.u32 @p0 s5, $0x11  }
0xb0: {  	s6 =	sor.u32 @p0 s7, s6  }
0xb1: {  	[sflag:s6] =	ssyncadd.remote.s32 @p0 $0x1;
	_ =	sdelay $0x1  }
0xb2: {  	s6 =	simm.s32 @p0 $0x1B8D  }
0xb3: {  	_ =	swait.eq @p0 [sflag:s6], $0x1  }
0xb4: {  	[sflag:s6] =	ssyncadd.s32 @p0 $0xFFFFFFFF  }
0xb5: {  	s7 =	sshll.u32 @!p0 s1, $0xE  }
0xb6: {  	s7 =	sor.u32 @!p0 $0x4000, s7;
	s6 =	simm.s32 @!p0 $0x1B8D  }
0xb7: {  	s5 =	sshll.u32 @!p0 s5, $0x11;
	s7 =	sadd.s32 @!p0 $0x11B8D, s7;
	_ =	swait.eq @!p0 [sflag:s6], $0x1  }
0xb8: {  	s5 =	sor.u32 @!p0 s5, s7;
	[sflag:s6] =	ssyncadd.s32 @!p0 $0xFFFFFFFF  }
0xb9: {  	s25 =	simm.s32 $0x1B8E;
	s24 =	sld [smem:$0x3FFE];
	[sflag:s5] =	ssyncadd.remote.s32 @!p0 $0x1  }
0xba: {  	s26 =	simm.s32 $execute0_lowered;
	[smem:$0x3FD2] =	sst s25  }
0xbb: {  	s6 =	sshll.u32 s26, $0x1;
	_ =	strace $0x80000049;
	[dreg:$0x1] =	wrdreg $0xFFFFFFFF  }
0xbc: {  	s28 =	simm.s32 $_size_execute0_lowered;
	s4 =	sadd.s32 s4, s6;
	[dreg:$0x0] =	wrdreg $0x0  }
0xbd: {  	s6 =	sshll.u32 s28, $0x1;
	[dreg:$0x2] =	wrdreg s4  }
0xbe: {  	[dreg:$0x3] =	wrdreg s6  }
0xbf: {  	[dreg:$0x4] =	wrdreg $0xC0  }
0xc0: {  	_ =	task [dreg:s22], $0x5FFFF  }
0xc1: {  	[dreg:$0x1] =	wrdreg $0xFFFFFFFF  }
0xc2: {  	[dreg:$0x0] =	wrdreg $0x60  }
0xc3: {  	[dreg:$0x2] =	wrdreg s24  }
0xc4: {  	[dreg:$0x3] =	wrdreg s17  }
0xc5: {  	[dreg:$0x4] =	wrdreg $0x30000  }
0xc6: {  	[dreg:$0x5] =	wrdreg $0x9  }
0xc7: {  	_ =	task.clear_ibuf [dreg:s22], $0x6FFFF;
	_ =	strace $0x90000049  }
0xc8: {  	s29 =	simm.s32 $0x9;
	_ =	strace $0x8000004B  }
0xc9: {  	_ =	swait.ge [sflag:s29], $0x1  }
0xca: {  	[sflag:s29] =	ssyncadd.s32 $0xFFFFFFFF  }
0xcb: {  	_ =	strace $0x9000004B  }
0xcc: {  	_ =	sfence  }
0xcd: {  	s30 =	sld [smem:$0x0];
	_ =	sdelay $0x2  }
0xce: {  	s31 =	sshll.u32 s1, $0xD;
	s1 =	sshrl.u32 s1, $0x2  }
0xcf: {  	s4 =	sand.u32 $0x4000, s31;
	s1 =	sadd.s32 s1, s30  }
0xd0: {  	s0 =	sor.u32 s4, s0;
	s1 =	sshll.u32 s1, $0x11  }
0xd1: {  	s0 =	sor.u32 s1, s0  }
0xd2: {  	s0 =	sadd.s32 $0x8F2B, s0  }
0xd3: {  	[sflag:s0] =	ssyncadd.remote.s32 $0x1  }
0xd4: {  	_ =	sfence.sel $0xFFFF  }
0xd5: {  	[dreg:$0x0] =	wrdreg $0xFFFFFFFF;
	(pc) =	sbr.abs _section_cstart, $3  }
0xd6: {  	[dreg:$0x1] =	wrdreg $0xFFFFFFFF  }
0xd7: {  	_ =	task.clear_ibuf [dreg:s22], $0x2FFFF;
	_ =	strace $0x9FFFFFFF  }
0xd8: {  	(tm) =	ssettm $0x7FFFFFFF  }
0xd9: {  	_ =	shalt  }
tec
execute0_lowered:
.L_overlay_start_1:
0x0: {  	(tag) =	ssettag $0x1  }
0x1: {  	s0 =	rddreg [dreg:$0x0]  }
0x2: {  	s2 =	rddreg [dreg:$0x2]  }
0x3: {  	s1 =	srdreg.scid;
	s3 =	simm.s32 $0x0;
	s17 =	simm.s32 $0x800  }
0x4: {  	s18 =	simm.s32 $0x1;
	s19 =	simm.s32 $0x50;
	s20 =	simm.s32 $0x80  }
0x5: {  	s28 =	simm.s32 $0x400;
	s29 =	simm.s32 $0x480;
	s30 =	simm.s32 $0x500  }
0x6: {  	s31 =	simm.s32 $0x580;
	[smem:$0x7FF] =	sst s3;
	s5 =	sadd.s32 $0x1BDC00, s0  }
0x7: {  	s1 =	sand.u32 $0x1, s1;
	s10 =	sadd.s32 $0x20E800, s0;
	s11 =	sadd.s32 $0x235A00, s0  }
0x8: {  	s12 =	sadd.s32 $0x12C000, s2;
	_ =	strace $0x8000004A;
	[dreg:$0x4] =	wrdreg s10  }
0x9: {  	s4 =	smul.u32 $0x7D00, s1;
	s7 =	ssub.s32 $0x2, s1;
	[dreg:$0x5] =	wrdreg s11  }
0xa: {  	p2 =	seq.s32 s1, $0x0;
	[dreg:$0x6] =	wrdreg s12;
	s8 =	sshrl.u32 s7, $0x1  }
0xb: {  	s6 =	sadd.s32 s4, s0;
	s4 =	stileid.u32;
	s21 =	ssub.s32 s7, s8  }
0xc: {  	s8 =	simm.s32 $0x0;
	s22 =	smul.u32 $0x50000, s4;
	p0 =	seq.s32 s4, $0xF  }
0xd: {  	p4 =	sne.s32 s4, $0xF;
	s23 =	smul.u32 $0x2800, s4;
	s25 =	sshll.u32 s4, $0x8  }
0xe: {  	s0 =	smax.u32 s21, $0x1;
	s21 =	simm.s32 $0x100;
	p1 =	por !p2, !p4  }
0xf: {  	p3 =	por !p2, !p0;
	p2 =	seq.s32 s1, $0x1;
	s1 =	sadd.s32 s25, s6  }
0x10: {  	[dreg:$0x9] =	wrdreg s0;
	s0 =	sshll.u32 @!p0 s4, $0x6;
	s14 =	sshrl.u32 @p0 s12, $0x3  }
0x11: {  	s25 =	simm.s32 $0x300;
	s6 =	simm.s32 $0x700;
	s7 =	sshrl.u32 s22, $0x2  }
0x12: {  	p1 =	por !p1, !p1;
	s24 =	sadd.s32 s10, s23;
	p3 =	por !p3, !p3  }
0x13: {  	p4 =	por !p4, !p2;
	s26 =	sadd.s32 s11, s23;
	s10 =	sadd.s32 $0x27800, s1  }
.Ltmp0:
0x14: {  	s15 =	sor.u32 @!p0 $0x1C01, s0;
	s22 =	simm.s32 $0x180;
	(pc) =	sbr.rel .LBB2_1-.Ltmp0, $4  }
0x15: {  	s23 =	simm.s32 $0x200;
	s0 =	simm.s32 $0x600;
	s1 =	simm.s32 $0x680  }
0x16: {  	s9 =	sadd.s32 s7, s2;
	[dreg:$0x7] =	wrdreg s24;
	p4 =	por !p4, !p4  }
0x17: {  	[dreg:$0x8] =	wrdreg s26;
	s24 =	simm.s32 $0x280;
	s26 =	simm.s32 $0x380  }
0x18: {  	s7 =	simm.s32 $0x780;
	s16 =	sshrl.u32 @!p0 s9, $0x3;
	p4 =	por !p4, p3  }
.LBB2_7:
0x19: {  	s8 =	sadd.s32 $0x1, s8;
	s11 =	rddreg [dreg:$0x9]  }
0x1a: {  	p5 =	sne.s32 s8, s11  }
.Ltmp1:
0x1b: {  	_ = 	snop;
	(pc) =	sbr.rel @!p5 .LBB2_8-.Ltmp1, $1  }
0x1c: {  	_ =	sdelay $0x3  }
.LBB2_1:
0x1d: {  	s11 =	simm.s32 @p0 $0x1FC1  }
0x1e: {  	[spmem:s14], [sflag:s11] =	dma.local @p0 [hbm:s5], $0x1900  }
0x1f: {  	s11 =	simm.s32 @p0 $0x1  }
0x20: {  	_ =	swait.ge @p0 [sflag:s11], $0x1900  }
0x21: {  	[sflag:s11] =	ssyncset.done @p0 $0x0  }
0x22: {  	[sflag:s11] =	ssyncadd.s32 @p0 $0xFFFFE700;
	s11 =	simm.s32 @!p0 $0x1  }
0x23: {  	[spmem:s16], [sflag:s15] =	dma.local @!p0 [hbm:s5], $0x2800  }
0x24: {  	_ =	swait.ge @!p0 [sflag:s11], $0x2800  }
0x25: {  	[sflag:s11] =	ssyncset.done @!p0 $0x0  }
0x26: {  	[sflag:s11] =	ssyncadd.s32 @!p0 $0xFFFFD800  }
0x27: {  	s11 =	rddreg [dreg:$0x1]  }
0x28: {  	[tilespmem:s17], [sflag:$0x1] =	stream.linear.gather [hbm4b:s11+s3], $0x2800, $0x38;
	[tilespmem:$0x16880] =	vst v63  }
.Ltmp2:
0x29: {  	_ =	swait.ge [sflag:s18], $0x2800;
	(pc) =	sbr.rel .LBB2_2-.Ltmp2, $4  }
0x2a: {  	[sflag:s18] =	ssyncset.done $0x0  }
0x2b: {  	[sflag:s18] =	ssyncadd.s32 $0xFFFFD800  }
0x2c: {  	[bflag:$0x0] =	sbarrier.arrive $0xFFFF  }
0x2d: {  	s13 =	smov.u32 s10;
	s11 =	simm.s32 $0x0  }
.LBB2_4:
0x2e: {  	s11 =	sadd.s32 $0x10, s11  }
0x2f: {  	p5 =	sne.s32 s11, $0x80  }
.Ltmp3:
0x30: {  	_ = 	snop;
	(pc) =	sbr.rel @!p5 .LBB2_5-.Ltmp3, $2  }
0x31: {  	_ =	sdelay $0x2  }
0x32: {  	s13 =	sadd.s32 $0x1000, s13  }
.LBB2_2:
0x33: {  	s12 =	sadd.s32 s11, s4  }
0x34: {  	p5 =	sgt.u32 s12, $0x7C  }
.Ltmp4:
0x35: {  	_ = 	snop;
	(pc) =	sbr.rel @p5 .LBB2_4-.Ltmp4, $1  }
0x36: {  	_ =	sdelay $0x3  }
0x37: {  	[tilespmem:s3], [sflag:$0x1] =	stream.linear.gather [hbm4b:s13+s3], $0x800, $0x38;
	[tilespmem:$0x16880] =	vst v63  }
0x38: {  	_ =	swait.ge [sflag:s18], $0x800  }
0x39: {  	[sflag:s18] =	ssyncset.done $0x0  }
0x3a: {  	[sflag:s18] =	ssyncadd.s32 $0xFFFFF800  }
0x3b: {  	[spmem:s2] =	stream.indirect.scatter.add.f32 [tilespmem:s17], [sflag:$0x1], $0x80, s3, s19, $0xb8;
	[tilespmem:$0x16880] =	vst v63  }
0x3c: {  	_ =	swait.ge [sflag:s18], $0x2800  }
0x3d: {  	[sflag:s18] =	ssyncset.done $0x0  }
0x3e: {  	[sflag:s18] =	ssyncadd.s32 $0xFFFFD800  }
0x3f: {  	[spmem:s2] =	stream.indirect.scatter.add.f32 [tilespmem:s17], [sflag:$0x1], $0x80, s20, s19, $0xb8;
	[tilespmem:$0x16880] =	vst v63  }
0x40: {  	_ =	swait.ge [sflag:s18], $0x2800  }
0x41: {  	[sflag:s18] =	ssyncset.done $0x0  }
0x42: {  	[sflag:s18] =	ssyncadd.s32 $0xFFFFD800  }
0x43: {  	[spmem:s2] =	stream.indirect.scatter.add.f32 [tilespmem:s17], [sflag:$0x1], $0x80, s21, s19, $0xb8;
	[tilespmem:$0x16880] =	vst v63  }
0x44: {  	_ =	swait.ge [sflag:s18], $0x2800  }
0x45: {  	[sflag:s18] =	ssyncset.done $0x0  }
0x46: {  	[sflag:s18] =	ssyncadd.s32 $0xFFFFD800  }
0x47: {  	[spmem:s2] =	stream.indirect.scatter.add.f32 [tilespmem:s17], [sflag:$0x1], $0x80, s22, s19, $0xb8;
	[tilespmem:$0x16880] =	vst v63  }
0x48: {  	_ =	swait.ge [sflag:s18], $0x2800  }
0x49: {  	[sflag:s18] =	ssyncset.done $0x0  }
0x4a: {  	[sflag:s18] =	ssyncadd.s32 $0xFFFFD800  }
0x4b: {  	[spmem:s2] =	stream.indirect.scatter.add.f32 [tilespmem:s17], [sflag:$0x1], $0x80, s23, s19, $0xb8;
	[tilespmem:$0x16880] =	vst v63  }
0x4c: {  	_ =	swait.ge [sflag:s18], $0x2800  }
0x4d: {  	[sflag:s18] =	ssyncset.done $0x0  }
0x4e: {  	[sflag:s18] =	ssyncadd.s32 $0xFFFFD800  }
0x4f: {  	[spmem:s2] =	stream.indirect.scatter.add.f32 [tilespmem:s17], [sflag:$0x1], $0x80, s24, s19, $0xb8;
	[tilespmem:$0x16880] =	vst v63  }
0x50: {  	_ =	swait.ge [sflag:s18], $0x2800  }
0x51: {  	[sflag:s18] =	ssyncset.done $0x0  }
0x52: {  	[sflag:s18] =	ssyncadd.s32 $0xFFFFD800  }
0x53: {  	[spmem:s2] =	stream.indirect.scatter.add.f32 [tilespmem:s17], [sflag:$0x1], $0x80, s25, s19, $0xb8;
	[tilespmem:$0x16880] =	vst v63  }
0x54: {  	_ =	swait.ge [sflag:s18], $0x2800  }
0x55: {  	[sflag:s18] =	ssyncset.done $0x0  }
0x56: {  	[sflag:s18] =	ssyncadd.s32 $0xFFFFD800  }
0x57: {  	[spmem:s2] =	stream.indirect.scatter.add.f32 [tilespmem:s17], [sflag:$0x1], $0x80, s26, s19, $0xb8;
	[tilespmem:$0x16880] =	vst v63  }
0x58: {  	_ =	swait.ge [sflag:s18], $0x2800  }
0x59: {  	[sflag:s18] =	ssyncset.done $0x0  }
0x5a: {  	[sflag:s18] =	ssyncadd.s32 $0xFFFFD800  }
0x5b: {  	[spmem:s2] =	stream.indirect.scatter.add.f32 [tilespmem:s17], [sflag:$0x1], $0x80, s28, s19, $0xb8;
	[tilespmem:$0x16880] =	vst v63  }
0x5c: {  	_ =	swait.ge [sflag:s18], $0x2800  }
0x5d: {  	[sflag:s18] =	ssyncset.done $0x0  }
0x5e: {  	[sflag:s18] =	ssyncadd.s32 $0xFFFFD800  }
0x5f: {  	[spmem:s2] =	stream.indirect.scatter.add.f32 [tilespmem:s17], [sflag:$0x1], $0x80, s29, s19, $0xb8;
	[tilespmem:$0x16880] =	vst v63  }
0x60: {  	_ =	swait.ge [sflag:s18], $0x2800  }
0x61: {  	[sflag:s18] =	ssyncset.done $0x0  }
0x62: {  	[sflag:s18] =	ssyncadd.s32 $0xFFFFD800  }
0x63: {  	[spmem:s2] =	stream.indirect.scatter.add.f32 [tilespmem:s17], [sflag:$0x1], $0x80, s30, s19, $0xb8;
	[tilespmem:$0x16880] =	vst v63  }
0x64: {  	_ =	swait.ge [sflag:s18], $0x2800  }
0x65: {  	[sflag:s18] =	ssyncset.done $0x0  }
0x66: {  	[sflag:s18] =	ssyncadd.s32 $0xFFFFD800  }
0x67: {  	[spmem:s2] =	stream.indirect.scatter.add.f32 [tilespmem:s17], [sflag:$0x1], $0x80, s31, s19, $0xb8;
	[tilespmem:$0x16880] =	vst v63  }
0x68: {  	_ =	swait.ge [sflag:s18], $0x2800  }
0x69: {  	[sflag:s18] =	ssyncset.done $0x0  }
0x6a: {  	[sflag:s18] =	ssyncadd.s32 $0xFFFFD800  }
0x6b: {  	[spmem:s2] =	stream.indirect.scatter.add.f32 [tilespmem:s17], [sflag:$0x1], $0x80, s0, s19, $0xb8;
	[tilespmem:$0x16880] =	vst v63  }
0x6c: {  	_ =	swait.ge [sflag:s18], $0x2800  }
0x6d: {  	[sflag:s18] =	ssyncset.done $0x0  }
0x6e: {  	[sflag:s18] =	ssyncadd.s32 $0xFFFFD800  }
0x6f: {  	[spmem:s2] =	stream.indirect.scatter.add.f32 [tilespmem:s17], [sflag:$0x1], $0x80, s1, s19, $0xb8;
	[tilespmem:$0x16880] =	vst v63  }
0x70: {  	_ =	swait.ge [sflag:s18], $0x2800  }
0x71: {  	[sflag:s18] =	ssyncset.done $0x0  }
0x72: {  	[sflag:s18] =	ssyncadd.s32 $0xFFFFD800  }
0x73: {  	[spmem:s2] =	stream.indirect.scatter.add.f32 [tilespmem:s17], [sflag:$0x1], $0x80, s6, s19, $0xb8;
	[tilespmem:$0x16880] =	vst v63  }
0x74: {  	_ =	swait.ge [sflag:s18], $0x2800  }
0x75: {  	[sflag:s18] =	ssyncset.done $0x0  }
.Ltmp5:
0x76: {  	[sflag:s18] =	ssyncadd.s32 $0xFFFFD800;
	(pc) =	sbr.rel .LBB2_4-.Ltmp5, $4  }
0x77: {  	[spmem:s2] =	stream.indirect.scatter.add.f32 [tilespmem:s17], [sflag:$0x1], $0x80, s7, s19, $0xb8;
	[tilespmem:$0x16880] =	vst v63  }
0x78: {  	_ =	swait.ge [sflag:s18], $0x2800  }
0x79: {  	[sflag:s18] =	ssyncset.done $0x0  }
0x7a: {  	[sflag:s18] =	ssyncadd.s32 $0xFFFFD800  }
.LBB2_5:
0x7b: {  	s11 =	sshll.u32 @p1 s4, $0x6;
	[bflag:$0x0] =	sbarrier.arrive $0xFFFF  }
0x7c: {  	s12 =	sshrl.u32 @p1 s9, $0x3;
	p5 =	por @!p4 $0x1, $0x1;
	p6 =	por p2, p2  }
0x7d: {  	s11 =	sor.u32 @p1 $0x1C01, s11;
	s13 =	rddreg [dreg:$0x7];
	p6 =	por @!p4 p5, p5  }
0x7e: {  	[hbm:s13], [sflag:s11] =	dma.local @p1 [spmem:s12], $0x2800  }
0x7f: {  	s11 =	simm.s32 @p1 $0x1;
	p5 =	por @!p3 !p6, !p0  }
0x80: {  	s12 =	sshll.u32 @!p4 s4, $0x6;
	_ =	swait.ge @p1 [sflag:s11], $0x2800;
	p5 =	por @!p3 !p5, !p5  }
0x81: {  	[sflag:s11] =	ssyncset.done @p1 $0x0;
	s13 =	rddreg [dreg:$0x8];
	p5 =	por p3, p5  }
0x82: {  	[sflag:s11] =	ssyncadd.s32 @p1 $0xFFFFD800;
	s11 =	sor.u32 @!p4 $0x1C01, s12;
	s12 =	sshrl.u32 @!p4 s9, $0x3  }
0x83: {  	[hbm:s13], [sflag:s11] =	dma.local @!p4 [spmem:s12], $0x2800  }
.Ltmp6:
0x84: {  	_ = 	snop;
	(pc) =	sbr.rel @!p5 .LBB2_7-.Ltmp6, $4  }
0x85: {  	s11 =	simm.s32 @!p4 $0x1  }
0x86: {  	_ =	swait.ge @!p4 [sflag:s11], $0x2800  }
0x87: {  	[sflag:s11] =	ssyncset.done @!p4 $0x0  }
0x88: {  	[sflag:s11] =	ssyncadd.s32 @!p4 $0xFFFFD800  }
0x89: {  	s11 =	rddreg [dreg:$0x5]  }
0x8a: {  	s12 =	rddreg [dreg:$0x4]  }
0x8b: {  	s13 =	rddreg [dreg:$0x6]  }
0x8c: {  	s11 =	smov.u32 @p3 s12;
	s12 =	sshrl.u32 s13, $0x3  }
.Ltmp7:
0x8d: {  	s13 =	simm.s32 $0x1FC1;
	s11 =	sadd.s32 $0x25800, s11;
	(pc) =	sbr.rel .LBB2_7-.Ltmp7, $4  }
0x8e: {  	[hbm:s11], [sflag:s13] =	dma.local [spmem:s12], $0x1900  }
0x8f: {  	_ =	swait.ge [sflag:s18], $0x1900  }
0x90: {  	[sflag:s18] =	ssyncset.done $0x0  }
0x91: {  	[sflag:s18] =	ssyncadd.s32 $0xFFFFE700  }
.LBB2_8:
0x92: {  	_ =	sfence.sel $0x180000  }
0x93: {  	[bflag:$0x0] =	sbarrier.arrive $0xFFFF  }
0x94: {  	_ =	strace $0x9000004A  }
0x95: {  	[bflag:$0x2] =	sbarrier.arrive $0xFFFF  }
0x96: {  	p0 =	sne.s32 s4, $0x0;
	s0 =	rddreg [dreg:$0x3]  }
0x97: {  	s0 =	sadd.s32 @!p0 $0x100000, s0  }
0x98: {  	[sflag:s0] =	ssyncadd.tile.s32 @!p0 $0x1;
	_ =	shalt  }
.Lfunc_end2:
_tile_overlayer_lowered:
.L_overlay_start_2:
0x99: {  	(tag) =	ssettag $0x2  }
0x9a: {  	s0 =	rddreg [dreg:$0x0];
	s2 =	stileid.u32  }
0x9b: {  	s1 =	rddreg [dreg:$0x1];
	p0 =	sne.s32 s2, $0x0  }
0x9c: {  	s3 =	rddreg [dreg:$0x2];
	[bflag:$0x3] =	sbarrier.arrive $0xFFFF;
	s2 =	simm.s32 @!p0 $0x1C01  }
0x9d: {  	[timem:s3], [sflag:s2] =	dma.local @!p0 [hbm:s0], s1  }
0x9e: {  	s0 =	simm.s32 @!p0 $0x1  }
0x9f: {  	_ =	swait.ge @!p0 [sflag:s0], s1  }
0xa0: {  	s1 =	ssub.s32 @!p0 $0x0, s1;
	[sflag:s0] =	ssyncset.done @!p0 $0x0  }
0xa1: {  	[sflag:s0] =	ssyncadd.s32 @!p0 s1  }
0xa2: {  	[bflag:$0x3] =	sbarrier.arrive $0xFFFF  }
0xa3: {  	_ =	shalt  }

// kernel: kernel.13.cloned.1.call-start
scs
__scs_entry_jumppad:
0x0: {  	(pc) =	sbr.rel $0x88, $3  }
0x1: {  	(tag) =	ssettag $0x0;
	lr =	simm.s32 $0x1  }
0x2: {  	[smem:$0x3F87] =	sst lr;
	_ =	strace $0xD0000000  }
0x3: {  	_ = 	snop  }
0x4: {  	_ = 	snop  }
0x5: {  	_ = 	snop  }
0x6: {  	_ = 	snop  }
0x7: {  	_ = 	snop  }
__scs_overlays_trampoline_lowered:
0x8: {  	[smem:$0x3F96] =	sst s0  }
0x9: {  	[smem:$0x3F97] =	sst s1  }
0xa: {  	[smem:$0x3F98] =	sst s2  }
0xb: {  	[smem:$0x3F99] =	sst s3  }
0xc: {  	[smem:$0x3F9A] =	sst s4  }
0xd: {  	[smem:$0x3F9B] =	sst s5  }
0xe: {  	[smem:$0x3F9C] =	sst s6  }
0xf: {  	[smem:$0x3F9D] =	sst s7  }
0x10: {  	[smem:$0x3F9E] =	sst s8  }
0x11: {  	[smem:$0x3F9F] =	sst s9;
	s0 =	simm.s32 @!p0 $0x0  }
0x12: {  	s1 =	sld [smem:$0x3F85];
	s0 =	simm.s32 @p0 $0x1  }
0x13: {  	[smem:$0x3FA0] =	sst s0;
	s0 =	simm.s32 @!p1 $0x0  }
0x14: {  	s2 =	sld [smem:$0x3F84];
	s0 =	simm.s32 @p1 $0x1  }
0x15: {  	[smem:$0x3FA1] =	sst s0;
	s0 =	simm.s32 @!p2 $0x0  }
0x16: {  	s3 =	sld [smem:$0x3FDB];
	s0 =	simm.s32 @p2 $0x1  }
0x17: {  	s4 =	simm.s32 $0x1BF5;
	[smem:$0x3FA3] =	sst s0  }
0x18: {  	s0 =	sld [smem:$0x3F86];
	_ =	swait.ge [sflag:s4], $0x0  }
0x19: {  	s7 =	sld [smem:$0x3F87]  }
0x1a: {  	s8 =	sadd.s32 $0xFFFFE003, lr  }
0x1b: {  	s9 =	sadd.s32 $0xFFFFFEF7, lr;
	s5 =	simm.s32 $0xFFFFFFFF;
	p2 =	slt.u32 s8, $0xFFFFF086  }
0x1c: {  	p1 =	slt.u32 s9, $0xF7A;
	s5 =	simm.s32 @!p2 $0x0  }
0x1d: {  	s5 =	simm.s32 @p1 $0x1;
	p0 =	seq.s32 s7, s2  }
0x1e: {  	s7 =	smul.u32 @!p0 $0xF7A, s2;
	p2 =	seq.s32 @!p0 s5, $0x0  }
0x1f: {  	s9 =	smul.u32 $0xF7A, s1;
	s8 =	simm.s32 @!p0 $0x1BF5;
	p2 =	por !p2, p0  }
0x20: {  	[sflag:s8] =	ssyncset.s32 @!p0 $0xFFFFF086;
	s6 =	sadd.s32 @!p0 s3, s7;
	s7 =	simm.s32 @!p0 $0x108  }
0x21: {  	s3 =	sadd.s32 s3, s9;
	s6 =	sadd.s32 @!p0 $0x88, s6;
	s7 =	simm.s32 @p2 $0x1082  }
0x22: {  	[simem:s7], [sflag:s8] =	dma.local @!p0 [hbm:s6], $0xF7A  }
0x23: {  	s9 =	sor.u32 $0xD0000000, s2;
	s6 =	simm.s32 $0x108;
	_ =	swait.ge @!p0 [sflag:s8], $0x0  }
0x24: {  	s3 =	sadd.s32 $0x88, s3;
	s6 =	simm.s32 @!p1 $0x1082;
	[sflag:s4] =	ssyncset.s32 $0xFFFFF086  }
0x25: {  	[simem:s6], [sflag:s4] =	dma.local [hbm:s3], $0xF7A  }
0x26: {  	[smem:$0x3F87] =	sst s1;
	(tag) =	ssettag s2;
	_ =	strace s9  }
0x27: {  	s1 =	sld [smem:$0x3F97]  }
0x28: {  	s2 =	sld [smem:$0x3F98]  }
0x29: {  	s4 =	sld [smem:$0x3F9A]  }
0x2a: {  	p0 =	seq.s32 s5, $0x0;
	s5 =	sld [smem:$0x3F9B]  }
0x2b: {  	s6 =	sld [smem:$0x3F9C]  }
0x2c: {  	s7 =	sld [smem:$0x3F9D]  }
0x2d: {  	s3 =	simm.s32 $0x108;
	s8 =	sld [smem:$0x3F9E]  }
0x2e: {  	s3 =	simm.s32 @!p0 $0x1082;
	s9 =	sld [smem:$0x3F9F]  }
0x2f: {  	lr =	sadd.s32 s0, s3;
	s0 =	sld [smem:$0x3F96]  }
0x30: {  	s3 =	sld [smem:$0x3F99]  }
0x31: {  	[smem:$0x3FA2] =	sst s10  }
0x32: {  	s10 =	sld [smem:$0x3FA0];
	_ =	sdelay $0x3  }
0x33: {  	p0 =	seq.s32 s10, $0x1;
	s10 =	sld [smem:$0x3FA2];
	_ =	sdelay $0x3  }
0x34: {  	[smem:$0x3FA2] =	sst s10  }
0x35: {  	s10 =	sld [smem:$0x3FA1];
	_ =	sdelay $0x3  }
0x36: {  	p1 =	seq.s32 s10, $0x1;
	s10 =	sld [smem:$0x3FA2];
	_ =	sdelay $0x3  }
0x37: {  	[smem:$0x3FA2] =	sst s10  }
0x38: {  	s10 =	sld [smem:$0x3FA3]  }
0x39: {  	_ = 	snop;
	(pc) =	sbr.ind lr, $3  }
0x3a: {  	_ = 	snop  }
0x3b: {  	_ = 	snop  }
0x3c: {  	p2 =	seq.s32 s10, $0x1;
	s10 =	sld [smem:$0x3FA2]  }
0x3d: {  	_ =	shalt  }
0x3e: {  	_ =	shalt  }
0x3f: {  	_ =	shalt  }
0x40: {  	_ =	shalt  }
0x41: {  	_ =	shalt  }
0x42: {  	_ =	shalt  }
0x43: {  	_ =	shalt  }
0x44: {  	_ =	shalt  }
0x45: {  	_ =	shalt  }
0x46: {  	_ =	shalt  }
0x47: {  	_ =	shalt  }
0x48: {  	_ =	shalt  }
0x49: {  	_ =	shalt  }
0x4a: {  	_ =	shalt  }
0x4b: {  	_ =	shalt  }
0x4c: {  	_ =	shalt  }
0x4d: {  	_ =	shalt  }
0x4e: {  	_ =	shalt  }
0x4f: {  	_ =	shalt  }
0x50: {  	_ =	shalt  }
0x51: {  	_ =	shalt  }
0x52: {  	_ =	shalt  }
0x53: {  	_ =	shalt  }
0x54: {  	_ =	shalt  }
0x55: {  	_ =	shalt  }
0x56: {  	_ =	shalt  }
0x57: {  	_ =	shalt  }
0x58: {  	_ =	shalt  }
0x59: {  	_ =	shalt  }
0x5a: {  	_ =	shalt  }
0x5b: {  	_ =	shalt  }
0x5c: {  	_ =	shalt  }
0x5d: {  	_ =	shalt  }
0x5e: {  	_ =	shalt  }
0x5f: {  	_ =	shalt  }
0x60: {  	_ =	shalt  }
0x61: {  	_ =	shalt  }
0x62: {  	_ =	shalt  }
0x63: {  	_ =	shalt  }
0x64: {  	_ =	shalt  }
0x65: {  	_ =	shalt  }
0x66: {  	_ =	shalt  }
0x67: {  	_ =	shalt  }
0x68: {  	_ =	shalt  }
0x69: {  	_ =	shalt  }
0x6a: {  	_ =	shalt  }
0x6b: {  	_ =	shalt  }
0x6c: {  	_ =	shalt  }
0x6d: {  	_ =	shalt  }
0x6e: {  	_ =	shalt  }
0x6f: {  	_ =	shalt  }
0x70: {  	_ =	shalt  }
0x71: {  	_ =	shalt  }
0x72: {  	_ =	shalt  }
0x73: {  	_ =	shalt  }
0x74: {  	_ =	shalt  }
0x75: {  	_ =	shalt  }
0x76: {  	_ =	shalt  }
0x77: {  	_ =	shalt  }
0x78: {  	_ =	shalt  }
0x79: {  	_ =	shalt  }
0x7a: {  	_ =	shalt  }
0x7b: {  	_ =	shalt  }
0x7c: {  	_ =	shalt  }
0x7d: {  	_ =	shalt  }
0x7e: {  	_ =	shalt  }
0x7f: {  	_ =	shalt  }
0x80: {  	_ =	shalt  }
0x81: {  	_ =	shalt  }
0x82: {  	_ =	shalt  }
0x83: {  	_ =	shalt  }
0x84: {  	_ =	shalt  }
0x85: {  	_ =	shalt  }
0x86: {  	_ =	shalt  }
0x87: {  	_ =	shalt  }
.Lfunc_end0:
.L_simem_size_0:
called_computation.1_lowered:
.L_overlay_start_0:
0x88: {  	s2 =	sld [smem:$0x3FD9]  }
0x89: {  	s3 =	sld [smem:$0x3FFE];
	_ =	sdelay $0x1  }
0x8a: {  	s1 =	srdreg.scid  }
0x8b: {  	s0 =	sand.u32 $0x1, s1  }
0x8c: {  	s16 =	sshll.u32 s0, $0xA;
	s2 =	sadd.s32 s3, s2  }
0x8d: {  	s2 =	sadd.s32 s2, s16  }
0x8e: {  	[smem:$0x3FAE] =	sst s2  }
0x8f: {  	_ = 	snop  }
0x90: {  	(tm) =	ssettm $0x1  }
0x91: {  	s17 =	sld [smem:$0x3FFB];
	_ =	sdelay $0x3  }
0x92: {  	_ =	strace s17  }
0x93: {  	s2 =	sld [smem:$0x3FFC];
	_ =	sdelay $0x3  }
0x94: {  	_ =	strace s2  }
0x95: {  	s2 =	sld [smem:$0x3FFD];
	_ =	sdelay $0x3  }
0x96: {  	_ =	strace s2  }
0x97: {  	_ =	strace $0x8FFFFFFF  }
0x98: {  	s18 =	sld [smem:$0x3FDB];
	_ =	sdelay $0x1  }
0x99: {  	s19 =	simm.s32 $_scs_section_size  }
0x9a: {  	s4 =	simm.s32 $_size__tile_overlayer_lowered;
	s5 =	simm.s32 $_tile_overlayer_lowered  }
0x9b: {  	s22 =	simm.s32 $0x1BFF;
	s21 =	sshll.u32 s5, $0x1;
	s2 =	sadd.s32 s19, s18  }
0x9c: {  	s6 =	simm.s32 $0x0;
	s20 =	sshll.u32 s4, $0x1;
	s4 =	sadd.s32 s21, s2  }
0x9d: {  	[timem:s6], [sflag:s22] =	dma.local [hbm:s4], s20  }
0x9e: {  	_ =	swait.ge [sflag:s22], s20  }
0x9f: {  	s3 =	ssub.s32 $0x0, s20;
	[sflag:s22] =	ssyncset.done $0x0  }
0xa0: {  	[sflag:s22] =	ssyncadd.s32 s3;
	_ =	sdelay $0x1  }
0xa1: {  	s23 =	simm.s32 $0x1B8B  }
0xa2: {  	_ =	swait.ge [sflag:s23], $0x1  }
0xa3: {  	[sflag:s23] =	ssyncset.done $0x0  }
0xa4: {  	s25 =	simm.s32 $0x1B8E;
	s24 =	sld [smem:$0x3FFE];
	[sflag:s23] =	ssyncadd.s32 $0xFFFFFFFF  }
0xa5: {  	s26 =	simm.s32 $execute0_lowered;
	[smem:$0x3FD2] =	sst s25  }
0xa6: {  	s4 =	sshll.u32 s26, $0x1;
	_ =	strace $0x80000046;
	[dreg:$0x1] =	wrdreg $0xFFFFFFFF  }
0xa7: {  	s28 =	simm.s32 $_size_execute0_lowered;
	s2 =	sadd.s32 s2, s4;
	[dreg:$0x0] =	wrdreg $0x0  }
0xa8: {  	s4 =	sshll.u32 s28, $0x1;
	[dreg:$0x2] =	wrdreg s2  }
0xa9: {  	[dreg:$0x3] =	wrdreg s4  }
0xaa: {  	[dreg:$0x4] =	wrdreg $0xC0  }
0xab: {  	_ =	task [dreg:s6], $0x5FFFF  }
0xac: {  	[dreg:$0x1] =	wrdreg $0xFFFFFFFF  }
0xad: {  	[dreg:$0x0] =	wrdreg $0x60  }
0xae: {  	[dreg:$0x2] =	wrdreg s24  }
0xaf: {  	[dreg:$0x3] =	wrdreg $0x60000  }
0xb0: {  	[dreg:$0x4] =	wrdreg $0xA  }
0xb1: {  	_ =	task.clear_ibuf [dreg:s6], $0x5FFFF;
	_ =	strace $0x90000046  }
0xb2: {  	s29 =	simm.s32 $0xA;
	_ =	strace $0x80000048  }
0xb3: {  	_ =	swait.ge [sflag:s29], $0x1  }
0xb4: {  	[sflag:s29] =	ssyncadd.s32 $0xFFFFFFFF  }
0xb5: {  	_ =	strace $0x90000048  }
0xb6: {  	_ =	sfence  }
0xb7: {  	s30 =	sld [smem:$0x0];
	_ =	sdelay $0x2  }
0xb8: {  	s31 =	sshll.u32 s1, $0xD;
	s1 =	sshrl.u32 s1, $0x2  }
0xb9: {  	s3 =	sand.u32 $0x4000, s31;
	s1 =	sadd.s32 s1, s30  }
0xba: {  	s0 =	sor.u32 s3, s0;
	s1 =	sshll.u32 s1, $0x11  }
0xbb: {  	s0 =	sor.u32 s1, s0  }
0xbc: {  	s0 =	sadd.s32 $0x8F2B, s0  }
0xbd: {  	[sflag:s0] =	ssyncadd.remote.s32 $0x1  }
0xbe: {  	_ =	sfence.sel $0xFFFF  }
0xbf: {  	[dreg:$0x0] =	wrdreg $0xFFFFFFFF;
	(pc) =	sbr.abs _section_cstart, $3  }
0xc0: {  	[dreg:$0x1] =	wrdreg $0xFFFFFFFF  }
0xc1: {  	_ =	task.clear_ibuf [dreg:s6], $0x2FFFF;
	_ =	strace $0x9FFFFFFF  }
0xc2: {  	(tm) =	ssettm $0x7FFFFFFF  }
0xc3: {  	_ =	shalt  }
tec
execute0_lowered:
.L_overlay_start_1:
0x0: {  	(tag) =	ssettag $0x1  }
0x1: {  	s0 =	rddreg [dreg:$0x0]  }
0x2: {  	s1 =	rddreg [dreg:$0x1]  }
0x3: {  	s3 =	simm.s32 $0x0;
	s12 =	stileid.u32;
	s2 =	srdreg.scid  }
0x4: {  	s18 =	simm.s32 $0x5;
	s19 =	simm.s32 $0x800;
	s20 =	simm.s32 $0x50  }
0x5: {  	s21 =	simm.s32 $0x1000;
	s28 =	simm.s32 $0x2;
	s30 =	simm.s32 $0x4  }
0x6: {  	s29 =	simm.s32 $0x580;
	s31 =	simm.s32 $0xD00;
	s15 =	simm.s32 $0xF80  }
0x7: {  	s17 =	simm.s32 $0x0;
	[smem:$0x7FF] =	sst s3;
	s4 =	sadd.s32 $0x37200, s0  }
0x8: {  	s5 =	sadd.s32 $0x8400, s0;
	s6 =	sshll.u32 s12, $0x8;
	s7 =	sadd.s32 $0x17E00, s0  }
0x9: {  	s2 =	sand.u32 $0x1, s2;
	s10 =	sadd.s32 $0x1BDC00, s0;
	s13 =	sadd.s32 $0x1C0400, s0  }
0xa: {  	s11 =	smul.u32 $0x50000, s12;
	s14 =	sadd.s32 $0x1E7600, s0;
	p0 =	seq.s32 s12, $0xF  }
0xb: {  	p3 =	sne.s32 s12, $0xF;
	s25 =	smul.u32 $0x2800, s12;
	_ =	strace $0x80000047  }
0xc: {  	s8 =	sadd.s32 s6, s0;
	s9 =	ssub.s32 $0x2, s2;
	[dreg:$0x3] =	wrdreg s10  }
0xd: {  	s10 =	sadd.s32 $0x12C000, s1;
	p4 =	seq.s32 s2, $0x0;
	[dreg:$0x4] =	wrdreg s13  }
0xe: {  	p1 =	seq.s32 s2, $0x1;
	[dreg:$0x5] =	wrdreg s14;
	s22 =	sshrl.u32 s9, $0x1  }
0xf: {  	s24 =	sshrl.u32 s11, $0x2;
	p2 =	por !p4, !p3;
	p4 =	por !p4, !p0  }
0x10: {  	p5 =	por !p3, !p1;
	s26 =	sadd.s32 s13, s25;
	s2 =	sadd.s32 s14, s25  }
0x11: {  	s5 =	smov.u32 @p1 s7;
	s13 =	sadd.s32 $0x27800, s8;
	[dreg:$0x6] =	wrdreg s10  }
0x12: {  	s25 =	simm.s32 $0x3;
	s7 =	simm.s32 $0x680;
	s8 =	simm.s32 $0xE00  }
0x13: {  	s11 =	simm.s32 $0x780;
	s23 =	ssub.s32 s9, s22;
	s9 =	sadd.s32 s24, s1  }
0x14: {  	p2 =	por !p2, !p2;
	[dreg:$0x8] =	wrdreg s26;
	p3 =	por !p4, !p4  }
0x15: {  	p6 =	por !p5, !p5;
	[dreg:$0x9] =	wrdreg s2;
	s14 =	sadd.s32 s6, s5  }
0x16: {  	s2 =	sshrl.u32 @p0 s10, $0x3;
	s22 =	simm.s32 $0x80;
	s24 =	simm.s32 $0x1  }
0x17: {  	s26 =	simm.s32 $0xC80;
	s6 =	simm.s32 $0xD80;
	[dreg:$0xb] =	wrdreg s2  }
.Ltmp0:
0x18: {  	s0 =	smax.u32 s23, $0x1;
	[dreg:$0x7] =	wrdreg s9;
	(pc) =	sbr.rel .LBB2_1-.Ltmp0, $4  }
0x19: {  	s10 =	simm.s32 $0xE80;
	[dreg:$0xa] =	wrdreg s0;
	s0 =	sshll.u32 @!p0 s12, $0x6  }
0x1a: {  	s23 =	simm.s32 $0x3800;
	p4 =	por !p6, p3;
	s0 =	sor.u32 @!p0 $0x1C05, s0  }
0x1b: {  	s2 =	simm.s32 $0x700;
	[dreg:$0xc] =	wrdreg s0;
	s0 =	sshrl.u32 @!p0 s9, $0x3  }
0x1c: {  	s12 =	simm.s32 $0xF00;
	[dreg:$0xd] =	wrdreg s0;
	s0 =	simm.s32 $0x600  }
.LBB2_7:
0x1d: {  	s17 =	sadd.s32 $0x1, s17;
	s5 =	rddreg [dreg:$0xa]  }
0x1e: {  	p5 =	sne.s32 s17, s5  }
.Ltmp1:
0x1f: {  	_ = 	snop;
	(pc) =	sbr.rel @!p5 .LBB2_8-.Ltmp1, $2  }
0x20: {  	_ =	sdelay $0x2  }
0x21: {  	s22 =	simm.s32 $0x80  }
.LBB2_1:
0x22: {  	[dreg:$0xe] =	wrdreg s17  }
0x23: {  	s5 =	rddreg [dreg:$0x3]  }
0x24: {  	s16 =	simm.s32 @p0 $0x1FC5;
	s9 =	rddreg [dreg:$0xb]  }
0x25: {  	[spmem:s9], [sflag:s16] =	dma.local @p0 [hbm:s5], $0x1900  }
0x26: {  	s16 =	simm.s32 @p0 $0x5  }
0x27: {  	_ =	swait.ge @p0 [sflag:s16], $0x1900  }
0x28: {  	[sflag:s16] =	ssyncset.done @p0 $0x0;
	s9 =	rddreg [dreg:$0xc]  }
0x29: {  	[sflag:s16] =	ssyncadd.s32 @p0 $0xFFFFE700;
	s16 =	rddreg [dreg:$0xd]  }
0x2a: {  	[spmem:s16], [sflag:s9] =	dma.local @!p0 [hbm:s5], $0x2800  }
0x2b: {  	s16 =	simm.s32 @!p0 $0x5  }
.Ltmp2:
0x2c: {  	_ =	swait.ge @!p0 [sflag:s16], $0x2800;
	(pc) =	sbr.rel .LBB2_2-.Ltmp2, $4  }
0x2d: {  	[sflag:s16] =	ssyncset.done @!p0 $0x0  }
0x2e: {  	[sflag:s16] =	ssyncadd.s32 @!p0 $0xFFFFD800  }
0x2f: {  	[bflag:$0x0] =	sbarrier.arrive $0xFFFF  }
0x30: {  	s17 =	simm.s32 $0x0;
	s9 =	simm.s32 $0x100;
	s16 =	stileid.u32  }
.LBB2_4:
0x31: {  	s17 =	sadd.s32 $0x1000, s17  }
0x32: {  	p5 =	sne.s32 s17, $0x10000  }
.Ltmp3:
0x33: {  	_ = 	snop;
	(pc) =	sbr.rel @!p5 .LBB2_5-.Ltmp3, $2  }
0x34: {  	_ =	sdelay $0x2  }
0x35: {  	s16 =	sadd.s32 $0x10, s16  }
.LBB2_2:
0x36: {  	p5 =	sgt.u32 s16, $0xF9  }
.Ltmp4:
0x37: {  	_ = 	snop;
	(pc) =	sbr.rel @p5 .LBB2_4-.Ltmp4, $1  }
0x38: {  	_ =	sdelay $0x3  }
0x39: {  	s5 =	sadd.s32 s17, s14  }
0x3a: {  	[tilespmem:s3], [sflag:$0x5] =	stream.linear.gather [hbm4b:s5+s3], $0x800, $0x38;
	[tilespmem:$0x19880] =	vst v63  }
0x3b: {  	_ =	swait.ge [sflag:s18], $0x800  }
0x3c: {  	[sflag:s18] =	ssyncset.done $0x0  }
0x3d: {  	s5 =	sadd.s32 s17, s13;
	[sflag:s18] =	ssyncadd.s32 $0xFFFFF800  }
0x3e: {  	[tilespmem:s19], [sflag:$0x5] =	stream.linear.gather [hbm4b:s5+s3], $0x800, $0x38;
	[tilespmem:$0x19880] =	vst v63  }
0x3f: {  	_ =	swait.ge [sflag:s18], $0x800  }
0x40: {  	[sflag:s18] =	ssyncset.done $0x0  }
0x41: {  	[sflag:s18] =	ssyncadd.s32 $0xFFFFF800  }
0x42: {  	[tilespmem:s21], [sflag:$0x1] =	stream.indirect.gather [hbm4b:s4+s20], $0x80, s3, s20, $0xb8;
	[tilespmem:$0x19880] =	vst v63  }
0x43: {  	_ = 	snop  }
0x44: {  	[tilespmem:s23], [sflag:$0x2] =	stream.indirect.gather [hbm4b:s4+s20], $0x80, s22, s20, $0xb8;
	[tilespmem:$0x19880] =	vst v63  }
0x45: {  	_ =	swait.ge [sflag:s24], $0x2800  }
0x46: {  	[sflag:s24] =	ssyncset.done $0x0  }
0x47: {  	[sflag:s24] =	ssyncadd.s32 $0xFFFFD800  }
0x48: {  	[spmem:s1] =	stream.indirect.scatter.add.f32 [tilespmem:s21], [sflag:$0x3], $0x80, s19, s20, $0xb8;
	[tilespmem:$0x19880] =	vst v63  }
0x49: {  	_ =	swait.ge [sflag:s25], $0x2800  }
0x4a: {  	[sflag:s25] =	ssyncset.done $0x0  }
0x4b: {  	[sflag:s25] =	ssyncadd.s32 $0xFFFFD800  }
0x4c: {  	[tilespmem:s21], [sflag:$0x1] =	stream.indirect.gather [hbm4b:s4+s20], $0x80, s9, s20, $0xb8;
	[tilespmem:$0x19880] =	vst v63  }
0x4d: {  	_ =	swait.ge [sflag:s28], $0x2800  }
0x4e: {  	[sflag:s28] =	ssyncset.done $0x0  }
0x4f: {  	s5 =	simm.s32 $0x880;
	[sflag:s28] =	ssyncadd.s32 $0xFFFFD800  }
0x50: {  	[spmem:s1] =	stream.indirect.scatter.add.f32 [tilespmem:s23], [sflag:$0x4], $0x80, s5, s20, $0xb8;
	[tilespmem:$0x19880] =	vst v63  }
0x51: {  	_ =	swait.ge [sflag:s30], $0x2800  }
0x52: {  	[sflag:s30] =	ssyncset.done $0x0  }
0x53: {  	s5 =	simm.s32 $0x180;
	[sflag:s30] =	ssyncadd.s32 $0xFFFFD800  }
0x54: {  	[tilespmem:s23], [sflag:$0x2] =	stream.indirect.gather [hbm4b:s4+s20], $0x80, s5, s20, $0xb8;
	[tilespmem:$0x19880] =	vst v63  }
0x55: {  	_ =	swait.ge [sflag:s24], $0x2800  }
0x56: {  	[sflag:s24] =	ssyncset.done $0x0  }
0x57: {  	s5 =	simm.s32 $0x900;
	[sflag:s24] =	ssyncadd.s32 $0xFFFFD800  }
0x58: {  	[spmem:s1] =	stream.indirect.scatter.add.f32 [tilespmem:s21], [sflag:$0x3], $0x80, s5, s20, $0xb8;
	[tilespmem:$0x19880] =	vst v63  }
0x59: {  	_ =	swait.ge [sflag:s25], $0x2800  }
0x5a: {  	[sflag:s25] =	ssyncset.done $0x0  }
0x5b: {  	s5 =	simm.s32 $0x200;
	[sflag:s25] =	ssyncadd.s32 $0xFFFFD800  }
0x5c: {  	[tilespmem:s21], [sflag:$0x1] =	stream.indirect.gather [hbm4b:s4+s20], $0x80, s5, s20, $0xb8;
	[tilespmem:$0x19880] =	vst v63  }
0x5d: {  	_ =	swait.ge [sflag:s28], $0x2800  }
0x5e: {  	[sflag:s28] =	ssyncset.done $0x0  }
0x5f: {  	s5 =	simm.s32 $0x980;
	[sflag:s28] =	ssyncadd.s32 $0xFFFFD800  }
0x60: {  	[spmem:s1] =	stream.indirect.scatter.add.f32 [tilespmem:s23], [sflag:$0x4], $0x80, s5, s20, $0xb8;
	[tilespmem:$0x19880] =	vst v63  }
0x61: {  	_ =	swait.ge [sflag:s30], $0x2800  }
0x62: {  	[sflag:s30] =	ssyncset.done $0x0  }
0x63: {  	s5 =	simm.s32 $0x280;
	[sflag:s30] =	ssyncadd.s32 $0xFFFFD800  }
0x64: {  	[tilespmem:s23], [sflag:$0x2] =	stream.indirect.gather [hbm4b:s4+s20], $0x80, s5, s20, $0xb8;
	[tilespmem:$0x19880] =	vst v63  }
0x65: {  	_ =	swait.ge [sflag:s24], $0x2800  }
0x66: {  	[sflag:s24] =	ssyncset.done $0x0  }
0x67: {  	s5 =	simm.s32 $0xA00;
	[sflag:s24] =	ssyncadd.s32 $0xFFFFD800  }
0x68: {  	[spmem:s1] =	stream.indirect.scatter.add.f32 [tilespmem:s21], [sflag:$0x3], $0x80, s5, s20, $0xb8;
	[tilespmem:$0x19880] =	vst v63  }
0x69: {  	_ =	swait.ge [sflag:s25], $0x2800  }
0x6a: {  	[sflag:s25] =	ssyncset.done $0x0  }
0x6b: {  	s5 =	simm.s32 $0x300;
	[sflag:s25] =	ssyncadd.s32 $0xFFFFD800  }
0x6c: {  	[tilespmem:s21], [sflag:$0x1] =	stream.indirect.gather [hbm4b:s4+s20], $0x80, s5, s20, $0xb8;
	[tilespmem:$0x19880] =	vst v63  }
0x6d: {  	_ =	swait.ge [sflag:s28], $0x2800  }
0x6e: {  	[sflag:s28] =	ssyncset.done $0x0  }
0x6f: {  	s5 =	simm.s32 $0xA80;
	[sflag:s28] =	ssyncadd.s32 $0xFFFFD800  }
0x70: {  	[spmem:s1] =	stream.indirect.scatter.add.f32 [tilespmem:s23], [sflag:$0x4], $0x80, s5, s20, $0xb8;
	[tilespmem:$0x19880] =	vst v63  }
0x71: {  	_ =	swait.ge [sflag:s30], $0x2800  }
0x72: {  	[sflag:s30] =	ssyncset.done $0x0  }
0x73: {  	s5 =	simm.s32 $0x380;
	[sflag:s30] =	ssyncadd.s32 $0xFFFFD800  }
0x74: {  	[tilespmem:s23], [sflag:$0x2] =	stream.indirect.gather [hbm4b:s4+s20], $0x80, s5, s20, $0xb8;
	[tilespmem:$0x19880] =	vst v63  }
0x75: {  	_ =	swait.ge [sflag:s24], $0x2800  }
0x76: {  	[sflag:s24] =	ssyncset.done $0x0  }
0x77: {  	s5 =	simm.s32 $0xB00;
	[sflag:s24] =	ssyncadd.s32 $0xFFFFD800  }
0x78: {  	[spmem:s1] =	stream.indirect.scatter.add.f32 [tilespmem:s21], [sflag:$0x3], $0x80, s5, s20, $0xb8;
	[tilespmem:$0x19880] =	vst v63  }
0x79: {  	_ =	swait.ge [sflag:s25], $0x2800  }
0x7a: {  	[sflag:s25] =	ssyncset.done $0x0  }
0x7b: {  	s5 =	simm.s32 $0x400;
	[sflag:s25] =	ssyncadd.s32 $0xFFFFD800  }
0x7c: {  	[tilespmem:s21], [sflag:$0x1] =	stream.indirect.gather [hbm4b:s4+s20], $0x80, s5, s20, $0xb8;
	[tilespmem:$0x19880] =	vst v63  }
0x7d: {  	_ =	swait.ge [sflag:s28], $0x2800  }
0x7e: {  	[sflag:s28] =	ssyncset.done $0x0  }
0x7f: {  	s5 =	simm.s32 $0xB80;
	[sflag:s28] =	ssyncadd.s32 $0xFFFFD800  }
0x80: {  	[spmem:s1] =	stream.indirect.scatter.add.f32 [tilespmem:s23], [sflag:$0x4], $0x80, s5, s20, $0xb8;
	[tilespmem:$0x19880] =	vst v63  }
0x81: {  	_ =	swait.ge [sflag:s30], $0x2800  }
0x82: {  	[sflag:s30] =	ssyncset.done $0x0  }
0x83: {  	s5 =	simm.s32 $0x480;
	[sflag:s30] =	ssyncadd.s32 $0xFFFFD800  }
0x84: {  	[tilespmem:s23], [sflag:$0x2] =	stream.indirect.gather [hbm4b:s4+s20], $0x80, s5, s20, $0xb8;
	[tilespmem:$0x19880] =	vst v63  }
0x85: {  	_ =	swait.ge [sflag:s24], $0x2800  }
0x86: {  	[sflag:s24] =	ssyncset.done $0x0  }
0x87: {  	s5 =	simm.s32 $0xC00;
	[sflag:s24] =	ssyncadd.s32 $0xFFFFD800  }
0x88: {  	[spmem:s1] =	stream.indirect.scatter.add.f32 [tilespmem:s21], [sflag:$0x3], $0x80, s5, s20, $0xb8;
	[tilespmem:$0x19880] =	vst v63  }
0x89: {  	_ =	swait.ge [sflag:s25], $0x2800  }
0x8a: {  	[sflag:s25] =	ssyncset.done $0x0  }
0x8b: {  	s5 =	simm.s32 $0x500;
	[sflag:s25] =	ssyncadd.s32 $0xFFFFD800  }
0x8c: {  	[tilespmem:s21], [sflag:$0x1] =	stream.indirect.gather [hbm4b:s4+s20], $0x80, s5, s20, $0xb8;
	[tilespmem:$0x19880] =	vst v63  }
0x8d: {  	_ =	swait.ge [sflag:s28], $0x2800  }
0x8e: {  	[sflag:s28] =	ssyncset.done $0x0  }
0x8f: {  	[sflag:s28] =	ssyncadd.s32 $0xFFFFD800  }
0x90: {  	[spmem:s1] =	stream.indirect.scatter.add.f32 [tilespmem:s23], [sflag:$0x4], $0x80, s26, s20, $0xb8;
	[tilespmem:$0x19880] =	vst v63  }
0x91: {  	_ =	swait.ge [sflag:s30], $0x2800  }
0x92: {  	[sflag:s30] =	ssyncset.done $0x0  }
0x93: {  	[sflag:s30] =	ssyncadd.s32 $0xFFFFD800  }
0x94: {  	[tilespmem:s23], [sflag:$0x2] =	stream.indirect.gather [hbm4b:s4+s20], $0x80, s29, s20, $0xb8;
	[tilespmem:$0x19880] =	vst v63  }
0x95: {  	_ =	swait.ge [sflag:s24], $0x2800  }
0x96: {  	[sflag:s24] =	ssyncset.done $0x0  }
0x97: {  	[sflag:s24] =	ssyncadd.s32 $0xFFFFD800  }
0x98: {  	[spmem:s1] =	stream.indirect.scatter.add.f32 [tilespmem:s21], [sflag:$0x3], $0x80, s31, s20, $0xb8;
	[tilespmem:$0x19880] =	vst v63  }
0x99: {  	_ =	swait.ge [sflag:s25], $0x2800  }
0x9a: {  	[sflag:s25] =	ssyncset.done $0x0  }
0x9b: {  	[sflag:s25] =	ssyncadd.s32 $0xFFFFD800  }
0x9c: {  	[tilespmem:s21], [sflag:$0x1] =	stream.indirect.gather [hbm4b:s4+s20], $0x80, s0, s20, $0xb8;
	[tilespmem:$0x19880] =	vst v63  }
0x9d: {  	_ =	swait.ge [sflag:s28], $0x2800  }
0x9e: {  	[sflag:s28] =	ssyncset.done $0x0  }
0x9f: {  	[sflag:s28] =	ssyncadd.s32 $0xFFFFD800  }
0xa0: {  	[spmem:s1] =	stream.indirect.scatter.add.f32 [tilespmem:s23], [sflag:$0x4], $0x80, s6, s20, $0xb8;
	[tilespmem:$0x19880] =	vst v63  }
0xa1: {  	_ =	swait.ge [sflag:s30], $0x2800  }
0xa2: {  	[sflag:s30] =	ssyncset.done $0x0  }
0xa3: {  	[sflag:s30] =	ssyncadd.s32 $0xFFFFD800  }
0xa4: {  	[tilespmem:s23], [sflag:$0x2] =	stream.indirect.gather [hbm4b:s4+s20], $0x80, s7, s20, $0xb8;
	[tilespmem:$0x19880] =	vst v63  }
0xa5: {  	_ =	swait.ge [sflag:s24], $0x2800  }
0xa6: {  	[sflag:s24] =	ssyncset.done $0x0  }
0xa7: {  	[sflag:s24] =	ssyncadd.s32 $0xFFFFD800  }
0xa8: {  	[spmem:s1] =	stream.indirect.scatter.add.f32 [tilespmem:s21], [sflag:$0x3], $0x80, s8, s20, $0xb8;
	[tilespmem:$0x19880] =	vst v63  }
0xa9: {  	_ =	swait.ge [sflag:s25], $0x2800  }
0xaa: {  	[sflag:s25] =	ssyncset.done $0x0  }
0xab: {  	[sflag:s25] =	ssyncadd.s32 $0xFFFFD800  }
0xac: {  	[tilespmem:s21], [sflag:$0x1] =	stream.indirect.gather [hbm4b:s4+s20], $0x80, s2, s20, $0xb8;
	[tilespmem:$0x19880] =	vst v63  }
0xad: {  	_ =	swait.ge [sflag:s28], $0x2800  }
0xae: {  	[sflag:s28] =	ssyncset.done $0x0  }
0xaf: {  	[sflag:s28] =	ssyncadd.s32 $0xFFFFD800  }
0xb0: {  	[spmem:s1] =	stream.indirect.scatter.add.f32 [tilespmem:s23], [sflag:$0x4], $0x80, s10, s20, $0xb8;
	[tilespmem:$0x19880] =	vst v63  }
0xb1: {  	_ =	swait.ge [sflag:s30], $0x2800  }
0xb2: {  	[sflag:s30] =	ssyncset.done $0x0  }
0xb3: {  	[sflag:s30] =	ssyncadd.s32 $0xFFFFD800  }
0xb4: {  	[tilespmem:s23], [sflag:$0x2] =	stream.indirect.gather [hbm4b:s4+s20], $0x80, s11, s20, $0xb8;
	[tilespmem:$0x19880] =	vst v63  }
0xb5: {  	_ =	swait.ge [sflag:s24], $0x2800  }
0xb6: {  	[sflag:s24] =	ssyncset.done $0x0  }
0xb7: {  	[sflag:s24] =	ssyncadd.s32 $0xFFFFD800  }
0xb8: {  	[spmem:s1] =	stream.indirect.scatter.add.f32 [tilespmem:s21], [sflag:$0x3], $0x80, s12, s20, $0xb8;
	[tilespmem:$0x19880] =	vst v63  }
0xb9: {  	_ =	swait.ge [sflag:s28], $0x2800  }
0xba: {  	[sflag:s28] =	ssyncset.done $0x0  }
0xbb: {  	[sflag:s28] =	ssyncadd.s32 $0xFFFFD800  }
0xbc: {  	[spmem:s1] =	stream.indirect.scatter.add.f32 [tilespmem:s23], [sflag:$0x4], $0x80, s15, s20, $0xb8;
	[tilespmem:$0x19880] =	vst v63  }
0xbd: {  	_ =	swait.ge [sflag:s25], $0x2800  }
.Ltmp5:
0xbe: {  	[sflag:s25] =	ssyncset.done $0x0;
	(pc) =	sbr.rel .LBB2_4-.Ltmp5, $4  }
0xbf: {  	[sflag:s25] =	ssyncadd.s32 $0xFFFFD800  }
0xc0: {  	_ =	swait.ge [sflag:s30], $0x2800  }
0xc1: {  	[sflag:s30] =	ssyncset.done $0x0  }
0xc2: {  	[sflag:s30] =	ssyncadd.s32 $0xFFFFD800  }
.LBB2_5:
0xc3: {  	s17 =	stileid.u32;
	[bflag:$0x0] =	sbarrier.arrive $0xFFFF;
	p5 =	por @!p4 $0x1, $0x1  }
0xc4: {  	p6 =	por p1, p1;
	s5 =	sshll.u32 @p2 s17, $0x6;
	s9 =	rddreg [dreg:$0x7]  }
0xc5: {  	s22 =	rddreg [dreg:$0x8];
	s5 =	sor.u32 @p2 $0x1C05, s5;
	s16 =	sshrl.u32 @p2 s9, $0x3  }
0xc6: {  	[hbm:s22], [sflag:s5] =	dma.local @p2 [spmem:s16], $0x2800  }
0xc7: {  	p6 =	por @!p4 p5, p5;
	s5 =	simm.s32 @p2 $0x5  }
0xc8: {  	p5 =	por @!p3 !p6, !p0;
	_ =	swait.ge @p2 [sflag:s5], $0x2800  }
0xc9: {  	p5 =	por @!p3 !p5, !p5;
	[sflag:s5] =	ssyncset.done @p2 $0x0  }
0xca: {  	s16 =	sshll.u32 @!p4 s17, $0x6;
	p5 =	por p3, p5;
	[sflag:s5] =	ssyncadd.s32 @p2 $0xFFFFD800  }
0xcb: {  	s5 =	sor.u32 @!p4 $0x1C05, s16;
	s16 =	sshrl.u32 @!p4 s9, $0x3;
	s9 =	rddreg [dreg:$0x9]  }
0xcc: {  	[hbm:s9], [sflag:s5] =	dma.local @!p4 [spmem:s16], $0x2800  }
.Ltmp6:
0xcd: {  	_ = 	snop;
	(pc) =	sbr.rel @!p5 .LBB2_7-.Ltmp6, $4  }
0xce: {  	s5 =	simm.s32 @!p4 $0x5  }
0xcf: {  	_ =	swait.ge @!p4 [sflag:s5], $0x2800  }
0xd0: {  	[sflag:s5] =	ssyncset.done @!p4 $0x0  }
0xd1: {  	s17 =	rddreg [dreg:$0xe];
	[sflag:s5] =	ssyncadd.s32 @!p4 $0xFFFFD800  }
0xd2: {  	s5 =	rddreg [dreg:$0x5]  }
0xd3: {  	s16 =	rddreg [dreg:$0x4]  }
0xd4: {  	s22 =	rddreg [dreg:$0x6];
	s9 =	simm.s32 $0x1FC5;
	s5 =	smov.u32 @p3 s16  }
.Ltmp7:
0xd5: {  	s16 =	sshrl.u32 s22, $0x3;
	s5 =	sadd.s32 $0x25800, s5;
	(pc) =	sbr.rel .LBB2_7-.Ltmp7, $4  }
0xd6: {  	[hbm:s5], [sflag:s9] =	dma.local [spmem:s16], $0x1900  }
0xd7: {  	_ =	swait.ge [sflag:s18], $0x1900  }
0xd8: {  	[sflag:s18] =	ssyncset.done $0x0  }
0xd9: {  	[sflag:s18] =	ssyncadd.s32 $0xFFFFE700  }
.LBB2_8:
0xda: {  	_ =	sfence.sel $0x180000  }
0xdb: {  	[bflag:$0x0] =	sbarrier.arrive $0xFFFF  }
0xdc: {  	_ =	strace $0x90000047  }
0xdd: {  	s0 =	stileid.u32;
	[bflag:$0x2] =	sbarrier.arrive $0xFFFF  }
0xde: {  	p0 =	sne.s32 s0, $0x0;
	s0 =	rddreg [dreg:$0x2]  }
0xdf: {  	s0 =	sadd.s32 @!p0 $0x100000, s0  }
0xe0: {  	[sflag:s0] =	ssyncadd.tile.s32 @!p0 $0x1;
	_ =	shalt  }
.Lfunc_end2:
_tile_overlayer_lowered:
.L_overlay_start_2:
0xe1: {  	(tag) =	ssettag $0x2  }
0xe2: {  	s0 =	rddreg [dreg:$0x0];
	s2 =	stileid.u32  }
0xe3: {  	s1 =	rddreg [dreg:$0x1];
	p0 =	sne.s32 s2, $0x0  }
0xe4: {  	s3 =	rddreg [dreg:$0x2];
	[bflag:$0x3] =	sbarrier.arrive $0xFFFF;
	s2 =	simm.s32 @!p0 $0x1C05  }
0xe5: {  	[timem:s3], [sflag:s2] =	dma.local @!p0 [hbm:s0], s1  }
0xe6: {  	s0 =	simm.s32 @!p0 $0x5  }
0xe7: {  	_ =	swait.ge @!p0 [sflag:s0], s1  }
0xe8: {  	s1 =	ssub.s32 @!p0 $0x0, s1;
	[sflag:s0] =	ssyncset.done @!p0 $0x0  }
0xe9: {  	[sflag:s0] =	ssyncadd.s32 @!p0 s1  }
0xea: {  	[bflag:$0x3] =	sbarrier.arrive $0xFFFF  }
0xeb: {  	_ =	shalt  }

// kernel: kernel.16.cloned.1.call-start
scs
__scs_entry_jumppad:
0x0: {  	(pc) =	sbr.rel $0x88, $3  }
0x1: {  	(tag) =	ssettag $0x0;
	lr =	simm.s32 $0x1  }
0x2: {  	[smem:$0x3F87] =	sst lr;
	_ =	strace $0xD0000000  }
0x3: {  	_ = 	snop  }
0x4: {  	_ = 	snop  }
0x5: {  	_ = 	snop  }
0x6: {  	_ = 	snop  }
0x7: {  	_ = 	snop  }
__scs_overlays_trampoline_lowered:
0x8: {  	[smem:$0x3F96] =	sst s0  }
0x9: {  	[smem:$0x3F97] =	sst s1  }
0xa: {  	[smem:$0x3F98] =	sst s2  }
0xb: {  	[smem:$0x3F99] =	sst s3  }
0xc: {  	[smem:$0x3F9A] =	sst s4  }
0xd: {  	[smem:$0x3F9B] =	sst s5  }
0xe: {  	[smem:$0x3F9C] =	sst s6  }
0xf: {  	[smem:$0x3F9D] =	sst s7  }
0x10: {  	[smem:$0x3F9E] =	sst s8  }
0x11: {  	[smem:$0x3F9F] =	sst s9;
	s0 =	simm.s32 @!p0 $0x0  }
0x12: {  	s1 =	sld [smem:$0x3F85];
	s0 =	simm.s32 @p0 $0x1  }
0x13: {  	[smem:$0x3FA0] =	sst s0;
	s0 =	simm.s32 @!p1 $0x0  }
0x14: {  	s2 =	sld [smem:$0x3F84];
	s0 =	simm.s32 @p1 $0x1  }
0x15: {  	[smem:$0x3FA1] =	sst s0;
	s0 =	simm.s32 @!p2 $0x0  }
0x16: {  	s3 =	sld [smem:$0x3FDB];
	s0 =	simm.s32 @p2 $0x1  }
0x17: {  	s4 =	simm.s32 $0x1BF5;
	[smem:$0x3FA3] =	sst s0  }
0x18: {  	s0 =	sld [smem:$0x3F86];
	_ =	swait.ge [sflag:s4], $0x0  }
0x19: {  	s7 =	sld [smem:$0x3F87]  }
0x1a: {  	s8 =	sadd.s32 $0xFFFFE003, lr  }
0x1b: {  	s9 =	sadd.s32 $0xFFFFFEF7, lr;
	s5 =	simm.s32 $0xFFFFFFFF;
	p2 =	slt.u32 s8, $0xFFFFF086  }
0x1c: {  	p1 =	slt.u32 s9, $0xF7A;
	s5 =	simm.s32 @!p2 $0x0  }
0x1d: {  	s5 =	simm.s32 @p1 $0x1;
	p0 =	seq.s32 s7, s2  }
0x1e: {  	s7 =	smul.u32 @!p0 $0xF7A, s2;
	p2 =	seq.s32 @!p0 s5, $0x0  }
0x1f: {  	s9 =	smul.u32 $0xF7A, s1;
	s8 =	simm.s32 @!p0 $0x1BF5;
	p2 =	por !p2, p0  }
0x20: {  	[sflag:s8] =	ssyncset.s32 @!p0 $0xFFFFF086;
	s6 =	sadd.s32 @!p0 s3, s7;
	s7 =	simm.s32 @!p0 $0x108  }
0x21: {  	s3 =	sadd.s32 s3, s9;
	s6 =	sadd.s32 @!p0 $0x88, s6;
	s7 =	simm.s32 @p2 $0x1082  }
0x22: {  	[simem:s7], [sflag:s8] =	dma.local @!p0 [hbm:s6], $0xF7A  }
0x23: {  	s9 =	sor.u32 $0xD0000000, s2;
	s6 =	simm.s32 $0x108;
	_ =	swait.ge @!p0 [sflag:s8], $0x0  }
0x24: {  	s3 =	sadd.s32 $0x88, s3;
	s6 =	simm.s32 @!p1 $0x1082;
	[sflag:s4] =	ssyncset.s32 $0xFFFFF086  }
0x25: {  	[simem:s6], [sflag:s4] =	dma.local [hbm:s3], $0xF7A  }
0x26: {  	[smem:$0x3F87] =	sst s1;
	(tag) =	ssettag s2;
	_ =	strace s9  }
0x27: {  	s1 =	sld [smem:$0x3F97]  }
0x28: {  	s2 =	sld [smem:$0x3F98]  }
0x29: {  	s4 =	sld [smem:$0x3F9A]  }
0x2a: {  	p0 =	seq.s32 s5, $0x0;
	s5 =	sld [smem:$0x3F9B]  }
0x2b: {  	s6 =	sld [smem:$0x3F9C]  }
0x2c: {  	s7 =	sld [smem:$0x3F9D]  }
0x2d: {  	s3 =	simm.s32 $0x108;
	s8 =	sld [smem:$0x3F9E]  }
0x2e: {  	s3 =	simm.s32 @!p0 $0x1082;
	s9 =	sld [smem:$0x3F9F]  }
0x2f: {  	lr =	sadd.s32 s0, s3;
	s0 =	sld [smem:$0x3F96]  }
0x30: {  	s3 =	sld [smem:$0x3F99]  }
0x31: {  	[smem:$0x3FA2] =	sst s10  }
0x32: {  	s10 =	sld [smem:$0x3FA0];
	_ =	sdelay $0x3  }
0x33: {  	p0 =	seq.s32 s10, $0x1;
	s10 =	sld [smem:$0x3FA2];
	_ =	sdelay $0x3  }
0x34: {  	[smem:$0x3FA2] =	sst s10  }
0x35: {  	s10 =	sld [smem:$0x3FA1];
	_ =	sdelay $0x3  }
0x36: {  	p1 =	seq.s32 s10, $0x1;
	s10 =	sld [smem:$0x3FA2];
	_ =	sdelay $0x3  }
0x37: {  	[smem:$0x3FA2] =	sst s10  }
0x38: {  	s10 =	sld [smem:$0x3FA3]  }
0x39: {  	_ = 	snop;
	(pc) =	sbr.ind lr, $3  }
0x3a: {  	_ = 	snop  }
0x3b: {  	_ = 	snop  }
0x3c: {  	p2 =	seq.s32 s10, $0x1;
	s10 =	sld [smem:$0x3FA2]  }
0x3d: {  	_ =	shalt  }
0x3e: {  	_ =	shalt  }
0x3f: {  	_ =	shalt  }
0x40: {  	_ =	shalt  }
0x41: {  	_ =	shalt  }
0x42: {  	_ =	shalt  }
0x43: {  	_ =	shalt  }
0x44: {  	_ =	shalt  }
0x45: {  	_ =	shalt  }
0x46: {  	_ =	shalt  }
0x47: {  	_ =	shalt  }
0x48: {  	_ =	shalt  }
0x49: {  	_ =	shalt  }
0x4a: {  	_ =	shalt  }
0x4b: {  	_ =	shalt  }
0x4c: {  	_ =	shalt  }
0x4d: {  	_ =	shalt  }
0x4e: {  	_ =	shalt  }
0x4f: {  	_ =	shalt  }
0x50: {  	_ =	shalt  }
0x51: {  	_ =	shalt  }
0x52: {  	_ =	shalt  }
0x53: {  	_ =	shalt  }
0x54: {  	_ =	shalt  }
0x55: {  	_ =	shalt  }
0x56: {  	_ =	shalt  }
0x57: {  	_ =	shalt  }
0x58: {  	_ =	shalt  }
0x59: {  	_ =	shalt  }
0x5a: {  	_ =	shalt  }
0x5b: {  	_ =	shalt  }
0x5c: {  	_ =	shalt  }
0x5d: {  	_ =	shalt  }
0x5e: {  	_ =	shalt  }
0x5f: {  	_ =	shalt  }
0x60: {  	_ =	shalt  }
0x61: {  	_ =	shalt  }
0x62: {  	_ =	shalt  }
0x63: {  	_ =	shalt  }
0x64: {  	_ =	shalt  }
0x65: {  	_ =	shalt  }
0x66: {  	_ =	shalt  }
0x67: {  	_ =	shalt  }
0x68: {  	_ =	shalt  }
0x69: {  	_ =	shalt  }
0x6a: {  	_ =	shalt  }
0x6b: {  	_ =	shalt  }
0x6c: {  	_ =	shalt  }
0x6d: {  	_ =	shalt  }
0x6e: {  	_ =	shalt  }
0x6f: {  	_ =	shalt  }
0x70: {  	_ =	shalt  }
0x71: {  	_ =	shalt  }
0x72: {  	_ =	shalt  }
0x73: {  	_ =	shalt  }
0x74: {  	_ =	shalt  }
0x75: {  	_ =	shalt  }
0x76: {  	_ =	shalt  }
0x77: {  	_ =	shalt  }
0x78: {  	_ =	shalt  }
0x79: {  	_ =	shalt  }
0x7a: {  	_ =	shalt  }
0x7b: {  	_ =	shalt  }
0x7c: {  	_ =	shalt  }
0x7d: {  	_ =	shalt  }
0x7e: {  	_ =	shalt  }
0x7f: {  	_ =	shalt  }
0x80: {  	_ =	shalt  }
0x81: {  	_ =	shalt  }
0x82: {  	_ =	shalt  }
0x83: {  	_ =	shalt  }
0x84: {  	_ =	shalt  }
0x85: {  	_ =	shalt  }
0x86: {  	_ =	shalt  }
0x87: {  	_ =	shalt  }
.Lfunc_end0:
.L_simem_size_0:
called_computation.2_lowered:
.L_overlay_start_0:
0x88: {  	s2 =	sld [smem:$0x3FD9]  }
0x89: {  	s3 =	sld [smem:$0x3FFE];
	_ =	sdelay $0x1  }
0x8a: {  	s1 =	srdreg.scid  }
0x8b: {  	s0 =	sand.u32 $0x1, s1  }
0x8c: {  	s14 =	sshll.u32 s0, $0xA;
	s2 =	sadd.s32 s3, s2  }
0x8d: {  	s2 =	sadd.s32 s2, s14  }
0x8e: {  	[smem:$0x3FAE] =	sst s2  }
0x8f: {  	_ = 	snop  }
0x90: {  	s2 =	sld [smem:$0x3FD0];
	_ =	sdelay $0x2  }
0x91: {  	s15 =	simm.s32 $0xB;
	s4 =	simm.s32 $0x10  }
0x92: {  	[smem:s4], [sflag:s15] =	dma.local [hbm:s2], $0x1  }
0x93: {  	_ =	swait.eq [sflag:s15], $0x1  }
0x94: {  	[sflag:s15] =	ssyncset.done $0x0  }
0x95: {  	[sflag:s15] =	ssyncadd.s32 $0xFFFFFFFF  }
0x96: {  	s16 =	sld [smem:$0x10];
	(tm) =	ssettm $0x1  }
0x97: {  	s17 =	sld [smem:$0x3FFB];
	_ =	sdelay $0x3  }
0x98: {  	_ =	strace s17  }
0x99: {  	s3 =	sld [smem:$0x3FFC];
	_ =	sdelay $0x3  }
0x9a: {  	_ =	strace s3  }
0x9b: {  	s3 =	sld [smem:$0x3FFD];
	_ =	sdelay $0x3  }
0x9c: {  	_ =	strace s3  }
0x9d: {  	_ =	strace $0x8FFFFFFF  }
0x9e: {  	s18 =	sld [smem:$0x3FDB];
	_ =	sdelay $0x1  }
0x9f: {  	s19 =	simm.s32 $_scs_section_size  }
0xa0: {  	s5 =	simm.s32 $_size__tile_overlayer_lowered;
	s6 =	simm.s32 $_tile_overlayer_lowered  }
0xa1: {  	s22 =	simm.s32 $0x1BFF;
	s21 =	sshll.u32 s6, $0x1;
	s3 =	sadd.s32 s19, s18  }
0xa2: {  	s7 =	simm.s32 $0x0;
	s20 =	sshll.u32 s5, $0x1;
	s5 =	sadd.s32 s21, s3  }
0xa3: {  	[timem:s7], [sflag:s22] =	dma.local [hbm:s5], s20  }
0xa4: {  	_ =	swait.ge [sflag:s22], s20  }
0xa5: {  	s4 =	ssub.s32 $0x0, s20;
	[sflag:s22] =	ssyncset.done $0x0  }
0xa6: {  	[sflag:s22] =	ssyncadd.s32 s4;
	_ =	sdelay $0x1  }
0xa7: {  	s23 =	simm.s32 $0x1B8B  }
0xa8: {  	_ =	swait.ge [sflag:s23], $0x1  }
0xa9: {  	[sflag:s23] =	ssyncset.done $0x0  }
0xaa: {  	s25 =	simm.s32 $0x1B8E;
	s24 =	sld [smem:$0x3FFE];
	[sflag:s23] =	ssyncadd.s32 $0xFFFFFFFF  }
0xab: {  	s26 =	simm.s32 $execute0_lowered;
	[smem:$0x3FD2] =	sst s25  }
0xac: {  	s5 =	sshll.u32 s26, $0x1;
	_ =	strace $0x8000004C;
	[dreg:$0x1] =	wrdreg $0xFFFFFFFF  }
0xad: {  	s28 =	simm.s32 $_size_execute0_lowered;
	s3 =	sadd.s32 s3, s5;
	[dreg:$0x0] =	wrdreg $0x0  }
0xae: {  	s5 =	sshll.u32 s28, $0x1;
	[dreg:$0x2] =	wrdreg s3  }
0xaf: {  	[dreg:$0x3] =	wrdreg s5  }
0xb0: {  	[dreg:$0x4] =	wrdreg $0xC0  }
0xb1: {  	_ =	task [dreg:s7], $0x5FFFF  }
0xb2: {  	[dreg:$0x1] =	wrdreg $0xFFFFFFFF  }
0xb3: {  	[dreg:$0x0] =	wrdreg $0x60  }
0xb4: {  	[dreg:$0x2] =	wrdreg s24  }
0xb5: {  	[dreg:$0x3] =	wrdreg s16  }
0xb6: {  	[dreg:$0x4] =	wrdreg $0x60000  }
0xb7: {  	[dreg:$0x5] =	wrdreg $0x9  }
0xb8: {  	_ =	task.clear_ibuf [dreg:s7], $0x6FFFF;
	_ =	strace $0x9000004C  }
0xb9: {  	s29 =	simm.s32 $0x9;
	_ =	strace $0x8000004E  }
0xba: {  	_ =	swait.ge [sflag:s29], $0x1  }
0xbb: {  	[sflag:s29] =	ssyncadd.s32 $0xFFFFFFFF  }
0xbc: {  	_ =	strace $0x9000004E  }
0xbd: {  	_ =	sfence  }
0xbe: {  	s30 =	sld [smem:$0x0];
	_ =	sdelay $0x2  }
0xbf: {  	s31 =	sshll.u32 s1, $0xD;
	s1 =	sshrl.u32 s1, $0x2  }
0xc0: {  	s3 =	sand.u32 $0x4000, s31;
	s1 =	sadd.s32 s1, s30  }
0xc1: {  	s0 =	sor.u32 s3, s0;
	s1 =	sshll.u32 s1, $0x11  }
0xc2: {  	s0 =	sor.u32 s1, s0  }
0xc3: {  	s0 =	sadd.s32 $0x8F2B, s0  }
0xc4: {  	[sflag:s0] =	ssyncadd.remote.s32 $0x1  }
0xc5: {  	_ =	sfence.sel $0xFFFF  }
0xc6: {  	[dreg:$0x0] =	wrdreg $0xFFFFFFFF;
	(pc) =	sbr.abs _section_cstart, $3  }
0xc7: {  	[dreg:$0x1] =	wrdreg $0xFFFFFFFF  }
0xc8: {  	_ =	task.clear_ibuf [dreg:s7], $0x2FFFF;
	_ =	strace $0x9FFFFFFF  }
0xc9: {  	(tm) =	ssettm $0x7FFFFFFF  }
tec
execute0_lowered:
.L_overlay_start_1:
0x0: {  	(tag) =	ssettag $0x1  }
0x1: {  	s0 =	rddreg [dreg:$0x0]  }
0x2: {  	s12 =	rddreg [dreg:$0x1]  }
0x3: {  	s2 =	rddreg [dreg:$0x2];
	s3 =	simm.s32 $0x0  }
0x4: {  	s1 =	srdreg.scid;
	s15 =	stileid.u32;
	s18 =	simm.s32 $0x5  }
0x5: {  	s19 =	simm.s32 $0x800;
	s20 =	simm.s32 $0x50;
	s21 =	simm.s32 $0x1000  }
0x6: {  	s28 =	simm.s32 $0x2;
	s30 =	simm.s32 $0x4;
	s29 =	simm.s32 $0x580  }
0x7: {  	s31 =	simm.s32 $0xD00;
	s17 =	simm.s32 $0x0;
	[smem:$0x7FF] =	sst s3  }
0x8: {  	s5 =	sadd.s32 $0x37200, s0;
	s4 =	sadd.s32 $0x8400, s0;
	s1 =	sand.u32 $0x1, s1  }
0x9: {  	s6 =	sadd.s32 $0x17E00, s0;
	s7 =	sshll.u32 s15, $0x8;
	s13 =	sadd.s32 $0x1BDC00, s0  }
0xa: {  	s11 =	smul.u32 $0x50000, s15;
	s22 =	sadd.s32 $0x25CC00, s0;
	p0 =	seq.s32 s15, $0xF  }
0xb: {  	p3 =	sne.s32 s15, $0xF;
	s25 =	smul.u32 $0x2800, s15;
	_ =	strace $0x8000004D  }
0xc: {  	s8 =	ssub.s32 $0x2, s1;
	s9 =	sadd.s32 s7, s0;
	[dreg:$0x4] =	wrdreg s13  }
0xd: {  	p4 =	seq.s32 s1, $0x0;
	p1 =	seq.s32 s1, $0x1;
	[dreg:$0x5] =	wrdreg s22  }
0xe: {  	s10 =	sshrl.u32 s8, $0x1;
	s24 =	sshrl.u32 s11, $0x2;
	p2 =	por !p4, !p3  }
0xf: {  	p4 =	por !p4, !p0;
	p5 =	por !p3, !p1;
	s26 =	sadd.s32 s12, s25  }
0x10: {  	s1 =	sadd.s32 s22, s25;
	s4 =	smov.u32 @p1 s6;
	s13 =	sadd.s32 $0x27800, s9  }
0x11: {  	s22 =	simm.s32 $0x80;
	s25 =	simm.s32 $0x3;
	s11 =	simm.s32 $0x780  }
0x12: {  	s12 =	simm.s32 $0xF00;
	s23 =	ssub.s32 s8, s10;
	s10 =	sadd.s32 $0x12C000, s2  }
0x13: {  	s8 =	sadd.s32 s24, s2;
	p2 =	por !p2, !p2;
	[dreg:$0x8] =	wrdreg s26  }
0x14: {  	p3 =	por !p4, !p4;
	p6 =	por !p5, !p5;
	[dreg:$0x9] =	wrdreg s1  }
0x15: {  	s14 =	sadd.s32 s7, s4;
	s24 =	simm.s32 $0x1;
	s26 =	simm.s32 $0xC80  }
0x16: {  	s7 =	simm.s32 $0x680;
	s4 =	simm.s32 $0x700;
	[dreg:$0x6] =	wrdreg s10  }
0x17: {  	s0 =	smax.u32 s23, $0x1;
	s1 =	sshrl.u32 @p0 s10, $0x3;
	[dreg:$0x7] =	wrdreg s8  }
.Ltmp0:
0x18: {  	s23 =	simm.s32 $0x3800;
	p4 =	por !p6, p3;
	(pc) =	sbr.rel .LBB2_1-.Ltmp0, $4  }
0x19: {  	s10 =	simm.s32 $0xE80;
	[dreg:$0xa] =	wrdreg s0;
	s0 =	sshll.u32 @!p0 s15, $0x6  }
0x1a: {  	[dreg:$0xb] =	wrdreg s1;
	s1 =	simm.s32 $0xD80;
	s0 =	sor.u32 @!p0 $0x1C05, s0  }
0x1b: {  	s15 =	simm.s32 $0xF80;
	[dreg:$0xc] =	wrdreg s0;
	s0 =	sshrl.u32 @!p0 s8, $0x3  }
0x1c: {  	s8 =	simm.s32 $0xE00;
	[dreg:$0xd] =	wrdreg s0;
	s0 =	simm.s32 $0x600  }
.LBB2_7:
0x1d: {  	s17 =	sadd.s32 $0x1, s17;
	s6 =	rddreg [dreg:$0xa]  }
0x1e: {  	p5 =	sne.s32 s17, s6  }
.Ltmp1:
0x1f: {  	_ = 	snop;
	(pc) =	sbr.rel @!p5 .LBB2_8-.Ltmp1, $2  }
0x20: {  	_ =	sdelay $0x2  }
0x21: {  	s22 =	simm.s32 $0x80  }
.LBB2_1:
0x22: {  	[dreg:$0xe] =	wrdreg s17  }
0x23: {  	s6 =	rddreg [dreg:$0x4]  }
0x24: {  	s16 =	simm.s32 @p0 $0x1FC5;
	s9 =	rddreg [dreg:$0xb]  }
0x25: {  	[spmem:s9], [sflag:s16] =	dma.local @p0 [hbm:s6], $0x1900  }
0x26: {  	s16 =	simm.s32 @p0 $0x5  }
0x27: {  	_ =	swait.ge @p0 [sflag:s16], $0x1900  }
0x28: {  	[sflag:s16] =	ssyncset.done @p0 $0x0;
	s9 =	rddreg [dreg:$0xc]  }
0x29: {  	[sflag:s16] =	ssyncadd.s32 @p0 $0xFFFFE700;
	s16 =	rddreg [dreg:$0xd]  }
0x2a: {  	[spmem:s16], [sflag:s9] =	dma.local @!p0 [hbm:s6], $0x2800  }
0x2b: {  	s16 =	simm.s32 @!p0 $0x5  }
.Ltmp2:
0x2c: {  	_ =	swait.ge @!p0 [sflag:s16], $0x2800;
	(pc) =	sbr.rel .LBB2_2-.Ltmp2, $4  }
0x2d: {  	[sflag:s16] =	ssyncset.done @!p0 $0x0  }
0x2e: {  	[sflag:s16] =	ssyncadd.s32 @!p0 $0xFFFFD800  }
0x2f: {  	[bflag:$0x0] =	sbarrier.arrive $0xFFFF  }
0x30: {  	s17 =	simm.s32 $0x0;
	s9 =	simm.s32 $0x100;
	s16 =	stileid.u32  }
.LBB2_4:
0x31: {  	s17 =	sadd.s32 $0x1000, s17  }
0x32: {  	p5 =	sne.s32 s17, $0x10000  }
.Ltmp3:
0x33: {  	_ = 	snop;
	(pc) =	sbr.rel @!p5 .LBB2_5-.Ltmp3, $2  }
0x34: {  	_ =	sdelay $0x2  }
0x35: {  	s16 =	sadd.s32 $0x10, s16  }
.LBB2_2:
0x36: {  	p5 =	sgt.u32 s16, $0xF9  }
.Ltmp4:
0x37: {  	_ = 	snop;
	(pc) =	sbr.rel @p5 .LBB2_4-.Ltmp4, $1  }
0x38: {  	_ =	sdelay $0x3  }
0x39: {  	s6 =	sadd.s32 s17, s14  }
0x3a: {  	[tilespmem:s3], [sflag:$0x5] =	stream.linear.gather [hbm4b:s6+s3], $0x800, $0x38;
	[tilespmem:$0x19880] =	vst v63  }
0x3b: {  	_ =	swait.ge [sflag:s18], $0x800  }
0x3c: {  	[sflag:s18] =	ssyncset.done $0x0  }
0x3d: {  	s6 =	sadd.s32 s17, s13;
	[sflag:s18] =	ssyncadd.s32 $0xFFFFF800  }
0x3e: {  	[tilespmem:s19], [sflag:$0x5] =	stream.linear.gather [hbm4b:s6+s3], $0x800, $0x38;
	[tilespmem:$0x19880] =	vst v63  }
0x3f: {  	_ =	swait.ge [sflag:s18], $0x800  }
0x40: {  	[sflag:s18] =	ssyncset.done $0x0  }
0x41: {  	[sflag:s18] =	ssyncadd.s32 $0xFFFFF800  }
0x42: {  	[tilespmem:s21], [sflag:$0x1] =	stream.indirect.gather [hbm4b:s5+s20], $0x80, s3, s20, $0xb8;
	[tilespmem:$0x19880] =	vst v63  }
0x43: {  	_ = 	snop  }
0x44: {  	[tilespmem:s23], [sflag:$0x2] =	stream.indirect.gather [hbm4b:s5+s20], $0x80, s22, s20, $0xb8;
	[tilespmem:$0x19880] =	vst v63  }
0x45: {  	_ =	swait.ge [sflag:s24], $0x2800  }
0x46: {  	[sflag:s24] =	ssyncset.done $0x0  }
0x47: {  	[sflag:s24] =	ssyncadd.s32 $0xFFFFD800  }
0x48: {  	[spmem:s2] =	stream.indirect.scatter.add.f32 [tilespmem:s21], [sflag:$0x3], $0x80, s19, s20, $0xb8;
	[tilespmem:$0x19880] =	vst v63  }
0x49: {  	_ =	swait.ge [sflag:s25], $0x2800  }
0x4a: {  	[sflag:s25] =	ssyncset.done $0x0  }
0x4b: {  	[sflag:s25] =	ssyncadd.s32 $0xFFFFD800  }
0x4c: {  	[tilespmem:s21], [sflag:$0x1] =	stream.indirect.gather [hbm4b:s5+s20], $0x80, s9, s20, $0xb8;
	[tilespmem:$0x19880] =	vst v63  }
0x4d: {  	_ =	swait.ge [sflag:s28], $0x2800  }
0x4e: {  	[sflag:s28] =	ssyncset.done $0x0  }
0x4f: {  	s6 =	simm.s32 $0x880;
	[sflag:s28] =	ssyncadd.s32 $0xFFFFD800  }
0x50: {  	[spmem:s2] =	stream.indirect.scatter.add.f32 [tilespmem:s23], [sflag:$0x4], $0x80, s6, s20, $0xb8;
	[tilespmem:$0x19880] =	vst v63  }
0x51: {  	_ =	swait.ge [sflag:s30], $0x2800  }
0x52: {  	[sflag:s30] =	ssyncset.done $0x0  }
0x53: {  	s6 =	simm.s32 $0x180;
	[sflag:s30] =	ssyncadd.s32 $0xFFFFD800  }
0x54: {  	[tilespmem:s23], [sflag:$0x2] =	stream.indirect.gather [hbm4b:s5+s20], $0x80, s6, s20, $0xb8;
	[tilespmem:$0x19880] =	vst v63  }
0x55: {  	_ =	swait.ge [sflag:s24], $0x2800  }
0x56: {  	[sflag:s24] =	ssyncset.done $0x0  }
0x57: {  	s6 =	simm.s32 $0x900;
	[sflag:s24] =	ssyncadd.s32 $0xFFFFD800  }
0x58: {  	[spmem:s2] =	stream.indirect.scatter.add.f32 [tilespmem:s21], [sflag:$0x3], $0x80, s6, s20, $0xb8;
	[tilespmem:$0x19880] =	vst v63  }
0x59: {  	_ =	swait.ge [sflag:s25], $0x2800  }
0x5a: {  	[sflag:s25] =	ssyncset.done $0x0  }
0x5b: {  	s6 =	simm.s32 $0x200;
	[sflag:s25] =	ssyncadd.s32 $0xFFFFD800  }
0x5c: {  	[tilespmem:s21], [sflag:$0x1] =	stream.indirect.gather [hbm4b:s5+s20], $0x80, s6, s20, $0xb8;
	[tilespmem:$0x19880] =	vst v63  }
0x5d: {  	_ =	swait.ge [sflag:s28], $0x2800  }
0x5e: {  	[sflag:s28] =	ssyncset.done $0x0  }
0x5f: {  	s6 =	simm.s32 $0x980;
	[sflag:s28] =	ssyncadd.s32 $0xFFFFD800  }
0x60: {  	[spmem:s2] =	stream.indirect.scatter.add.f32 [tilespmem:s23], [sflag:$0x4], $0x80, s6, s20, $0xb8;
	[tilespmem:$0x19880] =	vst v63  }
0x61: {  	_ =	swait.ge [sflag:s30], $0x2800  }
0x62: {  	[sflag:s30] =	ssyncset.done $0x0  }
0x63: {  	s6 =	simm.s32 $0x280;
	[sflag:s30] =	ssyncadd.s32 $0xFFFFD800  }
0x64: {  	[tilespmem:s23], [sflag:$0x2] =	stream.indirect.gather [hbm4b:s5+s20], $0x80, s6, s20, $0xb8;
	[tilespmem:$0x19880] =	vst v63  }
0x65: {  	_ =	swait.ge [sflag:s24], $0x2800  }
0x66: {  	[sflag:s24] =	ssyncset.done $0x0  }
0x67: {  	s6 =	simm.s32 $0xA00;
	[sflag:s24] =	ssyncadd.s32 $0xFFFFD800  }
0x68: {  	[spmem:s2] =	stream.indirect.scatter.add.f32 [tilespmem:s21], [sflag:$0x3], $0x80, s6, s20, $0xb8;
	[tilespmem:$0x19880] =	vst v63  }
0x69: {  	_ =	swait.ge [sflag:s25], $0x2800  }
0x6a: {  	[sflag:s25] =	ssyncset.done $0x0  }
0x6b: {  	s6 =	simm.s32 $0x300;
	[sflag:s25] =	ssyncadd.s32 $0xFFFFD800  }
0x6c: {  	[tilespmem:s21], [sflag:$0x1] =	stream.indirect.gather [hbm4b:s5+s20], $0x80, s6, s20, $0xb8;
	[tilespmem:$0x19880] =	vst v63  }
0x6d: {  	_ =	swait.ge [sflag:s28], $0x2800  }
0x6e: {  	[sflag:s28] =	ssyncset.done $0x0  }
0x6f: {  	s6 =	simm.s32 $0xA80;
	[sflag:s28] =	ssyncadd.s32 $0xFFFFD800  }
0x70: {  	[spmem:s2] =	stream.indirect.scatter.add.f32 [tilespmem:s23], [sflag:$0x4], $0x80, s6, s20, $0xb8;
	[tilespmem:$0x19880] =	vst v63  }
0x71: {  	_ =	swait.ge [sflag:s30], $0x2800  }
0x72: {  	[sflag:s30] =	ssyncset.done $0x0  }
0x73: {  	s6 =	simm.s32 $0x380;
	[sflag:s30] =	ssyncadd.s32 $0xFFFFD800  }
0x74: {  	[tilespmem:s23], [sflag:$0x2] =	stream.indirect.gather [hbm4b:s5+s20], $0x80, s6, s20, $0xb8;
	[tilespmem:$0x19880] =	vst v63  }
0x75: {  	_ =	swait.ge [sflag:s24], $0x2800  }
0x76: {  	[sflag:s24] =	ssyncset.done $0x0  }
0x77: {  	s6 =	simm.s32 $0xB00;
	[sflag:s24] =	ssyncadd.s32 $0xFFFFD800  }
0x78: {  	[spmem:s2] =	stream.indirect.scatter.add.f32 [tilespmem:s21], [sflag:$0x3], $0x80, s6, s20, $0xb8;
	[tilespmem:$0x19880] =	vst v63  }
0x79: {  	_ =	swait.ge [sflag:s25], $0x2800  }
0x7a: {  	[sflag:s25] =	ssyncset.done $0x0  }
0x7b: {  	s6 =	simm.s32 $0x400;
	[sflag:s25] =	ssyncadd.s32 $0xFFFFD800  }
0x7c: {  	[tilespmem:s21], [sflag:$0x1] =	stream.indirect.gather [hbm4b:s5+s20], $0x80, s6, s20, $0xb8;
	[tilespmem:$0x19880] =	vst v63  }
0x7d: {  	_ =	swait.ge [sflag:s28], $0x2800  }
0x7e: {  	[sflag:s28] =	ssyncset.done $0x0  }
0x7f: {  	s6 =	simm.s32 $0xB80;
	[sflag:s28] =	ssyncadd.s32 $0xFFFFD800  }
0x80: {  	[spmem:s2] =	stream.indirect.scatter.add.f32 [tilespmem:s23], [sflag:$0x4], $0x80, s6, s20, $0xb8;
	[tilespmem:$0x19880] =	vst v63  }
0x81: {  	_ =	swait.ge [sflag:s30], $0x2800  }
0x82: {  	[sflag:s30] =	ssyncset.done $0x0  }
0x83: {  	s6 =	simm.s32 $0x480;
	[sflag:s30] =	ssyncadd.s32 $0xFFFFD800  }
0x84: {  	[tilespmem:s23], [sflag:$0x2] =	stream.indirect.gather [hbm4b:s5+s20], $0x80, s6, s20, $0xb8;
	[tilespmem:$0x19880] =	vst v63  }
0x85: {  	_ =	swait.ge [sflag:s24], $0x2800  }
0x86: {  	[sflag:s24] =	ssyncset.done $0x0  }
0x87: {  	s6 =	simm.s32 $0xC00;
	[sflag:s24] =	ssyncadd.s32 $0xFFFFD800  }
0x88: {  	[spmem:s2] =	stream.indirect.scatter.add.f32 [tilespmem:s21], [sflag:$0x3], $0x80, s6, s20, $0xb8;
	[tilespmem:$0x19880] =	vst v63  }
0x89: {  	_ =	swait.ge [sflag:s25], $0x2800  }
0x8a: {  	[sflag:s25] =	ssyncset.done $0x0  }
0x8b: {  	s6 =	simm.s32 $0x500;
	[sflag:s25] =	ssyncadd.s32 $0xFFFFD800  }
0x8c: {  	[tilespmem:s21], [sflag:$0x1] =	stream.indirect.gather [hbm4b:s5+s20], $0x80, s6, s20, $0xb8;
	[tilespmem:$0x19880] =	vst v63  }
0x8d: {  	_ =	swait.ge [sflag:s28], $0x2800  }
0x8e: {  	[sflag:s28] =	ssyncset.done $0x0  }
0x8f: {  	[sflag:s28] =	ssyncadd.s32 $0xFFFFD800  }
0x90: {  	[spmem:s2] =	stream.indirect.scatter.add.f32 [tilespmem:s23], [sflag:$0x4], $0x80, s26, s20, $0xb8;
	[tilespmem:$0x19880] =	vst v63  }
0x91: {  	_ =	swait.ge [sflag:s30], $0x2800  }
0x92: {  	[sflag:s30] =	ssyncset.done $0x0  }
0x93: {  	[sflag:s30] =	ssyncadd.s32 $0xFFFFD800  }
0x94: {  	[tilespmem:s23], [sflag:$0x2] =	stream.indirect.gather [hbm4b:s5+s20], $0x80, s29, s20, $0xb8;
	[tilespmem:$0x19880] =	vst v63  }
0x95: {  	_ =	swait.ge [sflag:s24], $0x2800  }
0x96: {  	[sflag:s24] =	ssyncset.done $0x0  }
0x97: {  	[sflag:s24] =	ssyncadd.s32 $0xFFFFD800  }
0x98: {  	[spmem:s2] =	stream.indirect.scatter.add.f32 [tilespmem:s21], [sflag:$0x3], $0x80, s31, s20, $0xb8;
	[tilespmem:$0x19880] =	vst v63  }
0x99: {  	_ =	swait.ge [sflag:s25], $0x2800  }
0x9a: {  	[sflag:s25] =	ssyncset.done $0x0  }
0x9b: {  	[sflag:s25] =	ssyncadd.s32 $0xFFFFD800  }
0x9c: {  	[tilespmem:s21], [sflag:$0x1] =	stream.indirect.gather [hbm4b:s5+s20], $0x80, s0, s20, $0xb8;
	[tilespmem:$0x19880] =	vst v63  }
0x9d: {  	_ =	swait.ge [sflag:s28], $0x2800  }
0x9e: {  	[sflag:s28] =	ssyncset.done $0x0  }
0x9f: {  	[sflag:s28] =	ssyncadd.s32 $0xFFFFD800  }
0xa0: {  	[spmem:s2] =	stream.indirect.scatter.add.f32 [tilespmem:s23], [sflag:$0x4], $0x80, s1, s20, $0xb8;
	[tilespmem:$0x19880] =	vst v63  }
0xa1: {  	_ =	swait.ge [sflag:s30], $0x2800  }
0xa2: {  	[sflag:s30] =	ssyncset.done $0x0  }
0xa3: {  	[sflag:s30] =	ssyncadd.s32 $0xFFFFD800  }
0xa4: {  	[tilespmem:s23], [sflag:$0x2] =	stream.indirect.gather [hbm4b:s5+s20], $0x80, s7, s20, $0xb8;
	[tilespmem:$0x19880] =	vst v63  }
0xa5: {  	_ =	swait.ge [sflag:s24], $0x2800  }
0xa6: {  	[sflag:s24] =	ssyncset.done $0x0  }
0xa7: {  	[sflag:s24] =	ssyncadd.s32 $0xFFFFD800  }
0xa8: {  	[spmem:s2] =	stream.indirect.scatter.add.f32 [tilespmem:s21], [sflag:$0x3], $0x80, s8, s20, $0xb8;
	[tilespmem:$0x19880] =	vst v63  }
0xa9: {  	_ =	swait.ge [sflag:s25], $0x2800  }
0xaa: {  	[sflag:s25] =	ssyncset.done $0x0  }
0xab: {  	[sflag:s25] =	ssyncadd.s32 $0xFFFFD800  }
0xac: {  	[tilespmem:s21], [sflag:$0x1] =	stream.indirect.gather [hbm4b:s5+s20], $0x80, s4, s20, $0xb8;
	[tilespmem:$0x19880] =	vst v63  }
0xad: {  	_ =	swait.ge [sflag:s28], $0x2800  }
0xae: {  	[sflag:s28] =	ssyncset.done $0x0  }
0xaf: {  	[sflag:s28] =	ssyncadd.s32 $0xFFFFD800  }
0xb0: {  	[spmem:s2] =	stream.indirect.scatter.add.f32 [tilespmem:s23], [sflag:$0x4], $0x80, s10, s20, $0xb8;
	[tilespmem:$0x19880] =	vst v63  }
0xb1: {  	_ =	swait.ge [sflag:s30], $0x2800  }
0xb2: {  	[sflag:s30] =	ssyncset.done $0x0  }
0xb3: {  	[sflag:s30] =	ssyncadd.s32 $0xFFFFD800  }
0xb4: {  	[tilespmem:s23], [sflag:$0x2] =	stream.indirect.gather [hbm4b:s5+s20], $0x80, s11, s20, $0xb8;
	[tilespmem:$0x19880] =	vst v63  }
0xb5: {  	_ =	swait.ge [sflag:s24], $0x2800  }
0xb6: {  	[sflag:s24] =	ssyncset.done $0x0  }
0xb7: {  	[sflag:s24] =	ssyncadd.s32 $0xFFFFD800  }
0xb8: {  	[spmem:s2] =	stream.indirect.scatter.add.f32 [tilespmem:s21], [sflag:$0x3], $0x80, s12, s20, $0xb8;
	[tilespmem:$0x19880] =	vst v63  }
0xb9: {  	_ =	swait.ge [sflag:s28], $0x2800  }
0xba: {  	[sflag:s28] =	ssyncset.done $0x0  }
0xbb: {  	[sflag:s28] =	ssyncadd.s32 $0xFFFFD800  }
0xbc: {  	[spmem:s2] =	stream.indirect.scatter.add.f32 [tilespmem:s23], [sflag:$0x4], $0x80, s15, s20, $0xb8;
	[tilespmem:$0x19880] =	vst v63  }
0xbd: {  	_ =	swait.ge [sflag:s25], $0x2800  }
.Ltmp5:
0xbe: {  	[sflag:s25] =	ssyncset.done $0x0;
	(pc) =	sbr.rel .LBB2_4-.Ltmp5, $4  }
0xbf: {  	[sflag:s25] =	ssyncadd.s32 $0xFFFFD800  }
0xc0: {  	_ =	swait.ge [sflag:s30], $0x2800  }
0xc1: {  	[sflag:s30] =	ssyncset.done $0x0  }
0xc2: {  	[sflag:s30] =	ssyncadd.s32 $0xFFFFD800  }
.LBB2_5:
0xc3: {  	s17 =	stileid.u32;
	[bflag:$0x0] =	sbarrier.arrive $0xFFFF;
	p5 =	por @!p4 $0x1, $0x1  }
0xc4: {  	p6 =	por p1, p1;
	s6 =	sshll.u32 @p2 s17, $0x6;
	s9 =	rddreg [dreg:$0x7]  }
0xc5: {  	s22 =	rddreg [dreg:$0x8];
	s6 =	sor.u32 @p2 $0x1C05, s6;
	s16 =	sshrl.u32 @p2 s9, $0x3  }
0xc6: {  	[hbm:s22], [sflag:s6] =	dma.local @p2 [spmem:s16], $0x2800  }
0xc7: {  	p6 =	por @!p4 p5, p5;
	s6 =	simm.s32 @p2 $0x5  }
0xc8: {  	p5 =	por @!p3 !p6, !p0;
	_ =	swait.ge @p2 [sflag:s6], $0x2800  }
0xc9: {  	p5 =	por @!p3 !p5, !p5;
	[sflag:s6] =	ssyncset.done @p2 $0x0  }
0xca: {  	s16 =	sshll.u32 @!p4 s17, $0x6;
	p5 =	por p3, p5;
	[sflag:s6] =	ssyncadd.s32 @p2 $0xFFFFD800  }
0xcb: {  	s6 =	sor.u32 @!p4 $0x1C05, s16;
	s16 =	sshrl.u32 @!p4 s9, $0x3;
	s9 =	rddreg [dreg:$0x9]  }
0xcc: {  	[hbm:s9], [sflag:s6] =	dma.local @!p4 [spmem:s16], $0x2800  }
.Ltmp6:
0xcd: {  	_ = 	snop;
	(pc) =	sbr.rel @!p5 .LBB2_7-.Ltmp6, $4  }
0xce: {  	s6 =	simm.s32 @!p4 $0x5  }
0xcf: {  	_ =	swait.ge @!p4 [sflag:s6], $0x2800  }
0xd0: {  	[sflag:s6] =	ssyncset.done @!p4 $0x0  }
0xd1: {  	s17 =	rddreg [dreg:$0xe];
	[sflag:s6] =	ssyncadd.s32 @!p4 $0xFFFFD800  }
0xd2: {  	s6 =	rddreg [dreg:$0x5]  }
0xd3: {  	s16 =	rddreg [dreg:$0x1]  }
0xd4: {  	s22 =	rddreg [dreg:$0x6];
	s9 =	simm.s32 $0x1FC5;
	s6 =	smov.u32 @p3 s16  }
.Ltmp7:
0xd5: {  	s16 =	sshrl.u32 s22, $0x3;
	s6 =	sadd.s32 $0x25800, s6;
	(pc) =	sbr.rel .LBB2_7-.Ltmp7, $4  }
0xd6: {  	[hbm:s6], [sflag:s9] =	dma.local [spmem:s16], $0x1900  }
0xd7: {  	_ =	swait.ge [sflag:s18], $0x1900  }
0xd8: {  	[sflag:s18] =	ssyncset.done $0x0  }
0xd9: {  	[sflag:s18] =	ssyncadd.s32 $0xFFFFE700  }
.LBB2_8:
0xda: {  	_ =	sfence.sel $0x180000  }
0xdb: {  	[bflag:$0x0] =	sbarrier.arrive $0xFFFF  }
0xdc: {  	_ =	strace $0x9000004D  }
0xdd: {  	s0 =	stileid.u32;
	[bflag:$0x2] =	sbarrier.arrive $0xFFFF  }
0xde: {  	p0 =	sne.s32 s0, $0x0;
	s0 =	rddreg [dreg:$0x3]  }
0xdf: {  	s0 =	sadd.s32 @!p0 $0x100000, s0  }
0xe0: {  	[sflag:s0] =	ssyncadd.tile.s32 @!p0 $0x1;
	_ =	shalt  }
.Lfunc_end2:
_tile_overlayer_lowered:
.L_overlay_start_2:
0xe1: {  	(tag) =	ssettag $0x2  }
0xe2: {  	s0 =	rddreg [dreg:$0x0];
	s2 =	stileid.u32  }
0xe3: {  	s1 =	rddreg [dreg:$0x1];
	p0 =	sne.s32 s2, $0x0  }
0xe4: {  	s3 =	rddreg [dreg:$0x2];
	[bflag:$0x3] =	sbarrier.arrive $0xFFFF;
	s2 =	simm.s32 @!p0 $0x1C05  }
0xe5: {  	[timem:s3], [sflag:s2] =	dma.local @!p0 [hbm:s0], s1  }
0xe6: {  	s0 =	simm.s32 @!p0 $0x5  }
0xe7: {  	_ =	swait.ge @!p0 [sflag:s0], s1  }
0xe8: {  	s1 =	ssub.s32 @!p0 $0x0, s1;
	[sflag:s0] =	ssyncset.done @!p0 $0x0  }
0xe9: {  	[sflag:s0] =	ssyncadd.s32 @!p0 s1  }
0xea: {  	[bflag:$0x3] =	sbarrier.arrive $0xFFFF  }
0xeb: {  	_ =	shalt  }

</sc_bundles>
